<compile_context>
chip_gen: v7x
topology: tpu7x:2x2x1
jax: 0.10.2.dev20260603
libtpu: 0.0.44.dev20260713+nightly
codegen_flags: <defaults>
</compile_context>

<pallas_src>
import functools

import jax
import jax.numpy as jnp
from jax import lax
from jax.experimental import pallas as pl
from jax.experimental.pallas import tpu as pltpu
from jax.experimental.pallas import tpu_sc as plsc

_N = 2097152
_C = 32
_NBINS = 15
_LANES = 16
_NW = 32
_ROWS_PER_W = _N // _NW
_CHUNK = 1024
_NCHUNK = _ROWS_PER_W // _CHUNK
_GROUPS = _CHUNK // _LANES

_mesh = plsc.VectorSubcoreMesh(core_axis_name="c", subcore_axis_name="s")


@functools.partial(
    pl.kernel,
    out_type=jax.ShapeDtypeStruct((_NW, 768), jnp.float32),
    mesh=_mesh,
    scratch_types=[
        pltpu.VMEM((_CHUNK // 4, 128), jnp.float32),
        pltpu.VMEM((_CHUNK // 4, 128), jnp.float32),
        pltpu.VMEM((_CHUNK,), jnp.int32),
        pltpu.VMEM((_CHUNK,), jnp.int32),
        pltpu.VMEM((768,), jnp.float32),
        pltpu.SemaphoreType.DMA,
        pltpu.SemaphoreType.DMA,
        pltpu.SemaphoreType.DMA,
        pltpu.SemaphoreType.DMA,
    ],
    compiler_params=pltpu.CompilerParams(
        use_tc_tiling_on_sc=True, needs_layout_passes=False),
)
def _ece_partials(logits_hbm, labels_hbm, out_hbm, lbuf0, lbuf1,
                  labbuf0, labbuf1, acc, ls0, ls1, ts0, ts1):
    lbuf = (lbuf0, lbuf1)
    labbuf = (labbuf0, labbuf1)
    lsem = (ls0, ls1)
    tsem = (ts0, ts1)
    wid = lax.axis_index("s") * 2 + lax.axis_index("c")
    base_row = wid * _ROWS_PER_W

    lane = lax.iota(jnp.int32, _LANES)
    zf = jnp.zeros((_LANES,), jnp.float32)
    onef = jnp.full((_LANES,), 1.0, jnp.float32)
    q0 = jnp.zeros((_LANES,), jnp.int32)
    q1 = jnp.full((_LANES,), 1, jnp.int32)
    q2 = jnp.full((_LANES,), 2, jnp.int32)
    cap = jnp.full((_LANES,), _NBINS - 1, jnp.int32)

    for w in range(768 // _LANES):
        acc[pl.ds(w * _LANES, _LANES)] = zf

    def start(k, b):
        row0 = pl.multiple_of(base_row + k * _CHUNK, _CHUNK)
        q0r = pl.multiple_of((base_row + k * _CHUNK) // 4, _CHUNK // 4)
        pltpu.async_copy(logits_hbm.at[pl.ds(q0r, _CHUNK // 4)], lbuf[b], lsem[b])
        pltpu.async_copy(labels_hbm.at[pl.ds(row0, _CHUNK)], labbuf[b], tsem[b])

    def wait(b):
        pltpu.make_async_copy(
            logits_hbm.at[pl.ds(0, _CHUNK // 4)], lbuf[b], lsem[b]).wait()
        pltpu.make_async_copy(
            labels_hbm.at[pl.ds(0, _CHUNK)], labbuf[b], tsem[b]).wait()

    diagrow, diagcol128, diagcol = [], [], []
    for h in range(2):
        for d in range(_C):
            dc = (lane + d) & (_C - 1)
            fl = (h * _LANES + lane) * _C + dc
            diagrow.append(fl >> 7)
            diagcol128.append(fl & 127)
            diagcol.append(dc)

    def compute(b):
        buf = lbuf[b]

        @pl.loop(0, _GROUPS // 2, unroll=2)
        def _(g):
            g8 = pl.multiple_of(g * 8, 8)
            rowbase = jnp.full((_LANES,), g8, jnp.int32)
            for h in range(2):
                rr = pl.multiple_of(g * (2 * _LANES) + h * _LANES, _LANES)
                cur = [(plsc.load_gather(
                            buf,
                            [rowbase + diagrow[h * _C + d],
                             diagcol128[h * _C + d]]),
                        diagcol[h * _C + d])
                       for d in range(_C)]
                while len(cur) > 1:
                    nxt = []
                    for i in range(0, len(cur), 2):
                        va, ia = cur[i]
                        vb, ib = cur[i + 1]
                        gt = vb > va
                        nxt.append((jnp.maximum(va, vb), jnp.where(gt, ib, ia)))
                    cur = nxt
                m, am = cur[0]
                lab = labbuf[b][pl.ds(rr, _LANES)]
                accv = jnp.where(am == lab, onef, zf)
                conf = onef / (onef + jnp.exp(-m))
                bin_ = jnp.minimum((conf * 15.0).astype(jnp.int32), cap)
                slot = (bin_ << 4) + lane
                plsc.addupdate_scatter(acc, [slot], conf)
                plsc.addupdate_scatter(acc, [slot + jnp.full((_LANES,), 256, jnp.int32)], accv)
                plsc.addupdate_scatter(acc, [slot + jnp.full((_LANES,), 512, jnp.int32)], onef)

    start(0, 0)
    start(1, 1)

    @pl.loop(0, _NCHUNK // 2)
    def _(kk):
        for b in range(2):
            wait(b)
            compute(b)

            @pl.when(kk < _NCHUNK // 2 - 1)
            def _():
                start(kk * 2 + b + 2, b)

    pltpu.sync_copy(acc, out_hbm.at[wid])


@jax.jit
def kernel(logits, labels):
    parts = _ece_partials(logits.reshape(_N // 4, 128), labels)
    parts = parts.reshape(_NW, 3, 256)[:, :, :_NBINS * _LANES]
    parts = parts.reshape(_NW, 3, _NBINS, _LANES)
    sums = jnp.sum(parts, axis=(0, 3))
    conf_s, acc_s, cnt = sums[0], sums[1], sums[2]
    prop_in_bin = cnt / _N
    safe_cnt = jnp.maximum(cnt, 1.0)
    gap = (conf_s / safe_cnt - acc_s / safe_cnt) * prop_in_bin
    ece = jnp.sum(jnp.where(cnt > 0.0, gap, 0.0))
    return ece.reshape(1)

# --- scband reference (transcript-rebuilt; emitter-appended) ---
"""Pipeline reference for scband-eceloss-66855460930055 (READ-ONLY COPY).

The authoritative reference and input builder live on the scoring server;
editing this copy changes nothing except your own understanding.
"""

import jax, jax.numpy as jnp
import numpy as np

N = 2097152
C = 32
N_BINS = 15


def setup_inputs(seed: int = 0) -> dict:
    key = jax.random.key(seed)
    k1, k2 = jax.random.split(key)
    logits = jax.random.normal(k1, (N, C), dtype=jnp.float32)
    labels = jax.random.randint(k2, (N,), 0, C, dtype=jnp.int32)
    return {"logits": logits, "labels": labels}


def reference(logits, labels):
    # bin boundaries as in torch.linspace(0, 1, n_bins + 1)
    bin_boundaries = jnp.linspace(0.0, 1.0, N_BINS + 1)
    bin_lowers = bin_boundaries[:-1]
    bin_uppers = bin_boundaries[1:]

    sigmoids = jax.nn.sigmoid(logits)
    confidences = jnp.max(sigmoids, axis=1)
    predictions = jnp.argmax(sigmoids, axis=1)
    accuracies = (predictions == labels).astype(jnp.float32)

    ece = jnp.zeros((1,), dtype=logits.dtype)
    for i in range(N_BINS):
        lo = bin_lowers[i]
        hi = bin_uppers[i]
        in_bin = (confidences > lo) & (confidences <= hi)
        in_bin_f = in_bin.astype(jnp.float32)
        prop_in_bin = jnp.mean(in_bin_f)
        cnt = jnp.sum(in_bin_f)
        safe_cnt = jnp.maximum(cnt, 1.0)
        accuracy_in_bin = jnp.sum(accuracies * in_bin_f) / safe_cnt
        avg_confidence_in_bin = jnp.sum(confidences * in_bin_f) / safe_cnt
        gap = (avg_confidence_in_bin - accuracy_in_bin) * prop_in_bin
        # torch code skips bins with prop_in_bin == 0
        ece = ece + jnp.where(cnt > 0, gap, 0.0)
    return ece

if __name__ == "__main__":
    import jax
    _d = setup_inputs()
    print(jax.jit(kernel)(*tuple(_d.values())))

</pallas_src>

<mosaic_0001>
#map = affine_map<(d0, d1) -> (0, 0)>
#map1 = affine_map<(d0, d1) -> (0)>
module attributes {stable_mosaic.version = 14 : i64} {
  func.func @_ece_partials(%arg0: i32, %arg1: i32, %arg2: memref<524288x128xf32, #tpu.memory_space<hbm>>, %arg3: memref<2097152xi32, #tpu.memory_space<hbm>>, %arg4: memref<32x768xf32, #tpu.memory_space<hbm>>, %arg5: memref<256x128xf32, #tpu.memory_space<vmem>>, %arg6: memref<256x128xf32, #tpu.memory_space<vmem>>, %arg7: memref<1024xi32, #tpu.memory_space<vmem>>, %arg8: memref<1024xi32, #tpu.memory_space<vmem>>, %arg9: memref<768xf32, #tpu.memory_space<vmem>>, %arg10: memref<!tpu.dma_semaphore, #tpu.memory_space<semaphore_mem>>, %arg11: memref<!tpu.dma_semaphore, #tpu.memory_space<semaphore_mem>>, %arg12: memref<!tpu.dma_semaphore, #tpu.memory_space<semaphore_mem>>, %arg13: memref<!tpu.dma_semaphore, #tpu.memory_space<semaphore_mem>>) attributes {dimension_semantics = [#tpu.dimension_semantics<core_parallel>, #tpu.dimension_semantics<subcore_parallel>], iteration_bounds = array<i64: 2, 16>, scalar_prefetch = 0 : i64, scratch_operands = 9 : i64, tpu.core_type = #tpu.core_type<sc_vector_subcore>, window_params = [{transform_indices = #map}, {transform_indices = #map1}, {transform_indices = #map}]} {
    %mul3A = arith.constant 2 : i32
    %mul3A_0 = arith.muli %arg1, %mul3A : i32
    %add3A = arith.addi %mul3A_0, %arg0 : i32
    %mul3A_1 = arith.constant 65536 : i32
    %mul3A_2 = arith.muli %add3A, %mul3A_1 : i32
    %iota3A = tpu.iota {dimensions = array<i32: 0>} : vector<16xi32>
    %broadcast_in_dim3A = arith.constant 0.000000e+00 : f32
    %broadcast_in_dim3A_3 = vector.broadcast %broadcast_in_dim3A : f32 to vector<16xf32>
    %broadcast_in_dim3A_4 = arith.constant 1.000000e+00 : f32
    %broadcast_in_dim3A_5 = vector.broadcast %broadcast_in_dim3A_4 : f32 to vector<16xf32>
    %broadcast_in_dim3A_6 = arith.constant 0 : i32
    %broadcast_in_dim3A_7 = vector.broadcast %broadcast_in_dim3A_6 : i32 to vector<16xi32>
    %broadcast_in_dim3A_8 = arith.constant 1 : i32
    %broadcast_in_dim3A_9 = vector.broadcast %broadcast_in_dim3A_8 : i32 to vector<16xi32>
    %broadcast_in_dim3A_10 = arith.constant 2 : i32
    %broadcast_in_dim3A_11 = vector.broadcast %broadcast_in_dim3A_10 : i32 to vector<16xi32>
    %broadcast_in_dim3A_12 = arith.constant 14 : i32
    %broadcast_in_dim3A_13 = vector.broadcast %broadcast_in_dim3A_12 : i32 to vector<16xi32>
    %swap3A = arith.constant 0 : index
    %swap3A_14 = tpu.vector_load %arg9[%swap3A] {strides = array<i32>} : memref<768xf32, #tpu.memory_space<vmem>>, vector<16xf32>,
    tpu.vector_store %arg9[%swap3A], %broadcast_in_dim3A_3 {strides = array<i32>} : memref<768xf32, #tpu.memory_space<vmem>>, vector<16xf32>,
    %swap3A_15 = arith.constant 16 : index
    %swap3A_16 = tpu.vector_load %arg9[%swap3A_15] {strides = array<i32>} : memref<768xf32, #tpu.memory_space<vmem>>, vector<16xf32>,
    tpu.vector_store %arg9[%swap3A_15], %broadcast_in_dim3A_3 {strides = array<i32>} : memref<768xf32, #tpu.memory_space<vmem>>, vector<16xf32>,
    %swap3A_17 = arith.constant 32 : index
    %swap3A_18 = tpu.vector_load %arg9[%swap3A_17] {strides = array<i32>} : memref<768xf32, #tpu.memory_space<vmem>>, vector<16xf32>,
    tpu.vector_store %arg9[%swap3A_17], %broadcast_in_dim3A_3 {strides = array<i32>} : memref<768xf32, #tpu.memory_space<vmem>>, vector<16xf32>,
    %swap3A_19 = arith.constant 48 : index
    %swap3A_20 = tpu.vector_load %arg9[%swap3A_19] {strides = array<i32>} : memref<768xf32, #tpu.memory_space<vmem>>, vector<16xf32>,
    tpu.vector_store %arg9[%swap3A_19], %broadcast_in_dim3A_3 {strides = array<i32>} : memref<768xf32, #tpu.memory_space<vmem>>, vector<16xf32>,
    %swap3A_21 = arith.constant 64 : index
    %swap3A_22 = tpu.vector_load %arg9[%swap3A_21] {strides = array<i32>} : memref<768xf32, #tpu.memory_space<vmem>>, vector<16xf32>,
    tpu.vector_store %arg9[%swap3A_21], %broadcast_in_dim3A_3 {strides = array<i32>} : memref<768xf32, #tpu.memory_space<vmem>>, vector<16xf32>,
    %swap3A_23 = arith.constant 80 : index
    %swap3A_24 = tpu.vector_load %arg9[%swap3A_23] {strides = array<i32>} : memref<768xf32, #tpu.memory_space<vmem>>, vector<16xf32>,
    tpu.vector_store %arg9[%swap3A_23], %broadcast_in_dim3A_3 {strides = array<i32>} : memref<768xf32, #tpu.memory_space<vmem>>, vector<16xf32>,
    %swap3A_25 = arith.constant 96 : index
    %swap3A_26 = tpu.vector_load %arg9[%swap3A_25] {strides = array<i32>} : memref<768xf32, #tpu.memory_space<vmem>>, vector<16xf32>,
    tpu.vector_store %arg9[%swap3A_25], %broadcast_in_dim3A_3 {strides = array<i32>} : memref<768xf32, #tpu.memory_space<vmem>>, vector<16xf32>,
    %swap3A_27 = arith.constant 112 : index
    %swap3A_28 = tpu.vector_load %arg9[%swap3A_27] {strides = array<i32>} : memref<768xf32, #tpu.memory_space<vmem>>, vector<16xf32>,
    tpu.vector_store %arg9[%swap3A_27], %broadcast_in_dim3A_3 {strides = array<i32>} : memref<768xf32, #tpu.memory_space<vmem>>, vector<16xf32>,
    %swap3A_29 = arith.constant 128 : index
    %swap3A_30 = tpu.vector_load %arg9[%swap3A_29] {strides = array<i32>} : memref<768xf32, #tpu.memory_space<vmem>>, vector<16xf32>,
    tpu.vector_store %arg9[%swap3A_29], %broadcast_in_dim3A_3 {strides = array<i32>} : memref<768xf32, #tpu.memory_space<vmem>>, vector<16xf32>,
    %swap3A_31 = arith.constant 144 : index
    %swap3A_32 = tpu.vector_load %arg9[%swap3A_31] {strides = array<i32>} : memref<768xf32, #tpu.memory_space<vmem>>, vector<16xf32>,
    tpu.vector_store %arg9[%swap3A_31], %broadcast_in_dim3A_3 {strides = array<i32>} : memref<768xf32, #tpu.memory_space<vmem>>, vector<16xf32>,
    %swap3A_33 = arith.constant 160 : index
    %swap3A_34 = tpu.vector_load %arg9[%swap3A_33] {strides = array<i32>} : memref<768xf32, #tpu.memory_space<vmem>>, vector<16xf32>,
    tpu.vector_store %arg9[%swap3A_33], %broadcast_in_dim3A_3 {strides = array<i32>} : memref<768xf32, #tpu.memory_space<vmem>>, vector<16xf32>,
    %swap3A_35 = arith.constant 176 : index
    %swap3A_36 = tpu.vector_load %arg9[%swap3A_35] {strides = array<i32>} : memref<768xf32, #tpu.memory_space<vmem>>, vector<16xf32>,
    tpu.vector_store %arg9[%swap3A_35], %broadcast_in_dim3A_3 {strides = array<i32>} : memref<768xf32, #tpu.memory_space<vmem>>, vector<16xf32>,
    %swap3A_37 = arith.constant 192 : index
    %swap3A_38 = tpu.vector_load %arg9[%swap3A_37] {strides = array<i32>} : memref<768xf32, #tpu.memory_space<vmem>>, vector<16xf32>,
    tpu.vector_store %arg9[%swap3A_37], %broadcast_in_dim3A_3 {strides = array<i32>} : memref<768xf32, #tpu.memory_space<vmem>>, vector<16xf32>,
    %swap3A_39 = arith.constant 208 : index
    %swap3A_40 = tpu.vector_load %arg9[%swap3A_39] {strides = array<i32>} : memref<768xf32, #tpu.memory_space<vmem>>, vector<16xf32>,
    tpu.vector_store %arg9[%swap3A_39], %broadcast_in_dim3A_3 {strides = array<i32>} : memref<768xf32, #tpu.memory_space<vmem>>, vector<16xf32>,
    %swap3A_41 = arith.constant 224 : index
    %swap3A_42 = tpu.vector_load %arg9[%swap3A_41] {strides = array<i32>} : memref<768xf32, #tpu.memory_space<vmem>>, vector<16xf32>,
    tpu.vector_store %arg9[%swap3A_41], %broadcast_in_dim3A_3 {strides = array<i32>} : memref<768xf32, #tpu.memory_space<vmem>>, vector<16xf32>,
    %swap3A_43 = arith.constant 240 : index
    %swap3A_44 = tpu.vector_load %arg9[%swap3A_43] {strides = array<i32>} : memref<768xf32, #tpu.memory_space<vmem>>, vector<16xf32>,
    tpu.vector_store %arg9[%swap3A_43], %broadcast_in_dim3A_3 {strides = array<i32>} : memref<768xf32, #tpu.memory_space<vmem>>, vector<16xf32>,
    %swap3A_45 = arith.constant 256 : index
    %swap3A_46 = tpu.vector_load %arg9[%swap3A_45] {strides = array<i32>} : memref<768xf32, #tpu.memory_space<vmem>>, vector<16xf32>,
    tpu.vector_store %arg9[%swap3A_45], %broadcast_in_dim3A_3 {strides = array<i32>} : memref<768xf32, #tpu.memory_space<vmem>>, vector<16xf32>,
    %swap3A_47 = arith.constant 272 : index
    %swap3A_48 = tpu.vector_load %arg9[%swap3A_47] {strides = array<i32>} : memref<768xf32, #tpu.memory_space<vmem>>, vector<16xf32>,
    tpu.vector_store %arg9[%swap3A_47], %broadcast_in_dim3A_3 {strides = array<i32>} : memref<768xf32, #tpu.memory_space<vmem>>, vector<16xf32>,
    %swap3A_49 = arith.constant 288 : index
    %swap3A_50 = tpu.vector_load %arg9[%swap3A_49] {strides = array<i32>} : memref<768xf32, #tpu.memory_space<vmem>>, vector<16xf32>,
    tpu.vector_store %arg9[%swap3A_49], %broadcast_in_dim3A_3 {strides = array<i32>} : memref<768xf32, #tpu.memory_space<vmem>>, vector<16xf32>,
    %swap3A_51 = arith.constant 304 : index
    %swap3A_52 = tpu.vector_load %arg9[%swap3A_51] {strides = array<i32>} : memref<768xf32, #tpu.memory_space<vmem>>, vector<16xf32>,
    tpu.vector_store %arg9[%swap3A_51], %broadcast_in_dim3A_3 {strides = array<i32>} : memref<768xf32, #tpu.memory_space<vmem>>, vector<16xf32>,
    %swap3A_53 = arith.constant 320 : index
    %swap3A_54 = tpu.vector_load %arg9[%swap3A_53] {strides = array<i32>} : memref<768xf32, #tpu.memory_space<vmem>>, vector<16xf32>,
    tpu.vector_store %arg9[%swap3A_53], %broadcast_in_dim3A_3 {strides = array<i32>} : memref<768xf32, #tpu.memory_space<vmem>>, vector<16xf32>,
    %swap3A_55 = arith.constant 336 : index
    %swap3A_56 = tpu.vector_load %arg9[%swap3A_55] {strides = array<i32>} : memref<768xf32, #tpu.memory_space<vmem>>, vector<16xf32>,
    tpu.vector_store %arg9[%swap3A_55], %broadcast_in_dim3A_3 {strides = array<i32>} : memref<768xf32, #tpu.memory_space<vmem>>, vector<16xf32>,
    %swap3A_57 = arith.constant 352 : index
    %swap3A_58 = tpu.vector_load %arg9[%swap3A_57] {strides = array<i32>} : memref<768xf32, #tpu.memory_space<vmem>>, vector<16xf32>,
    tpu.vector_store %arg9[%swap3A_57], %broadcast_in_dim3A_3 {strides = array<i32>} : memref<768xf32, #tpu.memory_space<vmem>>, vector<16xf32>,
    %swap3A_59 = arith.constant 368 : index
    %swap3A_60 = tpu.vector_load %arg9[%swap3A_59] {strides = array<i32>} : memref<768xf32, #tpu.memory_space<vmem>>, vector<16xf32>,
    tpu.vector_store %arg9[%swap3A_59], %broadcast_in_dim3A_3 {strides = array<i32>} : memref<768xf32, #tpu.memory_space<vmem>>, vector<16xf32>,
    %swap3A_61 = arith.constant 384 : index
    %swap3A_62 = tpu.vector_load %arg9[%swap3A_61] {strides = array<i32>} : memref<768xf32, #tpu.memory_space<vmem>>, vector<16xf32>,
    tpu.vector_store %arg9[%swap3A_61], %broadcast_in_dim3A_3 {strides = array<i32>} : memref<768xf32, #tpu.memory_space<vmem>>, vector<16xf32>,
    %swap3A_63 = arith.constant 400 : index
    %swap3A_64 = tpu.vector_load %arg9[%swap3A_63] {strides = array<i32>} : memref<768xf32, #tpu.memory_space<vmem>>, vector<16xf32>,
    tpu.vector_store %arg9[%swap3A_63], %broadcast_in_dim3A_3 {strides = array<i32>} : memref<768xf32, #tpu.memory_space<vmem>>, vector<16xf32>,
    %swap3A_65 = arith.constant 416 : index
    %swap3A_66 = tpu.vector_load %arg9[%swap3A_65] {strides = array<i32>} : memref<768xf32, #tpu.memory_space<vmem>>, vector<16xf32>,
    tpu.vector_store %arg9[%swap3A_65], %broadcast_in_dim3A_3 {strides = array<i32>} : memref<768xf32, #tpu.memory_space<vmem>>, vector<16xf32>,
    %swap3A_67 = arith.constant 432 : index
    %swap3A_68 = tpu.vector_load %arg9[%swap3A_67] {strides = array<i32>} : memref<768xf32, #tpu.memory_space<vmem>>, vector<16xf32>,
    tpu.vector_store %arg9[%swap3A_67], %broadcast_in_dim3A_3 {strides = array<i32>} : memref<768xf32, #tpu.memory_space<vmem>>, vector<16xf32>,
    %swap3A_69 = arith.constant 448 : index
    %swap3A_70 = tpu.vector_load %arg9[%swap3A_69] {strides = array<i32>} : memref<768xf32, #tpu.memory_space<vmem>>, vector<16xf32>,
    tpu.vector_store %arg9[%swap3A_69], %broadcast_in_dim3A_3 {strides = array<i32>} : memref<768xf32, #tpu.memory_space<vmem>>, vector<16xf32>,
    %swap3A_71 = arith.constant 464 : index
    %swap3A_72 = tpu.vector_load %arg9[%swap3A_71] {strides = array<i32>} : memref<768xf32, #tpu.memory_space<vmem>>, vector<16xf32>,
    tpu.vector_store %arg9[%swap3A_71], %broadcast_in_dim3A_3 {strides = array<i32>} : memref<768xf32, #tpu.memory_space<vmem>>, vector<16xf32>,
    %swap3A_73 = arith.constant 480 : index
    %swap3A_74 = tpu.vector_load %arg9[%swap3A_73] {strides = array<i32>} : memref<768xf32, #tpu.memory_space<vmem>>, vector<16xf32>,
    tpu.vector_store %arg9[%swap3A_73], %broadcast_in_dim3A_3 {strides = array<i32>} : memref<768xf32, #tpu.memory_space<vmem>>, vector<16xf32>,
    %swap3A_75 = arith.constant 496 : index
    %swap3A_76 = tpu.vector_load %arg9[%swap3A_75] {strides = array<i32>} : memref<768xf32, #tpu.memory_space<vmem>>, vector<16xf32>,
    tpu.vector_store %arg9[%swap3A_75], %broadcast_in_dim3A_3 {strides = array<i32>} : memref<768xf32, #tpu.memory_space<vmem>>, vector<16xf32>,
    %swap3A_77 = arith.constant 512 : index
    %swap3A_78 = tpu.vector_load %arg9[%swap3A_77] {strides = array<i32>} : memref<768xf32, #tpu.memory_space<vmem>>, vector<16xf32>,
    tpu.vector_store %arg9[%swap3A_77], %broadcast_in_dim3A_3 {strides = array<i32>} : memref<768xf32, #tpu.memory_space<vmem>>, vector<16xf32>,
    %swap3A_79 = arith.constant 528 : index
    %swap3A_80 = tpu.vector_load %arg9[%swap3A_79] {strides = array<i32>} : memref<768xf32, #tpu.memory_space<vmem>>, vector<16xf32>,
    tpu.vector_store %arg9[%swap3A_79], %broadcast_in_dim3A_3 {strides = array<i32>} : memref<768xf32, #tpu.memory_space<vmem>>, vector<16xf32>,
    %swap3A_81 = arith.constant 544 : index
    %swap3A_82 = tpu.vector_load %arg9[%swap3A_81] {strides = array<i32>} : memref<768xf32, #tpu.memory_space<vmem>>, vector<16xf32>,
    tpu.vector_store %arg9[%swap3A_81], %broadcast_in_dim3A_3 {strides = array<i32>} : memref<768xf32, #tpu.memory_space<vmem>>, vector<16xf32>,
    %swap3A_83 = arith.constant 560 : index
    %swap3A_84 = tpu.vector_load %arg9[%swap3A_83] {strides = array<i32>} : memref<768xf32, #tpu.memory_space<vmem>>, vector<16xf32>,
    tpu.vector_store %arg9[%swap3A_83], %broadcast_in_dim3A_3 {strides = array<i32>} : memref<768xf32, #tpu.memory_space<vmem>>, vector<16xf32>,
    %swap3A_85 = arith.constant 576 : index
    %swap3A_86 = tpu.vector_load %arg9[%swap3A_85] {strides = array<i32>} : memref<768xf32, #tpu.memory_space<vmem>>, vector<16xf32>,
    tpu.vector_store %arg9[%swap3A_85], %broadcast_in_dim3A_3 {strides = array<i32>} : memref<768xf32, #tpu.memory_space<vmem>>, vector<16xf32>,
    %swap3A_87 = arith.constant 592 : index
    %swap3A_88 = tpu.vector_load %arg9[%swap3A_87] {strides = array<i32>} : memref<768xf32, #tpu.memory_space<vmem>>, vector<16xf32>,
    tpu.vector_store %arg9[%swap3A_87], %broadcast_in_dim3A_3 {strides = array<i32>} : memref<768xf32, #tpu.memory_space<vmem>>, vector<16xf32>,
    %swap3A_89 = arith.constant 608 : index
    %swap3A_90 = tpu.vector_load %arg9[%swap3A_89] {strides = array<i32>} : memref<768xf32, #tpu.memory_space<vmem>>, vector<16xf32>,
    tpu.vector_store %arg9[%swap3A_89], %broadcast_in_dim3A_3 {strides = array<i32>} : memref<768xf32, #tpu.memory_space<vmem>>, vector<16xf32>,
    %swap3A_91 = arith.constant 624 : index
    %swap3A_92 = tpu.vector_load %arg9[%swap3A_91] {strides = array<i32>} : memref<768xf32, #tpu.memory_space<vmem>>, vector<16xf32>,
    tpu.vector_store %arg9[%swap3A_91], %broadcast_in_dim3A_3 {strides = array<i32>} : memref<768xf32, #tpu.memory_space<vmem>>, vector<16xf32>,
    %swap3A_93 = arith.constant 640 : index
    %swap3A_94 = tpu.vector_load %arg9[%swap3A_93] {strides = array<i32>} : memref<768xf32, #tpu.memory_space<vmem>>, vector<16xf32>,
    tpu.vector_store %arg9[%swap3A_93], %broadcast_in_dim3A_3 {strides = array<i32>} : memref<768xf32, #tpu.memory_space<vmem>>, vector<16xf32>,
    %swap3A_95 = arith.constant 656 : index
    %swap3A_96 = tpu.vector_load %arg9[%swap3A_95] {strides = array<i32>} : memref<768xf32, #tpu.memory_space<vmem>>, vector<16xf32>,
    tpu.vector_store %arg9[%swap3A_95], %broadcast_in_dim3A_3 {strides = array<i32>} : memref<768xf32, #tpu.memory_space<vmem>>, vector<16xf32>,
    %swap3A_97 = arith.constant 672 : index
    %swap3A_98 = tpu.vector_load %arg9[%swap3A_97] {strides = array<i32>} : memref<768xf32, #tpu.memory_space<vmem>>, vector<16xf32>,
    tpu.vector_store %arg9[%swap3A_97], %broadcast_in_dim3A_3 {strides = array<i32>} : memref<768xf32, #tpu.memory_space<vmem>>, vector<16xf32>,
    %swap3A_99 = arith.constant 688 : index
    %swap3A_100 = tpu.vector_load %arg9[%swap3A_99] {strides = array<i32>} : memref<768xf32, #tpu.memory_space<vmem>>, vector<16xf32>,
    tpu.vector_store %arg9[%swap3A_99], %broadcast_in_dim3A_3 {strides = array<i32>} : memref<768xf32, #tpu.memory_space<vmem>>, vector<16xf32>,
    %swap3A_101 = arith.constant 704 : index
    %swap3A_102 = tpu.vector_load %arg9[%swap3A_101] {strides = array<i32>} : memref<768xf32, #tpu.memory_space<vmem>>, vector<16xf32>,
    tpu.vector_store %arg9[%swap3A_101], %broadcast_in_dim3A_3 {strides = array<i32>} : memref<768xf32, #tpu.memory_space<vmem>>, vector<16xf32>,
    %swap3A_103 = arith.constant 720 : index
    %swap3A_104 = tpu.vector_load %arg9[%swap3A_103] {strides = array<i32>} : memref<768xf32, #tpu.memory_space<vmem>>, vector<16xf32>,
    tpu.vector_store %arg9[%swap3A_103], %broadcast_in_dim3A_3 {strides = array<i32>} : memref<768xf32, #tpu.memory_space<vmem>>, vector<16xf32>,
    %swap3A_105 = arith.constant 736 : index
    %swap3A_106 = tpu.vector_load %arg9[%swap3A_105] {strides = array<i32>} : memref<768xf32, #tpu.memory_space<vmem>>, vector<16xf32>,
    tpu.vector_store %arg9[%swap3A_105], %broadcast_in_dim3A_3 {strides = array<i32>} : memref<768xf32, #tpu.memory_space<vmem>>, vector<16xf32>,
    %swap3A_107 = arith.constant 752 : index
    %swap3A_108 = tpu.vector_load %arg9[%swap3A_107] {strides = array<i32>} : memref<768xf32, #tpu.memory_space<vmem>>, vector<16xf32>,
    tpu.vector_store %arg9[%swap3A_107], %broadcast_in_dim3A_3 {strides = array<i32>} : memref<768xf32, #tpu.memory_space<vmem>>, vector<16xf32>,
    %add3A_109 = arith.constant 0 : i32
    %add3A_110 = vector.broadcast %add3A_109 : i32 to vector<16xi32>
    %add3A_111 = arith.addi %iota3A, %add3A_110 : vector<16xi32>
    %and3A = arith.constant 31 : i32
    %and3A_112 = vector.broadcast %and3A : i32 to vector<16xi32>
    %and3A_113 = arith.andi %add3A_111, %and3A_112 : vector<16xi32>
    %add3A_114 = arith.constant 0 : i32
    %add3A_115 = vector.broadcast %add3A_114 : i32 to vector<16xi32>
    %add3A_116 = arith.addi %add3A_115, %iota3A : vector<16xi32>
    %mul3A_117 = arith.constant 32 : i32
    %mul3A_118 = vector.broadcast %mul3A_117 : i32 to vector<16xi32>
    %mul3A_119 = arith.muli %add3A_116, %mul3A_118 : vector<16xi32>
    %add3A_120 = arith.addi %mul3A_119, %and3A_113 : vector<16xi32>
    %shift_right_arithmetic3A = arith.constant 7 : i32
    %shift_right_arithmetic3A_121 = vector.broadcast %shift_right_arithmetic3A : i32 to vector<16xi32>
    %shift_right_arithmetic3A_122 = arith.shrsi %add3A_120, %shift_right_arithmetic3A_121 : vector<16xi32>
    %and3A_123 = arith.constant 127 : i32
    %and3A_124 = vector.broadcast %and3A_123 : i32 to vector<16xi32>
    %and3A_125 = arith.andi %add3A_120, %and3A_124 : vector<16xi32>
    %add3A_126 = arith.constant 1 : i32
    %add3A_127 = vector.broadcast %add3A_126 : i32 to vector<16xi32>
    %add3A_128 = arith.addi %iota3A, %add3A_127 : vector<16xi32>
    %and3A_129 = arith.constant 31 : i32
    %and3A_130 = vector.broadcast %and3A_129 : i32 to vector<16xi32>
    %and3A_131 = arith.andi %add3A_128, %and3A_130 : vector<16xi32>
    %add3A_132 = arith.constant 0 : i32
    %add3A_133 = vector.broadcast %add3A_132 : i32 to vector<16xi32>
    %add3A_134 = arith.addi %add3A_133, %iota3A : vector<16xi32>
    %mul3A_135 = arith.constant 32 : i32
    %mul3A_136 = vector.broadcast %mul3A_135 : i32 to vector<16xi32>
    %mul3A_137 = arith.muli %add3A_134, %mul3A_136 : vector<16xi32>
    %add3A_138 = arith.addi %mul3A_137, %and3A_131 : vector<16xi32>
    %shift_right_arithmetic3A_139 = arith.constant 7 : i32
    %shift_right_arithmetic3A_140 = vector.broadcast %shift_right_arithmetic3A_139 : i32 to vector<16xi32>
    %shift_right_arithmetic3A_141 = arith.shrsi %add3A_138, %shift_right_arithmetic3A_140 : vector<16xi32>
    %and3A_142 = arith.constant 127 : i32
    %and3A_143 = vector.broadcast %and3A_142 : i32 to vector<16xi32>
    %and3A_144 = arith.andi %add3A_138, %and3A_143 : vector<16xi32>
    %add3A_145 = arith.constant 2 : i32
    %add3A_146 = vector.broadcast %add3A_145 : i32 to vector<16xi32>
    %add3A_147 = arith.addi %iota3A, %add3A_146 : vector<16xi32>
    %and3A_148 = arith.constant 31 : i32
    %and3A_149 = vector.broadcast %and3A_148 : i32 to vector<16xi32>
    %and3A_150 = arith.andi %add3A_147, %and3A_149 : vector<16xi32>
    %add3A_151 = arith.constant 0 : i32
    %add3A_152 = vector.broadcast %add3A_151 : i32 to vector<16xi32>
    %add3A_153 = arith.addi %add3A_152, %iota3A : vector<16xi32>
    %mul3A_154 = arith.constant 32 : i32
    %mul3A_155 = vector.broadcast %mul3A_154 : i32 to vector<16xi32>
    %mul3A_156 = arith.muli %add3A_153, %mul3A_155 : vector<16xi32>
    %add3A_157 = arith.addi %mul3A_156, %and3A_150 : vector<16xi32>
    %shift_right_arithmetic3A_158 = arith.constant 7 : i32
    %shift_right_arithmetic3A_159 = vector.broadcast %shift_right_arithmetic3A_158 : i32 to vector<16xi32>
    %shift_right_arithmetic3A_160 = arith.shrsi %add3A_157, %shift_right_arithmetic3A_159 : vector<16xi32>
    %and3A_161 = arith.constant 127 : i32
    %and3A_162 = vector.broadcast %and3A_161 : i32 to vector<16xi32>
    %and3A_163 = arith.andi %add3A_157, %and3A_162 : vector<16xi32>
    %add3A_164 = arith.constant 3 : i32
    %add3A_165 = vector.broadcast %add3A_164 : i32 to vector<16xi32>
    %add3A_166 = arith.addi %iota3A, %add3A_165 : vector<16xi32>
    %and3A_167 = arith.constant 31 : i32
    %and3A_168 = vector.broadcast %and3A_167 : i32 to vector<16xi32>
    %and3A_169 = arith.andi %add3A_166, %and3A_168 : vector<16xi32>
    %add3A_170 = arith.constant 0 : i32
    %add3A_171 = vector.broadcast %add3A_170 : i32 to vector<16xi32>
    %add3A_172 = arith.addi %add3A_171, %iota3A : vector<16xi32>
    %mul3A_173 = arith.constant 32 : i32
    %mul3A_174 = vector.broadcast %mul3A_173 : i32 to vector<16xi32>
    %mul3A_175 = arith.muli %add3A_172, %mul3A_174 : vector<16xi32>
    %add3A_176 = arith.addi %mul3A_175, %and3A_169 : vector<16xi32>
    %shift_right_arithmetic3A_177 = arith.constant 7 : i32
    %shift_right_arithmetic3A_178 = vector.broadcast %shift_right_arithmetic3A_177 : i32 to vector<16xi32>
    %shift_right_arithmetic3A_179 = arith.shrsi %add3A_176, %shift_right_arithmetic3A_178 : vector<16xi32>
    %and3A_180 = arith.constant 127 : i32
    %and3A_181 = vector.broadcast %and3A_180 : i32 to vector<16xi32>
    %and3A_182 = arith.andi %add3A_176, %and3A_181 : vector<16xi32>
    %add3A_183 = arith.constant 4 : i32
    %add3A_184 = vector.broadcast %add3A_183 : i32 to vector<16xi32>
    %add3A_185 = arith.addi %iota3A, %add3A_184 : vector<16xi32>
    %and3A_186 = arith.constant 31 : i32
    %and3A_187 = vector.broadcast %and3A_186 : i32 to vector<16xi32>
    %and3A_188 = arith.andi %add3A_185, %and3A_187 : vector<16xi32>
    %add3A_189 = arith.constant 0 : i32
    %add3A_190 = vector.broadcast %add3A_189 : i32 to vector<16xi32>
    %add3A_191 = arith.addi %add3A_190, %iota3A : vector<16xi32>
    %mul3A_192 = arith.constant 32 : i32
    %mul3A_193 = vector.broadcast %mul3A_192 : i32 to vector<16xi32>
    %mul3A_194 = arith.muli %add3A_191, %mul3A_193 : vector<16xi32>
    %add3A_195 = arith.addi %mul3A_194, %and3A_188 : vector<16xi32>
    %shift_right_arithmetic3A_196 = arith.constant 7 : i32
    %shift_right_arithmetic3A_197 = vector.broadcast %shift_right_arithmetic3A_196 : i32 to vector<16xi32>
    %shift_right_arithmetic3A_198 = arith.shrsi %add3A_195, %shift_right_arithmetic3A_197 : vector<16xi32>
    %and3A_199 = arith.constant 127 : i32
    %and3A_200 = vector.broadcast %and3A_199 : i32 to vector<16xi32>
    %and3A_201 = arith.andi %add3A_195, %and3A_200 : vector<16xi32>
    %add3A_202 = arith.constant 5 : i32
    %add3A_203 = vector.broadcast %add3A_202 : i32 to vector<16xi32>
    %add3A_204 = arith.addi %iota3A, %add3A_203 : vector<16xi32>
    %and3A_205 = arith.constant 31 : i32
    %and3A_206 = vector.broadcast %and3A_205 : i32 to vector<16xi32>
    %and3A_207 = arith.andi %add3A_204, %and3A_206 : vector<16xi32>
    %add3A_208 = arith.constant 0 : i32
    %add3A_209 = vector.broadcast %add3A_208 : i32 to vector<16xi32>
    %add3A_210 = arith.addi %add3A_209, %iota3A : vector<16xi32>
    %mul3A_211 = arith.constant 32 : i32
    %mul3A_212 = vector.broadcast %mul3A_211 : i32 to vector<16xi32>
    %mul3A_213 = arith.muli %add3A_210, %mul3A_212 : vector<16xi32>
    %add3A_214 = arith.addi %mul3A_213, %and3A_207 : vector<16xi32>
    %shift_right_arithmetic3A_215 = arith.constant 7 : i32
    %shift_right_arithmetic3A_216 = vector.broadcast %shift_right_arithmetic3A_215 : i32 to vector<16xi32>
    %shift_right_arithmetic3A_217 = arith.shrsi %add3A_214, %shift_right_arithmetic3A_216 : vector<16xi32>
    %and3A_218 = arith.constant 127 : i32
    %and3A_219 = vector.broadcast %and3A_218 : i32 to vector<16xi32>
    %and3A_220 = arith.andi %add3A_214, %and3A_219 : vector<16xi32>
    %add3A_221 = arith.constant 6 : i32
    %add3A_222 = vector.broadcast %add3A_221 : i32 to vector<16xi32>
    %add3A_223 = arith.addi %iota3A, %add3A_222 : vector<16xi32>
    %and3A_224 = arith.constant 31 : i32
    %and3A_225 = vector.broadcast %and3A_224 : i32 to vector<16xi32>
    %and3A_226 = arith.andi %add3A_223, %and3A_225 : vector<16xi32>
    %add3A_227 = arith.constant 0 : i32
    %add3A_228 = vector.broadcast %add3A_227 : i32 to vector<16xi32>
    %add3A_229 = arith.addi %add3A_228, %iota3A : vector<16xi32>
    %mul3A_230 = arith.constant 32 : i32
    %mul3A_231 = vector.broadcast %mul3A_230 : i32 to vector<16xi32>
    %mul3A_232 = arith.muli %add3A_229, %mul3A_231 : vector<16xi32>
    %add3A_233 = arith.addi %mul3A_232, %and3A_226 : vector<16xi32>
    %shift_right_arithmetic3A_234 = arith.constant 7 : i32
    %shift_right_arithmetic3A_235 = vector.broadcast %shift_right_arithmetic3A_234 : i32 to vector<16xi32>
    %shift_right_arithmetic3A_236 = arith.shrsi %add3A_233, %shift_right_arithmetic3A_235 : vector<16xi32>
    %and3A_237 = arith.constant 127 : i32
    %and3A_238 = vector.broadcast %and3A_237 : i32 to vector<16xi32>
    %and3A_239 = arith.andi %add3A_233, %and3A_238 : vector<16xi32>
    %add3A_240 = arith.constant 7 : i32
    %add3A_241 = vector.broadcast %add3A_240 : i32 to vector<16xi32>
    %add3A_242 = arith.addi %iota3A, %add3A_241 : vector<16xi32>
    %and3A_243 = arith.constant 31 : i32
    %and3A_244 = vector.broadcast %and3A_243 : i32 to vector<16xi32>
    %and3A_245 = arith.andi %add3A_242, %and3A_244 : vector<16xi32>
    %add3A_246 = arith.constant 0 : i32
    %add3A_247 = vector.broadcast %add3A_246 : i32 to vector<16xi32>
    %add3A_248 = arith.addi %add3A_247, %iota3A : vector<16xi32>
    %mul3A_249 = arith.constant 32 : i32
    %mul3A_250 = vector.broadcast %mul3A_249 : i32 to vector<16xi32>
    %mul3A_251 = arith.muli %add3A_248, %mul3A_250 : vector<16xi32>
    %add3A_252 = arith.addi %mul3A_251, %and3A_245 : vector<16xi32>
    %shift_right_arithmetic3A_253 = arith.constant 7 : i32
    %shift_right_arithmetic3A_254 = vector.broadcast %shift_right_arithmetic3A_253 : i32 to vector<16xi32>
    %shift_right_arithmetic3A_255 = arith.shrsi %add3A_252, %shift_right_arithmetic3A_254 : vector<16xi32>
    %and3A_256 = arith.constant 127 : i32
    %and3A_257 = vector.broadcast %and3A_256 : i32 to vector<16xi32>
    %and3A_258 = arith.andi %add3A_252, %and3A_257 : vector<16xi32>
    %add3A_259 = arith.constant 8 : i32
    %add3A_260 = vector.broadcast %add3A_259 : i32 to vector<16xi32>
    %add3A_261 = arith.addi %iota3A, %add3A_260 : vector<16xi32>
    %and3A_262 = arith.constant 31 : i32
    %and3A_263 = vector.broadcast %and3A_262 : i32 to vector<16xi32>
    %and3A_264 = arith.andi %add3A_261, %and3A_263 : vector<16xi32>
    %add3A_265 = arith.constant 0 : i32
    %add3A_266 = vector.broadcast %add3A_265 : i32 to vector<16xi32>
    %add3A_267 = arith.addi %add3A_266, %iota3A : vector<16xi32>
    %mul3A_268 = arith.constant 32 : i32
    %mul3A_269 = vector.broadcast %mul3A_268 : i32 to vector<16xi32>
    %mul3A_270 = arith.muli %add3A_267, %mul3A_269 : vector<16xi32>
    %add3A_271 = arith.addi %mul3A_270, %and3A_264 : vector<16xi32>
    %shift_right_arithmetic3A_272 = arith.constant 7 : i32
    %shift_right_arithmetic3A_273 = vector.broadcast %shift_right_arithmetic3A_272 : i32 to vector<16xi32>
    %shift_right_arithmetic3A_274 = arith.shrsi %add3A_271, %shift_right_arithmetic3A_273 : vector<16xi32>
    %and3A_275 = arith.constant 127 : i32
    %and3A_276 = vector.broadcast %and3A_275 : i32 to vector<16xi32>
    %and3A_277 = arith.andi %add3A_271, %and3A_276 : vector<16xi32>
    %add3A_278 = arith.constant 9 : i32
    %add3A_279 = vector.broadcast %add3A_278 : i32 to vector<16xi32>
    %add3A_280 = arith.addi %iota3A, %add3A_279 : vector<16xi32>
    %and3A_281 = arith.constant 31 : i32
    %and3A_282 = vector.broadcast %and3A_281 : i32 to vector<16xi32>
    %and3A_283 = arith.andi %add3A_280, %and3A_282 : vector<16xi32>
    %add3A_284 = arith.constant 0 : i32
    %add3A_285 = vector.broadcast %add3A_284 : i32 to vector<16xi32>
    %add3A_286 = arith.addi %add3A_285, %iota3A : vector<16xi32>
    %mul3A_287 = arith.constant 32 : i32
    %mul3A_288 = vector.broadcast %mul3A_287 : i32 to vector<16xi32>
    %mul3A_289 = arith.muli %add3A_286, %mul3A_288 : vector<16xi32>
    %add3A_290 = arith.addi %mul3A_289, %and3A_283 : vector<16xi32>
    %shift_right_arithmetic3A_291 = arith.constant 7 : i32
    %shift_right_arithmetic3A_292 = vector.broadcast %shift_right_arithmetic3A_291 : i32 to vector<16xi32>
    %shift_right_arithmetic3A_293 = arith.shrsi %add3A_290, %shift_right_arithmetic3A_292 : vector<16xi32>
    %and3A_294 = arith.constant 127 : i32
    %and3A_295 = vector.broadcast %and3A_294 : i32 to vector<16xi32>
    %and3A_296 = arith.andi %add3A_290, %and3A_295 : vector<16xi32>
    %add3A_297 = arith.constant 10 : i32
    %add3A_298 = vector.broadcast %add3A_297 : i32 to vector<16xi32>
    %add3A_299 = arith.addi %iota3A, %add3A_298 : vector<16xi32>
    %and3A_300 = arith.constant 31 : i32
    %and3A_301 = vector.broadcast %and3A_300 : i32 to vector<16xi32>
    %and3A_302 = arith.andi %add3A_299, %and3A_301 : vector<16xi32>
    %add3A_303 = arith.constant 0 : i32
    %add3A_304 = vector.broadcast %add3A_303 : i32 to vector<16xi32>
    %add3A_305 = arith.addi %add3A_304, %iota3A : vector<16xi32>
    %mul3A_306 = arith.constant 32 : i32
    %mul3A_307 = vector.broadcast %mul3A_306 : i32 to vector<16xi32>
    %mul3A_308 = arith.muli %add3A_305, %mul3A_307 : vector<16xi32>
    %add3A_309 = arith.addi %mul3A_308, %and3A_302 : vector<16xi32>
    %shift_right_arithmetic3A_310 = arith.constant 7 : i32
    %shift_right_arithmetic3A_311 = vector.broadcast %shift_right_arithmetic3A_310 : i32 to vector<16xi32>
    %shift_right_arithmetic3A_312 = arith.shrsi %add3A_309, %shift_right_arithmetic3A_311 : vector<16xi32>
    %and3A_313 = arith.constant 127 : i32
    %and3A_314 = vector.broadcast %and3A_313 : i32 to vector<16xi32>
    %and3A_315 = arith.andi %add3A_309, %and3A_314 : vector<16xi32>
    %add3A_316 = arith.constant 11 : i32
    %add3A_317 = vector.broadcast %add3A_316 : i32 to vector<16xi32>
    %add3A_318 = arith.addi %iota3A, %add3A_317 : vector<16xi32>
    %and3A_319 = arith.constant 31 : i32
    %and3A_320 = vector.broadcast %and3A_319 : i32 to vector<16xi32>
    %and3A_321 = arith.andi %add3A_318, %and3A_320 : vector<16xi32>
    %add3A_322 = arith.constant 0 : i32
    %add3A_323 = vector.broadcast %add3A_322 : i32 to vector<16xi32>
    %add3A_324 = arith.addi %add3A_323, %iota3A : vector<16xi32>
    %mul3A_325 = arith.constant 32 : i32
    %mul3A_326 = vector.broadcast %mul3A_325 : i32 to vector<16xi32>
    %mul3A_327 = arith.muli %add3A_324, %mul3A_326 : vector<16xi32>
    %add3A_328 = arith.addi %mul3A_327, %and3A_321 : vector<16xi32>
    %shift_right_arithmetic3A_329 = arith.constant 7 : i32
    %shift_right_arithmetic3A_330 = vector.broadcast %shift_right_arithmetic3A_329 : i32 to vector<16xi32>
    %shift_right_arithmetic3A_331 = arith.shrsi %add3A_328, %shift_right_arithmetic3A_330 : vector<16xi32>
    %and3A_332 = arith.constant 127 : i32
    %and3A_333 = vector.broadcast %and3A_332 : i32 to vector<16xi32>
    %and3A_334 = arith.andi %add3A_328, %and3A_333 : vector<16xi32>
    %add3A_335 = arith.constant 12 : i32
    %add3A_336 = vector.broadcast %add3A_335 : i32 to vector<16xi32>
    %add3A_337 = arith.addi %iota3A, %add3A_336 : vector<16xi32>
    %and3A_338 = arith.constant 31 : i32
    %and3A_339 = vector.broadcast %and3A_338 : i32 to vector<16xi32>
    %and3A_340 = arith.andi %add3A_337, %and3A_339 : vector<16xi32>
    %add3A_341 = arith.constant 0 : i32
    %add3A_342 = vector.broadcast %add3A_341 : i32 to vector<16xi32>
    %add3A_343 = arith.addi %add3A_342, %iota3A : vector<16xi32>
    %mul3A_344 = arith.constant 32 : i32
    %mul3A_345 = vector.broadcast %mul3A_344 : i32 to vector<16xi32>
    %mul3A_346 = arith.muli %add3A_343, %mul3A_345 : vector<16xi32>
    %add3A_347 = arith.addi %mul3A_346, %and3A_340 : vector<16xi32>
    %shift_right_arithmetic3A_348 = arith.constant 7 : i32
    %shift_right_arithmetic3A_349 = vector.broadcast %shift_right_arithmetic3A_348 : i32 to vector<16xi32>
    %shift_right_arithmetic3A_350 = arith.shrsi %add3A_347, %shift_right_arithmetic3A_349 : vector<16xi32>
    %and3A_351 = arith.constant 127 : i32
    %and3A_352 = vector.broadcast %and3A_351 : i32 to vector<16xi32>
    %and3A_353 = arith.andi %add3A_347, %and3A_352 : vector<16xi32>
    %add3A_354 = arith.constant 13 : i32
    %add3A_355 = vector.broadcast %add3A_354 : i32 to vector<16xi32>
    %add3A_356 = arith.addi %iota3A, %add3A_355 : vector<16xi32>
    %and3A_357 = arith.constant 31 : i32
    %and3A_358 = vector.broadcast %and3A_357 : i32 to vector<16xi32>
    %and3A_359 = arith.andi %add3A_356, %and3A_358 : vector<16xi32>
    %add3A_360 = arith.constant 0 : i32
    %add3A_361 = vector.broadcast %add3A_360 : i32 to vector<16xi32>
    %add3A_362 = arith.addi %add3A_361, %iota3A : vector<16xi32>
    %mul3A_363 = arith.constant 32 : i32
    %mul3A_364 = vector.broadcast %mul3A_363 : i32 to vector<16xi32>
    %mul3A_365 = arith.muli %add3A_362, %mul3A_364 : vector<16xi32>
    %add3A_366 = arith.addi %mul3A_365, %and3A_359 : vector<16xi32>
    %shift_right_arithmetic3A_367 = arith.constant 7 : i32
    %shift_right_arithmetic3A_368 = vector.broadcast %shift_right_arithmetic3A_367 : i32 to vector<16xi32>
    %shift_right_arithmetic3A_369 = arith.shrsi %add3A_366, %shift_right_arithmetic3A_368 : vector<16xi32>
    %and3A_370 = arith.constant 127 : i32
    %and3A_371 = vector.broadcast %and3A_370 : i32 to vector<16xi32>
    %and3A_372 = arith.andi %add3A_366, %and3A_371 : vector<16xi32>
    %add3A_373 = arith.constant 14 : i32
    %add3A_374 = vector.broadcast %add3A_373 : i32 to vector<16xi32>
    %add3A_375 = arith.addi %iota3A, %add3A_374 : vector<16xi32>
    %and3A_376 = arith.constant 31 : i32
    %and3A_377 = vector.broadcast %and3A_376 : i32 to vector<16xi32>
    %and3A_378 = arith.andi %add3A_375, %and3A_377 : vector<16xi32>
    %add3A_379 = arith.constant 0 : i32
    %add3A_380 = vector.broadcast %add3A_379 : i32 to vector<16xi32>
    %add3A_381 = arith.addi %add3A_380, %iota3A : vector<16xi32>
    %mul3A_382 = arith.constant 32 : i32
    %mul3A_383 = vector.broadcast %mul3A_382 : i32 to vector<16xi32>
    %mul3A_384 = arith.muli %add3A_381, %mul3A_383 : vector<16xi32>
    %add3A_385 = arith.addi %mul3A_384, %and3A_378 : vector<16xi32>
    %shift_right_arithmetic3A_386 = arith.constant 7 : i32
    %shift_right_arithmetic3A_387 = vector.broadcast %shift_right_arithmetic3A_386 : i32 to vector<16xi32>
    %shift_right_arithmetic3A_388 = arith.shrsi %add3A_385, %shift_right_arithmetic3A_387 : vector<16xi32>
    %and3A_389 = arith.constant 127 : i32
    %and3A_390 = vector.broadcast %and3A_389 : i32 to vector<16xi32>
    %and3A_391 = arith.andi %add3A_385, %and3A_390 : vector<16xi32>
    %add3A_392 = arith.constant 15 : i32
    %add3A_393 = vector.broadcast %add3A_392 : i32 to vector<16xi32>
    %add3A_394 = arith.addi %iota3A, %add3A_393 : vector<16xi32>
    %and3A_395 = arith.constant 31 : i32
    %and3A_396 = vector.broadcast %and3A_395 : i32 to vector<16xi32>
    %and3A_397 = arith.andi %add3A_394, %and3A_396 : vector<16xi32>
    %add3A_398 = arith.constant 0 : i32
    %add3A_399 = vector.broadcast %add3A_398 : i32 to vector<16xi32>
    %add3A_400 = arith.addi %add3A_399, %iota3A : vector<16xi32>
    %mul3A_401 = arith.constant 32 : i32
    %mul3A_402 = vector.broadcast %mul3A_401 : i32 to vector<16xi32>
    %mul3A_403 = arith.muli %add3A_400, %mul3A_402 : vector<16xi32>
    %add3A_404 = arith.addi %mul3A_403, %and3A_397 : vector<16xi32>
    %shift_right_arithmetic3A_405 = arith.constant 7 : i32
    %shift_right_arithmetic3A_406 = vector.broadcast %shift_right_arithmetic3A_405 : i32 to vector<16xi32>
    %shift_right_arithmetic3A_407 = arith.shrsi %add3A_404, %shift_right_arithmetic3A_406 : vector<16xi32>
    %and3A_408 = arith.constant 127 : i32
    %and3A_409 = vector.broadcast %and3A_408 : i32 to vector<16xi32>
    %and3A_410 = arith.andi %add3A_404, %and3A_409 : vector<16xi32>
    %add3A_411 = arith.constant 16 : i32
    %add3A_412 = vector.broadcast %add3A_411 : i32 to vector<16xi32>
    %add3A_413 = arith.addi %iota3A, %add3A_412 : vector<16xi32>
    %and3A_414 = arith.constant 31 : i32
    %and3A_415 = vector.broadcast %and3A_414 : i32 to vector<16xi32>
    %and3A_416 = arith.andi %add3A_413, %and3A_415 : vector<16xi32>
    %add3A_417 = arith.constant 0 : i32
    %add3A_418 = vector.broadcast %add3A_417 : i32 to vector<16xi32>
    %add3A_419 = arith.addi %add3A_418, %iota3A : vector<16xi32>
    %mul3A_420 = arith.constant 32 : i32
    %mul3A_421 = vector.broadcast %mul3A_420 : i32 to vector<16xi32>
    %mul3A_422 = arith.muli %add3A_419, %mul3A_421 : vector<16xi32>
    %add3A_423 = arith.addi %mul3A_422, %and3A_416 : vector<16xi32>
    %shift_right_arithmetic3A_424 = arith.constant 7 : i32
    %shift_right_arithmetic3A_425 = vector.broadcast %shift_right_arithmetic3A_424 : i32 to vector<16xi32>
    %shift_right_arithmetic3A_426 = arith.shrsi %add3A_423, %shift_right_arithmetic3A_425 : vector<16xi32>
    %and3A_427 = arith.constant 127 : i32
    %and3A_428 = vector.broadcast %and3A_427 : i32 to vector<16xi32>
    %and3A_429 = arith.andi %add3A_423, %and3A_428 : vector<16xi32>
    %add3A_430 = arith.constant 17 : i32
    %add3A_431 = vector.broadcast %add3A_430 : i32 to vector<16xi32>
    %add3A_432 = arith.addi %iota3A, %add3A_431 : vector<16xi32>
    %and3A_433 = arith.constant 31 : i32
    %and3A_434 = vector.broadcast %and3A_433 : i32 to vector<16xi32>
    %and3A_435 = arith.andi %add3A_432, %and3A_434 : vector<16xi32>
    %add3A_436 = arith.constant 0 : i32
    %add3A_437 = vector.broadcast %add3A_436 : i32 to vector<16xi32>
    %add3A_438 = arith.addi %add3A_437, %iota3A : vector<16xi32>
    %mul3A_439 = arith.constant 32 : i32
    %mul3A_440 = vector.broadcast %mul3A_439 : i32 to vector<16xi32>
    %mul3A_441 = arith.muli %add3A_438, %mul3A_440 : vector<16xi32>
    %add3A_442 = arith.addi %mul3A_441, %and3A_435 : vector<16xi32>
    %shift_right_arithmetic3A_443 = arith.constant 7 : i32
    %shift_right_arithmetic3A_444 = vector.broadcast %shift_right_arithmetic3A_443 : i32 to vector<16xi32>
    %shift_right_arithmetic3A_445 = arith.shrsi %add3A_442, %shift_right_arithmetic3A_444 : vector<16xi32>
    %and3A_446 = arith.constant 127 : i32
    %and3A_447 = vector.broadcast %and3A_446 : i32 to vector<16xi32>
    %and3A_448 = arith.andi %add3A_442, %and3A_447 : vector<16xi32>
    %add3A_449 = arith.constant 18 : i32
    %add3A_450 = vector.broadcast %add3A_449 : i32 to vector<16xi32>
    %add3A_451 = arith.addi %iota3A, %add3A_450 : vector<16xi32>
    %and3A_452 = arith.constant 31 : i32
    %and3A_453 = vector.broadcast %and3A_452 : i32 to vector<16xi32>
    %and3A_454 = arith.andi %add3A_451, %and3A_453 : vector<16xi32>
    %add3A_455 = arith.constant 0 : i32
    %add3A_456 = vector.broadcast %add3A_455 : i32 to vector<16xi32>
    %add3A_457 = arith.addi %add3A_456, %iota3A : vector<16xi32>
    %mul3A_458 = arith.constant 32 : i32
    %mul3A_459 = vector.broadcast %mul3A_458 : i32 to vector<16xi32>
    %mul3A_460 = arith.muli %add3A_457, %mul3A_459 : vector<16xi32>
    %add3A_461 = arith.addi %mul3A_460, %and3A_454 : vector<16xi32>
    %shift_right_arithmetic3A_462 = arith.constant 7 : i32
    %shift_right_arithmetic3A_463 = vector.broadcast %shift_right_arithmetic3A_462 : i32 to vector<16xi32>
    %shift_right_arithmetic3A_464 = arith.shrsi %add3A_461, %shift_right_arithmetic3A_463 : vector<16xi32>
    %and3A_465 = arith.constant 127 : i32
    %and3A_466 = vector.broadcast %and3A_465 : i32 to vector<16xi32>
    %and3A_467 = arith.andi %add3A_461, %and3A_466 : vector<16xi32>
    %add3A_468 = arith.constant 19 : i32
    %add3A_469 = vector.broadcast %add3A_468 : i32 to vector<16xi32>
    %add3A_470 = arith.addi %iota3A, %add3A_469 : vector<16xi32>
    %and3A_471 = arith.constant 31 : i32
    %and3A_472 = vector.broadcast %and3A_471 : i32 to vector<16xi32>
    %and3A_473 = arith.andi %add3A_470, %and3A_472 : vector<16xi32>
    %add3A_474 = arith.constant 0 : i32
    %add3A_475 = vector.broadcast %add3A_474 : i32 to vector<16xi32>
    %add3A_476 = arith.addi %add3A_475, %iota3A : vector<16xi32>
    %mul3A_477 = arith.constant 32 : i32
    %mul3A_478 = vector.broadcast %mul3A_477 : i32 to vector<16xi32>
    %mul3A_479 = arith.muli %add3A_476, %mul3A_478 : vector<16xi32>
    %add3A_480 = arith.addi %mul3A_479, %and3A_473 : vector<16xi32>
    %shift_right_arithmetic3A_481 = arith.constant 7 : i32
    %shift_right_arithmetic3A_482 = vector.broadcast %shift_right_arithmetic3A_481 : i32 to vector<16xi32>
    %shift_right_arithmetic3A_483 = arith.shrsi %add3A_480, %shift_right_arithmetic3A_482 : vector<16xi32>
    %and3A_484 = arith.constant 127 : i32
    %and3A_485 = vector.broadcast %and3A_484 : i32 to vector<16xi32>
    %and3A_486 = arith.andi %add3A_480, %and3A_485 : vector<16xi32>
    %add3A_487 = arith.constant 20 : i32
    %add3A_488 = vector.broadcast %add3A_487 : i32 to vector<16xi32>
    %add3A_489 = arith.addi %iota3A, %add3A_488 : vector<16xi32>
    %and3A_490 = arith.constant 31 : i32
    %and3A_491 = vector.broadcast %and3A_490 : i32 to vector<16xi32>
    %and3A_492 = arith.andi %add3A_489, %and3A_491 : vector<16xi32>
    %add3A_493 = arith.constant 0 : i32
    %add3A_494 = vector.broadcast %add3A_493 : i32 to vector<16xi32>
    %add3A_495 = arith.addi %add3A_494, %iota3A : vector<16xi32>
    %mul3A_496 = arith.constant 32 : i32
    %mul3A_497 = vector.broadcast %mul3A_496 : i32 to vector<16xi32>
    %mul3A_498 = arith.muli %add3A_495, %mul3A_497 : vector<16xi32>
    %add3A_499 = arith.addi %mul3A_498, %and3A_492 : vector<16xi32>
    %shift_right_arithmetic3A_500 = arith.constant 7 : i32
    %shift_right_arithmetic3A_501 = vector.broadcast %shift_right_arithmetic3A_500 : i32 to vector<16xi32>
    %shift_right_arithmetic3A_502 = arith.shrsi %add3A_499, %shift_right_arithmetic3A_501 : vector<16xi32>
    %and3A_503 = arith.constant 127 : i32
    %and3A_504 = vector.broadcast %and3A_503 : i32 to vector<16xi32>
    %and3A_505 = arith.andi %add3A_499, %and3A_504 : vector<16xi32>
    %add3A_506 = arith.constant 21 : i32
    %add3A_507 = vector.broadcast %add3A_506 : i32 to vector<16xi32>
    %add3A_508 = arith.addi %iota3A, %add3A_507 : vector<16xi32>
    %and3A_509 = arith.constant 31 : i32
    %and3A_510 = vector.broadcast %and3A_509 : i32 to vector<16xi32>
    %and3A_511 = arith.andi %add3A_508, %and3A_510 : vector<16xi32>
    %add3A_512 = arith.constant 0 : i32
    %add3A_513 = vector.broadcast %add3A_512 : i32 to vector<16xi32>
    %add3A_514 = arith.addi %add3A_513, %iota3A : vector<16xi32>
    %mul3A_515 = arith.constant 32 : i32
    %mul3A_516 = vector.broadcast %mul3A_515 : i32 to vector<16xi32>
    %mul3A_517 = arith.muli %add3A_514, %mul3A_516 : vector<16xi32>
    %add3A_518 = arith.addi %mul3A_517, %and3A_511 : vector<16xi32>
    %shift_right_arithmetic3A_519 = arith.constant 7 : i32
    %shift_right_arithmetic3A_520 = vector.broadcast %shift_right_arithmetic3A_519 : i32 to vector<16xi32>
    %shift_right_arithmetic3A_521 = arith.shrsi %add3A_518, %shift_right_arithmetic3A_520 : vector<16xi32>
    %and3A_522 = arith.constant 127 : i32
    %and3A_523 = vector.broadcast %and3A_522 : i32 to vector<16xi32>
    %and3A_524 = arith.andi %add3A_518, %and3A_523 : vector<16xi32>
    %add3A_525 = arith.constant 22 : i32
    %add3A_526 = vector.broadcast %add3A_525 : i32 to vector<16xi32>
    %add3A_527 = arith.addi %iota3A, %add3A_526 : vector<16xi32>
    %and3A_528 = arith.constant 31 : i32
    %and3A_529 = vector.broadcast %and3A_528 : i32 to vector<16xi32>
    %and3A_530 = arith.andi %add3A_527, %and3A_529 : vector<16xi32>
    %add3A_531 = arith.constant 0 : i32
    %add3A_532 = vector.broadcast %add3A_531 : i32 to vector<16xi32>
    %add3A_533 = arith.addi %add3A_532, %iota3A : vector<16xi32>
    %mul3A_534 = arith.constant 32 : i32
    %mul3A_535 = vector.broadcast %mul3A_534 : i32 to vector<16xi32>
    %mul3A_536 = arith.muli %add3A_533, %mul3A_535 : vector<16xi32>
    %add3A_537 = arith.addi %mul3A_536, %and3A_530 : vector<16xi32>
    %shift_right_arithmetic3A_538 = arith.constant 7 : i32
    %shift_right_arithmetic3A_539 = vector.broadcast %shift_right_arithmetic3A_538 : i32 to vector<16xi32>
    %shift_right_arithmetic3A_540 = arith.shrsi %add3A_537, %shift_right_arithmetic3A_539 : vector<16xi32>
    %and3A_541 = arith.constant 127 : i32
    %and3A_542 = vector.broadcast %and3A_541 : i32 to vector<16xi32>
    %and3A_543 = arith.andi %add3A_537, %and3A_542 : vector<16xi32>
    %add3A_544 = arith.constant 23 : i32
    %add3A_545 = vector.broadcast %add3A_544 : i32 to vector<16xi32>
    %add3A_546 = arith.addi %iota3A, %add3A_545 : vector<16xi32>
    %and3A_547 = arith.constant 31 : i32
    %and3A_548 = vector.broadcast %and3A_547 : i32 to vector<16xi32>
    %and3A_549 = arith.andi %add3A_546, %and3A_548 : vector<16xi32>
    %add3A_550 = arith.constant 0 : i32
    %add3A_551 = vector.broadcast %add3A_550 : i32 to vector<16xi32>
    %add3A_552 = arith.addi %add3A_551, %iota3A : vector<16xi32>
    %mul3A_553 = arith.constant 32 : i32
    %mul3A_554 = vector.broadcast %mul3A_553 : i32 to vector<16xi32>
    %mul3A_555 = arith.muli %add3A_552, %mul3A_554 : vector<16xi32>
    %add3A_556 = arith.addi %mul3A_555, %and3A_549 : vector<16xi32>
    %shift_right_arithmetic3A_557 = arith.constant 7 : i32
    %shift_right_arithmetic3A_558 = vector.broadcast %shift_right_arithmetic3A_557 : i32 to vector<16xi32>
    %shift_right_arithmetic3A_559 = arith.shrsi %add3A_556, %shift_right_arithmetic3A_558 : vector<16xi32>
    %and3A_560 = arith.constant 127 : i32
    %and3A_561 = vector.broadcast %and3A_560 : i32 to vector<16xi32>
    %and3A_562 = arith.andi %add3A_556, %and3A_561 : vector<16xi32>
    %add3A_563 = arith.constant 24 : i32
    %add3A_564 = vector.broadcast %add3A_563 : i32 to vector<16xi32>
    %add3A_565 = arith.addi %iota3A, %add3A_564 : vector<16xi32>
    %and3A_566 = arith.constant 31 : i32
    %and3A_567 = vector.broadcast %and3A_566 : i32 to vector<16xi32>
    %and3A_568 = arith.andi %add3A_565, %and3A_567 : vector<16xi32>
    %add3A_569 = arith.constant 0 : i32
    %add3A_570 = vector.broadcast %add3A_569 : i32 to vector<16xi32>
    %add3A_571 = arith.addi %add3A_570, %iota3A : vector<16xi32>
    %mul3A_572 = arith.constant 32 : i32
    %mul3A_573 = vector.broadcast %mul3A_572 : i32 to vector<16xi32>
    %mul3A_574 = arith.muli %add3A_571, %mul3A_573 : vector<16xi32>
    %add3A_575 = arith.addi %mul3A_574, %and3A_568 : vector<16xi32>
    %shift_right_arithmetic3A_576 = arith.constant 7 : i32
    %shift_right_arithmetic3A_577 = vector.broadcast %shift_right_arithmetic3A_576 : i32 to vector<16xi32>
    %shift_right_arithmetic3A_578 = arith.shrsi %add3A_575, %shift_right_arithmetic3A_577 : vector<16xi32>
    %and3A_579 = arith.constant 127 : i32
    %and3A_580 = vector.broadcast %and3A_579 : i32 to vector<16xi32>
    %and3A_581 = arith.andi %add3A_575, %and3A_580 : vector<16xi32>
    %add3A_582 = arith.constant 25 : i32
    %add3A_583 = vector.broadcast %add3A_582 : i32 to vector<16xi32>
    %add3A_584 = arith.addi %iota3A, %add3A_583 : vector<16xi32>
    %and3A_585 = arith.constant 31 : i32
    %and3A_586 = vector.broadcast %and3A_585 : i32 to vector<16xi32>
    %and3A_587 = arith.andi %add3A_584, %and3A_586 : vector<16xi32>
    %add3A_588 = arith.constant 0 : i32
    %add3A_589 = vector.broadcast %add3A_588 : i32 to vector<16xi32>
    %add3A_590 = arith.addi %add3A_589, %iota3A : vector<16xi32>
    %mul3A_591 = arith.constant 32 : i32
    %mul3A_592 = vector.broadcast %mul3A_591 : i32 to vector<16xi32>
    %mul3A_593 = arith.muli %add3A_590, %mul3A_592 : vector<16xi32>
    %add3A_594 = arith.addi %mul3A_593, %and3A_587 : vector<16xi32>
    %shift_right_arithmetic3A_595 = arith.constant 7 : i32
    %shift_right_arithmetic3A_596 = vector.broadcast %shift_right_arithmetic3A_595 : i32 to vector<16xi32>
    %shift_right_arithmetic3A_597 = arith.shrsi %add3A_594, %shift_right_arithmetic3A_596 : vector<16xi32>
    %and3A_598 = arith.constant 127 : i32
    %and3A_599 = vector.broadcast %and3A_598 : i32 to vector<16xi32>
    %and3A_600 = arith.andi %add3A_594, %and3A_599 : vector<16xi32>
    %add3A_601 = arith.constant 26 : i32
    %add3A_602 = vector.broadcast %add3A_601 : i32 to vector<16xi32>
    %add3A_603 = arith.addi %iota3A, %add3A_602 : vector<16xi32>
    %and3A_604 = arith.constant 31 : i32
    %and3A_605 = vector.broadcast %and3A_604 : i32 to vector<16xi32>
    %and3A_606 = arith.andi %add3A_603, %and3A_605 : vector<16xi32>
    %add3A_607 = arith.constant 0 : i32
    %add3A_608 = vector.broadcast %add3A_607 : i32 to vector<16xi32>
    %add3A_609 = arith.addi %add3A_608, %iota3A : vector<16xi32>
    %mul3A_610 = arith.constant 32 : i32
    %mul3A_611 = vector.broadcast %mul3A_610 : i32 to vector<16xi32>
    %mul3A_612 = arith.muli %add3A_609, %mul3A_611 : vector<16xi32>
    %add3A_613 = arith.addi %mul3A_612, %and3A_606 : vector<16xi32>
    %shift_right_arithmetic3A_614 = arith.constant 7 : i32
    %shift_right_arithmetic3A_615 = vector.broadcast %shift_right_arithmetic3A_614 : i32 to vector<16xi32>
    %shift_right_arithmetic3A_616 = arith.shrsi %add3A_613, %shift_right_arithmetic3A_615 : vector<16xi32>
    %and3A_617 = arith.constant 127 : i32
    %and3A_618 = vector.broadcast %and3A_617 : i32 to vector<16xi32>
    %and3A_619 = arith.andi %add3A_613, %and3A_618 : vector<16xi32>
    %add3A_620 = arith.constant 27 : i32
    %add3A_621 = vector.broadcast %add3A_620 : i32 to vector<16xi32>
    %add3A_622 = arith.addi %iota3A, %add3A_621 : vector<16xi32>
    %and3A_623 = arith.constant 31 : i32
    %and3A_624 = vector.broadcast %and3A_623 : i32 to vector<16xi32>
    %and3A_625 = arith.andi %add3A_622, %and3A_624 : vector<16xi32>
    %add3A_626 = arith.constant 0 : i32
    %add3A_627 = vector.broadcast %add3A_626 : i32 to vector<16xi32>
    %add3A_628 = arith.addi %add3A_627, %iota3A : vector<16xi32>
    %mul3A_629 = arith.constant 32 : i32
    %mul3A_630 = vector.broadcast %mul3A_629 : i32 to vector<16xi32>
    %mul3A_631 = arith.muli %add3A_628, %mul3A_630 : vector<16xi32>
    %add3A_632 = arith.addi %mul3A_631, %and3A_625 : vector<16xi32>
    %shift_right_arithmetic3A_633 = arith.constant 7 : i32
    %shift_right_arithmetic3A_634 = vector.broadcast %shift_right_arithmetic3A_633 : i32 to vector<16xi32>
    %shift_right_arithmetic3A_635 = arith.shrsi %add3A_632, %shift_right_arithmetic3A_634 : vector<16xi32>
    %and3A_636 = arith.constant 127 : i32
    %and3A_637 = vector.broadcast %and3A_636 : i32 to vector<16xi32>
    %and3A_638 = arith.andi %add3A_632, %and3A_637 : vector<16xi32>
    %add3A_639 = arith.constant 28 : i32
    %add3A_640 = vector.broadcast %add3A_639 : i32 to vector<16xi32>
    %add3A_641 = arith.addi %iota3A, %add3A_640 : vector<16xi32>
    %and3A_642 = arith.constant 31 : i32
    %and3A_643 = vector.broadcast %and3A_642 : i32 to vector<16xi32>
    %and3A_644 = arith.andi %add3A_641, %and3A_643 : vector<16xi32>
    %add3A_645 = arith.constant 0 : i32
    %add3A_646 = vector.broadcast %add3A_645 : i32 to vector<16xi32>
    %add3A_647 = arith.addi %add3A_646, %iota3A : vector<16xi32>
    %mul3A_648 = arith.constant 32 : i32
    %mul3A_649 = vector.broadcast %mul3A_648 : i32 to vector<16xi32>
    %mul3A_650 = arith.muli %add3A_647, %mul3A_649 : vector<16xi32>
    %add3A_651 = arith.addi %mul3A_650, %and3A_644 : vector<16xi32>
    %shift_right_arithmetic3A_652 = arith.constant 7 : i32
    %shift_right_arithmetic3A_653 = vector.broadcast %shift_right_arithmetic3A_652 : i32 to vector<16xi32>
    %shift_right_arithmetic3A_654 = arith.shrsi %add3A_651, %shift_right_arithmetic3A_653 : vector<16xi32>
    %and3A_655 = arith.constant 127 : i32
    %and3A_656 = vector.broadcast %and3A_655 : i32 to vector<16xi32>
    %and3A_657 = arith.andi %add3A_651, %and3A_656 : vector<16xi32>
    %add3A_658 = arith.constant 29 : i32
    %add3A_659 = vector.broadcast %add3A_658 : i32 to vector<16xi32>
    %add3A_660 = arith.addi %iota3A, %add3A_659 : vector<16xi32>
    %and3A_661 = arith.constant 31 : i32
    %and3A_662 = vector.broadcast %and3A_661 : i32 to vector<16xi32>
    %and3A_663 = arith.andi %add3A_660, %and3A_662 : vector<16xi32>
    %add3A_664 = arith.constant 0 : i32
    %add3A_665 = vector.broadcast %add3A_664 : i32 to vector<16xi32>
    %add3A_666 = arith.addi %add3A_665, %iota3A : vector<16xi32>
    %mul3A_667 = arith.constant 32 : i32
    %mul3A_668 = vector.broadcast %mul3A_667 : i32 to vector<16xi32>
    %mul3A_669 = arith.muli %add3A_666, %mul3A_668 : vector<16xi32>
    %add3A_670 = arith.addi %mul3A_669, %and3A_663 : vector<16xi32>
    %shift_right_arithmetic3A_671 = arith.constant 7 : i32
    %shift_right_arithmetic3A_672 = vector.broadcast %shift_right_arithmetic3A_671 : i32 to vector<16xi32>
    %shift_right_arithmetic3A_673 = arith.shrsi %add3A_670, %shift_right_arithmetic3A_672 : vector<16xi32>
    %and3A_674 = arith.constant 127 : i32
    %and3A_675 = vector.broadcast %and3A_674 : i32 to vector<16xi32>
    %and3A_676 = arith.andi %add3A_670, %and3A_675 : vector<16xi32>
    %add3A_677 = arith.constant 30 : i32
    %add3A_678 = vector.broadcast %add3A_677 : i32 to vector<16xi32>
    %add3A_679 = arith.addi %iota3A, %add3A_678 : vector<16xi32>
    %and3A_680 = arith.constant 31 : i32
    %and3A_681 = vector.broadcast %and3A_680 : i32 to vector<16xi32>
    %and3A_682 = arith.andi %add3A_679, %and3A_681 : vector<16xi32>
    %add3A_683 = arith.constant 0 : i32
    %add3A_684 = vector.broadcast %add3A_683 : i32 to vector<16xi32>
    %add3A_685 = arith.addi %add3A_684, %iota3A : vector<16xi32>
    %mul3A_686 = arith.constant 32 : i32
    %mul3A_687 = vector.broadcast %mul3A_686 : i32 to vector<16xi32>
    %mul3A_688 = arith.muli %add3A_685, %mul3A_687 : vector<16xi32>
    %add3A_689 = arith.addi %mul3A_688, %and3A_682 : vector<16xi32>
    %shift_right_arithmetic3A_690 = arith.constant 7 : i32
    %shift_right_arithmetic3A_691 = vector.broadcast %shift_right_arithmetic3A_690 : i32 to vector<16xi32>
    %shift_right_arithmetic3A_692 = arith.shrsi %add3A_689, %shift_right_arithmetic3A_691 : vector<16xi32>
    %and3A_693 = arith.constant 127 : i32
    %and3A_694 = vector.broadcast %and3A_693 : i32 to vector<16xi32>
    %and3A_695 = arith.andi %add3A_689, %and3A_694 : vector<16xi32>
    %add3A_696 = arith.constant 31 : i32
    %add3A_697 = vector.broadcast %add3A_696 : i32 to vector<16xi32>
    %add3A_698 = arith.addi %iota3A, %add3A_697 : vector<16xi32>
    %and3A_699 = arith.constant 31 : i32
    %and3A_700 = vector.broadcast %and3A_699 : i32 to vector<16xi32>
    %and3A_701 = arith.andi %add3A_698, %and3A_700 : vector<16xi32>
    %add3A_702 = arith.constant 0 : i32
    %add3A_703 = vector.broadcast %add3A_702 : i32 to vector<16xi32>
    %add3A_704 = arith.addi %add3A_703, %iota3A : vector<16xi32>
    %mul3A_705 = arith.constant 32 : i32
    %mul3A_706 = vector.broadcast %mul3A_705 : i32 to vector<16xi32>
    %mul3A_707 = arith.muli %add3A_704, %mul3A_706 : vector<16xi32>
    %add3A_708 = arith.addi %mul3A_707, %and3A_701 : vector<16xi32>
    %shift_right_arithmetic3A_709 = arith.constant 7 : i32
    %shift_right_arithmetic3A_710 = vector.broadcast %shift_right_arithmetic3A_709 : i32 to vector<16xi32>
    %shift_right_arithmetic3A_711 = arith.shrsi %add3A_708, %shift_right_arithmetic3A_710 : vector<16xi32>
    %and3A_712 = arith.constant 127 : i32
    %and3A_713 = vector.broadcast %and3A_712 : i32 to vector<16xi32>
    %and3A_714 = arith.andi %add3A_708, %and3A_713 : vector<16xi32>
    %add3A_715 = arith.constant 0 : i32
    %add3A_716 = vector.broadcast %add3A_715 : i32 to vector<16xi32>
    %add3A_717 = arith.addi %iota3A, %add3A_716 : vector<16xi32>
    %and3A_718 = arith.constant 31 : i32
    %and3A_719 = vector.broadcast %and3A_718 : i32 to vector<16xi32>
    %and3A_720 = arith.andi %add3A_717, %and3A_719 : vector<16xi32>
    %add3A_721 = arith.constant 16 : i32
    %add3A_722 = vector.broadcast %add3A_721 : i32 to vector<16xi32>
    %add3A_723 = arith.addi %add3A_722, %iota3A : vector<16xi32>
    %mul3A_724 = arith.constant 32 : i32
    %mul3A_725 = vector.broadcast %mul3A_724 : i32 to vector<16xi32>
    %mul3A_726 = arith.muli %add3A_723, %mul3A_725 : vector<16xi32>
    %add3A_727 = arith.addi %mul3A_726, %and3A_720 : vector<16xi32>
    %shift_right_arithmetic3A_728 = arith.constant 7 : i32
    %shift_right_arithmetic3A_729 = vector.broadcast %shift_right_arithmetic3A_728 : i32 to vector<16xi32>
    %shift_right_arithmetic3A_730 = arith.shrsi %add3A_727, %shift_right_arithmetic3A_729 : vector<16xi32>
    %and3A_731 = arith.constant 127 : i32
    %and3A_732 = vector.broadcast %and3A_731 : i32 to vector<16xi32>
    %and3A_733 = arith.andi %add3A_727, %and3A_732 : vector<16xi32>
    %add3A_734 = arith.constant 1 : i32
    %add3A_735 = vector.broadcast %add3A_734 : i32 to vector<16xi32>
    %add3A_736 = arith.addi %iota3A, %add3A_735 : vector<16xi32>
    %and3A_737 = arith.constant 31 : i32
    %and3A_738 = vector.broadcast %and3A_737 : i32 to vector<16xi32>
    %and3A_739 = arith.andi %add3A_736, %and3A_738 : vector<16xi32>
    %add3A_740 = arith.constant 16 : i32
    %add3A_741 = vector.broadcast %add3A_740 : i32 to vector<16xi32>
    %add3A_742 = arith.addi %add3A_741, %iota3A : vector<16xi32>
    %mul3A_743 = arith.constant 32 : i32
    %mul3A_744 = vector.broadcast %mul3A_743 : i32 to vector<16xi32>
    %mul3A_745 = arith.muli %add3A_742, %mul3A_744 : vector<16xi32>
    %add3A_746 = arith.addi %mul3A_745, %and3A_739 : vector<16xi32>
    %shift_right_arithmetic3A_747 = arith.constant 7 : i32
    %shift_right_arithmetic3A_748 = vector.broadcast %shift_right_arithmetic3A_747 : i32 to vector<16xi32>
    %shift_right_arithmetic3A_749 = arith.shrsi %add3A_746, %shift_right_arithmetic3A_748 : vector<16xi32>
    %and3A_750 = arith.constant 127 : i32
    %and3A_751 = vector.broadcast %and3A_750 : i32 to vector<16xi32>
    %and3A_752 = arith.andi %add3A_746, %and3A_751 : vector<16xi32>
    %add3A_753 = arith.constant 2 : i32
    %add3A_754 = vector.broadcast %add3A_753 : i32 to vector<16xi32>
    %add3A_755 = arith.addi %iota3A, %add3A_754 : vector<16xi32>
    %and3A_756 = arith.constant 31 : i32
    %and3A_757 = vector.broadcast %and3A_756 : i32 to vector<16xi32>
    %and3A_758 = arith.andi %add3A_755, %and3A_757 : vector<16xi32>
    %add3A_759 = arith.constant 16 : i32
    %add3A_760 = vector.broadcast %add3A_759 : i32 to vector<16xi32>
    %add3A_761 = arith.addi %add3A_760, %iota3A : vector<16xi32>
    %mul3A_762 = arith.constant 32 : i32
    %mul3A_763 = vector.broadcast %mul3A_762 : i32 to vector<16xi32>
    %mul3A_764 = arith.muli %add3A_761, %mul3A_763 : vector<16xi32>
    %add3A_765 = arith.addi %mul3A_764, %and3A_758 : vector<16xi32>
    %shift_right_arithmetic3A_766 = arith.constant 7 : i32
    %shift_right_arithmetic3A_767 = vector.broadcast %shift_right_arithmetic3A_766 : i32 to vector<16xi32>
    %shift_right_arithmetic3A_768 = arith.shrsi %add3A_765, %shift_right_arithmetic3A_767 : vector<16xi32>
    %and3A_769 = arith.constant 127 : i32
    %and3A_770 = vector.broadcast %and3A_769 : i32 to vector<16xi32>
    %and3A_771 = arith.andi %add3A_765, %and3A_770 : vector<16xi32>
    %add3A_772 = arith.constant 3 : i32
    %add3A_773 = vector.broadcast %add3A_772 : i32 to vector<16xi32>
    %add3A_774 = arith.addi %iota3A, %add3A_773 : vector<16xi32>
    %and3A_775 = arith.constant 31 : i32
    %and3A_776 = vector.broadcast %and3A_775 : i32 to vector<16xi32>
    %and3A_777 = arith.andi %add3A_774, %and3A_776 : vector<16xi32>
    %add3A_778 = arith.constant 16 : i32
    %add3A_779 = vector.broadcast %add3A_778 : i32 to vector<16xi32>
    %add3A_780 = arith.addi %add3A_779, %iota3A : vector<16xi32>
    %mul3A_781 = arith.constant 32 : i32
    %mul3A_782 = vector.broadcast %mul3A_781 : i32 to vector<16xi32>
    %mul3A_783 = arith.muli %add3A_780, %mul3A_782 : vector<16xi32>
    %add3A_784 = arith.addi %mul3A_783, %and3A_777 : vector<16xi32>
    %shift_right_arithmetic3A_785 = arith.constant 7 : i32
    %shift_right_arithmetic3A_786 = vector.broadcast %shift_right_arithmetic3A_785 : i32 to vector<16xi32>
    %shift_right_arithmetic3A_787 = arith.shrsi %add3A_784, %shift_right_arithmetic3A_786 : vector<16xi32>
    %and3A_788 = arith.constant 127 : i32
    %and3A_789 = vector.broadcast %and3A_788 : i32 to vector<16xi32>
    %and3A_790 = arith.andi %add3A_784, %and3A_789 : vector<16xi32>
    %add3A_791 = arith.constant 4 : i32
    %add3A_792 = vector.broadcast %add3A_791 : i32 to vector<16xi32>
    %add3A_793 = arith.addi %iota3A, %add3A_792 : vector<16xi32>
    %and3A_794 = arith.constant 31 : i32
    %and3A_795 = vector.broadcast %and3A_794 : i32 to vector<16xi32>
    %and3A_796 = arith.andi %add3A_793, %and3A_795 : vector<16xi32>
    %add3A_797 = arith.constant 16 : i32
    %add3A_798 = vector.broadcast %add3A_797 : i32 to vector<16xi32>
    %add3A_799 = arith.addi %add3A_798, %iota3A : vector<16xi32>
    %mul3A_800 = arith.constant 32 : i32
    %mul3A_801 = vector.broadcast %mul3A_800 : i32 to vector<16xi32>
    %mul3A_802 = arith.muli %add3A_799, %mul3A_801 : vector<16xi32>
    %add3A_803 = arith.addi %mul3A_802, %and3A_796 : vector<16xi32>
    %shift_right_arithmetic3A_804 = arith.constant 7 : i32
    %shift_right_arithmetic3A_805 = vector.broadcast %shift_right_arithmetic3A_804 : i32 to vector<16xi32>
    %shift_right_arithmetic3A_806 = arith.shrsi %add3A_803, %shift_right_arithmetic3A_805 : vector<16xi32>
    %and3A_807 = arith.constant 127 : i32
    %and3A_808 = vector.broadcast %and3A_807 : i32 to vector<16xi32>
    %and3A_809 = arith.andi %add3A_803, %and3A_808 : vector<16xi32>
    %add3A_810 = arith.constant 5 : i32
    %add3A_811 = vector.broadcast %add3A_810 : i32 to vector<16xi32>
    %add3A_812 = arith.addi %iota3A, %add3A_811 : vector<16xi32>
    %and3A_813 = arith.constant 31 : i32
    %and3A_814 = vector.broadcast %and3A_813 : i32 to vector<16xi32>
    %and3A_815 = arith.andi %add3A_812, %and3A_814 : vector<16xi32>
    %add3A_816 = arith.constant 16 : i32
    %add3A_817 = vector.broadcast %add3A_816 : i32 to vector<16xi32>
    %add3A_818 = arith.addi %add3A_817, %iota3A : vector<16xi32>
    %mul3A_819 = arith.constant 32 : i32
    %mul3A_820 = vector.broadcast %mul3A_819 : i32 to vector<16xi32>
    %mul3A_821 = arith.muli %add3A_818, %mul3A_820 : vector<16xi32>
    %add3A_822 = arith.addi %mul3A_821, %and3A_815 : vector<16xi32>
    %shift_right_arithmetic3A_823 = arith.constant 7 : i32
    %shift_right_arithmetic3A_824 = vector.broadcast %shift_right_arithmetic3A_823 : i32 to vector<16xi32>
    %shift_right_arithmetic3A_825 = arith.shrsi %add3A_822, %shift_right_arithmetic3A_824 : vector<16xi32>
    %and3A_826 = arith.constant 127 : i32
    %and3A_827 = vector.broadcast %and3A_826 : i32 to vector<16xi32>
    %and3A_828 = arith.andi %add3A_822, %and3A_827 : vector<16xi32>
    %add3A_829 = arith.constant 6 : i32
    %add3A_830 = vector.broadcast %add3A_829 : i32 to vector<16xi32>
    %add3A_831 = arith.addi %iota3A, %add3A_830 : vector<16xi32>
    %and3A_832 = arith.constant 31 : i32
    %and3A_833 = vector.broadcast %and3A_832 : i32 to vector<16xi32>
    %and3A_834 = arith.andi %add3A_831, %and3A_833 : vector<16xi32>
    %add3A_835 = arith.constant 16 : i32
    %add3A_836 = vector.broadcast %add3A_835 : i32 to vector<16xi32>
    %add3A_837 = arith.addi %add3A_836, %iota3A : vector<16xi32>
    %mul3A_838 = arith.constant 32 : i32
    %mul3A_839 = vector.broadcast %mul3A_838 : i32 to vector<16xi32>
    %mul3A_840 = arith.muli %add3A_837, %mul3A_839 : vector<16xi32>
    %add3A_841 = arith.addi %mul3A_840, %and3A_834 : vector<16xi32>
    %shift_right_arithmetic3A_842 = arith.constant 7 : i32
    %shift_right_arithmetic3A_843 = vector.broadcast %shift_right_arithmetic3A_842 : i32 to vector<16xi32>
    %shift_right_arithmetic3A_844 = arith.shrsi %add3A_841, %shift_right_arithmetic3A_843 : vector<16xi32>
    %and3A_845 = arith.constant 127 : i32
    %and3A_846 = vector.broadcast %and3A_845 : i32 to vector<16xi32>
    %and3A_847 = arith.andi %add3A_841, %and3A_846 : vector<16xi32>
    %add3A_848 = arith.constant 7 : i32
    %add3A_849 = vector.broadcast %add3A_848 : i32 to vector<16xi32>
    %add3A_850 = arith.addi %iota3A, %add3A_849 : vector<16xi32>
    %and3A_851 = arith.constant 31 : i32
    %and3A_852 = vector.broadcast %and3A_851 : i32 to vector<16xi32>
    %and3A_853 = arith.andi %add3A_850, %and3A_852 : vector<16xi32>
    %add3A_854 = arith.constant 16 : i32
    %add3A_855 = vector.broadcast %add3A_854 : i32 to vector<16xi32>
    %add3A_856 = arith.addi %add3A_855, %iota3A : vector<16xi32>
    %mul3A_857 = arith.constant 32 : i32
    %mul3A_858 = vector.broadcast %mul3A_857 : i32 to vector<16xi32>
    %mul3A_859 = arith.muli %add3A_856, %mul3A_858 : vector<16xi32>
    %add3A_860 = arith.addi %mul3A_859, %and3A_853 : vector<16xi32>
    %shift_right_arithmetic3A_861 = arith.constant 7 : i32
    %shift_right_arithmetic3A_862 = vector.broadcast %shift_right_arithmetic3A_861 : i32 to vector<16xi32>
    %shift_right_arithmetic3A_863 = arith.shrsi %add3A_860, %shift_right_arithmetic3A_862 : vector<16xi32>
    %and3A_864 = arith.constant 127 : i32
    %and3A_865 = vector.broadcast %and3A_864 : i32 to vector<16xi32>
    %and3A_866 = arith.andi %add3A_860, %and3A_865 : vector<16xi32>
    %add3A_867 = arith.constant 8 : i32
    %add3A_868 = vector.broadcast %add3A_867 : i32 to vector<16xi32>
    %add3A_869 = arith.addi %iota3A, %add3A_868 : vector<16xi32>
    %and3A_870 = arith.constant 31 : i32
    %and3A_871 = vector.broadcast %and3A_870 : i32 to vector<16xi32>
    %and3A_872 = arith.andi %add3A_869, %and3A_871 : vector<16xi32>
    %add3A_873 = arith.constant 16 : i32
    %add3A_874 = vector.broadcast %add3A_873 : i32 to vector<16xi32>
    %add3A_875 = arith.addi %add3A_874, %iota3A : vector<16xi32>
    %mul3A_876 = arith.constant 32 : i32
    %mul3A_877 = vector.broadcast %mul3A_876 : i32 to vector<16xi32>
    %mul3A_878 = arith.muli %add3A_875, %mul3A_877 : vector<16xi32>
    %add3A_879 = arith.addi %mul3A_878, %and3A_872 : vector<16xi32>
    %shift_right_arithmetic3A_880 = arith.constant 7 : i32
    %shift_right_arithmetic3A_881 = vector.broadcast %shift_right_arithmetic3A_880 : i32 to vector<16xi32>
    %shift_right_arithmetic3A_882 = arith.shrsi %add3A_879, %shift_right_arithmetic3A_881 : vector<16xi32>
    %and3A_883 = arith.constant 127 : i32
    %and3A_884 = vector.broadcast %and3A_883 : i32 to vector<16xi32>
    %and3A_885 = arith.andi %add3A_879, %and3A_884 : vector<16xi32>
    %add3A_886 = arith.constant 9 : i32
    %add3A_887 = vector.broadcast %add3A_886 : i32 to vector<16xi32>
    %add3A_888 = arith.addi %iota3A, %add3A_887 : vector<16xi32>
    %and3A_889 = arith.constant 31 : i32
    %and3A_890 = vector.broadcast %and3A_889 : i32 to vector<16xi32>
    %and3A_891 = arith.andi %add3A_888, %and3A_890 : vector<16xi32>
    %add3A_892 = arith.constant 16 : i32
    %add3A_893 = vector.broadcast %add3A_892 : i32 to vector<16xi32>
    %add3A_894 = arith.addi %add3A_893, %iota3A : vector<16xi32>
    %mul3A_895 = arith.constant 32 : i32
    %mul3A_896 = vector.broadcast %mul3A_895 : i32 to vector<16xi32>
    %mul3A_897 = arith.muli %add3A_894, %mul3A_896 : vector<16xi32>
    %add3A_898 = arith.addi %mul3A_897, %and3A_891 : vector<16xi32>
    %shift_right_arithmetic3A_899 = arith.constant 7 : i32
    %shift_right_arithmetic3A_900 = vector.broadcast %shift_right_arithmetic3A_899 : i32 to vector<16xi32>
    %shift_right_arithmetic3A_901 = arith.shrsi %add3A_898, %shift_right_arithmetic3A_900 : vector<16xi32>
    %and3A_902 = arith.constant 127 : i32
    %and3A_903 = vector.broadcast %and3A_902 : i32 to vector<16xi32>
    %and3A_904 = arith.andi %add3A_898, %and3A_903 : vector<16xi32>
    %add3A_905 = arith.constant 10 : i32
    %add3A_906 = vector.broadcast %add3A_905 : i32 to vector<16xi32>
    %add3A_907 = arith.addi %iota3A, %add3A_906 : vector<16xi32>
    %and3A_908 = arith.constant 31 : i32
    %and3A_909 = vector.broadcast %and3A_908 : i32 to vector<16xi32>
    %and3A_910 = arith.andi %add3A_907, %and3A_909 : vector<16xi32>
    %add3A_911 = arith.constant 16 : i32
    %add3A_912 = vector.broadcast %add3A_911 : i32 to vector<16xi32>
    %add3A_913 = arith.addi %add3A_912, %iota3A : vector<16xi32>
    %mul3A_914 = arith.constant 32 : i32
    %mul3A_915 = vector.broadcast %mul3A_914 : i32 to vector<16xi32>
    %mul3A_916 = arith.muli %add3A_913, %mul3A_915 : vector<16xi32>
    %add3A_917 = arith.addi %mul3A_916, %and3A_910 : vector<16xi32>
    %shift_right_arithmetic3A_918 = arith.constant 7 : i32
    %shift_right_arithmetic3A_919 = vector.broadcast %shift_right_arithmetic3A_918 : i32 to vector<16xi32>
    %shift_right_arithmetic3A_920 = arith.shrsi %add3A_917, %shift_right_arithmetic3A_919 : vector<16xi32>
    %and3A_921 = arith.constant 127 : i32
    %and3A_922 = vector.broadcast %and3A_921 : i32 to vector<16xi32>
    %and3A_923 = arith.andi %add3A_917, %and3A_922 : vector<16xi32>
    %add3A_924 = arith.constant 11 : i32
    %add3A_925 = vector.broadcast %add3A_924 : i32 to vector<16xi32>
    %add3A_926 = arith.addi %iota3A, %add3A_925 : vector<16xi32>
    %and3A_927 = arith.constant 31 : i32
    %and3A_928 = vector.broadcast %and3A_927 : i32 to vector<16xi32>
    %and3A_929 = arith.andi %add3A_926, %and3A_928 : vector<16xi32>
    %add3A_930 = arith.constant 16 : i32
    %add3A_931 = vector.broadcast %add3A_930 : i32 to vector<16xi32>
    %add3A_932 = arith.addi %add3A_931, %iota3A : vector<16xi32>
    %mul3A_933 = arith.constant 32 : i32
    %mul3A_934 = vector.broadcast %mul3A_933 : i32 to vector<16xi32>
    %mul3A_935 = arith.muli %add3A_932, %mul3A_934 : vector<16xi32>
    %add3A_936 = arith.addi %mul3A_935, %and3A_929 : vector<16xi32>
    %shift_right_arithmetic3A_937 = arith.constant 7 : i32
    %shift_right_arithmetic3A_938 = vector.broadcast %shift_right_arithmetic3A_937 : i32 to vector<16xi32>
    %shift_right_arithmetic3A_939 = arith.shrsi %add3A_936, %shift_right_arithmetic3A_938 : vector<16xi32>
    %and3A_940 = arith.constant 127 : i32
    %and3A_941 = vector.broadcast %and3A_940 : i32 to vector<16xi32>
    %and3A_942 = arith.andi %add3A_936, %and3A_941 : vector<16xi32>
    %add3A_943 = arith.constant 12 : i32
    %add3A_944 = vector.broadcast %add3A_943 : i32 to vector<16xi32>
    %add3A_945 = arith.addi %iota3A, %add3A_944 : vector<16xi32>
    %and3A_946 = arith.constant 31 : i32
    %and3A_947 = vector.broadcast %and3A_946 : i32 to vector<16xi32>
    %and3A_948 = arith.andi %add3A_945, %and3A_947 : vector<16xi32>
    %add3A_949 = arith.constant 16 : i32
    %add3A_950 = vector.broadcast %add3A_949 : i32 to vector<16xi32>
    %add3A_951 = arith.addi %add3A_950, %iota3A : vector<16xi32>
    %mul3A_952 = arith.constant 32 : i32
    %mul3A_953 = vector.broadcast %mul3A_952 : i32 to vector<16xi32>
    %mul3A_954 = arith.muli %add3A_951, %mul3A_953 : vector<16xi32>
    %add3A_955 = arith.addi %mul3A_954, %and3A_948 : vector<16xi32>
    %shift_right_arithmetic3A_956 = arith.constant 7 : i32
    %shift_right_arithmetic3A_957 = vector.broadcast %shift_right_arithmetic3A_956 : i32 to vector<16xi32>
    %shift_right_arithmetic3A_958 = arith.shrsi %add3A_955, %shift_right_arithmetic3A_957 : vector<16xi32>
    %and3A_959 = arith.constant 127 : i32
    %and3A_960 = vector.broadcast %and3A_959 : i32 to vector<16xi32>
    %and3A_961 = arith.andi %add3A_955, %and3A_960 : vector<16xi32>
    %add3A_962 = arith.constant 13 : i32
    %add3A_963 = vector.broadcast %add3A_962 : i32 to vector<16xi32>
    %add3A_964 = arith.addi %iota3A, %add3A_963 : vector<16xi32>
    %and3A_965 = arith.constant 31 : i32
    %and3A_966 = vector.broadcast %and3A_965 : i32 to vector<16xi32>
    %and3A_967 = arith.andi %add3A_964, %and3A_966 : vector<16xi32>
    %add3A_968 = arith.constant 16 : i32
    %add3A_969 = vector.broadcast %add3A_968 : i32 to vector<16xi32>
    %add3A_970 = arith.addi %add3A_969, %iota3A : vector<16xi32>
    %mul3A_971 = arith.constant 32 : i32
    %mul3A_972 = vector.broadcast %mul3A_971 : i32 to vector<16xi32>
    %mul3A_973 = arith.muli %add3A_970, %mul3A_972 : vector<16xi32>
    %add3A_974 = arith.addi %mul3A_973, %and3A_967 : vector<16xi32>
    %shift_right_arithmetic3A_975 = arith.constant 7 : i32
    %shift_right_arithmetic3A_976 = vector.broadcast %shift_right_arithmetic3A_975 : i32 to vector<16xi32>
    %shift_right_arithmetic3A_977 = arith.shrsi %add3A_974, %shift_right_arithmetic3A_976 : vector<16xi32>
    %and3A_978 = arith.constant 127 : i32
    %and3A_979 = vector.broadcast %and3A_978 : i32 to vector<16xi32>
    %and3A_980 = arith.andi %add3A_974, %and3A_979 : vector<16xi32>
    %add3A_981 = arith.constant 14 : i32
    %add3A_982 = vector.broadcast %add3A_981 : i32 to vector<16xi32>
    %add3A_983 = arith.addi %iota3A, %add3A_982 : vector<16xi32>
    %and3A_984 = arith.constant 31 : i32
    %and3A_985 = vector.broadcast %and3A_984 : i32 to vector<16xi32>
    %and3A_986 = arith.andi %add3A_983, %and3A_985 : vector<16xi32>
    %add3A_987 = arith.constant 16 : i32
    %add3A_988 = vector.broadcast %add3A_987 : i32 to vector<16xi32>
    %add3A_989 = arith.addi %add3A_988, %iota3A : vector<16xi32>
    %mul3A_990 = arith.constant 32 : i32
    %mul3A_991 = vector.broadcast %mul3A_990 : i32 to vector<16xi32>
    %mul3A_992 = arith.muli %add3A_989, %mul3A_991 : vector<16xi32>
    %add3A_993 = arith.addi %mul3A_992, %and3A_986 : vector<16xi32>
    %shift_right_arithmetic3A_994 = arith.constant 7 : i32
    %shift_right_arithmetic3A_995 = vector.broadcast %shift_right_arithmetic3A_994 : i32 to vector<16xi32>
    %shift_right_arithmetic3A_996 = arith.shrsi %add3A_993, %shift_right_arithmetic3A_995 : vector<16xi32>
    %and3A_997 = arith.constant 127 : i32
    %and3A_998 = vector.broadcast %and3A_997 : i32 to vector<16xi32>
    %and3A_999 = arith.andi %add3A_993, %and3A_998 : vector<16xi32>
    %add3A_1000 = arith.constant 15 : i32
    %add3A_1001 = vector.broadcast %add3A_1000 : i32 to vector<16xi32>
    %add3A_1002 = arith.addi %iota3A, %add3A_1001 : vector<16xi32>
    %and3A_1003 = arith.constant 31 : i32
    %and3A_1004 = vector.broadcast %and3A_1003 : i32 to vector<16xi32>
    %and3A_1005 = arith.andi %add3A_1002, %and3A_1004 : vector<16xi32>
    %add3A_1006 = arith.constant 16 : i32
    %add3A_1007 = vector.broadcast %add3A_1006 : i32 to vector<16xi32>
    %add3A_1008 = arith.addi %add3A_1007, %iota3A : vector<16xi32>
    %mul3A_1009 = arith.constant 32 : i32
    %mul3A_1010 = vector.broadcast %mul3A_1009 : i32 to vector<16xi32>
    %mul3A_1011 = arith.muli %add3A_1008, %mul3A_1010 : vector<16xi32>
    %add3A_1012 = arith.addi %mul3A_1011, %and3A_1005 : vector<16xi32>
    %shift_right_arithmetic3A_1013 = arith.constant 7 : i32
    %shift_right_arithmetic3A_1014 = vector.broadcast %shift_right_arithmetic3A_1013 : i32 to vector<16xi32>
    %shift_right_arithmetic3A_1015 = arith.shrsi %add3A_1012, %shift_right_arithmetic3A_1014 : vector<16xi32>
    %and3A_1016 = arith.constant 127 : i32
    %and3A_1017 = vector.broadcast %and3A_1016 : i32 to vector<16xi32>
    %and3A_1018 = arith.andi %add3A_1012, %and3A_1017 : vector<16xi32>
    %add3A_1019 = arith.constant 16 : i32
    %add3A_1020 = vector.broadcast %add3A_1019 : i32 to vector<16xi32>
    %add3A_1021 = arith.addi %iota3A, %add3A_1020 : vector<16xi32>
    %and3A_1022 = arith.constant 31 : i32
    %and3A_1023 = vector.broadcast %and3A_1022 : i32 to vector<16xi32>
    %and3A_1024 = arith.andi %add3A_1021, %and3A_1023 : vector<16xi32>
    %add3A_1025 = arith.constant 16 : i32
    %add3A_1026 = vector.broadcast %add3A_1025 : i32 to vector<16xi32>
    %add3A_1027 = arith.addi %add3A_1026, %iota3A : vector<16xi32>
    %mul3A_1028 = arith.constant 32 : i32
    %mul3A_1029 = vector.broadcast %mul3A_1028 : i32 to vector<16xi32>
    %mul3A_1030 = arith.muli %add3A_1027, %mul3A_1029 : vector<16xi32>
    %add3A_1031 = arith.addi %mul3A_1030, %and3A_1024 : vector<16xi32>
    %shift_right_arithmetic3A_1032 = arith.constant 7 : i32
    %shift_right_arithmetic3A_1033 = vector.broadcast %shift_right_arithmetic3A_1032 : i32 to vector<16xi32>
    %shift_right_arithmetic3A_1034 = arith.shrsi %add3A_1031, %shift_right_arithmetic3A_1033 : vector<16xi32>
    %and3A_1035 = arith.constant 127 : i32
    %and3A_1036 = vector.broadcast %and3A_1035 : i32 to vector<16xi32>
    %and3A_1037 = arith.andi %add3A_1031, %and3A_1036 : vector<16xi32>
    %add3A_1038 = arith.constant 17 : i32
    %add3A_1039 = vector.broadcast %add3A_1038 : i32 to vector<16xi32>
    %add3A_1040 = arith.addi %iota3A, %add3A_1039 : vector<16xi32>
    %and3A_1041 = arith.constant 31 : i32
    %and3A_1042 = vector.broadcast %and3A_1041 : i32 to vector<16xi32>
    %and3A_1043 = arith.andi %add3A_1040, %and3A_1042 : vector<16xi32>
    %add3A_1044 = arith.constant 16 : i32
    %add3A_1045 = vector.broadcast %add3A_1044 : i32 to vector<16xi32>
    %add3A_1046 = arith.addi %add3A_1045, %iota3A : vector<16xi32>
    %mul3A_1047 = arith.constant 32 : i32
    %mul3A_1048 = vector.broadcast %mul3A_1047 : i32 to vector<16xi32>
    %mul3A_1049 = arith.muli %add3A_1046, %mul3A_1048 : vector<16xi32>
    %add3A_1050 = arith.addi %mul3A_1049, %and3A_1043 : vector<16xi32>
    %shift_right_arithmetic3A_1051 = arith.constant 7 : i32
    %shift_right_arithmetic3A_1052 = vector.broadcast %shift_right_arithmetic3A_1051 : i32 to vector<16xi32>
    %shift_right_arithmetic3A_1053 = arith.shrsi %add3A_1050, %shift_right_arithmetic3A_1052 : vector<16xi32>
    %and3A_1054 = arith.constant 127 : i32
    %and3A_1055 = vector.broadcast %and3A_1054 : i32 to vector<16xi32>
    %and3A_1056 = arith.andi %add3A_1050, %and3A_1055 : vector<16xi32>
    %add3A_1057 = arith.constant 18 : i32
    %add3A_1058 = vector.broadcast %add3A_1057 : i32 to vector<16xi32>
    %add3A_1059 = arith.addi %iota3A, %add3A_1058 : vector<16xi32>
    %and3A_1060 = arith.constant 31 : i32
    %and3A_1061 = vector.broadcast %and3A_1060 : i32 to vector<16xi32>
    %and3A_1062 = arith.andi %add3A_1059, %and3A_1061 : vector<16xi32>
    %add3A_1063 = arith.constant 16 : i32
    %add3A_1064 = vector.broadcast %add3A_1063 : i32 to vector<16xi32>
    %add3A_1065 = arith.addi %add3A_1064, %iota3A : vector<16xi32>
    %mul3A_1066 = arith.constant 32 : i32
    %mul3A_1067 = vector.broadcast %mul3A_1066 : i32 to vector<16xi32>
    %mul3A_1068 = arith.muli %add3A_1065, %mul3A_1067 : vector<16xi32>
    %add3A_1069 = arith.addi %mul3A_1068, %and3A_1062 : vector<16xi32>
    %shift_right_arithmetic3A_1070 = arith.constant 7 : i32
    %shift_right_arithmetic3A_1071 = vector.broadcast %shift_right_arithmetic3A_1070 : i32 to vector<16xi32>
    %shift_right_arithmetic3A_1072 = arith.shrsi %add3A_1069, %shift_right_arithmetic3A_1071 : vector<16xi32>
    %and3A_1073 = arith.constant 127 : i32
    %and3A_1074 = vector.broadcast %and3A_1073 : i32 to vector<16xi32>
    %and3A_1075 = arith.andi %add3A_1069, %and3A_1074 : vector<16xi32>
    %add3A_1076 = arith.constant 19 : i32
    %add3A_1077 = vector.broadcast %add3A_1076 : i32 to vector<16xi32>
    %add3A_1078 = arith.addi %iota3A, %add3A_1077 : vector<16xi32>
    %and3A_1079 = arith.constant 31 : i32
    %and3A_1080 = vector.broadcast %and3A_1079 : i32 to vector<16xi32>
    %and3A_1081 = arith.andi %add3A_1078, %and3A_1080 : vector<16xi32>
    %add3A_1082 = arith.constant 16 : i32
    %add3A_1083 = vector.broadcast %add3A_1082 : i32 to vector<16xi32>
    %add3A_1084 = arith.addi %add3A_1083, %iota3A : vector<16xi32>
    %mul3A_1085 = arith.constant 32 : i32
    %mul3A_1086 = vector.broadcast %mul3A_1085 : i32 to vector<16xi32>
    %mul3A_1087 = arith.muli %add3A_1084, %mul3A_1086 : vector<16xi32>
    %add3A_1088 = arith.addi %mul3A_1087, %and3A_1081 : vector<16xi32>
    %shift_right_arithmetic3A_1089 = arith.constant 7 : i32
    %shift_right_arithmetic3A_1090 = vector.broadcast %shift_right_arithmetic3A_1089 : i32 to vector<16xi32>
    %shift_right_arithmetic3A_1091 = arith.shrsi %add3A_1088, %shift_right_arithmetic3A_1090 : vector<16xi32>
    %and3A_1092 = arith.constant 127 : i32
    %and3A_1093 = vector.broadcast %and3A_1092 : i32 to vector<16xi32>
    %and3A_1094 = arith.andi %add3A_1088, %and3A_1093 : vector<16xi32>
    %add3A_1095 = arith.constant 20 : i32
    %add3A_1096 = vector.broadcast %add3A_1095 : i32 to vector<16xi32>
    %add3A_1097 = arith.addi %iota3A, %add3A_1096 : vector<16xi32>
    %and3A_1098 = arith.constant 31 : i32
    %and3A_1099 = vector.broadcast %and3A_1098 : i32 to vector<16xi32>
    %and3A_1100 = arith.andi %add3A_1097, %and3A_1099 : vector<16xi32>
    %add3A_1101 = arith.constant 16 : i32
    %add3A_1102 = vector.broadcast %add3A_1101 : i32 to vector<16xi32>
    %add3A_1103 = arith.addi %add3A_1102, %iota3A : vector<16xi32>
    %mul3A_1104 = arith.constant 32 : i32
    %mul3A_1105 = vector.broadcast %mul3A_1104 : i32 to vector<16xi32>
    %mul3A_1106 = arith.muli %add3A_1103, %mul3A_1105 : vector<16xi32>
    %add3A_1107 = arith.addi %mul3A_1106, %and3A_1100 : vector<16xi32>
    %shift_right_arithmetic3A_1108 = arith.constant 7 : i32
    %shift_right_arithmetic3A_1109 = vector.broadcast %shift_right_arithmetic3A_1108 : i32 to vector<16xi32>
    %shift_right_arithmetic3A_1110 = arith.shrsi %add3A_1107, %shift_right_arithmetic3A_1109 : vector<16xi32>
    %and3A_1111 = arith.constant 127 : i32
    %and3A_1112 = vector.broadcast %and3A_1111 : i32 to vector<16xi32>
    %and3A_1113 = arith.andi %add3A_1107, %and3A_1112 : vector<16xi32>
    %add3A_1114 = arith.constant 21 : i32
    %add3A_1115 = vector.broadcast %add3A_1114 : i32 to vector<16xi32>
    %add3A_1116 = arith.addi %iota3A, %add3A_1115 : vector<16xi32>
    %and3A_1117 = arith.constant 31 : i32
    %and3A_1118 = vector.broadcast %and3A_1117 : i32 to vector<16xi32>
    %and3A_1119 = arith.andi %add3A_1116, %and3A_1118 : vector<16xi32>
    %add3A_1120 = arith.constant 16 : i32
    %add3A_1121 = vector.broadcast %add3A_1120 : i32 to vector<16xi32>
    %add3A_1122 = arith.addi %add3A_1121, %iota3A : vector<16xi32>
    %mul3A_1123 = arith.constant 32 : i32
    %mul3A_1124 = vector.broadcast %mul3A_1123 : i32 to vector<16xi32>
    %mul3A_1125 = arith.muli %add3A_1122, %mul3A_1124 : vector<16xi32>
    %add3A_1126 = arith.addi %mul3A_1125, %and3A_1119 : vector<16xi32>
    %shift_right_arithmetic3A_1127 = arith.constant 7 : i32
    %shift_right_arithmetic3A_1128 = vector.broadcast %shift_right_arithmetic3A_1127 : i32 to vector<16xi32>
    %shift_right_arithmetic3A_1129 = arith.shrsi %add3A_1126, %shift_right_arithmetic3A_1128 : vector<16xi32>
    %and3A_1130 = arith.constant 127 : i32
    %and3A_1131 = vector.broadcast %and3A_1130 : i32 to vector<16xi32>
    %and3A_1132 = arith.andi %add3A_1126, %and3A_1131 : vector<16xi32>
    %add3A_1133 = arith.constant 22 : i32
    %add3A_1134 = vector.broadcast %add3A_1133 : i32 to vector<16xi32>
    %add3A_1135 = arith.addi %iota3A, %add3A_1134 : vector<16xi32>
    %and3A_1136 = arith.constant 31 : i32
    %and3A_1137 = vector.broadcast %and3A_1136 : i32 to vector<16xi32>
    %and3A_1138 = arith.andi %add3A_1135, %and3A_1137 : vector<16xi32>
    %add3A_1139 = arith.constant 16 : i32
    %add3A_1140 = vector.broadcast %add3A_1139 : i32 to vector<16xi32>
    %add3A_1141 = arith.addi %add3A_1140, %iota3A : vector<16xi32>
    %mul3A_1142 = arith.constant 32 : i32
    %mul3A_1143 = vector.broadcast %mul3A_1142 : i32 to vector<16xi32>
    %mul3A_1144 = arith.muli %add3A_1141, %mul3A_1143 : vector<16xi32>
    %add3A_1145 = arith.addi %mul3A_1144, %and3A_1138 : vector<16xi32>
    %shift_right_arithmetic3A_1146 = arith.constant 7 : i32
    %shift_right_arithmetic3A_1147 = vector.broadcast %shift_right_arithmetic3A_1146 : i32 to vector<16xi32>
    %shift_right_arithmetic3A_1148 = arith.shrsi %add3A_1145, %shift_right_arithmetic3A_1147 : vector<16xi32>
    %and3A_1149 = arith.constant 127 : i32
    %and3A_1150 = vector.broadcast %and3A_1149 : i32 to vector<16xi32>
    %and3A_1151 = arith.andi %add3A_1145, %and3A_1150 : vector<16xi32>
    %add3A_1152 = arith.constant 23 : i32
    %add3A_1153 = vector.broadcast %add3A_1152 : i32 to vector<16xi32>
    %add3A_1154 = arith.addi %iota3A, %add3A_1153 : vector<16xi32>
    %and3A_1155 = arith.constant 31 : i32
    %and3A_1156 = vector.broadcast %and3A_1155 : i32 to vector<16xi32>
    %and3A_1157 = arith.andi %add3A_1154, %and3A_1156 : vector<16xi32>
    %add3A_1158 = arith.constant 16 : i32
    %add3A_1159 = vector.broadcast %add3A_1158 : i32 to vector<16xi32>
    %add3A_1160 = arith.addi %add3A_1159, %iota3A : vector<16xi32>
    %mul3A_1161 = arith.constant 32 : i32
    %mul3A_1162 = vector.broadcast %mul3A_1161 : i32 to vector<16xi32>
    %mul3A_1163 = arith.muli %add3A_1160, %mul3A_1162 : vector<16xi32>
    %add3A_1164 = arith.addi %mul3A_1163, %and3A_1157 : vector<16xi32>
    %shift_right_arithmetic3A_1165 = arith.constant 7 : i32
    %shift_right_arithmetic3A_1166 = vector.broadcast %shift_right_arithmetic3A_1165 : i32 to vector<16xi32>
    %shift_right_arithmetic3A_1167 = arith.shrsi %add3A_1164, %shift_right_arithmetic3A_1166 : vector<16xi32>
    %and3A_1168 = arith.constant 127 : i32
    %and3A_1169 = vector.broadcast %and3A_1168 : i32 to vector<16xi32>
    %and3A_1170 = arith.andi %add3A_1164, %and3A_1169 : vector<16xi32>
    %add3A_1171 = arith.constant 24 : i32
    %add3A_1172 = vector.broadcast %add3A_1171 : i32 to vector<16xi32>
    %add3A_1173 = arith.addi %iota3A, %add3A_1172 : vector<16xi32>
    %and3A_1174 = arith.constant 31 : i32
    %and3A_1175 = vector.broadcast %and3A_1174 : i32 to vector<16xi32>
    %and3A_1176 = arith.andi %add3A_1173, %and3A_1175 : vector<16xi32>
    %add3A_1177 = arith.constant 16 : i32
    %add3A_1178 = vector.broadcast %add3A_1177 : i32 to vector<16xi32>
    %add3A_1179 = arith.addi %add3A_1178, %iota3A : vector<16xi32>
    %mul3A_1180 = arith.constant 32 : i32
    %mul3A_1181 = vector.broadcast %mul3A_1180 : i32 to vector<16xi32>
    %mul3A_1182 = arith.muli %add3A_1179, %mul3A_1181 : vector<16xi32>
    %add3A_1183 = arith.addi %mul3A_1182, %and3A_1176 : vector<16xi32>
    %shift_right_arithmetic3A_1184 = arith.constant 7 : i32
    %shift_right_arithmetic3A_1185 = vector.broadcast %shift_right_arithmetic3A_1184 : i32 to vector<16xi32>
    %shift_right_arithmetic3A_1186 = arith.shrsi %add3A_1183, %shift_right_arithmetic3A_1185 : vector<16xi32>
    %and3A_1187 = arith.constant 127 : i32
    %and3A_1188 = vector.broadcast %and3A_1187 : i32 to vector<16xi32>
    %and3A_1189 = arith.andi %add3A_1183, %and3A_1188 : vector<16xi32>
    %add3A_1190 = arith.constant 25 : i32
    %add3A_1191 = vector.broadcast %add3A_1190 : i32 to vector<16xi32>
    %add3A_1192 = arith.addi %iota3A, %add3A_1191 : vector<16xi32>
    %and3A_1193 = arith.constant 31 : i32
    %and3A_1194 = vector.broadcast %and3A_1193 : i32 to vector<16xi32>
    %and3A_1195 = arith.andi %add3A_1192, %and3A_1194 : vector<16xi32>
    %add3A_1196 = arith.constant 16 : i32
    %add3A_1197 = vector.broadcast %add3A_1196 : i32 to vector<16xi32>
    %add3A_1198 = arith.addi %add3A_1197, %iota3A : vector<16xi32>
    %mul3A_1199 = arith.constant 32 : i32
    %mul3A_1200 = vector.broadcast %mul3A_1199 : i32 to vector<16xi32>
    %mul3A_1201 = arith.muli %add3A_1198, %mul3A_1200 : vector<16xi32>
    %add3A_1202 = arith.addi %mul3A_1201, %and3A_1195 : vector<16xi32>
    %shift_right_arithmetic3A_1203 = arith.constant 7 : i32
    %shift_right_arithmetic3A_1204 = vector.broadcast %shift_right_arithmetic3A_1203 : i32 to vector<16xi32>
    %shift_right_arithmetic3A_1205 = arith.shrsi %add3A_1202, %shift_right_arithmetic3A_1204 : vector<16xi32>
    %and3A_1206 = arith.constant 127 : i32
    %and3A_1207 = vector.broadcast %and3A_1206 : i32 to vector<16xi32>
    %and3A_1208 = arith.andi %add3A_1202, %and3A_1207 : vector<16xi32>
    %add3A_1209 = arith.constant 26 : i32
    %add3A_1210 = vector.broadcast %add3A_1209 : i32 to vector<16xi32>
    %add3A_1211 = arith.addi %iota3A, %add3A_1210 : vector<16xi32>
    %and3A_1212 = arith.constant 31 : i32
    %and3A_1213 = vector.broadcast %and3A_1212 : i32 to vector<16xi32>
    %and3A_1214 = arith.andi %add3A_1211, %and3A_1213 : vector<16xi32>
    %add3A_1215 = arith.constant 16 : i32
    %add3A_1216 = vector.broadcast %add3A_1215 : i32 to vector<16xi32>
    %add3A_1217 = arith.addi %add3A_1216, %iota3A : vector<16xi32>
    %mul3A_1218 = arith.constant 32 : i32
    %mul3A_1219 = vector.broadcast %mul3A_1218 : i32 to vector<16xi32>
    %mul3A_1220 = arith.muli %add3A_1217, %mul3A_1219 : vector<16xi32>
    %add3A_1221 = arith.addi %mul3A_1220, %and3A_1214 : vector<16xi32>
    %shift_right_arithmetic3A_1222 = arith.constant 7 : i32
    %shift_right_arithmetic3A_1223 = vector.broadcast %shift_right_arithmetic3A_1222 : i32 to vector<16xi32>
    %shift_right_arithmetic3A_1224 = arith.shrsi %add3A_1221, %shift_right_arithmetic3A_1223 : vector<16xi32>
    %and3A_1225 = arith.constant 127 : i32
    %and3A_1226 = vector.broadcast %and3A_1225 : i32 to vector<16xi32>
    %and3A_1227 = arith.andi %add3A_1221, %and3A_1226 : vector<16xi32>
    %add3A_1228 = arith.constant 27 : i32
    %add3A_1229 = vector.broadcast %add3A_1228 : i32 to vector<16xi32>
    %add3A_1230 = arith.addi %iota3A, %add3A_1229 : vector<16xi32>
    %and3A_1231 = arith.constant 31 : i32
    %and3A_1232 = vector.broadcast %and3A_1231 : i32 to vector<16xi32>
    %and3A_1233 = arith.andi %add3A_1230, %and3A_1232 : vector<16xi32>
    %add3A_1234 = arith.constant 16 : i32
    %add3A_1235 = vector.broadcast %add3A_1234 : i32 to vector<16xi32>
    %add3A_1236 = arith.addi %add3A_1235, %iota3A : vector<16xi32>
    %mul3A_1237 = arith.constant 32 : i32
    %mul3A_1238 = vector.broadcast %mul3A_1237 : i32 to vector<16xi32>
    %mul3A_1239 = arith.muli %add3A_1236, %mul3A_1238 : vector<16xi32>
    %add3A_1240 = arith.addi %mul3A_1239, %and3A_1233 : vector<16xi32>
    %shift_right_arithmetic3A_1241 = arith.constant 7 : i32
    %shift_right_arithmetic3A_1242 = vector.broadcast %shift_right_arithmetic3A_1241 : i32 to vector<16xi32>
    %shift_right_arithmetic3A_1243 = arith.shrsi %add3A_1240, %shift_right_arithmetic3A_1242 : vector<16xi32>
    %and3A_1244 = arith.constant 127 : i32
    %and3A_1245 = vector.broadcast %and3A_1244 : i32 to vector<16xi32>
    %and3A_1246 = arith.andi %add3A_1240, %and3A_1245 : vector<16xi32>
    %add3A_1247 = arith.constant 28 : i32
    %add3A_1248 = vector.broadcast %add3A_1247 : i32 to vector<16xi32>
    %add3A_1249 = arith.addi %iota3A, %add3A_1248 : vector<16xi32>
    %and3A_1250 = arith.constant 31 : i32
    %and3A_1251 = vector.broadcast %and3A_1250 : i32 to vector<16xi32>
    %and3A_1252 = arith.andi %add3A_1249, %and3A_1251 : vector<16xi32>
    %add3A_1253 = arith.constant 16 : i32
    %add3A_1254 = vector.broadcast %add3A_1253 : i32 to vector<16xi32>
    %add3A_1255 = arith.addi %add3A_1254, %iota3A : vector<16xi32>
    %mul3A_1256 = arith.constant 32 : i32
    %mul3A_1257 = vector.broadcast %mul3A_1256 : i32 to vector<16xi32>
    %mul3A_1258 = arith.muli %add3A_1255, %mul3A_1257 : vector<16xi32>
    %add3A_1259 = arith.addi %mul3A_1258, %and3A_1252 : vector<16xi32>
    %shift_right_arithmetic3A_1260 = arith.constant 7 : i32
    %shift_right_arithmetic3A_1261 = vector.broadcast %shift_right_arithmetic3A_1260 : i32 to vector<16xi32>
    %shift_right_arithmetic3A_1262 = arith.shrsi %add3A_1259, %shift_right_arithmetic3A_1261 : vector<16xi32>
    %and3A_1263 = arith.constant 127 : i32
    %and3A_1264 = vector.broadcast %and3A_1263 : i32 to vector<16xi32>
    %and3A_1265 = arith.andi %add3A_1259, %and3A_1264 : vector<16xi32>
    %add3A_1266 = arith.constant 29 : i32
    %add3A_1267 = vector.broadcast %add3A_1266 : i32 to vector<16xi32>
    %add3A_1268 = arith.addi %iota3A, %add3A_1267 : vector<16xi32>
    %and3A_1269 = arith.constant 31 : i32
    %and3A_1270 = vector.broadcast %and3A_1269 : i32 to vector<16xi32>
    %and3A_1271 = arith.andi %add3A_1268, %and3A_1270 : vector<16xi32>
    %add3A_1272 = arith.constant 16 : i32
    %add3A_1273 = vector.broadcast %add3A_1272 : i32 to vector<16xi32>
    %add3A_1274 = arith.addi %add3A_1273, %iota3A : vector<16xi32>
    %mul3A_1275 = arith.constant 32 : i32
    %mul3A_1276 = vector.broadcast %mul3A_1275 : i32 to vector<16xi32>
    %mul3A_1277 = arith.muli %add3A_1274, %mul3A_1276 : vector<16xi32>
    %add3A_1278 = arith.addi %mul3A_1277, %and3A_1271 : vector<16xi32>
    %shift_right_arithmetic3A_1279 = arith.constant 7 : i32
    %shift_right_arithmetic3A_1280 = vector.broadcast %shift_right_arithmetic3A_1279 : i32 to vector<16xi32>
    %shift_right_arithmetic3A_1281 = arith.shrsi %add3A_1278, %shift_right_arithmetic3A_1280 : vector<16xi32>
    %and3A_1282 = arith.constant 127 : i32
    %and3A_1283 = vector.broadcast %and3A_1282 : i32 to vector<16xi32>
    %and3A_1284 = arith.andi %add3A_1278, %and3A_1283 : vector<16xi32>
    %add3A_1285 = arith.constant 30 : i32
    %add3A_1286 = vector.broadcast %add3A_1285 : i32 to vector<16xi32>
    %add3A_1287 = arith.addi %iota3A, %add3A_1286 : vector<16xi32>
    %and3A_1288 = arith.constant 31 : i32
    %and3A_1289 = vector.broadcast %and3A_1288 : i32 to vector<16xi32>
    %and3A_1290 = arith.andi %add3A_1287, %and3A_1289 : vector<16xi32>
    %add3A_1291 = arith.constant 16 : i32
    %add3A_1292 = vector.broadcast %add3A_1291 : i32 to vector<16xi32>
    %add3A_1293 = arith.addi %add3A_1292, %iota3A : vector<16xi32>
    %mul3A_1294 = arith.constant 32 : i32
    %mul3A_1295 = vector.broadcast %mul3A_1294 : i32 to vector<16xi32>
    %mul3A_1296 = arith.muli %add3A_1293, %mul3A_1295 : vector<16xi32>
    %add3A_1297 = arith.addi %mul3A_1296, %and3A_1290 : vector<16xi32>
    %shift_right_arithmetic3A_1298 = arith.constant 7 : i32
    %shift_right_arithmetic3A_1299 = vector.broadcast %shift_right_arithmetic3A_1298 : i32 to vector<16xi32>
    %shift_right_arithmetic3A_1300 = arith.shrsi %add3A_1297, %shift_right_arithmetic3A_1299 : vector<16xi32>
    %and3A_1301 = arith.constant 127 : i32
    %and3A_1302 = vector.broadcast %and3A_1301 : i32 to vector<16xi32>
    %and3A_1303 = arith.andi %add3A_1297, %and3A_1302 : vector<16xi32>
    %add3A_1304 = arith.constant 31 : i32
    %add3A_1305 = vector.broadcast %add3A_1304 : i32 to vector<16xi32>
    %add3A_1306 = arith.addi %iota3A, %add3A_1305 : vector<16xi32>
    %and3A_1307 = arith.constant 31 : i32
    %and3A_1308 = vector.broadcast %and3A_1307 : i32 to vector<16xi32>
    %and3A_1309 = arith.andi %add3A_1306, %and3A_1308 : vector<16xi32>
    %add3A_1310 = arith.constant 16 : i32
    %add3A_1311 = vector.broadcast %add3A_1310 : i32 to vector<16xi32>
    %add3A_1312 = arith.addi %add3A_1311, %iota3A : vector<16xi32>
    %mul3A_1313 = arith.constant 32 : i32
    %mul3A_1314 = vector.broadcast %mul3A_1313 : i32 to vector<16xi32>
    %mul3A_1315 = arith.muli %add3A_1312, %mul3A_1314 : vector<16xi32>
    %add3A_1316 = arith.addi %mul3A_1315, %and3A_1309 : vector<16xi32>
    %shift_right_arithmetic3A_1317 = arith.constant 7 : i32
    %shift_right_arithmetic3A_1318 = vector.broadcast %shift_right_arithmetic3A_1317 : i32 to vector<16xi32>
    %shift_right_arithmetic3A_1319 = arith.shrsi %add3A_1316, %shift_right_arithmetic3A_1318 : vector<16xi32>
    %and3A_1320 = arith.constant 127 : i32
    %and3A_1321 = vector.broadcast %and3A_1320 : i32 to vector<16xi32>
    %and3A_1322 = arith.andi %add3A_1316, %and3A_1321 : vector<16xi32>
    %add3A_1323 = arith.constant 0 : i32
    %add3A_1324 = arith.addi %mul3A_2, %add3A_1323 : i32
    %multiple_of3A = tpu.assume_multiple %add3A_1324, 1024 : i32
    %add3A_1325 = arith.constant 0 : i32
    %add3A_1326 = arith.addi %mul3A_2, %add3A_1325 : i32
    %jit3A = arith.constant 4 : i32
    %div3A = arith.divsi %add3A_1326, %jit3A : i32
    %sign3A = arith.constant 0 : i32
    %sign3A_1327 = arith.cmpi sgt, %add3A_1326, %sign3A : i32
    %sign3A_1328 = arith.extui %sign3A_1327 : i1 to i32
    %sign3A_1329 = arith.constant 0 : i32
    %sign3A_1330 = arith.cmpi slt, %add3A_1326, %sign3A_1329 : i32
    %sign3A_1331 = arith.extui %sign3A_1330 : i1 to i32
    %sign3A_1332 = arith.subi %sign3A_1328, %sign3A_1331 : i32
    %sign3A_1333 = arith.constant 0 : i32
    %sign3A_1334 = arith.cmpi sgt, %jit3A, %sign3A_1333 : i32
    %sign3A_1335 = arith.extui %sign3A_1334 : i1 to i32
    %sign3A_1336 = arith.constant 0 : i32
    %sign3A_1337 = arith.cmpi slt, %jit3A, %sign3A_1336 : i32
    %sign3A_1338 = arith.extui %sign3A_1337 : i1 to i32
    %sign3A_1339 = arith.subi %sign3A_1335, %sign3A_1338 : i32
    %ne3A = arith.cmpi ne, %sign3A_1332, %sign3A_1339 : i32
    %rem3A = arith.remsi %add3A_1326, %jit3A : i32
    %ne3A_1340 = arith.constant 0 : i32
    %ne3A_1341 = arith.cmpi ne, %rem3A, %ne3A_1340 : i32
    %and3A_1342 = arith.andi %ne3A, %ne3A_1341 : i1
    %sub3A = arith.constant 1 : i32
    %sub3A_1343 = arith.subi %div3A, %sub3A : i32
    %select_n3A = arith.select %and3A_1342, %sub3A_1343, %div3A : i32
    %multiple_of3A_1344 = tpu.assume_multiple %select_n3A, 256 : i32
    %dma_start3A = arith.constant 0 : i32
    %dma_start3A_1345 = tpu.memref_slice %arg2[%multiple_of3A_1344, %dma_start3A] : memref<524288x128xf32, #tpu.memory_space<hbm>> -> memref<256x128xf32, #tpu.memory_space<hbm>>
    %dma_start3A_1346 = arith.constant 0 : i32
    %dma_start3A_1347 = tpu.memref_slice %arg2[%multiple_of3A_1344, %dma_start3A_1346] : memref<524288x128xf32, #tpu.memory_space<hbm>> -> memref<256x128xf32, #tpu.memory_space<hbm>>
    tpu.enqueue_dma source(%dma_start3A_1347 : memref<256x128xf32, #tpu.memory_space<hbm>>) target(%arg5 : memref<256x128xf32, #tpu.memory_space<vmem>>) target_semaphore(%arg10 : memref<!tpu.dma_semaphore, #tpu.memory_space<semaphore_mem>>)
    %dma_start3A_1348 = tpu.memref_slice %arg3[%multiple_of3A] : memref<2097152xi32, #tpu.memory_space<hbm>> -> memref<1024xi32, #tpu.memory_space<hbm>>
    %dma_start3A_1349 = tpu.memref_slice %arg3[%multiple_of3A] : memref<2097152xi32, #tpu.memory_space<hbm>> -> memref<1024xi32, #tpu.memory_space<hbm>>
    tpu.enqueue_dma source(%dma_start3A_1349 : memref<1024xi32, #tpu.memory_space<hbm>>) target(%arg7 : memref<1024xi32, #tpu.memory_space<vmem>>) target_semaphore(%arg12 : memref<!tpu.dma_semaphore, #tpu.memory_space<semaphore_mem>>)
    %add3A_1350 = arith.constant 1024 : i32
    %add3A_1351 = arith.addi %mul3A_2, %add3A_1350 : i32
    %multiple_of3A_1352 = tpu.assume_multiple %add3A_1351, 1024 : i32
    %add3A_1353 = arith.constant 1024 : i32
    %add3A_1354 = arith.addi %mul3A_2, %add3A_1353 : i32
    %jit3A_1355 = arith.constant 4 : i32
    %div3A_1356 = arith.divsi %add3A_1354, %jit3A_1355 : i32
    %sign3A_1357 = arith.constant 0 : i32
    %sign3A_1358 = arith.cmpi sgt, %add3A_1354, %sign3A_1357 : i32
    %sign3A_1359 = arith.extui %sign3A_1358 : i1 to i32
    %sign3A_1360 = arith.constant 0 : i32
    %sign3A_1361 = arith.cmpi slt, %add3A_1354, %sign3A_1360 : i32
    %sign3A_1362 = arith.extui %sign3A_1361 : i1 to i32
    %sign3A_1363 = arith.subi %sign3A_1359, %sign3A_1362 : i32
    %sign3A_1364 = arith.constant 0 : i32
    %sign3A_1365 = arith.cmpi sgt, %jit3A_1355, %sign3A_1364 : i32
    %sign3A_1366 = arith.extui %sign3A_1365 : i1 to i32
    %sign3A_1367 = arith.constant 0 : i32
    %sign3A_1368 = arith.cmpi slt, %jit3A_1355, %sign3A_1367 : i32
    %sign3A_1369 = arith.extui %sign3A_1368 : i1 to i32
    %sign3A_1370 = arith.subi %sign3A_1366, %sign3A_1369 : i32
    %ne3A_1371 = arith.cmpi ne, %sign3A_1363, %sign3A_1370 : i32
    %rem3A_1372 = arith.remsi %add3A_1354, %jit3A_1355 : i32
    %ne3A_1373 = arith.constant 0 : i32
    %ne3A_1374 = arith.cmpi ne, %rem3A_1372, %ne3A_1373 : i32
    %and3A_1375 = arith.andi %ne3A_1371, %ne3A_1374 : i1
    %sub3A_1376 = arith.constant 1 : i32
    %sub3A_1377 = arith.subi %div3A_1356, %sub3A_1376 : i32
    %select_n3A_1378 = arith.select %and3A_1375, %sub3A_1377, %div3A_1356 : i32
    %multiple_of3A_1379 = tpu.assume_multiple %select_n3A_1378, 256 : i32
    %dma_start3A_1380 = arith.constant 0 : i32
    %dma_start3A_1381 = tpu.memref_slice %arg2[%multiple_of3A_1379, %dma_start3A_1380] : memref<524288x128xf32, #tpu.memory_space<hbm>> -> memref<256x128xf32, #tpu.memory_space<hbm>>
    %dma_start3A_1382 = arith.constant 0 : i32
    %dma_start3A_1383 = tpu.memref_slice %arg2[%multiple_of3A_1379, %dma_start3A_1382] : memref<524288x128xf32, #tpu.memory_space<hbm>> -> memref<256x128xf32, #tpu.memory_space<hbm>>
    tpu.enqueue_dma source(%dma_start3A_1383 : memref<256x128xf32, #tpu.memory_space<hbm>>) target(%arg6 : memref<256x128xf32, #tpu.memory_space<vmem>>) target_semaphore(%arg11 : memref<!tpu.dma_semaphore, #tpu.memory_space<semaphore_mem>>)
    %dma_start3A_1384 = tpu.memref_slice %arg3[%multiple_of3A_1352] : memref<2097152xi32, #tpu.memory_space<hbm>> -> memref<1024xi32, #tpu.memory_space<hbm>>
    %dma_start3A_1385 = tpu.memref_slice %arg3[%multiple_of3A_1352] : memref<2097152xi32, #tpu.memory_space<hbm>> -> memref<1024xi32, #tpu.memory_space<hbm>>
    tpu.enqueue_dma source(%dma_start3A_1385 : memref<1024xi32, #tpu.memory_space<hbm>>) target(%arg8 : memref<1024xi32, #tpu.memory_space<vmem>>) target_semaphore(%arg13 : memref<!tpu.dma_semaphore, #tpu.memory_space<semaphore_mem>>)
    %scan3A = arith.constant 0 : i32
    %scan3A_1386 = arith.constant 32 : i32
    %scan3A_1387 = arith.addi %scan3A, %scan3A_1386 : i32
    %scan3A_1388 = arith.constant 1 : i32
    scf.for %scan3A_1390 = %scan3A to %scan3A_1387 step %scan3A_1388  : i32 {
      %mul3A_1391 = arith.constant 1 : i32
      %mul3A_1392 = arith.muli %scan3A_1390, %mul3A_1391 : i32
      %add3A_1393 = arith.constant 0 : i32
      %add3A_1394 = arith.addi %add3A_1393, %mul3A_1392 : i32
      %dma_wait3A = arith.constant 0 : i32
      %dma_wait3A_1395 = arith.constant 0 : i32
      %dma_wait3A_1396 = tpu.memref_slice %arg2[%dma_wait3A, %dma_wait3A_1395] : memref<524288x128xf32, #tpu.memory_space<hbm>> -> memref<256x128xf32, #tpu.memory_space<hbm>>
      %dma_wait3A_1397 = arith.constant 0 : i32
      %dma_wait3A_1398 = arith.constant 0 : i32
      %dma_wait3A_1399 = tpu.memref_slice %arg2[%dma_wait3A_1397, %dma_wait3A_1398] : memref<524288x128xf32, #tpu.memory_space<hbm>> -> memref<256x128xf32, #tpu.memory_space<hbm>>
      tpu.wait_dma2 semaphore(%arg10 : memref<!tpu.dma_semaphore, #tpu.memory_space<semaphore_mem>>) src(%dma_wait3A_1399 : memref<256x128xf32, #tpu.memory_space<hbm>>) dst(%arg5 : memref<256x128xf32, #tpu.memory_space<vmem>>)
      %dma_wait3A_1400 = arith.constant 0 : i32
      %dma_wait3A_1401 = tpu.memref_slice %arg3[%dma_wait3A_1400] : memref<2097152xi32, #tpu.memory_space<hbm>> -> memref<1024xi32, #tpu.memory_space<hbm>>
      %dma_wait3A_1402 = arith.constant 0 : i32
      %dma_wait3A_1403 = tpu.memref_slice %arg3[%dma_wait3A_1402] : memref<2097152xi32, #tpu.memory_space<hbm>> -> memref<1024xi32, #tpu.memory_space<hbm>>
      tpu.wait_dma2 semaphore(%arg12 : memref<!tpu.dma_semaphore, #tpu.memory_space<semaphore_mem>>) src(%dma_wait3A_1403 : memref<1024xi32, #tpu.memory_space<hbm>>) dst(%arg7 : memref<1024xi32, #tpu.memory_space<vmem>>)
      %scan3A_1404 = arith.constant 0 : i32
      %scan3A_1405 = arith.constant 32 : i32
      %scan3A_1406 = arith.addi %scan3A_1404, %scan3A_1405 : i32
      %scan3A_1407 = arith.constant 2 : i32
      scf.for %scan3A_1431 = %scan3A_1404 to %scan3A_1406 step %scan3A_1407  : i32 {
        %mul3A_1432 = arith.constant 1 : i32
        %mul3A_1433 = arith.muli %scan3A_1431, %mul3A_1432 : i32
        %add3A_1434 = arith.constant 0 : i32
        %add3A_1435 = arith.addi %add3A_1434, %mul3A_1433 : i32
        %mul3A_1436 = arith.constant 8 : i32
        %mul3A_1437 = arith.muli %add3A_1435, %mul3A_1436 : i32
        %multiple_of3A_1438 = tpu.assume_multiple %mul3A_1437, 8 : i32
        %broadcast_in_dim3A_1439 = vector.broadcast %multiple_of3A_1438 : i32 to vector<16xi32>
        %mul3A_1440 = arith.constant 32 : i32
        %mul3A_1441 = arith.muli %add3A_1435, %mul3A_1440 : i32
        %add3A_1442 = arith.constant 0 : i32
        %add3A_1443 = arith.addi %mul3A_1441, %add3A_1442 : i32
        %multiple_of3A_1444 = tpu.assume_multiple %add3A_1443, 16 : i32
        %add3A_1445 = arith.addi %broadcast_in_dim3A_1439, %shift_right_arithmetic3A_122 : vector<16xi32>
        %gather3A = tpu.vector_load_idx %arg5[%add3A_1445, %and3A_125] : memref<256x128xf32, #tpu.memory_space<vmem>>[vector<16xi32>, vector<16xi32>], vector<16xf32>,
        %add3A_1446 = arith.addi %broadcast_in_dim3A_1439, %shift_right_arithmetic3A_141 : vector<16xi32>
        %gather3A_1447 = tpu.vector_load_idx %arg5[%add3A_1446, %and3A_144] : memref<256x128xf32, #tpu.memory_space<vmem>>[vector<16xi32>, vector<16xi32>], vector<16xf32>,
        %add3A_1448 = arith.addi %broadcast_in_dim3A_1439, %shift_right_arithmetic3A_160 : vector<16xi32>
        %gather3A_1449 = tpu.vector_load_idx %arg5[%add3A_1448, %and3A_163] : memref<256x128xf32, #tpu.memory_space<vmem>>[vector<16xi32>, vector<16xi32>], vector<16xf32>,
        %add3A_1450 = arith.addi %broadcast_in_dim3A_1439, %shift_right_arithmetic3A_179 : vector<16xi32>
        %gather3A_1451 = tpu.vector_load_idx %arg5[%add3A_1450, %and3A_182] : memref<256x128xf32, #tpu.memory_space<vmem>>[vector<16xi32>, vector<16xi32>], vector<16xf32>,
        %add3A_1452 = arith.addi %broadcast_in_dim3A_1439, %shift_right_arithmetic3A_198 : vector<16xi32>
        %gather3A_1453 = tpu.vector_load_idx %arg5[%add3A_1452, %and3A_201] : memref<256x128xf32, #tpu.memory_space<vmem>>[vector<16xi32>, vector<16xi32>], vector<16xf32>,
        %add3A_1454 = arith.addi %broadcast_in_dim3A_1439, %shift_right_arithmetic3A_217 : vector<16xi32>
        %gather3A_1455 = tpu.vector_load_idx %arg5[%add3A_1454, %and3A_220] : memref<256x128xf32, #tpu.memory_space<vmem>>[vector<16xi32>, vector<16xi32>], vector<16xf32>,
        %add3A_1456 = arith.addi %broadcast_in_dim3A_1439, %shift_right_arithmetic3A_236 : vector<16xi32>
        %gather3A_1457 = tpu.vector_load_idx %arg5[%add3A_1456, %and3A_239] : memref<256x128xf32, #tpu.memory_space<vmem>>[vector<16xi32>, vector<16xi32>], vector<16xf32>,
        %add3A_1458 = arith.addi %broadcast_in_dim3A_1439, %shift_right_arithmetic3A_255 : vector<16xi32>
        %gather3A_1459 = tpu.vector_load_idx %arg5[%add3A_1458, %and3A_258] : memref<256x128xf32, #tpu.memory_space<vmem>>[vector<16xi32>, vector<16xi32>], vector<16xf32>,
        %add3A_1460 = arith.addi %broadcast_in_dim3A_1439, %shift_right_arithmetic3A_274 : vector<16xi32>
        %gather3A_1461 = tpu.vector_load_idx %arg5[%add3A_1460, %and3A_277] : memref<256x128xf32, #tpu.memory_space<vmem>>[vector<16xi32>, vector<16xi32>], vector<16xf32>,
        %add3A_1462 = arith.addi %broadcast_in_dim3A_1439, %shift_right_arithmetic3A_293 : vector<16xi32>
        %gather3A_1463 = tpu.vector_load_idx %arg5[%add3A_1462, %and3A_296] : memref<256x128xf32, #tpu.memory_space<vmem>>[vector<16xi32>, vector<16xi32>], vector<16xf32>,
        %add3A_1464 = arith.addi %broadcast_in_dim3A_1439, %shift_right_arithmetic3A_312 : vector<16xi32>
        %gather3A_1465 = tpu.vector_load_idx %arg5[%add3A_1464, %and3A_315] : memref<256x128xf32, #tpu.memory_space<vmem>>[vector<16xi32>, vector<16xi32>], vector<16xf32>,
        %add3A_1466 = arith.addi %broadcast_in_dim3A_1439, %shift_right_arithmetic3A_331 : vector<16xi32>
        %gather3A_1467 = tpu.vector_load_idx %arg5[%add3A_1466, %and3A_334] : memref<256x128xf32, #tpu.memory_space<vmem>>[vector<16xi32>, vector<16xi32>], vector<16xf32>,
        %add3A_1468 = arith.addi %broadcast_in_dim3A_1439, %shift_right_arithmetic3A_350 : vector<16xi32>
        %gather3A_1469 = tpu.vector_load_idx %arg5[%add3A_1468, %and3A_353] : memref<256x128xf32, #tpu.memory_space<vmem>>[vector<16xi32>, vector<16xi32>], vector<16xf32>,
        %add3A_1470 = arith.addi %broadcast_in_dim3A_1439, %shift_right_arithmetic3A_369 : vector<16xi32>
        %gather3A_1471 = tpu.vector_load_idx %arg5[%add3A_1470, %and3A_372] : memref<256x128xf32, #tpu.memory_space<vmem>>[vector<16xi32>, vector<16xi32>], vector<16xf32>,
        %add3A_1472 = arith.addi %broadcast_in_dim3A_1439, %shift_right_arithmetic3A_388 : vector<16xi32>
        %gather3A_1473 = tpu.vector_load_idx %arg5[%add3A_1472, %and3A_391] : memref<256x128xf32, #tpu.memory_space<vmem>>[vector<16xi32>, vector<16xi32>], vector<16xf32>,
        %add3A_1474 = arith.addi %broadcast_in_dim3A_1439, %shift_right_arithmetic3A_407 : vector<16xi32>
        %gather3A_1475 = tpu.vector_load_idx %arg5[%add3A_1474, %and3A_410] : memref<256x128xf32, #tpu.memory_space<vmem>>[vector<16xi32>, vector<16xi32>], vector<16xf32>,
        %add3A_1476 = arith.addi %broadcast_in_dim3A_1439, %shift_right_arithmetic3A_426 : vector<16xi32>
        %gather3A_1477 = tpu.vector_load_idx %arg5[%add3A_1476, %and3A_429] : memref<256x128xf32, #tpu.memory_space<vmem>>[vector<16xi32>, vector<16xi32>], vector<16xf32>,
        %add3A_1478 = arith.addi %broadcast_in_dim3A_1439, %shift_right_arithmetic3A_445 : vector<16xi32>
        %gather3A_1479 = tpu.vector_load_idx %arg5[%add3A_1478, %and3A_448] : memref<256x128xf32, #tpu.memory_space<vmem>>[vector<16xi32>, vector<16xi32>], vector<16xf32>,
        %add3A_1480 = arith.addi %broadcast_in_dim3A_1439, %shift_right_arithmetic3A_464 : vector<16xi32>
        %gather3A_1481 = tpu.vector_load_idx %arg5[%add3A_1480, %and3A_467] : memref<256x128xf32, #tpu.memory_space<vmem>>[vector<16xi32>, vector<16xi32>], vector<16xf32>,
        %add3A_1482 = arith.addi %broadcast_in_dim3A_1439, %shift_right_arithmetic3A_483 : vector<16xi32>
        %gather3A_1483 = tpu.vector_load_idx %arg5[%add3A_1482, %and3A_486] : memref<256x128xf32, #tpu.memory_space<vmem>>[vector<16xi32>, vector<16xi32>], vector<16xf32>,
        %add3A_1484 = arith.addi %broadcast_in_dim3A_1439, %shift_right_arithmetic3A_502 : vector<16xi32>
        %gather3A_1485 = tpu.vector_load_idx %arg5[%add3A_1484, %and3A_505] : memref<256x128xf32, #tpu.memory_space<vmem>>[vector<16xi32>, vector<16xi32>], vector<16xf32>,
        %add3A_1486 = arith.addi %broadcast_in_dim3A_1439, %shift_right_arithmetic3A_521 : vector<16xi32>
        %gather3A_1487 = tpu.vector_load_idx %arg5[%add3A_1486, %and3A_524] : memref<256x128xf32, #tpu.memory_space<vmem>>[vector<16xi32>, vector<16xi32>], vector<16xf32>,
        %add3A_1488 = arith.addi %broadcast_in_dim3A_1439, %shift_right_arithmetic3A_540 : vector<16xi32>
        %gather3A_1489 = tpu.vector_load_idx %arg5[%add3A_1488, %and3A_543] : memref<256x128xf32, #tpu.memory_space<vmem>>[vector<16xi32>, vector<16xi32>], vector<16xf32>,
        %add3A_1490 = arith.addi %broadcast_in_dim3A_1439, %shift_right_arithmetic3A_559 : vector<16xi32>
        %gather3A_1491 = tpu.vector_load_idx %arg5[%add3A_1490, %and3A_562] : memref<256x128xf32, #tpu.memory_space<vmem>>[vector<16xi32>, vector<16xi32>], vector<16xf32>,
        %add3A_1492 = arith.addi %broadcast_in_dim3A_1439, %shift_right_arithmetic3A_578 : vector<16xi32>
        %gather3A_1493 = tpu.vector_load_idx %arg5[%add3A_1492, %and3A_581] : memref<256x128xf32, #tpu.memory_space<vmem>>[vector<16xi32>, vector<16xi32>], vector<16xf32>,
        %add3A_1494 = arith.addi %broadcast_in_dim3A_1439, %shift_right_arithmetic3A_597 : vector<16xi32>
        %gather3A_1495 = tpu.vector_load_idx %arg5[%add3A_1494, %and3A_600] : memref<256x128xf32, #tpu.memory_space<vmem>>[vector<16xi32>, vector<16xi32>], vector<16xf32>,
        %add3A_1496 = arith.addi %broadcast_in_dim3A_1439, %shift_right_arithmetic3A_616 : vector<16xi32>
        %gather3A_1497 = tpu.vector_load_idx %arg5[%add3A_1496, %and3A_619] : memref<256x128xf32, #tpu.memory_space<vmem>>[vector<16xi32>, vector<16xi32>], vector<16xf32>,
        %add3A_1498 = arith.addi %broadcast_in_dim3A_1439, %shift_right_arithmetic3A_635 : vector<16xi32>
        %gather3A_1499 = tpu.vector_load_idx %arg5[%add3A_1498, %and3A_638] : memref<256x128xf32, #tpu.memory_space<vmem>>[vector<16xi32>, vector<16xi32>], vector<16xf32>,
        %add3A_1500 = arith.addi %broadcast_in_dim3A_1439, %shift_right_arithmetic3A_654 : vector<16xi32>
        %gather3A_1501 = tpu.vector_load_idx %arg5[%add3A_1500, %and3A_657] : memref<256x128xf32, #tpu.memory_space<vmem>>[vector<16xi32>, vector<16xi32>], vector<16xf32>,
        %add3A_1502 = arith.addi %broadcast_in_dim3A_1439, %shift_right_arithmetic3A_673 : vector<16xi32>
        %gather3A_1503 = tpu.vector_load_idx %arg5[%add3A_1502, %and3A_676] : memref<256x128xf32, #tpu.memory_space<vmem>>[vector<16xi32>, vector<16xi32>], vector<16xf32>,
        %add3A_1504 = arith.addi %broadcast_in_dim3A_1439, %shift_right_arithmetic3A_692 : vector<16xi32>
        %gather3A_1505 = tpu.vector_load_idx %arg5[%add3A_1504, %and3A_695] : memref<256x128xf32, #tpu.memory_space<vmem>>[vector<16xi32>, vector<16xi32>], vector<16xf32>,
        %add3A_1506 = arith.addi %broadcast_in_dim3A_1439, %shift_right_arithmetic3A_711 : vector<16xi32>
        %gather3A_1507 = tpu.vector_load_idx %arg5[%add3A_1506, %and3A_714] : memref<256x128xf32, #tpu.memory_space<vmem>>[vector<16xi32>, vector<16xi32>], vector<16xf32>,
        %gt3A = arith.cmpf ogt, %gather3A_1447, %gather3A : vector<16xf32>
        %max3A = arith.maximumf %gather3A, %gather3A_1447 : vector<16xf32>
        %select_n3A_1508 = arith.select %gt3A, %and3A_131, %and3A_113 : vector<16xi1>, vector<16xi32>
        %gt3A_1509 = arith.cmpf ogt, %gather3A_1451, %gather3A_1449 : vector<16xf32>
        %max3A_1510 = arith.maximumf %gather3A_1449, %gather3A_1451 : vector<16xf32>
        %select_n3A_1511 = arith.select %gt3A_1509, %and3A_169, %and3A_150 : vector<16xi1>, vector<16xi32>
        %gt3A_1512 = arith.cmpf ogt, %gather3A_1455, %gather3A_1453 : vector<16xf32>
        %max3A_1513 = arith.maximumf %gather3A_1453, %gather3A_1455 : vector<16xf32>
        %select_n3A_1514 = arith.select %gt3A_1512, %and3A_207, %and3A_188 : vector<16xi1>, vector<16xi32>
        %gt3A_1515 = arith.cmpf ogt, %gather3A_1459, %gather3A_1457 : vector<16xf32>
        %max3A_1516 = arith.maximumf %gather3A_1457, %gather3A_1459 : vector<16xf32>
        %select_n3A_1517 = arith.select %gt3A_1515, %and3A_245, %and3A_226 : vector<16xi1>, vector<16xi32>
        %gt3A_1518 = arith.cmpf ogt, %gather3A_1463, %gather3A_1461 : vector<16xf32>
        %max3A_1519 = arith.maximumf %gather3A_1461, %gather3A_1463 : vector<16xf32>
        %select_n3A_1520 = arith.select %gt3A_1518, %and3A_283, %and3A_264 : vector<16xi1>, vector<16xi32>
        %gt3A_1521 = arith.cmpf ogt, %gather3A_1467, %gather3A_1465 : vector<16xf32>
        %max3A_1522 = arith.maximumf %gather3A_1465, %gather3A_1467 : vector<16xf32>
        %select_n3A_1523 = arith.select %gt3A_1521, %and3A_321, %and3A_302 : vector<16xi1>, vector<16xi32>
        %gt3A_1524 = arith.cmpf ogt, %gather3A_1471, %gather3A_1469 : vector<16xf32>
        %max3A_1525 = arith.maximumf %gather3A_1469, %gather3A_1471 : vector<16xf32>
        %select_n3A_1526 = arith.select %gt3A_1524, %and3A_359, %and3A_340 : vector<16xi1>, vector<16xi32>
        %gt3A_1527 = arith.cmpf ogt, %gather3A_1475, %gather3A_1473 : vector<16xf32>
        %max3A_1528 = arith.maximumf %gather3A_1473, %gather3A_1475 : vector<16xf32>
        %select_n3A_1529 = arith.select %gt3A_1527, %and3A_397, %and3A_378 : vector<16xi1>, vector<16xi32>
        %gt3A_1530 = arith.cmpf ogt, %gather3A_1479, %gather3A_1477 : vector<16xf32>
        %max3A_1531 = arith.maximumf %gather3A_1477, %gather3A_1479 : vector<16xf32>
        %select_n3A_1532 = arith.select %gt3A_1530, %and3A_435, %and3A_416 : vector<16xi1>, vector<16xi32>
        %gt3A_1533 = arith.cmpf ogt, %gather3A_1483, %gather3A_1481 : vector<16xf32>
        %max3A_1534 = arith.maximumf %gather3A_1481, %gather3A_1483 : vector<16xf32>
        %select_n3A_1535 = arith.select %gt3A_1533, %and3A_473, %and3A_454 : vector<16xi1>, vector<16xi32>
        %gt3A_1536 = arith.cmpf ogt, %gather3A_1487, %gather3A_1485 : vector<16xf32>
        %max3A_1537 = arith.maximumf %gather3A_1485, %gather3A_1487 : vector<16xf32>
        %select_n3A_1538 = arith.select %gt3A_1536, %and3A_511, %and3A_492 : vector<16xi1>, vector<16xi32>
        %gt3A_1539 = arith.cmpf ogt, %gather3A_1491, %gather3A_1489 : vector<16xf32>
        %max3A_1540 = arith.maximumf %gather3A_1489, %gather3A_1491 : vector<16xf32>
        %select_n3A_1541 = arith.select %gt3A_1539, %and3A_549, %and3A_530 : vector<16xi1>, vector<16xi32>
        %gt3A_1542 = arith.cmpf ogt, %gather3A_1495, %gather3A_1493 : vector<16xf32>
        %max3A_1543 = arith.maximumf %gather3A_1493, %gather3A_1495 : vector<16xf32>
        %select_n3A_1544 = arith.select %gt3A_1542, %and3A_587, %and3A_568 : vector<16xi1>, vector<16xi32>
        %gt3A_1545 = arith.cmpf ogt, %gather3A_1499, %gather3A_1497 : vector<16xf32>
        %max3A_1546 = arith.maximumf %gather3A_1497, %gather3A_1499 : vector<16xf32>
        %select_n3A_1547 = arith.select %gt3A_1545, %and3A_625, %and3A_606 : vector<16xi1>, vector<16xi32>
        %gt3A_1548 = arith.cmpf ogt, %gather3A_1503, %gather3A_1501 : vector<16xf32>
        %max3A_1549 = arith.maximumf %gather3A_1501, %gather3A_1503 : vector<16xf32>
        %select_n3A_1550 = arith.select %gt3A_1548, %and3A_663, %and3A_644 : vector<16xi1>, vector<16xi32>
        %gt3A_1551 = arith.cmpf ogt, %gather3A_1507, %gather3A_1505 : vector<16xf32>
        %max3A_1552 = arith.maximumf %gather3A_1505, %gather3A_1507 : vector<16xf32>
        %select_n3A_1553 = arith.select %gt3A_1551, %and3A_701, %and3A_682 : vector<16xi1>, vector<16xi32>
        %gt3A_1554 = arith.cmpf ogt, %max3A_1510, %max3A : vector<16xf32>
        %max3A_1555 = arith.maximumf %max3A, %max3A_1510 : vector<16xf32>
        %select_n3A_1556 = arith.select %gt3A_1554, %select_n3A_1511, %select_n3A_1508 : vector<16xi1>, vector<16xi32>
        %gt3A_1557 = arith.cmpf ogt, %max3A_1516, %max3A_1513 : vector<16xf32>
        %max3A_1558 = arith.maximumf %max3A_1513, %max3A_1516 : vector<16xf32>
        %select_n3A_1559 = arith.select %gt3A_1557, %select_n3A_1517, %select_n3A_1514 : vector<16xi1>, vector<16xi32>
        %gt3A_1560 = arith.cmpf ogt, %max3A_1522, %max3A_1519 : vector<16xf32>
        %max3A_1561 = arith.maximumf %max3A_1519, %max3A_1522 : vector<16xf32>
        %select_n3A_1562 = arith.select %gt3A_1560, %select_n3A_1523, %select_n3A_1520 : vector<16xi1>, vector<16xi32>
        %gt3A_1563 = arith.cmpf ogt, %max3A_1528, %max3A_1525 : vector<16xf32>
        %max3A_1564 = arith.maximumf %max3A_1525, %max3A_1528 : vector<16xf32>
        %select_n3A_1565 = arith.select %gt3A_1563, %select_n3A_1529, %select_n3A_1526 : vector<16xi1>, vector<16xi32>
        %gt3A_1566 = arith.cmpf ogt, %max3A_1534, %max3A_1531 : vector<16xf32>
        %max3A_1567 = arith.maximumf %max3A_1531, %max3A_1534 : vector<16xf32>
        %select_n3A_1568 = arith.select %gt3A_1566, %select_n3A_1535, %select_n3A_1532 : vector<16xi1>, vector<16xi32>
        %gt3A_1569 = arith.cmpf ogt, %max3A_1540, %max3A_1537 : vector<16xf32>
        %max3A_1570 = arith.maximumf %max3A_1537, %max3A_1540 : vector<16xf32>
        %select_n3A_1571 = arith.select %gt3A_1569, %select_n3A_1541, %select_n3A_1538 : vector<16xi1>, vector<16xi32>
        %gt3A_1572 = arith.cmpf ogt, %max3A_1546, %max3A_1543 : vector<16xf32>
        %max3A_1573 = arith.maximumf %max3A_1543, %max3A_1546 : vector<16xf32>
        %select_n3A_1574 = arith.select %gt3A_1572, %select_n3A_1547, %select_n3A_1544 : vector<16xi1>, vector<16xi32>
        %gt3A_1575 = arith.cmpf ogt, %max3A_1552, %max3A_1549 : vector<16xf32>
        %max3A_1576 = arith.maximumf %max3A_1549, %max3A_1552 : vector<16xf32>
        %select_n3A_1577 = arith.select %gt3A_1575, %select_n3A_1553, %select_n3A_1550 : vector<16xi1>, vector<16xi32>
        %gt3A_1578 = arith.cmpf ogt, %max3A_1558, %max3A_1555 : vector<16xf32>
        %max3A_1579 = arith.maximumf %max3A_1555, %max3A_1558 : vector<16xf32>
        %select_n3A_1580 = arith.select %gt3A_1578, %select_n3A_1559, %select_n3A_1556 : vector<16xi1>, vector<16xi32>
        %gt3A_1581 = arith.cmpf ogt, %max3A_1564, %max3A_1561 : vector<16xf32>
        %max3A_1582 = arith.maximumf %max3A_1561, %max3A_1564 : vector<16xf32>
        %select_n3A_1583 = arith.select %gt3A_1581, %select_n3A_1565, %select_n3A_1562 : vector<16xi1>, vector<16xi32>
        %gt3A_1584 = arith.cmpf ogt, %max3A_1570, %max3A_1567 : vector<16xf32>
        %max3A_1585 = arith.maximumf %max3A_1567, %max3A_1570 : vector<16xf32>
        %select_n3A_1586 = arith.select %gt3A_1584, %select_n3A_1571, %select_n3A_1568 : vector<16xi1>, vector<16xi32>
        %gt3A_1587 = arith.cmpf ogt, %max3A_1576, %max3A_1573 : vector<16xf32>
        %max3A_1588 = arith.maximumf %max3A_1573, %max3A_1576 : vector<16xf32>
        %select_n3A_1589 = arith.select %gt3A_1587, %select_n3A_1577, %select_n3A_1574 : vector<16xi1>, vector<16xi32>
        %gt3A_1590 = arith.cmpf ogt, %max3A_1582, %max3A_1579 : vector<16xf32>
        %max3A_1591 = arith.maximumf %max3A_1579, %max3A_1582 : vector<16xf32>
        %select_n3A_1592 = arith.select %gt3A_1590, %select_n3A_1583, %select_n3A_1580 : vector<16xi1>, vector<16xi32>
        %gt3A_1593 = arith.cmpf ogt, %max3A_1588, %max3A_1585 : vector<16xf32>
        %max3A_1594 = arith.maximumf %max3A_1585, %max3A_1588 : vector<16xf32>
        %select_n3A_1595 = arith.select %gt3A_1593, %select_n3A_1589, %select_n3A_1586 : vector<16xi1>, vector<16xi32>
        %gt3A_1596 = arith.cmpf ogt, %max3A_1594, %max3A_1591 : vector<16xf32>
        %max3A_1597 = arith.maximumf %max3A_1591, %max3A_1594 : vector<16xf32>
        %select_n3A_1598 = arith.select %gt3A_1596, %select_n3A_1595, %select_n3A_1592 : vector<16xi1>, vector<16xi32>
        %get3A = arith.index_cast %multiple_of3A_1444 : i32 to index
        %get3A_1599 = tpu.vector_load %arg7[%get3A] {strides = array<i32>} : memref<1024xi32, #tpu.memory_space<vmem>>, vector<16xi32>,
        %eq3A = arith.cmpi eq, %select_n3A_1598, %get3A_1599 : vector<16xi32>
        %select_n3A_1600 = arith.select %eq3A, %broadcast_in_dim3A_5, %broadcast_in_dim3A_3 : vector<16xi1>, vector<16xf32>
        %neg3A = arith.constant 0.000000e+00 : f32
        %neg3A_1601 = vector.broadcast %neg3A : f32 to vector<16xf32>
        %neg3A_1602 = arith.subf %neg3A_1601, %max3A_1597 : vector<16xf32>
        %exp3A = math.exp %neg3A_1602 : vector<16xf32>
        %add3A_1603 = arith.addf %broadcast_in_dim3A_5, %exp3A : vector<16xf32>
        %div3A_1604 = arith.divf %broadcast_in_dim3A_5, %add3A_1603 : vector<16xf32>
        %mul3A_1605 = arith.constant 1.500000e+01 : f32
        %mul3A_1606 = vector.broadcast %mul3A_1605 : f32 to vector<16xf32>
        %mul3A_1607 = arith.mulf %div3A_1604, %mul3A_1606 : vector<16xf32>
        %convert_element_type3A_1608 = arith.fptosi %mul3A_1607 : vector<16xf32> to vector<16xi32>
        %min3A = arith.minsi %convert_element_type3A_1608, %broadcast_in_dim3A_13 : vector<16xi32>
        %shift_left3A = arith.constant 4 : i32
        %shift_left3A_1609 = vector.broadcast %shift_left3A : i32 to vector<16xi32>
        %shift_left3A_1610 = arith.shli %min3A, %shift_left3A_1609 : vector<16xi32>
        %add3A_1611 = arith.addi %shift_left3A_1610, %iota3A : vector<16xi32>
        tpu.vector_store_idx %arg9[%add3A_1611], %div3A_1604 {add = true} : memref<768xf32, #tpu.memory_space<vmem>>[vector<16xi32>], vector<16xf32>,
        %broadcast_in_dim3A_1612 = arith.constant 256 : i32
        %broadcast_in_dim3A_1613 = vector.broadcast %broadcast_in_dim3A_1612 : i32 to vector<16xi32>
        %add3A_1614 = arith.addi %add3A_1611, %broadcast_in_dim3A_1613 : vector<16xi32>
        tpu.vector_store_idx %arg9[%add3A_1614], %select_n3A_1600 {add = true} : memref<768xf32, #tpu.memory_space<vmem>>[vector<16xi32>], vector<16xf32>,
        %broadcast_in_dim3A_1615 = arith.constant 512 : i32
        %broadcast_in_dim3A_1616 = vector.broadcast %broadcast_in_dim3A_1615 : i32 to vector<16xi32>
        %add3A_1617 = arith.addi %add3A_1611, %broadcast_in_dim3A_1616 : vector<16xi32>
        tpu.vector_store_idx %arg9[%add3A_1617], %broadcast_in_dim3A_5 {add = true} : memref<768xf32, #tpu.memory_space<vmem>>[vector<16xi32>], vector<16xf32>,
        %mul3A_1618 = arith.constant 32 : i32
        %mul3A_1619 = arith.muli %add3A_1435, %mul3A_1618 : i32
        %add3A_1620 = arith.constant 16 : i32
        %add3A_1621 = arith.addi %mul3A_1619, %add3A_1620 : i32
        %multiple_of3A_1622 = tpu.assume_multiple %add3A_1621, 16 : i32
        %add3A_1623 = arith.addi %broadcast_in_dim3A_1439, %shift_right_arithmetic3A_730 : vector<16xi32>
        %gather3A_1624 = tpu.vector_load_idx %arg5[%add3A_1623, %and3A_733] : memref<256x128xf32, #tpu.memory_space<vmem>>[vector<16xi32>, vector<16xi32>], vector<16xf32>,
        %add3A_1625 = arith.addi %broadcast_in_dim3A_1439, %shift_right_arithmetic3A_749 : vector<16xi32>
        %gather3A_1626 = tpu.vector_load_idx %arg5[%add3A_1625, %and3A_752] : memref<256x128xf32, #tpu.memory_space<vmem>>[vector<16xi32>, vector<16xi32>], vector<16xf32>,
        %add3A_1627 = arith.addi %broadcast_in_dim3A_1439, %shift_right_arithmetic3A_768 : vector<16xi32>
        %gather3A_1628 = tpu.vector_load_idx %arg5[%add3A_1627, %and3A_771] : memref<256x128xf32, #tpu.memory_space<vmem>>[vector<16xi32>, vector<16xi32>], vector<16xf32>,
        %add3A_1629 = arith.addi %broadcast_in_dim3A_1439, %shift_right_arithmetic3A_787 : vector<16xi32>
        %gather3A_1630 = tpu.vector_load_idx %arg5[%add3A_1629, %and3A_790] : memref<256x128xf32, #tpu.memory_space<vmem>>[vector<16xi32>, vector<16xi32>], vector<16xf32>,
        %add3A_1631 = arith.addi %broadcast_in_dim3A_1439, %shift_right_arithmetic3A_806 : vector<16xi32>
        %gather3A_1632 = tpu.vector_load_idx %arg5[%add3A_1631, %and3A_809] : memref<256x128xf32, #tpu.memory_space<vmem>>[vector<16xi32>, vector<16xi32>], vector<16xf32>,
        %add3A_1633 = arith.addi %broadcast_in_dim3A_1439, %shift_right_arithmetic3A_825 : vector<16xi32>
        %gather3A_1634 = tpu.vector_load_idx %arg5[%add3A_1633, %and3A_828] : memref<256x128xf32, #tpu.memory_space<vmem>>[vector<16xi32>, vector<16xi32>], vector<16xf32>,
        %add3A_1635 = arith.addi %broadcast_in_dim3A_1439, %shift_right_arithmetic3A_844 : vector<16xi32>
        %gather3A_1636 = tpu.vector_load_idx %arg5[%add3A_1635, %and3A_847] : memref<256x128xf32, #tpu.memory_space<vmem>>[vector<16xi32>, vector<16xi32>], vector<16xf32>,
        %add3A_1637 = arith.addi %broadcast_in_dim3A_1439, %shift_right_arithmetic3A_863 : vector<16xi32>
        %gather3A_1638 = tpu.vector_load_idx %arg5[%add3A_1637, %and3A_866] : memref<256x128xf32, #tpu.memory_space<vmem>>[vector<16xi32>, vector<16xi32>], vector<16xf32>,
        %add3A_1639 = arith.addi %broadcast_in_dim3A_1439, %shift_right_arithmetic3A_882 : vector<16xi32>
        %gather3A_1640 = tpu.vector_load_idx %arg5[%add3A_1639, %and3A_885] : memref<256x128xf32, #tpu.memory_space<vmem>>[vector<16xi32>, vector<16xi32>], vector<16xf32>,
        %add3A_1641 = arith.addi %broadcast_in_dim3A_1439, %shift_right_arithmetic3A_901 : vector<16xi32>
        %gather3A_1642 = tpu.vector_load_idx %arg5[%add3A_1641, %and3A_904] : memref<256x128xf32, #tpu.memory_space<vmem>>[vector<16xi32>, vector<16xi32>], vector<16xf32>,
        %add3A_1643 = arith.addi %broadcast_in_dim3A_1439, %shift_right_arithmetic3A_920 : vector<16xi32>
        %gather3A_1644 = tpu.vector_load_idx %arg5[%add3A_1643, %and3A_923] : memref<256x128xf32, #tpu.memory_space<vmem>>[vector<16xi32>, vector<16xi32>], vector<16xf32>,
        %add3A_1645 = arith.addi %broadcast_in_dim3A_1439, %shift_right_arithmetic3A_939 : vector<16xi32>
        %gather3A_1646 = tpu.vector_load_idx %arg5[%add3A_1645, %and3A_942] : memref<256x128xf32, #tpu.memory_space<vmem>>[vector<16xi32>, vector<16xi32>], vector<16xf32>,
        %add3A_1647 = arith.addi %broadcast_in_dim3A_1439, %shift_right_arithmetic3A_958 : vector<16xi32>
        %gather3A_1648 = tpu.vector_load_idx %arg5[%add3A_1647, %and3A_961] : memref<256x128xf32, #tpu.memory_space<vmem>>[vector<16xi32>, vector<16xi32>], vector<16xf32>,
        %add3A_1649 = arith.addi %broadcast_in_dim3A_1439, %shift_right_arithmetic3A_977 : vector<16xi32>
        %gather3A_1650 = tpu.vector_load_idx %arg5[%add3A_1649, %and3A_980] : memref<256x128xf32, #tpu.memory_space<vmem>>[vector<16xi32>, vector<16xi32>], vector<16xf32>,
        %add3A_1651 = arith.addi %broadcast_in_dim3A_1439, %shift_right_arithmetic3A_996 : vector<16xi32>
        %gather3A_1652 = tpu.vector_load_idx %arg5[%add3A_1651, %and3A_999] : memref<256x128xf32, #tpu.memory_space<vmem>>[vector<16xi32>, vector<16xi32>], vector<16xf32>,
        %add3A_1653 = arith.addi %broadcast_in_dim3A_1439, %shift_right_arithmetic3A_1015 : vector<16xi32>
        %gather3A_1654 = tpu.vector_load_idx %arg5[%add3A_1653, %and3A_1018] : memref<256x128xf32, #tpu.memory_space<vmem>>[vector<16xi32>, vector<16xi32>], vector<16xf32>,
        %add3A_1655 = arith.addi %broadcast_in_dim3A_1439, %shift_right_arithmetic3A_1034 : vector<16xi32>
        %gather3A_1656 = tpu.vector_load_idx %arg5[%add3A_1655, %and3A_1037] : memref<256x128xf32, #tpu.memory_space<vmem>>[vector<16xi32>, vector<16xi32>], vector<16xf32>,
        %add3A_1657 = arith.addi %broadcast_in_dim3A_1439, %shift_right_arithmetic3A_1053 : vector<16xi32>
        %gather3A_1658 = tpu.vector_load_idx %arg5[%add3A_1657, %and3A_1056] : memref<256x128xf32, #tpu.memory_space<vmem>>[vector<16xi32>, vector<16xi32>], vector<16xf32>,
        %add3A_1659 = arith.addi %broadcast_in_dim3A_1439, %shift_right_arithmetic3A_1072 : vector<16xi32>
        %gather3A_1660 = tpu.vector_load_idx %arg5[%add3A_1659, %and3A_1075] : memref<256x128xf32, #tpu.memory_space<vmem>>[vector<16xi32>, vector<16xi32>], vector<16xf32>,
        %add3A_1661 = arith.addi %broadcast_in_dim3A_1439, %shift_right_arithmetic3A_1091 : vector<16xi32>
        %gather3A_1662 = tpu.vector_load_idx %arg5[%add3A_1661, %and3A_1094] : memref<256x128xf32, #tpu.memory_space<vmem>>[vector<16xi32>, vector<16xi32>], vector<16xf32>,
        %add3A_1663 = arith.addi %broadcast_in_dim3A_1439, %shift_right_arithmetic3A_1110 : vector<16xi32>
        %gather3A_1664 = tpu.vector_load_idx %arg5[%add3A_1663, %and3A_1113] : memref<256x128xf32, #tpu.memory_space<vmem>>[vector<16xi32>, vector<16xi32>], vector<16xf32>,
        %add3A_1665 = arith.addi %broadcast_in_dim3A_1439, %shift_right_arithmetic3A_1129 : vector<16xi32>
        %gather3A_1666 = tpu.vector_load_idx %arg5[%add3A_1665, %and3A_1132] : memref<256x128xf32, #tpu.memory_space<vmem>>[vector<16xi32>, vector<16xi32>], vector<16xf32>,
        %add3A_1667 = arith.addi %broadcast_in_dim3A_1439, %shift_right_arithmetic3A_1148 : vector<16xi32>
        %gather3A_1668 = tpu.vector_load_idx %arg5[%add3A_1667, %and3A_1151] : memref<256x128xf32, #tpu.memory_space<vmem>>[vector<16xi32>, vector<16xi32>], vector<16xf32>,
        %add3A_1669 = arith.addi %broadcast_in_dim3A_1439, %shift_right_arithmetic3A_1167 : vector<16xi32>
        %gather3A_1670 = tpu.vector_load_idx %arg5[%add3A_1669, %and3A_1170] : memref<256x128xf32, #tpu.memory_space<vmem>>[vector<16xi32>, vector<16xi32>], vector<16xf32>,
        %add3A_1671 = arith.addi %broadcast_in_dim3A_1439, %shift_right_arithmetic3A_1186 : vector<16xi32>
        %gather3A_1672 = tpu.vector_load_idx %arg5[%add3A_1671, %and3A_1189] : memref<256x128xf32, #tpu.memory_space<vmem>>[vector<16xi32>, vector<16xi32>], vector<16xf32>,
        %add3A_1673 = arith.addi %broadcast_in_dim3A_1439, %shift_right_arithmetic3A_1205 : vector<16xi32>
        %gather3A_1674 = tpu.vector_load_idx %arg5[%add3A_1673, %and3A_1208] : memref<256x128xf32, #tpu.memory_space<vmem>>[vector<16xi32>, vector<16xi32>], vector<16xf32>,
        %add3A_1675 = arith.addi %broadcast_in_dim3A_1439, %shift_right_arithmetic3A_1224 : vector<16xi32>
        %gather3A_1676 = tpu.vector_load_idx %arg5[%add3A_1675, %and3A_1227] : memref<256x128xf32, #tpu.memory_space<vmem>>[vector<16xi32>, vector<16xi32>], vector<16xf32>,
        %add3A_1677 = arith.addi %broadcast_in_dim3A_1439, %shift_right_arithmetic3A_1243 : vector<16xi32>
        %gather3A_1678 = tpu.vector_load_idx %arg5[%add3A_1677, %and3A_1246] : memref<256x128xf32, #tpu.memory_space<vmem>>[vector<16xi32>, vector<16xi32>], vector<16xf32>,
        %add3A_1679 = arith.addi %broadcast_in_dim3A_1439, %shift_right_arithmetic3A_1262 : vector<16xi32>
        %gather3A_1680 = tpu.vector_load_idx %arg5[%add3A_1679, %and3A_1265] : memref<256x128xf32, #tpu.memory_space<vmem>>[vector<16xi32>, vector<16xi32>], vector<16xf32>,
        %add3A_1681 = arith.addi %broadcast_in_dim3A_1439, %shift_right_arithmetic3A_1281 : vector<16xi32>
        %gather3A_1682 = tpu.vector_load_idx %arg5[%add3A_1681, %and3A_1284] : memref<256x128xf32, #tpu.memory_space<vmem>>[vector<16xi32>, vector<16xi32>], vector<16xf32>,
        %add3A_1683 = arith.addi %broadcast_in_dim3A_1439, %shift_right_arithmetic3A_1300 : vector<16xi32>
        %gather3A_1684 = tpu.vector_load_idx %arg5[%add3A_1683, %and3A_1303] : memref<256x128xf32, #tpu.memory_space<vmem>>[vector<16xi32>, vector<16xi32>], vector<16xf32>,
        %add3A_1685 = arith.addi %broadcast_in_dim3A_1439, %shift_right_arithmetic3A_1319 : vector<16xi32>
        %gather3A_1686 = tpu.vector_load_idx %arg5[%add3A_1685, %and3A_1322] : memref<256x128xf32, #tpu.memory_space<vmem>>[vector<16xi32>, vector<16xi32>], vector<16xf32>,
        %gt3A_1687 = arith.cmpf ogt, %gather3A_1626, %gather3A_1624 : vector<16xf32>
        %max3A_1688 = arith.maximumf %gather3A_1624, %gather3A_1626 : vector<16xf32>
        %select_n3A_1689 = arith.select %gt3A_1687, %and3A_739, %and3A_720 : vector<16xi1>, vector<16xi32>
        %gt3A_1690 = arith.cmpf ogt, %gather3A_1630, %gather3A_1628 : vector<16xf32>
        %max3A_1691 = arith.maximumf %gather3A_1628, %gather3A_1630 : vector<16xf32>
        %select_n3A_1692 = arith.select %gt3A_1690, %and3A_777, %and3A_758 : vector<16xi1>, vector<16xi32>
        %gt3A_1693 = arith.cmpf ogt, %gather3A_1634, %gather3A_1632 : vector<16xf32>
        %max3A_1694 = arith.maximumf %gather3A_1632, %gather3A_1634 : vector<16xf32>
        %select_n3A_1695 = arith.select %gt3A_1693, %and3A_815, %and3A_796 : vector<16xi1>, vector<16xi32>
        %gt3A_1696 = arith.cmpf ogt, %gather3A_1638, %gather3A_1636 : vector<16xf32>
        %max3A_1697 = arith.maximumf %gather3A_1636, %gather3A_1638 : vector<16xf32>
        %select_n3A_1698 = arith.select %gt3A_1696, %and3A_853, %and3A_834 : vector<16xi1>, vector<16xi32>
        %gt3A_1699 = arith.cmpf ogt, %gather3A_1642, %gather3A_1640 : vector<16xf32>
        %max3A_1700 = arith.maximumf %gather3A_1640, %gather3A_1642 : vector<16xf32>
        %select_n3A_1701 = arith.select %gt3A_1699, %and3A_891, %and3A_872 : vector<16xi1>, vector<16xi32>
        %gt3A_1702 = arith.cmpf ogt, %gather3A_1646, %gather3A_1644 : vector<16xf32>
        %max3A_1703 = arith.maximumf %gather3A_1644, %gather3A_1646 : vector<16xf32>
        %select_n3A_1704 = arith.select %gt3A_1702, %and3A_929, %and3A_910 : vector<16xi1>, vector<16xi32>
        %gt3A_1705 = arith.cmpf ogt, %gather3A_1650, %gather3A_1648 : vector<16xf32>
        %max3A_1706 = arith.maximumf %gather3A_1648, %gather3A_1650 : vector<16xf32>
        %select_n3A_1707 = arith.select %gt3A_1705, %and3A_967, %and3A_948 : vector<16xi1>, vector<16xi32>
        %gt3A_1708 = arith.cmpf ogt, %gather3A_1654, %gather3A_1652 : vector<16xf32>
        %max3A_1709 = arith.maximumf %gather3A_1652, %gather3A_1654 : vector<16xf32>
        %select_n3A_1710 = arith.select %gt3A_1708, %and3A_1005, %and3A_986 : vector<16xi1>, vector<16xi32>
        %gt3A_1711 = arith.cmpf ogt, %gather3A_1658, %gather3A_1656 : vector<16xf32>
        %max3A_1712 = arith.maximumf %gather3A_1656, %gather3A_1658 : vector<16xf32>
        %select_n3A_1713 = arith.select %gt3A_1711, %and3A_1043, %and3A_1024 : vector<16xi1>, vector<16xi32>
        %gt3A_1714 = arith.cmpf ogt, %gather3A_1662, %gather3A_1660 : vector<16xf32>
        %max3A_1715 = arith.maximumf %gather3A_1660, %gather3A_1662 : vector<16xf32>
        %select_n3A_1716 = arith.select %gt3A_1714, %and3A_1081, %and3A_1062 : vector<16xi1>, vector<16xi32>
        %gt3A_1717 = arith.cmpf ogt, %gather3A_1666, %gather3A_1664 : vector<16xf32>
        %max3A_1718 = arith.maximumf %gather3A_1664, %gather3A_1666 : vector<16xf32>
        %select_n3A_1719 = arith.select %gt3A_1717, %and3A_1119, %and3A_1100 : vector<16xi1>, vector<16xi32>
        %gt3A_1720 = arith.cmpf ogt, %gather3A_1670, %gather3A_1668 : vector<16xf32>
        %max3A_1721 = arith.maximumf %gather3A_1668, %gather3A_1670 : vector<16xf32>
        %select_n3A_1722 = arith.select %gt3A_1720, %and3A_1157, %and3A_1138 : vector<16xi1>, vector<16xi32>
        %gt3A_1723 = arith.cmpf ogt, %gather3A_1674, %gather3A_1672 : vector<16xf32>
        %max3A_1724 = arith.maximumf %gather3A_1672, %gather3A_1674 : vector<16xf32>
        %select_n3A_1725 = arith.select %gt3A_1723, %and3A_1195, %and3A_1176 : vector<16xi1>, vector<16xi32>
        %gt3A_1726 = arith.cmpf ogt, %gather3A_1678, %gather3A_1676 : vector<16xf32>
        %max3A_1727 = arith.maximumf %gather3A_1676, %gather3A_1678 : vector<16xf32>
        %select_n3A_1728 = arith.select %gt3A_1726, %and3A_1233, %and3A_1214 : vector<16xi1>, vector<16xi32>
        %gt3A_1729 = arith.cmpf ogt, %gather3A_1682, %gather3A_1680 : vector<16xf32>
        %max3A_1730 = arith.maximumf %gather3A_1680, %gather3A_1682 : vector<16xf32>
        %select_n3A_1731 = arith.select %gt3A_1729, %and3A_1271, %and3A_1252 : vector<16xi1>, vector<16xi32>
        %gt3A_1732 = arith.cmpf ogt, %gather3A_1686, %gather3A_1684 : vector<16xf32>
        %max3A_1733 = arith.maximumf %gather3A_1684, %gather3A_1686 : vector<16xf32>
        %select_n3A_1734 = arith.select %gt3A_1732, %and3A_1309, %and3A_1290 : vector<16xi1>, vector<16xi32>
        %gt3A_1735 = arith.cmpf ogt, %max3A_1691, %max3A_1688 : vector<16xf32>
        %max3A_1736 = arith.maximumf %max3A_1688, %max3A_1691 : vector<16xf32>
        %select_n3A_1737 = arith.select %gt3A_1735, %select_n3A_1692, %select_n3A_1689 : vector<16xi1>, vector<16xi32>
        %gt3A_1738 = arith.cmpf ogt, %max3A_1697, %max3A_1694 : vector<16xf32>
        %max3A_1739 = arith.maximumf %max3A_1694, %max3A_1697 : vector<16xf32>
        %select_n3A_1740 = arith.select %gt3A_1738, %select_n3A_1698, %select_n3A_1695 : vector<16xi1>, vector<16xi32>
        %gt3A_1741 = arith.cmpf ogt, %max3A_1703, %max3A_1700 : vector<16xf32>
        %max3A_1742 = arith.maximumf %max3A_1700, %max3A_1703 : vector<16xf32>
        %select_n3A_1743 = arith.select %gt3A_1741, %select_n3A_1704, %select_n3A_1701 : vector<16xi1>, vector<16xi32>
        %gt3A_1744 = arith.cmpf ogt, %max3A_1709, %max3A_1706 : vector<16xf32>
        %max3A_1745 = arith.maximumf %max3A_1706, %max3A_1709 : vector<16xf32>
        %select_n3A_1746 = arith.select %gt3A_1744, %select_n3A_1710, %select_n3A_1707 : vector<16xi1>, vector<16xi32>
        %gt3A_1747 = arith.cmpf ogt, %max3A_1715, %max3A_1712 : vector<16xf32>
        %max3A_1748 = arith.maximumf %max3A_1712, %max3A_1715 : vector<16xf32>
        %select_n3A_1749 = arith.select %gt3A_1747, %select_n3A_1716, %select_n3A_1713 : vector<16xi1>, vector<16xi32>
        %gt3A_1750 = arith.cmpf ogt, %max3A_1721, %max3A_1718 : vector<16xf32>
        %max3A_1751 = arith.maximumf %max3A_1718, %max3A_1721 : vector<16xf32>
        %select_n3A_1752 = arith.select %gt3A_1750, %select_n3A_1722, %select_n3A_1719 : vector<16xi1>, vector<16xi32>
        %gt3A_1753 = arith.cmpf ogt, %max3A_1727, %max3A_1724 : vector<16xf32>
        %max3A_1754 = arith.maximumf %max3A_1724, %max3A_1727 : vector<16xf32>
        %select_n3A_1755 = arith.select %gt3A_1753, %select_n3A_1728, %select_n3A_1725 : vector<16xi1>, vector<16xi32>
        %gt3A_1756 = arith.cmpf ogt, %max3A_1733, %max3A_1730 : vector<16xf32>
        %max3A_1757 = arith.maximumf %max3A_1730, %max3A_1733 : vector<16xf32>
        %select_n3A_1758 = arith.select %gt3A_1756, %select_n3A_1734, %select_n3A_1731 : vector<16xi1>, vector<16xi32>
        %gt3A_1759 = arith.cmpf ogt, %max3A_1739, %max3A_1736 : vector<16xf32>
        %max3A_1760 = arith.maximumf %max3A_1736, %max3A_1739 : vector<16xf32>
        %select_n3A_1761 = arith.select %gt3A_1759, %select_n3A_1740, %select_n3A_1737 : vector<16xi1>, vector<16xi32>
        %gt3A_1762 = arith.cmpf ogt, %max3A_1745, %max3A_1742 : vector<16xf32>
        %max3A_1763 = arith.maximumf %max3A_1742, %max3A_1745 : vector<16xf32>
        %select_n3A_1764 = arith.select %gt3A_1762, %select_n3A_1746, %select_n3A_1743 : vector<16xi1>, vector<16xi32>
        %gt3A_1765 = arith.cmpf ogt, %max3A_1751, %max3A_1748 : vector<16xf32>
        %max3A_1766 = arith.maximumf %max3A_1748, %max3A_1751 : vector<16xf32>
        %select_n3A_1767 = arith.select %gt3A_1765, %select_n3A_1752, %select_n3A_1749 : vector<16xi1>, vector<16xi32>
        %gt3A_1768 = arith.cmpf ogt, %max3A_1757, %max3A_1754 : vector<16xf32>
        %max3A_1769 = arith.maximumf %max3A_1754, %max3A_1757 : vector<16xf32>
        %select_n3A_1770 = arith.select %gt3A_1768, %select_n3A_1758, %select_n3A_1755 : vector<16xi1>, vector<16xi32>
        %gt3A_1771 = arith.cmpf ogt, %max3A_1763, %max3A_1760 : vector<16xf32>
        %max3A_1772 = arith.maximumf %max3A_1760, %max3A_1763 : vector<16xf32>
        %select_n3A_1773 = arith.select %gt3A_1771, %select_n3A_1764, %select_n3A_1761 : vector<16xi1>, vector<16xi32>
        %gt3A_1774 = arith.cmpf ogt, %max3A_1769, %max3A_1766 : vector<16xf32>
        %max3A_1775 = arith.maximumf %max3A_1766, %max3A_1769 : vector<16xf32>
        %select_n3A_1776 = arith.select %gt3A_1774, %select_n3A_1770, %select_n3A_1767 : vector<16xi1>, vector<16xi32>
        %gt3A_1777 = arith.cmpf ogt, %max3A_1775, %max3A_1772 : vector<16xf32>
        %max3A_1778 = arith.maximumf %max3A_1772, %max3A_1775 : vector<16xf32>
        %select_n3A_1779 = arith.select %gt3A_1777, %select_n3A_1776, %select_n3A_1773 : vector<16xi1>, vector<16xi32>
        %get3A_1780 = arith.index_cast %multiple_of3A_1622 : i32 to index
        %get3A_1781 = tpu.vector_load %arg7[%get3A_1780] {strides = array<i32>} : memref<1024xi32, #tpu.memory_space<vmem>>, vector<16xi32>,
        %eq3A_1782 = arith.cmpi eq, %select_n3A_1779, %get3A_1781 : vector<16xi32>
        %select_n3A_1783 = arith.select %eq3A_1782, %broadcast_in_dim3A_5, %broadcast_in_dim3A_3 : vector<16xi1>, vector<16xf32>
        %neg3A_1784 = arith.constant 0.000000e+00 : f32
        %neg3A_1785 = vector.broadcast %neg3A_1784 : f32 to vector<16xf32>
        %neg3A_1786 = arith.subf %neg3A_1785, %max3A_1778 : vector<16xf32>
        %exp3A_1787 = math.exp %neg3A_1786 : vector<16xf32>
        %add3A_1788 = arith.addf %broadcast_in_dim3A_5, %exp3A_1787 : vector<16xf32>
        %div3A_1789 = arith.divf %broadcast_in_dim3A_5, %add3A_1788 : vector<16xf32>
        %mul3A_1790 = arith.constant 1.500000e+01 : f32
        %mul3A_1791 = vector.broadcast %mul3A_1790 : f32 to vector<16xf32>
        %mul3A_1792 = arith.mulf %div3A_1789, %mul3A_1791 : vector<16xf32>
        %convert_element_type3A_1793 = arith.fptosi %mul3A_1792 : vector<16xf32> to vector<16xi32>
        %min3A_1794 = arith.minsi %convert_element_type3A_1793, %broadcast_in_dim3A_13 : vector<16xi32>
        %shift_left3A_1795 = arith.constant 4 : i32
        %shift_left3A_1796 = vector.broadcast %shift_left3A_1795 : i32 to vector<16xi32>
        %shift_left3A_1797 = arith.shli %min3A_1794, %shift_left3A_1796 : vector<16xi32>
        %add3A_1798 = arith.addi %shift_left3A_1797, %iota3A : vector<16xi32>
        tpu.vector_store_idx %arg9[%add3A_1798], %div3A_1789 {add = true} : memref<768xf32, #tpu.memory_space<vmem>>[vector<16xi32>], vector<16xf32>,
        %broadcast_in_dim3A_1799 = arith.constant 256 : i32
        %broadcast_in_dim3A_1800 = vector.broadcast %broadcast_in_dim3A_1799 : i32 to vector<16xi32>
        %add3A_1801 = arith.addi %add3A_1798, %broadcast_in_dim3A_1800 : vector<16xi32>
        tpu.vector_store_idx %arg9[%add3A_1801], %select_n3A_1783 {add = true} : memref<768xf32, #tpu.memory_space<vmem>>[vector<16xi32>], vector<16xf32>,
        %broadcast_in_dim3A_1802 = arith.constant 512 : i32
        %broadcast_in_dim3A_1803 = vector.broadcast %broadcast_in_dim3A_1802 : i32 to vector<16xi32>
        %add3A_1804 = arith.addi %add3A_1798, %broadcast_in_dim3A_1803 : vector<16xi32>
        tpu.vector_store_idx %arg9[%add3A_1804], %broadcast_in_dim3A_5 {add = true} : memref<768xf32, #tpu.memory_space<vmem>>[vector<16xi32>], vector<16xf32>,
        %scan3A_1805 = arith.constant 1 : i32
        %scan3A_1806 = arith.addi %scan3A_1431, %scan3A_1805 : i32
        %mul3A_1807 = arith.constant 1 : i32
        %mul3A_1808 = arith.muli %scan3A_1806, %mul3A_1807 : i32
        %add3A_1809 = arith.constant 0 : i32
        %add3A_1810 = arith.addi %add3A_1809, %mul3A_1808 : i32
        %mul3A_1811 = arith.constant 8 : i32
        %mul3A_1812 = arith.muli %add3A_1810, %mul3A_1811 : i32
        %multiple_of3A_1813 = tpu.assume_multiple %mul3A_1812, 8 : i32
        %broadcast_in_dim3A_1814 = vector.broadcast %multiple_of3A_1813 : i32 to vector<16xi32>
        %mul3A_1815 = arith.constant 32 : i32
        %mul3A_1816 = arith.muli %add3A_1810, %mul3A_1815 : i32
        %add3A_1817 = arith.constant 0 : i32
        %add3A_1818 = arith.addi %mul3A_1816, %add3A_1817 : i32
        %multiple_of3A_1819 = tpu.assume_multiple %add3A_1818, 16 : i32
        %add3A_1820 = arith.addi %broadcast_in_dim3A_1814, %shift_right_arithmetic3A_122 : vector<16xi32>
        %gather3A_1821 = tpu.vector_load_idx %arg5[%add3A_1820, %and3A_125] : memref<256x128xf32, #tpu.memory_space<vmem>>[vector<16xi32>, vector<16xi32>], vector<16xf32>,
        %add3A_1822 = arith.addi %broadcast_in_dim3A_1814, %shift_right_arithmetic3A_141 : vector<16xi32>
        %gather3A_1823 = tpu.vector_load_idx %arg5[%add3A_1822, %and3A_144] : memref<256x128xf32, #tpu.memory_space<vmem>>[vector<16xi32>, vector<16xi32>], vector<16xf32>,
        %add3A_1824 = arith.addi %broadcast_in_dim3A_1814, %shift_right_arithmetic3A_160 : vector<16xi32>
        %gather3A_1825 = tpu.vector_load_idx %arg5[%add3A_1824, %and3A_163] : memref<256x128xf32, #tpu.memory_space<vmem>>[vector<16xi32>, vector<16xi32>], vector<16xf32>,
        %add3A_1826 = arith.addi %broadcast_in_dim3A_1814, %shift_right_arithmetic3A_179 : vector<16xi32>
        %gather3A_1827 = tpu.vector_load_idx %arg5[%add3A_1826, %and3A_182] : memref<256x128xf32, #tpu.memory_space<vmem>>[vector<16xi32>, vector<16xi32>], vector<16xf32>,
        %add3A_1828 = arith.addi %broadcast_in_dim3A_1814, %shift_right_arithmetic3A_198 : vector<16xi32>
        %gather3A_1829 = tpu.vector_load_idx %arg5[%add3A_1828, %and3A_201] : memref<256x128xf32, #tpu.memory_space<vmem>>[vector<16xi32>, vector<16xi32>], vector<16xf32>,
        %add3A_1830 = arith.addi %broadcast_in_dim3A_1814, %shift_right_arithmetic3A_217 : vector<16xi32>
        %gather3A_1831 = tpu.vector_load_idx %arg5[%add3A_1830, %and3A_220] : memref<256x128xf32, #tpu.memory_space<vmem>>[vector<16xi32>, vector<16xi32>], vector<16xf32>,
        %add3A_1832 = arith.addi %broadcast_in_dim3A_1814, %shift_right_arithmetic3A_236 : vector<16xi32>
        %gather3A_1833 = tpu.vector_load_idx %arg5[%add3A_1832, %and3A_239] : memref<256x128xf32, #tpu.memory_space<vmem>>[vector<16xi32>, vector<16xi32>], vector<16xf32>,
        %add3A_1834 = arith.addi %broadcast_in_dim3A_1814, %shift_right_arithmetic3A_255 : vector<16xi32>
        %gather3A_1835 = tpu.vector_load_idx %arg5[%add3A_1834, %and3A_258] : memref<256x128xf32, #tpu.memory_space<vmem>>[vector<16xi32>, vector<16xi32>], vector<16xf32>,
        %add3A_1836 = arith.addi %broadcast_in_dim3A_1814, %shift_right_arithmetic3A_274 : vector<16xi32>
        %gather3A_1837 = tpu.vector_load_idx %arg5[%add3A_1836, %and3A_277] : memref<256x128xf32, #tpu.memory_space<vmem>>[vector<16xi32>, vector<16xi32>], vector<16xf32>,
        %add3A_1838 = arith.addi %broadcast_in_dim3A_1814, %shift_right_arithmetic3A_293 : vector<16xi32>
        %gather3A_1839 = tpu.vector_load_idx %arg5[%add3A_1838, %and3A_296] : memref<256x128xf32, #tpu.memory_space<vmem>>[vector<16xi32>, vector<16xi32>], vector<16xf32>,
        %add3A_1840 = arith.addi %broadcast_in_dim3A_1814, %shift_right_arithmetic3A_312 : vector<16xi32>
        %gather3A_1841 = tpu.vector_load_idx %arg5[%add3A_1840, %and3A_315] : memref<256x128xf32, #tpu.memory_space<vmem>>[vector<16xi32>, vector<16xi32>], vector<16xf32>,
        %add3A_1842 = arith.addi %broadcast_in_dim3A_1814, %shift_right_arithmetic3A_331 : vector<16xi32>
        %gather3A_1843 = tpu.vector_load_idx %arg5[%add3A_1842, %and3A_334] : memref<256x128xf32, #tpu.memory_space<vmem>>[vector<16xi32>, vector<16xi32>], vector<16xf32>,
        %add3A_1844 = arith.addi %broadcast_in_dim3A_1814, %shift_right_arithmetic3A_350 : vector<16xi32>
        %gather3A_1845 = tpu.vector_load_idx %arg5[%add3A_1844, %and3A_353] : memref<256x128xf32, #tpu.memory_space<vmem>>[vector<16xi32>, vector<16xi32>], vector<16xf32>,
        %add3A_1846 = arith.addi %broadcast_in_dim3A_1814, %shift_right_arithmetic3A_369 : vector<16xi32>
        %gather3A_1847 = tpu.vector_load_idx %arg5[%add3A_1846, %and3A_372] : memref<256x128xf32, #tpu.memory_space<vmem>>[vector<16xi32>, vector<16xi32>], vector<16xf32>,
        %add3A_1848 = arith.addi %broadcast_in_dim3A_1814, %shift_right_arithmetic3A_388 : vector<16xi32>
        %gather3A_1849 = tpu.vector_load_idx %arg5[%add3A_1848, %and3A_391] : memref<256x128xf32, #tpu.memory_space<vmem>>[vector<16xi32>, vector<16xi32>], vector<16xf32>,
        %add3A_1850 = arith.addi %broadcast_in_dim3A_1814, %shift_right_arithmetic3A_407 : vector<16xi32>
        %gather3A_1851 = tpu.vector_load_idx %arg5[%add3A_1850, %and3A_410] : memref<256x128xf32, #tpu.memory_space<vmem>>[vector<16xi32>, vector<16xi32>], vector<16xf32>,
        %add3A_1852 = arith.addi %broadcast_in_dim3A_1814, %shift_right_arithmetic3A_426 : vector<16xi32>
        %gather3A_1853 = tpu.vector_load_idx %arg5[%add3A_1852, %and3A_429] : memref<256x128xf32, #tpu.memory_space<vmem>>[vector<16xi32>, vector<16xi32>], vector<16xf32>,
        %add3A_1854 = arith.addi %broadcast_in_dim3A_1814, %shift_right_arithmetic3A_445 : vector<16xi32>
        %gather3A_1855 = tpu.vector_load_idx %arg5[%add3A_1854, %and3A_448] : memref<256x128xf32, #tpu.memory_space<vmem>>[vector<16xi32>, vector<16xi32>], vector<16xf32>,
        %add3A_1856 = arith.addi %broadcast_in_dim3A_1814, %shift_right_arithmetic3A_464 : vector<16xi32>
        %gather3A_1857 = tpu.vector_load_idx %arg5[%add3A_1856, %and3A_467] : memref<256x128xf32, #tpu.memory_space<vmem>>[vector<16xi32>, vector<16xi32>], vector<16xf32>,
        %add3A_1858 = arith.addi %broadcast_in_dim3A_1814, %shift_right_arithmetic3A_483 : vector<16xi32>
        %gather3A_1859 = tpu.vector_load_idx %arg5[%add3A_1858, %and3A_486] : memref<256x128xf32, #tpu.memory_space<vmem>>[vector<16xi32>, vector<16xi32>], vector<16xf32>,
        %add3A_1860 = arith.addi %broadcast_in_dim3A_1814, %shift_right_arithmetic3A_502 : vector<16xi32>
        %gather3A_1861 = tpu.vector_load_idx %arg5[%add3A_1860, %and3A_505] : memref<256x128xf32, #tpu.memory_space<vmem>>[vector<16xi32>, vector<16xi32>], vector<16xf32>,
        %add3A_1862 = arith.addi %broadcast_in_dim3A_1814, %shift_right_arithmetic3A_521 : vector<16xi32>
        %gather3A_1863 = tpu.vector_load_idx %arg5[%add3A_1862, %and3A_524] : memref<256x128xf32, #tpu.memory_space<vmem>>[vector<16xi32>, vector<16xi32>], vector<16xf32>,
        %add3A_1864 = arith.addi %broadcast_in_dim3A_1814, %shift_right_arithmetic3A_540 : vector<16xi32>
        %gather3A_1865 = tpu.vector_load_idx %arg5[%add3A_1864, %and3A_543] : memref<256x128xf32, #tpu.memory_space<vmem>>[vector<16xi32>, vector<16xi32>], vector<16xf32>,
        %add3A_1866 = arith.addi %broadcast_in_dim3A_1814, %shift_right_arithmetic3A_559 : vector<16xi32>
        %gather3A_1867 = tpu.vector_load_idx %arg5[%add3A_1866, %and3A_562] : memref<256x128xf32, #tpu.memory_space<vmem>>[vector<16xi32>, vector<16xi32>], vector<16xf32>,
        %add3A_1868 = arith.addi %broadcast_in_dim3A_1814, %shift_right_arithmetic3A_578 : vector<16xi32>
        %gather3A_1869 = tpu.vector_load_idx %arg5[%add3A_1868, %and3A_581] : memref<256x128xf32, #tpu.memory_space<vmem>>[vector<16xi32>, vector<16xi32>], vector<16xf32>,
        %add3A_1870 = arith.addi %broadcast_in_dim3A_1814, %shift_right_arithmetic3A_597 : vector<16xi32>
        %gather3A_1871 = tpu.vector_load_idx %arg5[%add3A_1870, %and3A_600] : memref<256x128xf32, #tpu.memory_space<vmem>>[vector<16xi32>, vector<16xi32>], vector<16xf32>,
        %add3A_1872 = arith.addi %broadcast_in_dim3A_1814, %shift_right_arithmetic3A_616 : vector<16xi32>
        %gather3A_1873 = tpu.vector_load_idx %arg5[%add3A_1872, %and3A_619] : memref<256x128xf32, #tpu.memory_space<vmem>>[vector<16xi32>, vector<16xi32>], vector<16xf32>,
        %add3A_1874 = arith.addi %broadcast_in_dim3A_1814, %shift_right_arithmetic3A_635 : vector<16xi32>
        %gather3A_1875 = tpu.vector_load_idx %arg5[%add3A_1874, %and3A_638] : memref<256x128xf32, #tpu.memory_space<vmem>>[vector<16xi32>, vector<16xi32>], vector<16xf32>,
        %add3A_1876 = arith.addi %broadcast_in_dim3A_1814, %shift_right_arithmetic3A_654 : vector<16xi32>
        %gather3A_1877 = tpu.vector_load_idx %arg5[%add3A_1876, %and3A_657] : memref<256x128xf32, #tpu.memory_space<vmem>>[vector<16xi32>, vector<16xi32>], vector<16xf32>,
        %add3A_1878 = arith.addi %broadcast_in_dim3A_1814, %shift_right_arithmetic3A_673 : vector<16xi32>
        %gather3A_1879 = tpu.vector_load_idx %arg5[%add3A_1878, %and3A_676] : memref<256x128xf32, #tpu.memory_space<vmem>>[vector<16xi32>, vector<16xi32>], vector<16xf32>,
        %add3A_1880 = arith.addi %broadcast_in_dim3A_1814, %shift_right_arithmetic3A_692 : vector<16xi32>
        %gather3A_1881 = tpu.vector_load_idx %arg5[%add3A_1880, %and3A_695] : memref<256x128xf32, #tpu.memory_space<vmem>>[vector<16xi32>, vector<16xi32>], vector<16xf32>,
        %add3A_1882 = arith.addi %broadcast_in_dim3A_1814, %shift_right_arithmetic3A_711 : vector<16xi32>
        %gather3A_1883 = tpu.vector_load_idx %arg5[%add3A_1882, %and3A_714] : memref<256x128xf32, #tpu.memory_space<vmem>>[vector<16xi32>, vector<16xi32>], vector<16xf32>,
        %gt3A_1884 = arith.cmpf ogt, %gather3A_1823, %gather3A_1821 : vector<16xf32>
        %max3A_1885 = arith.maximumf %gather3A_1821, %gather3A_1823 : vector<16xf32>
        %select_n3A_1886 = arith.select %gt3A_1884, %and3A_131, %and3A_113 : vector<16xi1>, vector<16xi32>
        %gt3A_1887 = arith.cmpf ogt, %gather3A_1827, %gather3A_1825 : vector<16xf32>
        %max3A_1888 = arith.maximumf %gather3A_1825, %gather3A_1827 : vector<16xf32>
        %select_n3A_1889 = arith.select %gt3A_1887, %and3A_169, %and3A_150 : vector<16xi1>, vector<16xi32>
        %gt3A_1890 = arith.cmpf ogt, %gather3A_1831, %gather3A_1829 : vector<16xf32>
        %max3A_1891 = arith.maximumf %gather3A_1829, %gather3A_1831 : vector<16xf32>
        %select_n3A_1892 = arith.select %gt3A_1890, %and3A_207, %and3A_188 : vector<16xi1>, vector<16xi32>
        %gt3A_1893 = arith.cmpf ogt, %gather3A_1835, %gather3A_1833 : vector<16xf32>
        %max3A_1894 = arith.maximumf %gather3A_1833, %gather3A_1835 : vector<16xf32>
        %select_n3A_1895 = arith.select %gt3A_1893, %and3A_245, %and3A_226 : vector<16xi1>, vector<16xi32>
        %gt3A_1896 = arith.cmpf ogt, %gather3A_1839, %gather3A_1837 : vector<16xf32>
        %max3A_1897 = arith.maximumf %gather3A_1837, %gather3A_1839 : vector<16xf32>
        %select_n3A_1898 = arith.select %gt3A_1896, %and3A_283, %and3A_264 : vector<16xi1>, vector<16xi32>
        %gt3A_1899 = arith.cmpf ogt, %gather3A_1843, %gather3A_1841 : vector<16xf32>
        %max3A_1900 = arith.maximumf %gather3A_1841, %gather3A_1843 : vector<16xf32>
        %select_n3A_1901 = arith.select %gt3A_1899, %and3A_321, %and3A_302 : vector<16xi1>, vector<16xi32>
        %gt3A_1902 = arith.cmpf ogt, %gather3A_1847, %gather3A_1845 : vector<16xf32>
        %max3A_1903 = arith.maximumf %gather3A_1845, %gather3A_1847 : vector<16xf32>
        %select_n3A_1904 = arith.select %gt3A_1902, %and3A_359, %and3A_340 : vector<16xi1>, vector<16xi32>
        %gt3A_1905 = arith.cmpf ogt, %gather3A_1851, %gather3A_1849 : vector<16xf32>
        %max3A_1906 = arith.maximumf %gather3A_1849, %gather3A_1851 : vector<16xf32>
        %select_n3A_1907 = arith.select %gt3A_1905, %and3A_397, %and3A_378 : vector<16xi1>, vector<16xi32>
        %gt3A_1908 = arith.cmpf ogt, %gather3A_1855, %gather3A_1853 : vector<16xf32>
        %max3A_1909 = arith.maximumf %gather3A_1853, %gather3A_1855 : vector<16xf32>
        %select_n3A_1910 = arith.select %gt3A_1908, %and3A_435, %and3A_416 : vector<16xi1>, vector<16xi32>
        %gt3A_1911 = arith.cmpf ogt, %gather3A_1859, %gather3A_1857 : vector<16xf32>
        %max3A_1912 = arith.maximumf %gather3A_1857, %gather3A_1859 : vector<16xf32>
        %select_n3A_1913 = arith.select %gt3A_1911, %and3A_473, %and3A_454 : vector<16xi1>, vector<16xi32>
        %gt3A_1914 = arith.cmpf ogt, %gather3A_1863, %gather3A_1861 : vector<16xf32>
        %max3A_1915 = arith.maximumf %gather3A_1861, %gather3A_1863 : vector<16xf32>
        %select_n3A_1916 = arith.select %gt3A_1914, %and3A_511, %and3A_492 : vector<16xi1>, vector<16xi32>
        %gt3A_1917 = arith.cmpf ogt, %gather3A_1867, %gather3A_1865 : vector<16xf32>
        %max3A_1918 = arith.maximumf %gather3A_1865, %gather3A_1867 : vector<16xf32>
        %select_n3A_1919 = arith.select %gt3A_1917, %and3A_549, %and3A_530 : vector<16xi1>, vector<16xi32>
        %gt3A_1920 = arith.cmpf ogt, %gather3A_1871, %gather3A_1869 : vector<16xf32>
        %max3A_1921 = arith.maximumf %gather3A_1869, %gather3A_1871 : vector<16xf32>
        %select_n3A_1922 = arith.select %gt3A_1920, %and3A_587, %and3A_568 : vector<16xi1>, vector<16xi32>
        %gt3A_1923 = arith.cmpf ogt, %gather3A_1875, %gather3A_1873 : vector<16xf32>
        %max3A_1924 = arith.maximumf %gather3A_1873, %gather3A_1875 : vector<16xf32>
        %select_n3A_1925 = arith.select %gt3A_1923, %and3A_625, %and3A_606 : vector<16xi1>, vector<16xi32>
        %gt3A_1926 = arith.cmpf ogt, %gather3A_1879, %gather3A_1877 : vector<16xf32>
        %max3A_1927 = arith.maximumf %gather3A_1877, %gather3A_1879 : vector<16xf32>
        %select_n3A_1928 = arith.select %gt3A_1926, %and3A_663, %and3A_644 : vector<16xi1>, vector<16xi32>
        %gt3A_1929 = arith.cmpf ogt, %gather3A_1883, %gather3A_1881 : vector<16xf32>
        %max3A_1930 = arith.maximumf %gather3A_1881, %gather3A_1883 : vector<16xf32>
        %select_n3A_1931 = arith.select %gt3A_1929, %and3A_701, %and3A_682 : vector<16xi1>, vector<16xi32>
        %gt3A_1932 = arith.cmpf ogt, %max3A_1888, %max3A_1885 : vector<16xf32>
        %max3A_1933 = arith.maximumf %max3A_1885, %max3A_1888 : vector<16xf32>
        %select_n3A_1934 = arith.select %gt3A_1932, %select_n3A_1889, %select_n3A_1886 : vector<16xi1>, vector<16xi32>
        %gt3A_1935 = arith.cmpf ogt, %max3A_1894, %max3A_1891 : vector<16xf32>
        %max3A_1936 = arith.maximumf %max3A_1891, %max3A_1894 : vector<16xf32>
        %select_n3A_1937 = arith.select %gt3A_1935, %select_n3A_1895, %select_n3A_1892 : vector<16xi1>, vector<16xi32>
        %gt3A_1938 = arith.cmpf ogt, %max3A_1900, %max3A_1897 : vector<16xf32>
        %max3A_1939 = arith.maximumf %max3A_1897, %max3A_1900 : vector<16xf32>
        %select_n3A_1940 = arith.select %gt3A_1938, %select_n3A_1901, %select_n3A_1898 : vector<16xi1>, vector<16xi32>
        %gt3A_1941 = arith.cmpf ogt, %max3A_1906, %max3A_1903 : vector<16xf32>
        %max3A_1942 = arith.maximumf %max3A_1903, %max3A_1906 : vector<16xf32>
        %select_n3A_1943 = arith.select %gt3A_1941, %select_n3A_1907, %select_n3A_1904 : vector<16xi1>, vector<16xi32>
        %gt3A_1944 = arith.cmpf ogt, %max3A_1912, %max3A_1909 : vector<16xf32>
        %max3A_1945 = arith.maximumf %max3A_1909, %max3A_1912 : vector<16xf32>
        %select_n3A_1946 = arith.select %gt3A_1944, %select_n3A_1913, %select_n3A_1910 : vector<16xi1>, vector<16xi32>
        %gt3A_1947 = arith.cmpf ogt, %max3A_1918, %max3A_1915 : vector<16xf32>
        %max3A_1948 = arith.maximumf %max3A_1915, %max3A_1918 : vector<16xf32>
        %select_n3A_1949 = arith.select %gt3A_1947, %select_n3A_1919, %select_n3A_1916 : vector<16xi1>, vector<16xi32>
        %gt3A_1950 = arith.cmpf ogt, %max3A_1924, %max3A_1921 : vector<16xf32>
        %max3A_1951 = arith.maximumf %max3A_1921, %max3A_1924 : vector<16xf32>
        %select_n3A_1952 = arith.select %gt3A_1950, %select_n3A_1925, %select_n3A_1922 : vector<16xi1>, vector<16xi32>
        %gt3A_1953 = arith.cmpf ogt, %max3A_1930, %max3A_1927 : vector<16xf32>
        %max3A_1954 = arith.maximumf %max3A_1927, %max3A_1930 : vector<16xf32>
        %select_n3A_1955 = arith.select %gt3A_1953, %select_n3A_1931, %select_n3A_1928 : vector<16xi1>, vector<16xi32>
        %gt3A_1956 = arith.cmpf ogt, %max3A_1936, %max3A_1933 : vector<16xf32>
        %max3A_1957 = arith.maximumf %max3A_1933, %max3A_1936 : vector<16xf32>
        %select_n3A_1958 = arith.select %gt3A_1956, %select_n3A_1937, %select_n3A_1934 : vector<16xi1>, vector<16xi32>
        %gt3A_1959 = arith.cmpf ogt, %max3A_1942, %max3A_1939 : vector<16xf32>
        %max3A_1960 = arith.maximumf %max3A_1939, %max3A_1942 : vector<16xf32>
        %select_n3A_1961 = arith.select %gt3A_1959, %select_n3A_1943, %select_n3A_1940 : vector<16xi1>, vector<16xi32>
        %gt3A_1962 = arith.cmpf ogt, %max3A_1948, %max3A_1945 : vector<16xf32>
        %max3A_1963 = arith.maximumf %max3A_1945, %max3A_1948 : vector<16xf32>
        %select_n3A_1964 = arith.select %gt3A_1962, %select_n3A_1949, %select_n3A_1946 : vector<16xi1>, vector<16xi32>
        %gt3A_1965 = arith.cmpf ogt, %max3A_1954, %max3A_1951 : vector<16xf32>
        %max3A_1966 = arith.maximumf %max3A_1951, %max3A_1954 : vector<16xf32>
        %select_n3A_1967 = arith.select %gt3A_1965, %select_n3A_1955, %select_n3A_1952 : vector<16xi1>, vector<16xi32>
        %gt3A_1968 = arith.cmpf ogt, %max3A_1960, %max3A_1957 : vector<16xf32>
        %max3A_1969 = arith.maximumf %max3A_1957, %max3A_1960 : vector<16xf32>
        %select_n3A_1970 = arith.select %gt3A_1968, %select_n3A_1961, %select_n3A_1958 : vector<16xi1>, vector<16xi32>
        %gt3A_1971 = arith.cmpf ogt, %max3A_1966, %max3A_1963 : vector<16xf32>
        %max3A_1972 = arith.maximumf %max3A_1963, %max3A_1966 : vector<16xf32>
        %select_n3A_1973 = arith.select %gt3A_1971, %select_n3A_1967, %select_n3A_1964 : vector<16xi1>, vector<16xi32>
        %gt3A_1974 = arith.cmpf ogt, %max3A_1972, %max3A_1969 : vector<16xf32>
        %max3A_1975 = arith.maximumf %max3A_1969, %max3A_1972 : vector<16xf32>
        %select_n3A_1976 = arith.select %gt3A_1974, %select_n3A_1973, %select_n3A_1970 : vector<16xi1>, vector<16xi32>
        %get3A_1977 = arith.index_cast %multiple_of3A_1819 : i32 to index
        %get3A_1978 = tpu.vector_load %arg7[%get3A_1977] {strides = array<i32>} : memref<1024xi32, #tpu.memory_space<vmem>>, vector<16xi32>,
        %eq3A_1979 = arith.cmpi eq, %select_n3A_1976, %get3A_1978 : vector<16xi32>
        %select_n3A_1980 = arith.select %eq3A_1979, %broadcast_in_dim3A_5, %broadcast_in_dim3A_3 : vector<16xi1>, vector<16xf32>
        %neg3A_1981 = arith.constant 0.000000e+00 : f32
        %neg3A_1982 = vector.broadcast %neg3A_1981 : f32 to vector<16xf32>
        %neg3A_1983 = arith.subf %neg3A_1982, %max3A_1975 : vector<16xf32>
        %exp3A_1984 = math.exp %neg3A_1983 : vector<16xf32>
        %add3A_1985 = arith.addf %broadcast_in_dim3A_5, %exp3A_1984 : vector<16xf32>
        %div3A_1986 = arith.divf %broadcast_in_dim3A_5, %add3A_1985 : vector<16xf32>
        %mul3A_1987 = arith.constant 1.500000e+01 : f32
        %mul3A_1988 = vector.broadcast %mul3A_1987 : f32 to vector<16xf32>
        %mul3A_1989 = arith.mulf %div3A_1986, %mul3A_1988 : vector<16xf32>
        %convert_element_type3A_1990 = arith.fptosi %mul3A_1989 : vector<16xf32> to vector<16xi32>
        %min3A_1991 = arith.minsi %convert_element_type3A_1990, %broadcast_in_dim3A_13 : vector<16xi32>
        %shift_left3A_1992 = arith.constant 4 : i32
        %shift_left3A_1993 = vector.broadcast %shift_left3A_1992 : i32 to vector<16xi32>
        %shift_left3A_1994 = arith.shli %min3A_1991, %shift_left3A_1993 : vector<16xi32>
        %add3A_1995 = arith.addi %shift_left3A_1994, %iota3A : vector<16xi32>
        tpu.vector_store_idx %arg9[%add3A_1995], %div3A_1986 {add = true} : memref<768xf32, #tpu.memory_space<vmem>>[vector<16xi32>], vector<16xf32>,
        %broadcast_in_dim3A_1996 = arith.constant 256 : i32
        %broadcast_in_dim3A_1997 = vector.broadcast %broadcast_in_dim3A_1996 : i32 to vector<16xi32>
        %add3A_1998 = arith.addi %add3A_1995, %broadcast_in_dim3A_1997 : vector<16xi32>
        tpu.vector_store_idx %arg9[%add3A_1998], %select_n3A_1980 {add = true} : memref<768xf32, #tpu.memory_space<vmem>>[vector<16xi32>], vector<16xf32>,
        %broadcast_in_dim3A_1999 = arith.constant 512 : i32
        %broadcast_in_dim3A_2000 = vector.broadcast %broadcast_in_dim3A_1999 : i32 to vector<16xi32>
        %add3A_2001 = arith.addi %add3A_1995, %broadcast_in_dim3A_2000 : vector<16xi32>
        tpu.vector_store_idx %arg9[%add3A_2001], %broadcast_in_dim3A_5 {add = true} : memref<768xf32, #tpu.memory_space<vmem>>[vector<16xi32>], vector<16xf32>,
        %mul3A_2002 = arith.constant 32 : i32
        %mul3A_2003 = arith.muli %add3A_1810, %mul3A_2002 : i32
        %add3A_2004 = arith.constant 16 : i32
        %add3A_2005 = arith.addi %mul3A_2003, %add3A_2004 : i32
        %multiple_of3A_2006 = tpu.assume_multiple %add3A_2005, 16 : i32
        %add3A_2007 = arith.addi %broadcast_in_dim3A_1814, %shift_right_arithmetic3A_730 : vector<16xi32>
        %gather3A_2008 = tpu.vector_load_idx %arg5[%add3A_2007, %and3A_733] : memref<256x128xf32, #tpu.memory_space<vmem>>[vector<16xi32>, vector<16xi32>], vector<16xf32>,
        %add3A_2009 = arith.addi %broadcast_in_dim3A_1814, %shift_right_arithmetic3A_749 : vector<16xi32>
        %gather3A_2010 = tpu.vector_load_idx %arg5[%add3A_2009, %and3A_752] : memref<256x128xf32, #tpu.memory_space<vmem>>[vector<16xi32>, vector<16xi32>], vector<16xf32>,
        %add3A_2011 = arith.addi %broadcast_in_dim3A_1814, %shift_right_arithmetic3A_768 : vector<16xi32>
        %gather3A_2012 = tpu.vector_load_idx %arg5[%add3A_2011, %and3A_771] : memref<256x128xf32, #tpu.memory_space<vmem>>[vector<16xi32>, vector<16xi32>], vector<16xf32>,
        %add3A_2013 = arith.addi %broadcast_in_dim3A_1814, %shift_right_arithmetic3A_787 : vector<16xi32>
        %gather3A_2014 = tpu.vector_load_idx %arg5[%add3A_2013, %and3A_790] : memref<256x128xf32, #tpu.memory_space<vmem>>[vector<16xi32>, vector<16xi32>], vector<16xf32>,
        %add3A_2015 = arith.addi %broadcast_in_dim3A_1814, %shift_right_arithmetic3A_806 : vector<16xi32>
        %gather3A_2016 = tpu.vector_load_idx %arg5[%add3A_2015, %and3A_809] : memref<256x128xf32, #tpu.memory_space<vmem>>[vector<16xi32>, vector<16xi32>], vector<16xf32>,
        %add3A_2017 = arith.addi %broadcast_in_dim3A_1814, %shift_right_arithmetic3A_825 : vector<16xi32>
        %gather3A_2018 = tpu.vector_load_idx %arg5[%add3A_2017, %and3A_828] : memref<256x128xf32, #tpu.memory_space<vmem>>[vector<16xi32>, vector<16xi32>], vector<16xf32>,
        %add3A_2019 = arith.addi %broadcast_in_dim3A_1814, %shift_right_arithmetic3A_844 : vector<16xi32>
        %gather3A_2020 = tpu.vector_load_idx %arg5[%add3A_2019, %and3A_847] : memref<256x128xf32, #tpu.memory_space<vmem>>[vector<16xi32>, vector<16xi32>], vector<16xf32>,
        %add3A_2021 = arith.addi %broadcast_in_dim3A_1814, %shift_right_arithmetic3A_863 : vector<16xi32>
        %gather3A_2022 = tpu.vector_load_idx %arg5[%add3A_2021, %and3A_866] : memref<256x128xf32, #tpu.memory_space<vmem>>[vector<16xi32>, vector<16xi32>], vector<16xf32>,
        %add3A_2023 = arith.addi %broadcast_in_dim3A_1814, %shift_right_arithmetic3A_882 : vector<16xi32>
        %gather3A_2024 = tpu.vector_load_idx %arg5[%add3A_2023, %and3A_885] : memref<256x128xf32, #tpu.memory_space<vmem>>[vector<16xi32>, vector<16xi32>], vector<16xf32>,
        %add3A_2025 = arith.addi %broadcast_in_dim3A_1814, %shift_right_arithmetic3A_901 : vector<16xi32>
        %gather3A_2026 = tpu.vector_load_idx %arg5[%add3A_2025, %and3A_904] : memref<256x128xf32, #tpu.memory_space<vmem>>[vector<16xi32>, vector<16xi32>], vector<16xf32>,
        %add3A_2027 = arith.addi %broadcast_in_dim3A_1814, %shift_right_arithmetic3A_920 : vector<16xi32>
        %gather3A_2028 = tpu.vector_load_idx %arg5[%add3A_2027, %and3A_923] : memref<256x128xf32, #tpu.memory_space<vmem>>[vector<16xi32>, vector<16xi32>], vector<16xf32>,
        %add3A_2029 = arith.addi %broadcast_in_dim3A_1814, %shift_right_arithmetic3A_939 : vector<16xi32>
        %gather3A_2030 = tpu.vector_load_idx %arg5[%add3A_2029, %and3A_942] : memref<256x128xf32, #tpu.memory_space<vmem>>[vector<16xi32>, vector<16xi32>], vector<16xf32>,
        %add3A_2031 = arith.addi %broadcast_in_dim3A_1814, %shift_right_arithmetic3A_958 : vector<16xi32>
        %gather3A_2032 = tpu.vector_load_idx %arg5[%add3A_2031, %and3A_961] : memref<256x128xf32, #tpu.memory_space<vmem>>[vector<16xi32>, vector<16xi32>], vector<16xf32>,
        %add3A_2033 = arith.addi %broadcast_in_dim3A_1814, %shift_right_arithmetic3A_977 : vector<16xi32>
        %gather3A_2034 = tpu.vector_load_idx %arg5[%add3A_2033, %and3A_980] : memref<256x128xf32, #tpu.memory_space<vmem>>[vector<16xi32>, vector<16xi32>], vector<16xf32>,
        %add3A_2035 = arith.addi %broadcast_in_dim3A_1814, %shift_right_arithmetic3A_996 : vector<16xi32>
        %gather3A_2036 = tpu.vector_load_idx %arg5[%add3A_2035, %and3A_999] : memref<256x128xf32, #tpu.memory_space<vmem>>[vector<16xi32>, vector<16xi32>], vector<16xf32>,
        %add3A_2037 = arith.addi %broadcast_in_dim3A_1814, %shift_right_arithmetic3A_1015 : vector<16xi32>
        %gather3A_2038 = tpu.vector_load_idx %arg5[%add3A_2037, %and3A_1018] : memref<256x128xf32, #tpu.memory_space<vmem>>[vector<16xi32>, vector<16xi32>], vector<16xf32>,
        %add3A_2039 = arith.addi %broadcast_in_dim3A_1814, %shift_right_arithmetic3A_1034 : vector<16xi32>
        %gather3A_2040 = tpu.vector_load_idx %arg5[%add3A_2039, %and3A_1037] : memref<256x128xf32, #tpu.memory_space<vmem>>[vector<16xi32>, vector<16xi32>], vector<16xf32>,
        %add3A_2041 = arith.addi %broadcast_in_dim3A_1814, %shift_right_arithmetic3A_1053 : vector<16xi32>
        %gather3A_2042 = tpu.vector_load_idx %arg5[%add3A_2041, %and3A_1056] : memref<256x128xf32, #tpu.memory_space<vmem>>[vector<16xi32>, vector<16xi32>], vector<16xf32>,
        %add3A_2043 = arith.addi %broadcast_in_dim3A_1814, %shift_right_arithmetic3A_1072 : vector<16xi32>
        %gather3A_2044 = tpu.vector_load_idx %arg5[%add3A_2043, %and3A_1075] : memref<256x128xf32, #tpu.memory_space<vmem>>[vector<16xi32>, vector<16xi32>], vector<16xf32>,
        %add3A_2045 = arith.addi %broadcast_in_dim3A_1814, %shift_right_arithmetic3A_1091 : vector<16xi32>
        %gather3A_2046 = tpu.vector_load_idx %arg5[%add3A_2045, %and3A_1094] : memref<256x128xf32, #tpu.memory_space<vmem>>[vector<16xi32>, vector<16xi32>], vector<16xf32>,
        %add3A_2047 = arith.addi %broadcast_in_dim3A_1814, %shift_right_arithmetic3A_1110 : vector<16xi32>
        %gather3A_2048 = tpu.vector_load_idx %arg5[%add3A_2047, %and3A_1113] : memref<256x128xf32, #tpu.memory_space<vmem>>[vector<16xi32>, vector<16xi32>], vector<16xf32>,
        %add3A_2049 = arith.addi %broadcast_in_dim3A_1814, %shift_right_arithmetic3A_1129 : vector<16xi32>
        %gather3A_2050 = tpu.vector_load_idx %arg5[%add3A_2049, %and3A_1132] : memref<256x128xf32, #tpu.memory_space<vmem>>[vector<16xi32>, vector<16xi32>], vector<16xf32>,
        %add3A_2051 = arith.addi %broadcast_in_dim3A_1814, %shift_right_arithmetic3A_1148 : vector<16xi32>
        %gather3A_2052 = tpu.vector_load_idx %arg5[%add3A_2051, %and3A_1151] : memref<256x128xf32, #tpu.memory_space<vmem>>[vector<16xi32>, vector<16xi32>], vector<16xf32>,
        %add3A_2053 = arith.addi %broadcast_in_dim3A_1814, %shift_right_arithmetic3A_1167 : vector<16xi32>
        %gather3A_2054 = tpu.vector_load_idx %arg5[%add3A_2053, %and3A_1170] : memref<256x128xf32, #tpu.memory_space<vmem>>[vector<16xi32>, vector<16xi32>], vector<16xf32>,
        %add3A_2055 = arith.addi %broadcast_in_dim3A_1814, %shift_right_arithmetic3A_1186 : vector<16xi32>
        %gather3A_2056 = tpu.vector_load_idx %arg5[%add3A_2055, %and3A_1189] : memref<256x128xf32, #tpu.memory_space<vmem>>[vector<16xi32>, vector<16xi32>], vector<16xf32>,
        %add3A_2057 = arith.addi %broadcast_in_dim3A_1814, %shift_right_arithmetic3A_1205 : vector<16xi32>
        %gather3A_2058 = tpu.vector_load_idx %arg5[%add3A_2057, %and3A_1208] : memref<256x128xf32, #tpu.memory_space<vmem>>[vector<16xi32>, vector<16xi32>], vector<16xf32>,
        %add3A_2059 = arith.addi %broadcast_in_dim3A_1814, %shift_right_arithmetic3A_1224 : vector<16xi32>
        %gather3A_2060 = tpu.vector_load_idx %arg5[%add3A_2059, %and3A_1227] : memref<256x128xf32, #tpu.memory_space<vmem>>[vector<16xi32>, vector<16xi32>], vector<16xf32>,
        %add3A_2061 = arith.addi %broadcast_in_dim3A_1814, %shift_right_arithmetic3A_1243 : vector<16xi32>
        %gather3A_2062 = tpu.vector_load_idx %arg5[%add3A_2061, %and3A_1246] : memref<256x128xf32, #tpu.memory_space<vmem>>[vector<16xi32>, vector<16xi32>], vector<16xf32>,
        %add3A_2063 = arith.addi %broadcast_in_dim3A_1814, %shift_right_arithmetic3A_1262 : vector<16xi32>
        %gather3A_2064 = tpu.vector_load_idx %arg5[%add3A_2063, %and3A_1265] : memref<256x128xf32, #tpu.memory_space<vmem>>[vector<16xi32>, vector<16xi32>], vector<16xf32>,
        %add3A_2065 = arith.addi %broadcast_in_dim3A_1814, %shift_right_arithmetic3A_1281 : vector<16xi32>
        %gather3A_2066 = tpu.vector_load_idx %arg5[%add3A_2065, %and3A_1284] : memref<256x128xf32, #tpu.memory_space<vmem>>[vector<16xi32>, vector<16xi32>], vector<16xf32>,
        %add3A_2067 = arith.addi %broadcast_in_dim3A_1814, %shift_right_arithmetic3A_1300 : vector<16xi32>
        %gather3A_2068 = tpu.vector_load_idx %arg5[%add3A_2067, %and3A_1303] : memref<256x128xf32, #tpu.memory_space<vmem>>[vector<16xi32>, vector<16xi32>], vector<16xf32>,
        %add3A_2069 = arith.addi %broadcast_in_dim3A_1814, %shift_right_arithmetic3A_1319 : vector<16xi32>
        %gather3A_2070 = tpu.vector_load_idx %arg5[%add3A_2069, %and3A_1322] : memref<256x128xf32, #tpu.memory_space<vmem>>[vector<16xi32>, vector<16xi32>], vector<16xf32>,
        %gt3A_2071 = arith.cmpf ogt, %gather3A_2010, %gather3A_2008 : vector<16xf32>
        %max3A_2072 = arith.maximumf %gather3A_2008, %gather3A_2010 : vector<16xf32>
        %select_n3A_2073 = arith.select %gt3A_2071, %and3A_739, %and3A_720 : vector<16xi1>, vector<16xi32>
        %gt3A_2074 = arith.cmpf ogt, %gather3A_2014, %gather3A_2012 : vector<16xf32>
        %max3A_2075 = arith.maximumf %gather3A_2012, %gather3A_2014 : vector<16xf32>
        %select_n3A_2076 = arith.select %gt3A_2074, %and3A_777, %and3A_758 : vector<16xi1>, vector<16xi32>
        %gt3A_2077 = arith.cmpf ogt, %gather3A_2018, %gather3A_2016 : vector<16xf32>
        %max3A_2078 = arith.maximumf %gather3A_2016, %gather3A_2018 : vector<16xf32>
        %select_n3A_2079 = arith.select %gt3A_2077, %and3A_815, %and3A_796 : vector<16xi1>, vector<16xi32>
        %gt3A_2080 = arith.cmpf ogt, %gather3A_2022, %gather3A_2020 : vector<16xf32>
        %max3A_2081 = arith.maximumf %gather3A_2020, %gather3A_2022 : vector<16xf32>
        %select_n3A_2082 = arith.select %gt3A_2080, %and3A_853, %and3A_834 : vector<16xi1>, vector<16xi32>
        %gt3A_2083 = arith.cmpf ogt, %gather3A_2026, %gather3A_2024 : vector<16xf32>
        %max3A_2084 = arith.maximumf %gather3A_2024, %gather3A_2026 : vector<16xf32>
        %select_n3A_2085 = arith.select %gt3A_2083, %and3A_891, %and3A_872 : vector<16xi1>, vector<16xi32>
        %gt3A_2086 = arith.cmpf ogt, %gather3A_2030, %gather3A_2028 : vector<16xf32>
        %max3A_2087 = arith.maximumf %gather3A_2028, %gather3A_2030 : vector<16xf32>
        %select_n3A_2088 = arith.select %gt3A_2086, %and3A_929, %and3A_910 : vector<16xi1>, vector<16xi32>
        %gt3A_2089 = arith.cmpf ogt, %gather3A_2034, %gather3A_2032 : vector<16xf32>
        %max3A_2090 = arith.maximumf %gather3A_2032, %gather3A_2034 : vector<16xf32>
        %select_n3A_2091 = arith.select %gt3A_2089, %and3A_967, %and3A_948 : vector<16xi1>, vector<16xi32>
        %gt3A_2092 = arith.cmpf ogt, %gather3A_2038, %gather3A_2036 : vector<16xf32>
        %max3A_2093 = arith.maximumf %gather3A_2036, %gather3A_2038 : vector<16xf32>
        %select_n3A_2094 = arith.select %gt3A_2092, %and3A_1005, %and3A_986 : vector<16xi1>, vector<16xi32>
        %gt3A_2095 = arith.cmpf ogt, %gather3A_2042, %gather3A_2040 : vector<16xf32>
        %max3A_2096 = arith.maximumf %gather3A_2040, %gather3A_2042 : vector<16xf32>
        %select_n3A_2097 = arith.select %gt3A_2095, %and3A_1043, %and3A_1024 : vector<16xi1>, vector<16xi32>
        %gt3A_2098 = arith.cmpf ogt, %gather3A_2046, %gather3A_2044 : vector<16xf32>
        %max3A_2099 = arith.maximumf %gather3A_2044, %gather3A_2046 : vector<16xf32>
        %select_n3A_2100 = arith.select %gt3A_2098, %and3A_1081, %and3A_1062 : vector<16xi1>, vector<16xi32>
        %gt3A_2101 = arith.cmpf ogt, %gather3A_2050, %gather3A_2048 : vector<16xf32>
        %max3A_2102 = arith.maximumf %gather3A_2048, %gather3A_2050 : vector<16xf32>
        %select_n3A_2103 = arith.select %gt3A_2101, %and3A_1119, %and3A_1100 : vector<16xi1>, vector<16xi32>
        %gt3A_2104 = arith.cmpf ogt, %gather3A_2054, %gather3A_2052 : vector<16xf32>
        %max3A_2105 = arith.maximumf %gather3A_2052, %gather3A_2054 : vector<16xf32>
        %select_n3A_2106 = arith.select %gt3A_2104, %and3A_1157, %and3A_1138 : vector<16xi1>, vector<16xi32>
        %gt3A_2107 = arith.cmpf ogt, %gather3A_2058, %gather3A_2056 : vector<16xf32>
        %max3A_2108 = arith.maximumf %gather3A_2056, %gather3A_2058 : vector<16xf32>
        %select_n3A_2109 = arith.select %gt3A_2107, %and3A_1195, %and3A_1176 : vector<16xi1>, vector<16xi32>
        %gt3A_2110 = arith.cmpf ogt, %gather3A_2062, %gather3A_2060 : vector<16xf32>
        %max3A_2111 = arith.maximumf %gather3A_2060, %gather3A_2062 : vector<16xf32>
        %select_n3A_2112 = arith.select %gt3A_2110, %and3A_1233, %and3A_1214 : vector<16xi1>, vector<16xi32>
        %gt3A_2113 = arith.cmpf ogt, %gather3A_2066, %gather3A_2064 : vector<16xf32>
        %max3A_2114 = arith.maximumf %gather3A_2064, %gather3A_2066 : vector<16xf32>
        %select_n3A_2115 = arith.select %gt3A_2113, %and3A_1271, %and3A_1252 : vector<16xi1>, vector<16xi32>
        %gt3A_2116 = arith.cmpf ogt, %gather3A_2070, %gather3A_2068 : vector<16xf32>
        %max3A_2117 = arith.maximumf %gather3A_2068, %gather3A_2070 : vector<16xf32>
        %select_n3A_2118 = arith.select %gt3A_2116, %and3A_1309, %and3A_1290 : vector<16xi1>, vector<16xi32>
        %gt3A_2119 = arith.cmpf ogt, %max3A_2075, %max3A_2072 : vector<16xf32>
        %max3A_2120 = arith.maximumf %max3A_2072, %max3A_2075 : vector<16xf32>
        %select_n3A_2121 = arith.select %gt3A_2119, %select_n3A_2076, %select_n3A_2073 : vector<16xi1>, vector<16xi32>
        %gt3A_2122 = arith.cmpf ogt, %max3A_2081, %max3A_2078 : vector<16xf32>
        %max3A_2123 = arith.maximumf %max3A_2078, %max3A_2081 : vector<16xf32>
        %select_n3A_2124 = arith.select %gt3A_2122, %select_n3A_2082, %select_n3A_2079 : vector<16xi1>, vector<16xi32>
        %gt3A_2125 = arith.cmpf ogt, %max3A_2087, %max3A_2084 : vector<16xf32>
        %max3A_2126 = arith.maximumf %max3A_2084, %max3A_2087 : vector<16xf32>
        %select_n3A_2127 = arith.select %gt3A_2125, %select_n3A_2088, %select_n3A_2085 : vector<16xi1>, vector<16xi32>
        %gt3A_2128 = arith.cmpf ogt, %max3A_2093, %max3A_2090 : vector<16xf32>
        %max3A_2129 = arith.maximumf %max3A_2090, %max3A_2093 : vector<16xf32>
        %select_n3A_2130 = arith.select %gt3A_2128, %select_n3A_2094, %select_n3A_2091 : vector<16xi1>, vector<16xi32>
        %gt3A_2131 = arith.cmpf ogt, %max3A_2099, %max3A_2096 : vector<16xf32>
        %max3A_2132 = arith.maximumf %max3A_2096, %max3A_2099 : vector<16xf32>
        %select_n3A_2133 = arith.select %gt3A_2131, %select_n3A_2100, %select_n3A_2097 : vector<16xi1>, vector<16xi32>
        %gt3A_2134 = arith.cmpf ogt, %max3A_2105, %max3A_2102 : vector<16xf32>
        %max3A_2135 = arith.maximumf %max3A_2102, %max3A_2105 : vector<16xf32>
        %select_n3A_2136 = arith.select %gt3A_2134, %select_n3A_2106, %select_n3A_2103 : vector<16xi1>, vector<16xi32>
        %gt3A_2137 = arith.cmpf ogt, %max3A_2111, %max3A_2108 : vector<16xf32>
        %max3A_2138 = arith.maximumf %max3A_2108, %max3A_2111 : vector<16xf32>
        %select_n3A_2139 = arith.select %gt3A_2137, %select_n3A_2112, %select_n3A_2109 : vector<16xi1>, vector<16xi32>
        %gt3A_2140 = arith.cmpf ogt, %max3A_2117, %max3A_2114 : vector<16xf32>
        %max3A_2141 = arith.maximumf %max3A_2114, %max3A_2117 : vector<16xf32>
        %select_n3A_2142 = arith.select %gt3A_2140, %select_n3A_2118, %select_n3A_2115 : vector<16xi1>, vector<16xi32>
        %gt3A_2143 = arith.cmpf ogt, %max3A_2123, %max3A_2120 : vector<16xf32>
        %max3A_2144 = arith.maximumf %max3A_2120, %max3A_2123 : vector<16xf32>
        %select_n3A_2145 = arith.select %gt3A_2143, %select_n3A_2124, %select_n3A_2121 : vector<16xi1>, vector<16xi32>
        %gt3A_2146 = arith.cmpf ogt, %max3A_2129, %max3A_2126 : vector<16xf32>
        %max3A_2147 = arith.maximumf %max3A_2126, %max3A_2129 : vector<16xf32>
        %select_n3A_2148 = arith.select %gt3A_2146, %select_n3A_2130, %select_n3A_2127 : vector<16xi1>, vector<16xi32>
        %gt3A_2149 = arith.cmpf ogt, %max3A_2135, %max3A_2132 : vector<16xf32>
        %max3A_2150 = arith.maximumf %max3A_2132, %max3A_2135 : vector<16xf32>
        %select_n3A_2151 = arith.select %gt3A_2149, %select_n3A_2136, %select_n3A_2133 : vector<16xi1>, vector<16xi32>
        %gt3A_2152 = arith.cmpf ogt, %max3A_2141, %max3A_2138 : vector<16xf32>
        %max3A_2153 = arith.maximumf %max3A_2138, %max3A_2141 : vector<16xf32>
        %select_n3A_2154 = arith.select %gt3A_2152, %select_n3A_2142, %select_n3A_2139 : vector<16xi1>, vector<16xi32>
        %gt3A_2155 = arith.cmpf ogt, %max3A_2147, %max3A_2144 : vector<16xf32>
        %max3A_2156 = arith.maximumf %max3A_2144, %max3A_2147 : vector<16xf32>
        %select_n3A_2157 = arith.select %gt3A_2155, %select_n3A_2148, %select_n3A_2145 : vector<16xi1>, vector<16xi32>
        %gt3A_2158 = arith.cmpf ogt, %max3A_2153, %max3A_2150 : vector<16xf32>
        %max3A_2159 = arith.maximumf %max3A_2150, %max3A_2153 : vector<16xf32>
        %select_n3A_2160 = arith.select %gt3A_2158, %select_n3A_2154, %select_n3A_2151 : vector<16xi1>, vector<16xi32>
        %gt3A_2161 = arith.cmpf ogt, %max3A_2159, %max3A_2156 : vector<16xf32>
        %max3A_2162 = arith.maximumf %max3A_2156, %max3A_2159 : vector<16xf32>
        %select_n3A_2163 = arith.select %gt3A_2161, %select_n3A_2160, %select_n3A_2157 : vector<16xi1>, vector<16xi32>
        %get3A_2164 = arith.index_cast %multiple_of3A_2006 : i32 to index
        %get3A_2165 = tpu.vector_load %arg7[%get3A_2164] {strides = array<i32>} : memref<1024xi32, #tpu.memory_space<vmem>>, vector<16xi32>,
        %eq3A_2166 = arith.cmpi eq, %select_n3A_2163, %get3A_2165 : vector<16xi32>
        %select_n3A_2167 = arith.select %eq3A_2166, %broadcast_in_dim3A_5, %broadcast_in_dim3A_3 : vector<16xi1>, vector<16xf32>
        %neg3A_2168 = arith.constant 0.000000e+00 : f32
        %neg3A_2169 = vector.broadcast %neg3A_2168 : f32 to vector<16xf32>
        %neg3A_2170 = arith.subf %neg3A_2169, %max3A_2162 : vector<16xf32>
        %exp3A_2171 = math.exp %neg3A_2170 : vector<16xf32>
        %add3A_2172 = arith.addf %broadcast_in_dim3A_5, %exp3A_2171 : vector<16xf32>
        %div3A_2173 = arith.divf %broadcast_in_dim3A_5, %add3A_2172 : vector<16xf32>
        %mul3A_2174 = arith.constant 1.500000e+01 : f32
        %mul3A_2175 = vector.broadcast %mul3A_2174 : f32 to vector<16xf32>
        %mul3A_2176 = arith.mulf %div3A_2173, %mul3A_2175 : vector<16xf32>
        %convert_element_type3A_2177 = arith.fptosi %mul3A_2176 : vector<16xf32> to vector<16xi32>
        %min3A_2178 = arith.minsi %convert_element_type3A_2177, %broadcast_in_dim3A_13 : vector<16xi32>
        %shift_left3A_2179 = arith.constant 4 : i32
        %shift_left3A_2180 = vector.broadcast %shift_left3A_2179 : i32 to vector<16xi32>
        %shift_left3A_2181 = arith.shli %min3A_2178, %shift_left3A_2180 : vector<16xi32>
        %add3A_2182 = arith.addi %shift_left3A_2181, %iota3A : vector<16xi32>
        tpu.vector_store_idx %arg9[%add3A_2182], %div3A_2173 {add = true} : memref<768xf32, #tpu.memory_space<vmem>>[vector<16xi32>], vector<16xf32>,
        %broadcast_in_dim3A_2183 = arith.constant 256 : i32
        %broadcast_in_dim3A_2184 = vector.broadcast %broadcast_in_dim3A_2183 : i32 to vector<16xi32>
        %add3A_2185 = arith.addi %add3A_2182, %broadcast_in_dim3A_2184 : vector<16xi32>
        tpu.vector_store_idx %arg9[%add3A_2185], %select_n3A_2167 {add = true} : memref<768xf32, #tpu.memory_space<vmem>>[vector<16xi32>], vector<16xf32>,
        %broadcast_in_dim3A_2186 = arith.constant 512 : i32
        %broadcast_in_dim3A_2187 = vector.broadcast %broadcast_in_dim3A_2186 : i32 to vector<16xi32>
        %add3A_2188 = arith.addi %add3A_2182, %broadcast_in_dim3A_2187 : vector<16xi32>
        tpu.vector_store_idx %arg9[%add3A_2188], %broadcast_in_dim3A_5 {add = true} : memref<768xf32, #tpu.memory_space<vmem>>[vector<16xi32>], vector<16xf32>,
      }
      %scan3A_1408 = arith.constant 32 : i32
      %lt3A = arith.constant 31 : i32
      %lt3A_1409 = arith.cmpi slt, %add3A_1394, %lt3A : i32
      %convert_element_type3A = arith.extui %lt3A_1409 : i1 to i32
      %cond3A = arith.constant 0 : i32
      %cond3A_1410 = arith.cmpi ne, %convert_element_type3A, %cond3A : i32
      scf.if %cond3A_1410 {
        %mul3A_1431 = arith.constant 2 : i32
        %mul3A_1432 = arith.muli %add3A_1394, %mul3A_1431 : i32
        %add3A_1433 = arith.constant 0 : i32
        %add3A_1434 = arith.addi %mul3A_1432, %add3A_1433 : i32
        %add3A_1435 = arith.constant 2 : i32
        %add3A_1436 = arith.addi %add3A_1434, %add3A_1435 : i32
        %mul3A_1437 = arith.constant 1024 : i32
        %mul3A_1438 = arith.muli %add3A_1436, %mul3A_1437 : i32
        %add3A_1439 = arith.addi %mul3A_2, %mul3A_1438 : i32
        %multiple_of3A_1440 = tpu.assume_multiple %add3A_1439, 1024 : i32
        %mul3A_1441 = arith.constant 1024 : i32
        %mul3A_1442 = arith.muli %add3A_1436, %mul3A_1441 : i32
        %add3A_1443 = arith.addi %mul3A_2, %mul3A_1442 : i32
        %jit3A_1444 = arith.constant 4 : i32
        %div3A_1445 = arith.divsi %add3A_1443, %jit3A_1444 : i32
        %sign3A_1446 = arith.constant 0 : i32
        %sign3A_1447 = arith.cmpi sgt, %add3A_1443, %sign3A_1446 : i32
        %sign3A_1448 = arith.extui %sign3A_1447 : i1 to i32
        %sign3A_1449 = arith.constant 0 : i32
        %sign3A_1450 = arith.cmpi slt, %add3A_1443, %sign3A_1449 : i32
        %sign3A_1451 = arith.extui %sign3A_1450 : i1 to i32
        %sign3A_1452 = arith.subi %sign3A_1448, %sign3A_1451 : i32
        %sign3A_1453 = arith.constant 0 : i32
        %sign3A_1454 = arith.cmpi sgt, %jit3A_1444, %sign3A_1453 : i32
        %sign3A_1455 = arith.extui %sign3A_1454 : i1 to i32
        %sign3A_1456 = arith.constant 0 : i32
        %sign3A_1457 = arith.cmpi slt, %jit3A_1444, %sign3A_1456 : i32
        %sign3A_1458 = arith.extui %sign3A_1457 : i1 to i32
        %sign3A_1459 = arith.subi %sign3A_1455, %sign3A_1458 : i32
        %ne3A_1460 = arith.cmpi ne, %sign3A_1452, %sign3A_1459 : i32
        %rem3A_1461 = arith.remsi %add3A_1443, %jit3A_1444 : i32
        %ne3A_1462 = arith.constant 0 : i32
        %ne3A_1463 = arith.cmpi ne, %rem3A_1461, %ne3A_1462 : i32
        %and3A_1464 = arith.andi %ne3A_1460, %ne3A_1463 : i1
        %sub3A_1465 = arith.constant 1 : i32
        %sub3A_1466 = arith.subi %div3A_1445, %sub3A_1465 : i32
        %select_n3A_1467 = arith.select %and3A_1464, %sub3A_1466, %div3A_1445 : i32
        %multiple_of3A_1468 = tpu.assume_multiple %select_n3A_1467, 256 : i32
        %dma_start3A_1469 = arith.constant 0 : i32
        %dma_start3A_1470 = tpu.memref_slice %arg2[%multiple_of3A_1468, %dma_start3A_1469] : memref<524288x128xf32, #tpu.memory_space<hbm>> -> memref<256x128xf32, #tpu.memory_space<hbm>>
        %dma_start3A_1471 = arith.constant 0 : i32
        %dma_start3A_1472 = tpu.memref_slice %arg2[%multiple_of3A_1468, %dma_start3A_1471] : memref<524288x128xf32, #tpu.memory_space<hbm>> -> memref<256x128xf32, #tpu.memory_space<hbm>>
        tpu.enqueue_dma source(%dma_start3A_1472 : memref<256x128xf32, #tpu.memory_space<hbm>>) target(%arg5 : memref<256x128xf32, #tpu.memory_space<vmem>>) target_semaphore(%arg10 : memref<!tpu.dma_semaphore, #tpu.memory_space<semaphore_mem>>)
        %dma_start3A_1473 = tpu.memref_slice %arg3[%multiple_of3A_1440] : memref<2097152xi32, #tpu.memory_space<hbm>> -> memref<1024xi32, #tpu.memory_space<hbm>>
        %dma_start3A_1474 = tpu.memref_slice %arg3[%multiple_of3A_1440] : memref<2097152xi32, #tpu.memory_space<hbm>> -> memref<1024xi32, #tpu.memory_space<hbm>>
        tpu.enqueue_dma source(%dma_start3A_1474 : memref<1024xi32, #tpu.memory_space<hbm>>) target(%arg7 : memref<1024xi32, #tpu.memory_space<vmem>>) target_semaphore(%arg12 : memref<!tpu.dma_semaphore, #tpu.memory_space<semaphore_mem>>)
      } else {
      }
      %dma_wait3A_1411 = arith.constant 0 : i32
      %dma_wait3A_1412 = arith.constant 0 : i32
      %dma_wait3A_1413 = tpu.memref_slice %arg2[%dma_wait3A_1411, %dma_wait3A_1412] : memref<524288x128xf32, #tpu.memory_space<hbm>> -> memref<256x128xf32, #tpu.memory_space<hbm>>
      %dma_wait3A_1414 = arith.constant 0 : i32
      %dma_wait3A_1415 = arith.constant 0 : i32
      %dma_wait3A_1416 = tpu.memref_slice %arg2[%dma_wait3A_1414, %dma_wait3A_1415] : memref<524288x128xf32, #tpu.memory_space<hbm>> -> memref<256x128xf32, #tpu.memory_space<hbm>>
      tpu.wait_dma2 semaphore(%arg11 : memref<!tpu.dma_semaphore, #tpu.memory_space<semaphore_mem>>) src(%dma_wait3A_1416 : memref<256x128xf32, #tpu.memory_space<hbm>>) dst(%arg6 : memref<256x128xf32, #tpu.memory_space<vmem>>)
      %dma_wait3A_1417 = arith.constant 0 : i32
      %dma_wait3A_1418 = tpu.memref_slice %arg3[%dma_wait3A_1417] : memref<2097152xi32, #tpu.memory_space<hbm>> -> memref<1024xi32, #tpu.memory_space<hbm>>
      %dma_wait3A_1419 = arith.constant 0 : i32
      %dma_wait3A_1420 = tpu.memref_slice %arg3[%dma_wait3A_1419] : memref<2097152xi32, #tpu.memory_space<hbm>> -> memref<1024xi32, #tpu.memory_space<hbm>>
      tpu.wait_dma2 semaphore(%arg13 : memref<!tpu.dma_semaphore, #tpu.memory_space<semaphore_mem>>) src(%dma_wait3A_1420 : memref<1024xi32, #tpu.memory_space<hbm>>) dst(%arg8 : memref<1024xi32, #tpu.memory_space<vmem>>)
      %scan3A_1421 = arith.constant 0 : i32
      %scan3A_1422 = arith.constant 32 : i32
      %scan3A_1423 = arith.addi %scan3A_1421, %scan3A_1422 : i32
      %scan3A_1424 = arith.constant 2 : i32
      scf.for %scan3A_1431 = %scan3A_1421 to %scan3A_1423 step %scan3A_1424  : i32 {
        %mul3A_1432 = arith.constant 1 : i32
        %mul3A_1433 = arith.muli %scan3A_1431, %mul3A_1432 : i32
        %add3A_1434 = arith.constant 0 : i32
        %add3A_1435 = arith.addi %add3A_1434, %mul3A_1433 : i32
        %mul3A_1436 = arith.constant 8 : i32
        %mul3A_1437 = arith.muli %add3A_1435, %mul3A_1436 : i32
        %multiple_of3A_1438 = tpu.assume_multiple %mul3A_1437, 8 : i32
        %broadcast_in_dim3A_1439 = vector.broadcast %multiple_of3A_1438 : i32 to vector<16xi32>
        %mul3A_1440 = arith.constant 32 : i32
        %mul3A_1441 = arith.muli %add3A_1435, %mul3A_1440 : i32
        %add3A_1442 = arith.constant 0 : i32
        %add3A_1443 = arith.addi %mul3A_1441, %add3A_1442 : i32
        %multiple_of3A_1444 = tpu.assume_multiple %add3A_1443, 16 : i32
        %add3A_1445 = arith.addi %broadcast_in_dim3A_1439, %shift_right_arithmetic3A_122 : vector<16xi32>
        %gather3A = tpu.vector_load_idx %arg6[%add3A_1445, %and3A_125] : memref<256x128xf32, #tpu.memory_space<vmem>>[vector<16xi32>, vector<16xi32>], vector<16xf32>,
        %add3A_1446 = arith.addi %broadcast_in_dim3A_1439, %shift_right_arithmetic3A_141 : vector<16xi32>
        %gather3A_1447 = tpu.vector_load_idx %arg6[%add3A_1446, %and3A_144] : memref<256x128xf32, #tpu.memory_space<vmem>>[vector<16xi32>, vector<16xi32>], vector<16xf32>,
        %add3A_1448 = arith.addi %broadcast_in_dim3A_1439, %shift_right_arithmetic3A_160 : vector<16xi32>
        %gather3A_1449 = tpu.vector_load_idx %arg6[%add3A_1448, %and3A_163] : memref<256x128xf32, #tpu.memory_space<vmem>>[vector<16xi32>, vector<16xi32>], vector<16xf32>,
        %add3A_1450 = arith.addi %broadcast_in_dim3A_1439, %shift_right_arithmetic3A_179 : vector<16xi32>
        %gather3A_1451 = tpu.vector_load_idx %arg6[%add3A_1450, %and3A_182] : memref<256x128xf32, #tpu.memory_space<vmem>>[vector<16xi32>, vector<16xi32>], vector<16xf32>,
        %add3A_1452 = arith.addi %broadcast_in_dim3A_1439, %shift_right_arithmetic3A_198 : vector<16xi32>
        %gather3A_1453 = tpu.vector_load_idx %arg6[%add3A_1452, %and3A_201] : memref<256x128xf32, #tpu.memory_space<vmem>>[vector<16xi32>, vector<16xi32>], vector<16xf32>,
        %add3A_1454 = arith.addi %broadcast_in_dim3A_1439, %shift_right_arithmetic3A_217 : vector<16xi32>
        %gather3A_1455 = tpu.vector_load_idx %arg6[%add3A_1454, %and3A_220] : memref<256x128xf32, #tpu.memory_space<vmem>>[vector<16xi32>, vector<16xi32>], vector<16xf32>,
        %add3A_1456 = arith.addi %broadcast_in_dim3A_1439, %shift_right_arithmetic3A_236 : vector<16xi32>
        %gather3A_1457 = tpu.vector_load_idx %arg6[%add3A_1456, %and3A_239] : memref<256x128xf32, #tpu.memory_space<vmem>>[vector<16xi32>, vector<16xi32>], vector<16xf32>,
        %add3A_1458 = arith.addi %broadcast_in_dim3A_1439, %shift_right_arithmetic3A_255 : vector<16xi32>
        %gather3A_1459 = tpu.vector_load_idx %arg6[%add3A_1458, %and3A_258] : memref<256x128xf32, #tpu.memory_space<vmem>>[vector<16xi32>, vector<16xi32>], vector<16xf32>,
        %add3A_1460 = arith.addi %broadcast_in_dim3A_1439, %shift_right_arithmetic3A_274 : vector<16xi32>
        %gather3A_1461 = tpu.vector_load_idx %arg6[%add3A_1460, %and3A_277] : memref<256x128xf32, #tpu.memory_space<vmem>>[vector<16xi32>, vector<16xi32>], vector<16xf32>,
        %add3A_1462 = arith.addi %broadcast_in_dim3A_1439, %shift_right_arithmetic3A_293 : vector<16xi32>
        %gather3A_1463 = tpu.vector_load_idx %arg6[%add3A_1462, %and3A_296] : memref<256x128xf32, #tpu.memory_space<vmem>>[vector<16xi32>, vector<16xi32>], vector<16xf32>,
        %add3A_1464 = arith.addi %broadcast_in_dim3A_1439, %shift_right_arithmetic3A_312 : vector<16xi32>
        %gather3A_1465 = tpu.vector_load_idx %arg6[%add3A_1464, %and3A_315] : memref<256x128xf32, #tpu.memory_space<vmem>>[vector<16xi32>, vector<16xi32>], vector<16xf32>,
        %add3A_1466 = arith.addi %broadcast_in_dim3A_1439, %shift_right_arithmetic3A_331 : vector<16xi32>
        %gather3A_1467 = tpu.vector_load_idx %arg6[%add3A_1466, %and3A_334] : memref<256x128xf32, #tpu.memory_space<vmem>>[vector<16xi32>, vector<16xi32>], vector<16xf32>,
        %add3A_1468 = arith.addi %broadcast_in_dim3A_1439, %shift_right_arithmetic3A_350 : vector<16xi32>
        %gather3A_1469 = tpu.vector_load_idx %arg6[%add3A_1468, %and3A_353] : memref<256x128xf32, #tpu.memory_space<vmem>>[vector<16xi32>, vector<16xi32>], vector<16xf32>,
        %add3A_1470 = arith.addi %broadcast_in_dim3A_1439, %shift_right_arithmetic3A_369 : vector<16xi32>
        %gather3A_1471 = tpu.vector_load_idx %arg6[%add3A_1470, %and3A_372] : memref<256x128xf32, #tpu.memory_space<vmem>>[vector<16xi32>, vector<16xi32>], vector<16xf32>,
        %add3A_1472 = arith.addi %broadcast_in_dim3A_1439, %shift_right_arithmetic3A_388 : vector<16xi32>
        %gather3A_1473 = tpu.vector_load_idx %arg6[%add3A_1472, %and3A_391] : memref<256x128xf32, #tpu.memory_space<vmem>>[vector<16xi32>, vector<16xi32>], vector<16xf32>,
        %add3A_1474 = arith.addi %broadcast_in_dim3A_1439, %shift_right_arithmetic3A_407 : vector<16xi32>
        %gather3A_1475 = tpu.vector_load_idx %arg6[%add3A_1474, %and3A_410] : memref<256x128xf32, #tpu.memory_space<vmem>>[vector<16xi32>, vector<16xi32>], vector<16xf32>,
        %add3A_1476 = arith.addi %broadcast_in_dim3A_1439, %shift_right_arithmetic3A_426 : vector<16xi32>
        %gather3A_1477 = tpu.vector_load_idx %arg6[%add3A_1476, %and3A_429] : memref<256x128xf32, #tpu.memory_space<vmem>>[vector<16xi32>, vector<16xi32>], vector<16xf32>,
        %add3A_1478 = arith.addi %broadcast_in_dim3A_1439, %shift_right_arithmetic3A_445 : vector<16xi32>
        %gather3A_1479 = tpu.vector_load_idx %arg6[%add3A_1478, %and3A_448] : memref<256x128xf32, #tpu.memory_space<vmem>>[vector<16xi32>, vector<16xi32>], vector<16xf32>,
        %add3A_1480 = arith.addi %broadcast_in_dim3A_1439, %shift_right_arithmetic3A_464 : vector<16xi32>
        %gather3A_1481 = tpu.vector_load_idx %arg6[%add3A_1480, %and3A_467] : memref<256x128xf32, #tpu.memory_space<vmem>>[vector<16xi32>, vector<16xi32>], vector<16xf32>,
        %add3A_1482 = arith.addi %broadcast_in_dim3A_1439, %shift_right_arithmetic3A_483 : vector<16xi32>
        %gather3A_1483 = tpu.vector_load_idx %arg6[%add3A_1482, %and3A_486] : memref<256x128xf32, #tpu.memory_space<vmem>>[vector<16xi32>, vector<16xi32>], vector<16xf32>,
        %add3A_1484 = arith.addi %broadcast_in_dim3A_1439, %shift_right_arithmetic3A_502 : vector<16xi32>
        %gather3A_1485 = tpu.vector_load_idx %arg6[%add3A_1484, %and3A_505] : memref<256x128xf32, #tpu.memory_space<vmem>>[vector<16xi32>, vector<16xi32>], vector<16xf32>,
        %add3A_1486 = arith.addi %broadcast_in_dim3A_1439, %shift_right_arithmetic3A_521 : vector<16xi32>
        %gather3A_1487 = tpu.vector_load_idx %arg6[%add3A_1486, %and3A_524] : memref<256x128xf32, #tpu.memory_space<vmem>>[vector<16xi32>, vector<16xi32>], vector<16xf32>,
        %add3A_1488 = arith.addi %broadcast_in_dim3A_1439, %shift_right_arithmetic3A_540 : vector<16xi32>
        %gather3A_1489 = tpu.vector_load_idx %arg6[%add3A_1488, %and3A_543] : memref<256x128xf32, #tpu.memory_space<vmem>>[vector<16xi32>, vector<16xi32>], vector<16xf32>,
        %add3A_1490 = arith.addi %broadcast_in_dim3A_1439, %shift_right_arithmetic3A_559 : vector<16xi32>
        %gather3A_1491 = tpu.vector_load_idx %arg6[%add3A_1490, %and3A_562] : memref<256x128xf32, #tpu.memory_space<vmem>>[vector<16xi32>, vector<16xi32>], vector<16xf32>,
        %add3A_1492 = arith.addi %broadcast_in_dim3A_1439, %shift_right_arithmetic3A_578 : vector<16xi32>
        %gather3A_1493 = tpu.vector_load_idx %arg6[%add3A_1492, %and3A_581] : memref<256x128xf32, #tpu.memory_space<vmem>>[vector<16xi32>, vector<16xi32>], vector<16xf32>,
        %add3A_1494 = arith.addi %broadcast_in_dim3A_1439, %shift_right_arithmetic3A_597 : vector<16xi32>
        %gather3A_1495 = tpu.vector_load_idx %arg6[%add3A_1494, %and3A_600] : memref<256x128xf32, #tpu.memory_space<vmem>>[vector<16xi32>, vector<16xi32>], vector<16xf32>,
        %add3A_1496 = arith.addi %broadcast_in_dim3A_1439, %shift_right_arithmetic3A_616 : vector<16xi32>
        %gather3A_1497 = tpu.vector_load_idx %arg6[%add3A_1496, %and3A_619] : memref<256x128xf32, #tpu.memory_space<vmem>>[vector<16xi32>, vector<16xi32>], vector<16xf32>,
        %add3A_1498 = arith.addi %broadcast_in_dim3A_1439, %shift_right_arithmetic3A_635 : vector<16xi32>
        %gather3A_1499 = tpu.vector_load_idx %arg6[%add3A_1498, %and3A_638] : memref<256x128xf32, #tpu.memory_space<vmem>>[vector<16xi32>, vector<16xi32>], vector<16xf32>,
        %add3A_1500 = arith.addi %broadcast_in_dim3A_1439, %shift_right_arithmetic3A_654 : vector<16xi32>
        %gather3A_1501 = tpu.vector_load_idx %arg6[%add3A_1500, %and3A_657] : memref<256x128xf32, #tpu.memory_space<vmem>>[vector<16xi32>, vector<16xi32>], vector<16xf32>,
        %add3A_1502 = arith.addi %broadcast_in_dim3A_1439, %shift_right_arithmetic3A_673 : vector<16xi32>
        %gather3A_1503 = tpu.vector_load_idx %arg6[%add3A_1502, %and3A_676] : memref<256x128xf32, #tpu.memory_space<vmem>>[vector<16xi32>, vector<16xi32>], vector<16xf32>,
        %add3A_1504 = arith.addi %broadcast_in_dim3A_1439, %shift_right_arithmetic3A_692 : vector<16xi32>
        %gather3A_1505 = tpu.vector_load_idx %arg6[%add3A_1504, %and3A_695] : memref<256x128xf32, #tpu.memory_space<vmem>>[vector<16xi32>, vector<16xi32>], vector<16xf32>,
        %add3A_1506 = arith.addi %broadcast_in_dim3A_1439, %shift_right_arithmetic3A_711 : vector<16xi32>
        %gather3A_1507 = tpu.vector_load_idx %arg6[%add3A_1506, %and3A_714] : memref<256x128xf32, #tpu.memory_space<vmem>>[vector<16xi32>, vector<16xi32>], vector<16xf32>,
        %gt3A = arith.cmpf ogt, %gather3A_1447, %gather3A : vector<16xf32>
        %max3A = arith.maximumf %gather3A, %gather3A_1447 : vector<16xf32>
        %select_n3A_1508 = arith.select %gt3A, %and3A_131, %and3A_113 : vector<16xi1>, vector<16xi32>
        %gt3A_1509 = arith.cmpf ogt, %gather3A_1451, %gather3A_1449 : vector<16xf32>
        %max3A_1510 = arith.maximumf %gather3A_1449, %gather3A_1451 : vector<16xf32>
        %select_n3A_1511 = arith.select %gt3A_1509, %and3A_169, %and3A_150 : vector<16xi1>, vector<16xi32>
        %gt3A_1512 = arith.cmpf ogt, %gather3A_1455, %gather3A_1453 : vector<16xf32>
        %max3A_1513 = arith.maximumf %gather3A_1453, %gather3A_1455 : vector<16xf32>
        %select_n3A_1514 = arith.select %gt3A_1512, %and3A_207, %and3A_188 : vector<16xi1>, vector<16xi32>
        %gt3A_1515 = arith.cmpf ogt, %gather3A_1459, %gather3A_1457 : vector<16xf32>
        %max3A_1516 = arith.maximumf %gather3A_1457, %gather3A_1459 : vector<16xf32>
        %select_n3A_1517 = arith.select %gt3A_1515, %and3A_245, %and3A_226 : vector<16xi1>, vector<16xi32>
        %gt3A_1518 = arith.cmpf ogt, %gather3A_1463, %gather3A_1461 : vector<16xf32>
        %max3A_1519 = arith.maximumf %gather3A_1461, %gather3A_1463 : vector<16xf32>
        %select_n3A_1520 = arith.select %gt3A_1518, %and3A_283, %and3A_264 : vector<16xi1>, vector<16xi32>
        %gt3A_1521 = arith.cmpf ogt, %gather3A_1467, %gather3A_1465 : vector<16xf32>
        %max3A_1522 = arith.maximumf %gather3A_1465, %gather3A_1467 : vector<16xf32>
        %select_n3A_1523 = arith.select %gt3A_1521, %and3A_321, %and3A_302 : vector<16xi1>, vector<16xi32>
        %gt3A_1524 = arith.cmpf ogt, %gather3A_1471, %gather3A_1469 : vector<16xf32>
        %max3A_1525 = arith.maximumf %gather3A_1469, %gather3A_1471 : vector<16xf32>
        %select_n3A_1526 = arith.select %gt3A_1524, %and3A_359, %and3A_340 : vector<16xi1>, vector<16xi32>
        %gt3A_1527 = arith.cmpf ogt, %gather3A_1475, %gather3A_1473 : vector<16xf32>
        %max3A_1528 = arith.maximumf %gather3A_1473, %gather3A_1475 : vector<16xf32>
        %select_n3A_1529 = arith.select %gt3A_1527, %and3A_397, %and3A_378 : vector<16xi1>, vector<16xi32>
        %gt3A_1530 = arith.cmpf ogt, %gather3A_1479, %gather3A_1477 : vector<16xf32>
        %max3A_1531 = arith.maximumf %gather3A_1477, %gather3A_1479 : vector<16xf32>
        %select_n3A_1532 = arith.select %gt3A_1530, %and3A_435, %and3A_416 : vector<16xi1>, vector<16xi32>
        %gt3A_1533 = arith.cmpf ogt, %gather3A_1483, %gather3A_1481 : vector<16xf32>
        %max3A_1534 = arith.maximumf %gather3A_1481, %gather3A_1483 : vector<16xf32>
        %select_n3A_1535 = arith.select %gt3A_1533, %and3A_473, %and3A_454 : vector<16xi1>, vector<16xi32>
        %gt3A_1536 = arith.cmpf ogt, %gather3A_1487, %gather3A_1485 : vector<16xf32>
        %max3A_1537 = arith.maximumf %gather3A_1485, %gather3A_1487 : vector<16xf32>
        %select_n3A_1538 = arith.select %gt3A_1536, %and3A_511, %and3A_492 : vector<16xi1>, vector<16xi32>
        %gt3A_1539 = arith.cmpf ogt, %gather3A_1491, %gather3A_1489 : vector<16xf32>
        %max3A_1540 = arith.maximumf %gather3A_1489, %gather3A_1491 : vector<16xf32>
        %select_n3A_1541 = arith.select %gt3A_1539, %and3A_549, %and3A_530 : vector<16xi1>, vector<16xi32>
        %gt3A_1542 = arith.cmpf ogt, %gather3A_1495, %gather3A_1493 : vector<16xf32>
        %max3A_1543 = arith.maximumf %gather3A_1493, %gather3A_1495 : vector<16xf32>
        %select_n3A_1544 = arith.select %gt3A_1542, %and3A_587, %and3A_568 : vector<16xi1>, vector<16xi32>
        %gt3A_1545 = arith.cmpf ogt, %gather3A_1499, %gather3A_1497 : vector<16xf32>
        %max3A_1546 = arith.maximumf %gather3A_1497, %gather3A_1499 : vector<16xf32>
        %select_n3A_1547 = arith.select %gt3A_1545, %and3A_625, %and3A_606 : vector<16xi1>, vector<16xi32>
        %gt3A_1548 = arith.cmpf ogt, %gather3A_1503, %gather3A_1501 : vector<16xf32>
        %max3A_1549 = arith.maximumf %gather3A_1501, %gather3A_1503 : vector<16xf32>
        %select_n3A_1550 = arith.select %gt3A_1548, %and3A_663, %and3A_644 : vector<16xi1>, vector<16xi32>
        %gt3A_1551 = arith.cmpf ogt, %gather3A_1507, %gather3A_1505 : vector<16xf32>
        %max3A_1552 = arith.maximumf %gather3A_1505, %gather3A_1507 : vector<16xf32>
        %select_n3A_1553 = arith.select %gt3A_1551, %and3A_701, %and3A_682 : vector<16xi1>, vector<16xi32>
        %gt3A_1554 = arith.cmpf ogt, %max3A_1510, %max3A : vector<16xf32>
        %max3A_1555 = arith.maximumf %max3A, %max3A_1510 : vector<16xf32>
        %select_n3A_1556 = arith.select %gt3A_1554, %select_n3A_1511, %select_n3A_1508 : vector<16xi1>, vector<16xi32>
        %gt3A_1557 = arith.cmpf ogt, %max3A_1516, %max3A_1513 : vector<16xf32>
        %max3A_1558 = arith.maximumf %max3A_1513, %max3A_1516 : vector<16xf32>
        %select_n3A_1559 = arith.select %gt3A_1557, %select_n3A_1517, %select_n3A_1514 : vector<16xi1>, vector<16xi32>
        %gt3A_1560 = arith.cmpf ogt, %max3A_1522, %max3A_1519 : vector<16xf32>
        %max3A_1561 = arith.maximumf %max3A_1519, %max3A_1522 : vector<16xf32>
        %select_n3A_1562 = arith.select %gt3A_1560, %select_n3A_1523, %select_n3A_1520 : vector<16xi1>, vector<16xi32>
        %gt3A_1563 = arith.cmpf ogt, %max3A_1528, %max3A_1525 : vector<16xf32>
        %max3A_1564 = arith.maximumf %max3A_1525, %max3A_1528 : vector<16xf32>
        %select_n3A_1565 = arith.select %gt3A_1563, %select_n3A_1529, %select_n3A_1526 : vector<16xi1>, vector<16xi32>
        %gt3A_1566 = arith.cmpf ogt, %max3A_1534, %max3A_1531 : vector<16xf32>
        %max3A_1567 = arith.maximumf %max3A_1531, %max3A_1534 : vector<16xf32>
        %select_n3A_1568 = arith.select %gt3A_1566, %select_n3A_1535, %select_n3A_1532 : vector<16xi1>, vector<16xi32>
        %gt3A_1569 = arith.cmpf ogt, %max3A_1540, %max3A_1537 : vector<16xf32>
        %max3A_1570 = arith.maximumf %max3A_1537, %max3A_1540 : vector<16xf32>
        %select_n3A_1571 = arith.select %gt3A_1569, %select_n3A_1541, %select_n3A_1538 : vector<16xi1>, vector<16xi32>
        %gt3A_1572 = arith.cmpf ogt, %max3A_1546, %max3A_1543 : vector<16xf32>
        %max3A_1573 = arith.maximumf %max3A_1543, %max3A_1546 : vector<16xf32>
        %select_n3A_1574 = arith.select %gt3A_1572, %select_n3A_1547, %select_n3A_1544 : vector<16xi1>, vector<16xi32>
        %gt3A_1575 = arith.cmpf ogt, %max3A_1552, %max3A_1549 : vector<16xf32>
        %max3A_1576 = arith.maximumf %max3A_1549, %max3A_1552 : vector<16xf32>
        %select_n3A_1577 = arith.select %gt3A_1575, %select_n3A_1553, %select_n3A_1550 : vector<16xi1>, vector<16xi32>
        %gt3A_1578 = arith.cmpf ogt, %max3A_1558, %max3A_1555 : vector<16xf32>
        %max3A_1579 = arith.maximumf %max3A_1555, %max3A_1558 : vector<16xf32>
        %select_n3A_1580 = arith.select %gt3A_1578, %select_n3A_1559, %select_n3A_1556 : vector<16xi1>, vector<16xi32>
        %gt3A_1581 = arith.cmpf ogt, %max3A_1564, %max3A_1561 : vector<16xf32>
        %max3A_1582 = arith.maximumf %max3A_1561, %max3A_1564 : vector<16xf32>
        %select_n3A_1583 = arith.select %gt3A_1581, %select_n3A_1565, %select_n3A_1562 : vector<16xi1>, vector<16xi32>
        %gt3A_1584 = arith.cmpf ogt, %max3A_1570, %max3A_1567 : vector<16xf32>
        %max3A_1585 = arith.maximumf %max3A_1567, %max3A_1570 : vector<16xf32>
        %select_n3A_1586 = arith.select %gt3A_1584, %select_n3A_1571, %select_n3A_1568 : vector<16xi1>, vector<16xi32>
        %gt3A_1587 = arith.cmpf ogt, %max3A_1576, %max3A_1573 : vector<16xf32>
        %max3A_1588 = arith.maximumf %max3A_1573, %max3A_1576 : vector<16xf32>
        %select_n3A_1589 = arith.select %gt3A_1587, %select_n3A_1577, %select_n3A_1574 : vector<16xi1>, vector<16xi32>
        %gt3A_1590 = arith.cmpf ogt, %max3A_1582, %max3A_1579 : vector<16xf32>
        %max3A_1591 = arith.maximumf %max3A_1579, %max3A_1582 : vector<16xf32>
        %select_n3A_1592 = arith.select %gt3A_1590, %select_n3A_1583, %select_n3A_1580 : vector<16xi1>, vector<16xi32>
        %gt3A_1593 = arith.cmpf ogt, %max3A_1588, %max3A_1585 : vector<16xf32>
        %max3A_1594 = arith.maximumf %max3A_1585, %max3A_1588 : vector<16xf32>
        %select_n3A_1595 = arith.select %gt3A_1593, %select_n3A_1589, %select_n3A_1586 : vector<16xi1>, vector<16xi32>
        %gt3A_1596 = arith.cmpf ogt, %max3A_1594, %max3A_1591 : vector<16xf32>
        %max3A_1597 = arith.maximumf %max3A_1591, %max3A_1594 : vector<16xf32>
        %select_n3A_1598 = arith.select %gt3A_1596, %select_n3A_1595, %select_n3A_1592 : vector<16xi1>, vector<16xi32>
        %get3A = arith.index_cast %multiple_of3A_1444 : i32 to index
        %get3A_1599 = tpu.vector_load %arg8[%get3A] {strides = array<i32>} : memref<1024xi32, #tpu.memory_space<vmem>>, vector<16xi32>,
        %eq3A = arith.cmpi eq, %select_n3A_1598, %get3A_1599 : vector<16xi32>
        %select_n3A_1600 = arith.select %eq3A, %broadcast_in_dim3A_5, %broadcast_in_dim3A_3 : vector<16xi1>, vector<16xf32>
        %neg3A = arith.constant 0.000000e+00 : f32
        %neg3A_1601 = vector.broadcast %neg3A : f32 to vector<16xf32>
        %neg3A_1602 = arith.subf %neg3A_1601, %max3A_1597 : vector<16xf32>
        %exp3A = math.exp %neg3A_1602 : vector<16xf32>
        %add3A_1603 = arith.addf %broadcast_in_dim3A_5, %exp3A : vector<16xf32>
        %div3A_1604 = arith.divf %broadcast_in_dim3A_5, %add3A_1603 : vector<16xf32>
        %mul3A_1605 = arith.constant 1.500000e+01 : f32
        %mul3A_1606 = vector.broadcast %mul3A_1605 : f32 to vector<16xf32>
        %mul3A_1607 = arith.mulf %div3A_1604, %mul3A_1606 : vector<16xf32>
        %convert_element_type3A_1608 = arith.fptosi %mul3A_1607 : vector<16xf32> to vector<16xi32>
        %min3A = arith.minsi %convert_element_type3A_1608, %broadcast_in_dim3A_13 : vector<16xi32>
        %shift_left3A = arith.constant 4 : i32
        %shift_left3A_1609 = vector.broadcast %shift_left3A : i32 to vector<16xi32>
        %shift_left3A_1610 = arith.shli %min3A, %shift_left3A_1609 : vector<16xi32>
        %add3A_1611 = arith.addi %shift_left3A_1610, %iota3A : vector<16xi32>
        tpu.vector_store_idx %arg9[%add3A_1611], %div3A_1604 {add = true} : memref<768xf32, #tpu.memory_space<vmem>>[vector<16xi32>], vector<16xf32>,
        %broadcast_in_dim3A_1612 = arith.constant 256 : i32
        %broadcast_in_dim3A_1613 = vector.broadcast %broadcast_in_dim3A_1612 : i32 to vector<16xi32>
        %add3A_1614 = arith.addi %add3A_1611, %broadcast_in_dim3A_1613 : vector<16xi32>
        tpu.vector_store_idx %arg9[%add3A_1614], %select_n3A_1600 {add = true} : memref<768xf32, #tpu.memory_space<vmem>>[vector<16xi32>], vector<16xf32>,
        %broadcast_in_dim3A_1615 = arith.constant 512 : i32
        %broadcast_in_dim3A_1616 = vector.broadcast %broadcast_in_dim3A_1615 : i32 to vector<16xi32>
        %add3A_1617 = arith.addi %add3A_1611, %broadcast_in_dim3A_1616 : vector<16xi32>
        tpu.vector_store_idx %arg9[%add3A_1617], %broadcast_in_dim3A_5 {add = true} : memref<768xf32, #tpu.memory_space<vmem>>[vector<16xi32>], vector<16xf32>,
        %mul3A_1618 = arith.constant 32 : i32
        %mul3A_1619 = arith.muli %add3A_1435, %mul3A_1618 : i32
        %add3A_1620 = arith.constant 16 : i32
        %add3A_1621 = arith.addi %mul3A_1619, %add3A_1620 : i32
        %multiple_of3A_1622 = tpu.assume_multiple %add3A_1621, 16 : i32
        %add3A_1623 = arith.addi %broadcast_in_dim3A_1439, %shift_right_arithmetic3A_730 : vector<16xi32>
        %gather3A_1624 = tpu.vector_load_idx %arg6[%add3A_1623, %and3A_733] : memref<256x128xf32, #tpu.memory_space<vmem>>[vector<16xi32>, vector<16xi32>], vector<16xf32>,
        %add3A_1625 = arith.addi %broadcast_in_dim3A_1439, %shift_right_arithmetic3A_749 : vector<16xi32>
        %gather3A_1626 = tpu.vector_load_idx %arg6[%add3A_1625, %and3A_752] : memref<256x128xf32, #tpu.memory_space<vmem>>[vector<16xi32>, vector<16xi32>], vector<16xf32>,
        %add3A_1627 = arith.addi %broadcast_in_dim3A_1439, %shift_right_arithmetic3A_768 : vector<16xi32>
        %gather3A_1628 = tpu.vector_load_idx %arg6[%add3A_1627, %and3A_771] : memref<256x128xf32, #tpu.memory_space<vmem>>[vector<16xi32>, vector<16xi32>], vector<16xf32>,
        %add3A_1629 = arith.addi %broadcast_in_dim3A_1439, %shift_right_arithmetic3A_787 : vector<16xi32>
        %gather3A_1630 = tpu.vector_load_idx %arg6[%add3A_1629, %and3A_790] : memref<256x128xf32, #tpu.memory_space<vmem>>[vector<16xi32>, vector<16xi32>], vector<16xf32>,
        %add3A_1631 = arith.addi %broadcast_in_dim3A_1439, %shift_right_arithmetic3A_806 : vector<16xi32>
        %gather3A_1632 = tpu.vector_load_idx %arg6[%add3A_1631, %and3A_809] : memref<256x128xf32, #tpu.memory_space<vmem>>[vector<16xi32>, vector<16xi32>], vector<16xf32>,
        %add3A_1633 = arith.addi %broadcast_in_dim3A_1439, %shift_right_arithmetic3A_825 : vector<16xi32>
        %gather3A_1634 = tpu.vector_load_idx %arg6[%add3A_1633, %and3A_828] : memref<256x128xf32, #tpu.memory_space<vmem>>[vector<16xi32>, vector<16xi32>], vector<16xf32>,
        %add3A_1635 = arith.addi %broadcast_in_dim3A_1439, %shift_right_arithmetic3A_844 : vector<16xi32>
        %gather3A_1636 = tpu.vector_load_idx %arg6[%add3A_1635, %and3A_847] : memref<256x128xf32, #tpu.memory_space<vmem>>[vector<16xi32>, vector<16xi32>], vector<16xf32>,
        %add3A_1637 = arith.addi %broadcast_in_dim3A_1439, %shift_right_arithmetic3A_863 : vector<16xi32>
        %gather3A_1638 = tpu.vector_load_idx %arg6[%add3A_1637, %and3A_866] : memref<256x128xf32, #tpu.memory_space<vmem>>[vector<16xi32>, vector<16xi32>], vector<16xf32>,
        %add3A_1639 = arith.addi %broadcast_in_dim3A_1439, %shift_right_arithmetic3A_882 : vector<16xi32>
        %gather3A_1640 = tpu.vector_load_idx %arg6[%add3A_1639, %and3A_885] : memref<256x128xf32, #tpu.memory_space<vmem>>[vector<16xi32>, vector<16xi32>], vector<16xf32>,
        %add3A_1641 = arith.addi %broadcast_in_dim3A_1439, %shift_right_arithmetic3A_901 : vector<16xi32>
        %gather3A_1642 = tpu.vector_load_idx %arg6[%add3A_1641, %and3A_904] : memref<256x128xf32, #tpu.memory_space<vmem>>[vector<16xi32>, vector<16xi32>], vector<16xf32>,
        %add3A_1643 = arith.addi %broadcast_in_dim3A_1439, %shift_right_arithmetic3A_920 : vector<16xi32>
        %gather3A_1644 = tpu.vector_load_idx %arg6[%add3A_1643, %and3A_923] : memref<256x128xf32, #tpu.memory_space<vmem>>[vector<16xi32>, vector<16xi32>], vector<16xf32>,
        %add3A_1645 = arith.addi %broadcast_in_dim3A_1439, %shift_right_arithmetic3A_939 : vector<16xi32>
        %gather3A_1646 = tpu.vector_load_idx %arg6[%add3A_1645, %and3A_942] : memref<256x128xf32, #tpu.memory_space<vmem>>[vector<16xi32>, vector<16xi32>], vector<16xf32>,
        %add3A_1647 = arith.addi %broadcast_in_dim3A_1439, %shift_right_arithmetic3A_958 : vector<16xi32>
        %gather3A_1648 = tpu.vector_load_idx %arg6[%add3A_1647, %and3A_961] : memref<256x128xf32, #tpu.memory_space<vmem>>[vector<16xi32>, vector<16xi32>], vector<16xf32>,
        %add3A_1649 = arith.addi %broadcast_in_dim3A_1439, %shift_right_arithmetic3A_977 : vector<16xi32>
        %gather3A_1650 = tpu.vector_load_idx %arg6[%add3A_1649, %and3A_980] : memref<256x128xf32, #tpu.memory_space<vmem>>[vector<16xi32>, vector<16xi32>], vector<16xf32>,
        %add3A_1651 = arith.addi %broadcast_in_dim3A_1439, %shift_right_arithmetic3A_996 : vector<16xi32>
        %gather3A_1652 = tpu.vector_load_idx %arg6[%add3A_1651, %and3A_999] : memref<256x128xf32, #tpu.memory_space<vmem>>[vector<16xi32>, vector<16xi32>], vector<16xf32>,
        %add3A_1653 = arith.addi %broadcast_in_dim3A_1439, %shift_right_arithmetic3A_1015 : vector<16xi32>
        %gather3A_1654 = tpu.vector_load_idx %arg6[%add3A_1653, %and3A_1018] : memref<256x128xf32, #tpu.memory_space<vmem>>[vector<16xi32>, vector<16xi32>], vector<16xf32>,
        %add3A_1655 = arith.addi %broadcast_in_dim3A_1439, %shift_right_arithmetic3A_1034 : vector<16xi32>
        %gather3A_1656 = tpu.vector_load_idx %arg6[%add3A_1655, %and3A_1037] : memref<256x128xf32, #tpu.memory_space<vmem>>[vector<16xi32>, vector<16xi32>], vector<16xf32>,
        %add3A_1657 = arith.addi %broadcast_in_dim3A_1439, %shift_right_arithmetic3A_1053 : vector<16xi32>
        %gather3A_1658 = tpu.vector_load_idx %arg6[%add3A_1657, %and3A_1056] : memref<256x128xf32, #tpu.memory_space<vmem>>[vector<16xi32>, vector<16xi32>], vector<16xf32>,
        %add3A_1659 = arith.addi %broadcast_in_dim3A_1439, %shift_right_arithmetic3A_1072 : vector<16xi32>
        %gather3A_1660 = tpu.vector_load_idx %arg6[%add3A_1659, %and3A_1075] : memref<256x128xf32, #tpu.memory_space<vmem>>[vector<16xi32>, vector<16xi32>], vector<16xf32>,
        %add3A_1661 = arith.addi %broadcast_in_dim3A_1439, %shift_right_arithmetic3A_1091 : vector<16xi32>
        %gather3A_1662 = tpu.vector_load_idx %arg6[%add3A_1661, %and3A_1094] : memref<256x128xf32, #tpu.memory_space<vmem>>[vector<16xi32>, vector<16xi32>], vector<16xf32>,
        %add3A_1663 = arith.addi %broadcast_in_dim3A_1439, %shift_right_arithmetic3A_1110 : vector<16xi32>
        %gather3A_1664 = tpu.vector_load_idx %arg6[%add3A_1663, %and3A_1113] : memref<256x128xf32, #tpu.memory_space<vmem>>[vector<16xi32>, vector<16xi32>], vector<16xf32>,
        %add3A_1665 = arith.addi %broadcast_in_dim3A_1439, %shift_right_arithmetic3A_1129 : vector<16xi32>
        %gather3A_1666 = tpu.vector_load_idx %arg6[%add3A_1665, %and3A_1132] : memref<256x128xf32, #tpu.memory_space<vmem>>[vector<16xi32>, vector<16xi32>], vector<16xf32>,
        %add3A_1667 = arith.addi %broadcast_in_dim3A_1439, %shift_right_arithmetic3A_1148 : vector<16xi32>
        %gather3A_1668 = tpu.vector_load_idx %arg6[%add3A_1667, %and3A_1151] : memref<256x128xf32, #tpu.memory_space<vmem>>[vector<16xi32>, vector<16xi32>], vector<16xf32>,
        %add3A_1669 = arith.addi %broadcast_in_dim3A_1439, %shift_right_arithmetic3A_1167 : vector<16xi32>
        %gather3A_1670 = tpu.vector_load_idx %arg6[%add3A_1669, %and3A_1170] : memref<256x128xf32, #tpu.memory_space<vmem>>[vector<16xi32>, vector<16xi32>], vector<16xf32>,
        %add3A_1671 = arith.addi %broadcast_in_dim3A_1439, %shift_right_arithmetic3A_1186 : vector<16xi32>
        %gather3A_1672 = tpu.vector_load_idx %arg6[%add3A_1671, %and3A_1189] : memref<256x128xf32, #tpu.memory_space<vmem>>[vector<16xi32>, vector<16xi32>], vector<16xf32>,
        %add3A_1673 = arith.addi %broadcast_in_dim3A_1439, %shift_right_arithmetic3A_1205 : vector<16xi32>
        %gather3A_1674 = tpu.vector_load_idx %arg6[%add3A_1673, %and3A_1208] : memref<256x128xf32, #tpu.memory_space<vmem>>[vector<16xi32>, vector<16xi32>], vector<16xf32>,
        %add3A_1675 = arith.addi %broadcast_in_dim3A_1439, %shift_right_arithmetic3A_1224 : vector<16xi32>
        %gather3A_1676 = tpu.vector_load_idx %arg6[%add3A_1675, %and3A_1227] : memref<256x128xf32, #tpu.memory_space<vmem>>[vector<16xi32>, vector<16xi32>], vector<16xf32>,
        %add3A_1677 = arith.addi %broadcast_in_dim3A_1439, %shift_right_arithmetic3A_1243 : vector<16xi32>
        %gather3A_1678 = tpu.vector_load_idx %arg6[%add3A_1677, %and3A_1246] : memref<256x128xf32, #tpu.memory_space<vmem>>[vector<16xi32>, vector<16xi32>], vector<16xf32>,
        %add3A_1679 = arith.addi %broadcast_in_dim3A_1439, %shift_right_arithmetic3A_1262 : vector<16xi32>
        %gather3A_1680 = tpu.vector_load_idx %arg6[%add3A_1679, %and3A_1265] : memref<256x128xf32, #tpu.memory_space<vmem>>[vector<16xi32>, vector<16xi32>], vector<16xf32>,
        %add3A_1681 = arith.addi %broadcast_in_dim3A_1439, %shift_right_arithmetic3A_1281 : vector<16xi32>
        %gather3A_1682 = tpu.vector_load_idx %arg6[%add3A_1681, %and3A_1284] : memref<256x128xf32, #tpu.memory_space<vmem>>[vector<16xi32>, vector<16xi32>], vector<16xf32>,
        %add3A_1683 = arith.addi %broadcast_in_dim3A_1439, %shift_right_arithmetic3A_1300 : vector<16xi32>
        %gather3A_1684 = tpu.vector_load_idx %arg6[%add3A_1683, %and3A_1303] : memref<256x128xf32, #tpu.memory_space<vmem>>[vector<16xi32>, vector<16xi32>], vector<16xf32>,
        %add3A_1685 = arith.addi %broadcast_in_dim3A_1439, %shift_right_arithmetic3A_1319 : vector<16xi32>
        %gather3A_1686 = tpu.vector_load_idx %arg6[%add3A_1685, %and3A_1322] : memref<256x128xf32, #tpu.memory_space<vmem>>[vector<16xi32>, vector<16xi32>], vector<16xf32>,
        %gt3A_1687 = arith.cmpf ogt, %gather3A_1626, %gather3A_1624 : vector<16xf32>
        %max3A_1688 = arith.maximumf %gather3A_1624, %gather3A_1626 : vector<16xf32>
        %select_n3A_1689 = arith.select %gt3A_1687, %and3A_739, %and3A_720 : vector<16xi1>, vector<16xi32>
        %gt3A_1690 = arith.cmpf ogt, %gather3A_1630, %gather3A_1628 : vector<16xf32>
        %max3A_1691 = arith.maximumf %gather3A_1628, %gather3A_1630 : vector<16xf32>
        %select_n3A_1692 = arith.select %gt3A_1690, %and3A_777, %and3A_758 : vector<16xi1>, vector<16xi32>
        %gt3A_1693 = arith.cmpf ogt, %gather3A_1634, %gather3A_1632 : vector<16xf32>
        %max3A_1694 = arith.maximumf %gather3A_1632, %gather3A_1634 : vector<16xf32>
        %select_n3A_1695 = arith.select %gt3A_1693, %and3A_815, %and3A_796 : vector<16xi1>, vector<16xi32>
        %gt3A_1696 = arith.cmpf ogt, %gather3A_1638, %gather3A_1636 : vector<16xf32>
        %max3A_1697 = arith.maximumf %gather3A_1636, %gather3A_1638 : vector<16xf32>
        %select_n3A_1698 = arith.select %gt3A_1696, %and3A_853, %and3A_834 : vector<16xi1>, vector<16xi32>
        %gt3A_1699 = arith.cmpf ogt, %gather3A_1642, %gather3A_1640 : vector<16xf32>
        %max3A_1700 = arith.maximumf %gather3A_1640, %gather3A_1642 : vector<16xf32>
        %select_n3A_1701 = arith.select %gt3A_1699, %and3A_891, %and3A_872 : vector<16xi1>, vector<16xi32>
        %gt3A_1702 = arith.cmpf ogt, %gather3A_1646, %gather3A_1644 : vector<16xf32>
        %max3A_1703 = arith.maximumf %gather3A_1644, %gather3A_1646 : vector<16xf32>
        %select_n3A_1704 = arith.select %gt3A_1702, %and3A_929, %and3A_910 : vector<16xi1>, vector<16xi32>
        %gt3A_1705 = arith.cmpf ogt, %gather3A_1650, %gather3A_1648 : vector<16xf32>
        %max3A_1706 = arith.maximumf %gather3A_1648, %gather3A_1650 : vector<16xf32>
        %select_n3A_1707 = arith.select %gt3A_1705, %and3A_967, %and3A_948 : vector<16xi1>, vector<16xi32>
        %gt3A_1708 = arith.cmpf ogt, %gather3A_1654, %gather3A_1652 : vector<16xf32>
        %max3A_1709 = arith.maximumf %gather3A_1652, %gather3A_1654 : vector<16xf32>
        %select_n3A_1710 = arith.select %gt3A_1708, %and3A_1005, %and3A_986 : vector<16xi1>, vector<16xi32>
        %gt3A_1711 = arith.cmpf ogt, %gather3A_1658, %gather3A_1656 : vector<16xf32>
        %max3A_1712 = arith.maximumf %gather3A_1656, %gather3A_1658 : vector<16xf32>
        %select_n3A_1713 = arith.select %gt3A_1711, %and3A_1043, %and3A_1024 : vector<16xi1>, vector<16xi32>
        %gt3A_1714 = arith.cmpf ogt, %gather3A_1662, %gather3A_1660 : vector<16xf32>
        %max3A_1715 = arith.maximumf %gather3A_1660, %gather3A_1662 : vector<16xf32>
        %select_n3A_1716 = arith.select %gt3A_1714, %and3A_1081, %and3A_1062 : vector<16xi1>, vector<16xi32>
        %gt3A_1717 = arith.cmpf ogt, %gather3A_1666, %gather3A_1664 : vector<16xf32>
        %max3A_1718 = arith.maximumf %gather3A_1664, %gather3A_1666 : vector<16xf32>
        %select_n3A_1719 = arith.select %gt3A_1717, %and3A_1119, %and3A_1100 : vector<16xi1>, vector<16xi32>
        %gt3A_1720 = arith.cmpf ogt, %gather3A_1670, %gather3A_1668 : vector<16xf32>
        %max3A_1721 = arith.maximumf %gather3A_1668, %gather3A_1670 : vector<16xf32>
        %select_n3A_1722 = arith.select %gt3A_1720, %and3A_1157, %and3A_1138 : vector<16xi1>, vector<16xi32>
        %gt3A_1723 = arith.cmpf ogt, %gather3A_1674, %gather3A_1672 : vector<16xf32>
        %max3A_1724 = arith.maximumf %gather3A_1672, %gather3A_1674 : vector<16xf32>
        %select_n3A_1725 = arith.select %gt3A_1723, %and3A_1195, %and3A_1176 : vector<16xi1>, vector<16xi32>
        %gt3A_1726 = arith.cmpf ogt, %gather3A_1678, %gather3A_1676 : vector<16xf32>
        %max3A_1727 = arith.maximumf %gather3A_1676, %gather3A_1678 : vector<16xf32>
        %select_n3A_1728 = arith.select %gt3A_1726, %and3A_1233, %and3A_1214 : vector<16xi1>, vector<16xi32>
        %gt3A_1729 = arith.cmpf ogt, %gather3A_1682, %gather3A_1680 : vector<16xf32>
        %max3A_1730 = arith.maximumf %gather3A_1680, %gather3A_1682 : vector<16xf32>
        %select_n3A_1731 = arith.select %gt3A_1729, %and3A_1271, %and3A_1252 : vector<16xi1>, vector<16xi32>
        %gt3A_1732 = arith.cmpf ogt, %gather3A_1686, %gather3A_1684 : vector<16xf32>
        %max3A_1733 = arith.maximumf %gather3A_1684, %gather3A_1686 : vector<16xf32>
        %select_n3A_1734 = arith.select %gt3A_1732, %and3A_1309, %and3A_1290 : vector<16xi1>, vector<16xi32>
        %gt3A_1735 = arith.cmpf ogt, %max3A_1691, %max3A_1688 : vector<16xf32>
        %max3A_1736 = arith.maximumf %max3A_1688, %max3A_1691 : vector<16xf32>
        %select_n3A_1737 = arith.select %gt3A_1735, %select_n3A_1692, %select_n3A_1689 : vector<16xi1>, vector<16xi32>
        %gt3A_1738 = arith.cmpf ogt, %max3A_1697, %max3A_1694 : vector<16xf32>
        %max3A_1739 = arith.maximumf %max3A_1694, %max3A_1697 : vector<16xf32>
        %select_n3A_1740 = arith.select %gt3A_1738, %select_n3A_1698, %select_n3A_1695 : vector<16xi1>, vector<16xi32>
        %gt3A_1741 = arith.cmpf ogt, %max3A_1703, %max3A_1700 : vector<16xf32>
        %max3A_1742 = arith.maximumf %max3A_1700, %max3A_1703 : vector<16xf32>
        %select_n3A_1743 = arith.select %gt3A_1741, %select_n3A_1704, %select_n3A_1701 : vector<16xi1>, vector<16xi32>
        %gt3A_1744 = arith.cmpf ogt, %max3A_1709, %max3A_1706 : vector<16xf32>
        %max3A_1745 = arith.maximumf %max3A_1706, %max3A_1709 : vector<16xf32>
        %select_n3A_1746 = arith.select %gt3A_1744, %select_n3A_1710, %select_n3A_1707 : vector<16xi1>, vector<16xi32>
        %gt3A_1747 = arith.cmpf ogt, %max3A_1715, %max3A_1712 : vector<16xf32>
        %max3A_1748 = arith.maximumf %max3A_1712, %max3A_1715 : vector<16xf32>
        %select_n3A_1749 = arith.select %gt3A_1747, %select_n3A_1716, %select_n3A_1713 : vector<16xi1>, vector<16xi32>
        %gt3A_1750 = arith.cmpf ogt, %max3A_1721, %max3A_1718 : vector<16xf32>
        %max3A_1751 = arith.maximumf %max3A_1718, %max3A_1721 : vector<16xf32>
        %select_n3A_1752 = arith.select %gt3A_1750, %select_n3A_1722, %select_n3A_1719 : vector<16xi1>, vector<16xi32>
        %gt3A_1753 = arith.cmpf ogt, %max3A_1727, %max3A_1724 : vector<16xf32>
        %max3A_1754 = arith.maximumf %max3A_1724, %max3A_1727 : vector<16xf32>
        %select_n3A_1755 = arith.select %gt3A_1753, %select_n3A_1728, %select_n3A_1725 : vector<16xi1>, vector<16xi32>
        %gt3A_1756 = arith.cmpf ogt, %max3A_1733, %max3A_1730 : vector<16xf32>
        %max3A_1757 = arith.maximumf %max3A_1730, %max3A_1733 : vector<16xf32>
        %select_n3A_1758 = arith.select %gt3A_1756, %select_n3A_1734, %select_n3A_1731 : vector<16xi1>, vector<16xi32>
        %gt3A_1759 = arith.cmpf ogt, %max3A_1739, %max3A_1736 : vector<16xf32>
        %max3A_1760 = arith.maximumf %max3A_1736, %max3A_1739 : vector<16xf32>
        %select_n3A_1761 = arith.select %gt3A_1759, %select_n3A_1740, %select_n3A_1737 : vector<16xi1>, vector<16xi32>
        %gt3A_1762 = arith.cmpf ogt, %max3A_1745, %max3A_1742 : vector<16xf32>
        %max3A_1763 = arith.maximumf %max3A_1742, %max3A_1745 : vector<16xf32>
        %select_n3A_1764 = arith.select %gt3A_1762, %select_n3A_1746, %select_n3A_1743 : vector<16xi1>, vector<16xi32>
        %gt3A_1765 = arith.cmpf ogt, %max3A_1751, %max3A_1748 : vector<16xf32>
        %max3A_1766 = arith.maximumf %max3A_1748, %max3A_1751 : vector<16xf32>
        %select_n3A_1767 = arith.select %gt3A_1765, %select_n3A_1752, %select_n3A_1749 : vector<16xi1>, vector<16xi32>
        %gt3A_1768 = arith.cmpf ogt, %max3A_1757, %max3A_1754 : vector<16xf32>
        %max3A_1769 = arith.maximumf %max3A_1754, %max3A_1757 : vector<16xf32>
        %select_n3A_1770 = arith.select %gt3A_1768, %select_n3A_1758, %select_n3A_1755 : vector<16xi1>, vector<16xi32>
        %gt3A_1771 = arith.cmpf ogt, %max3A_1763, %max3A_1760 : vector<16xf32>
        %max3A_1772 = arith.maximumf %max3A_1760, %max3A_1763 : vector<16xf32>
        %select_n3A_1773 = arith.select %gt3A_1771, %select_n3A_1764, %select_n3A_1761 : vector<16xi1>, vector<16xi32>
        %gt3A_1774 = arith.cmpf ogt, %max3A_1769, %max3A_1766 : vector<16xf32>
        %max3A_1775 = arith.maximumf %max3A_1766, %max3A_1769 : vector<16xf32>
        %select_n3A_1776 = arith.select %gt3A_1774, %select_n3A_1770, %select_n3A_1767 : vector<16xi1>, vector<16xi32>
        %gt3A_1777 = arith.cmpf ogt, %max3A_1775, %max3A_1772 : vector<16xf32>
        %max3A_1778 = arith.maximumf %max3A_1772, %max3A_1775 : vector<16xf32>
        %select_n3A_1779 = arith.select %gt3A_1777, %select_n3A_1776, %select_n3A_1773 : vector<16xi1>, vector<16xi32>
        %get3A_1780 = arith.index_cast %multiple_of3A_1622 : i32 to index
        %get3A_1781 = tpu.vector_load %arg8[%get3A_1780] {strides = array<i32>} : memref<1024xi32, #tpu.memory_space<vmem>>, vector<16xi32>,
        %eq3A_1782 = arith.cmpi eq, %select_n3A_1779, %get3A_1781 : vector<16xi32>
        %select_n3A_1783 = arith.select %eq3A_1782, %broadcast_in_dim3A_5, %broadcast_in_dim3A_3 : vector<16xi1>, vector<16xf32>
        %neg3A_1784 = arith.constant 0.000000e+00 : f32
        %neg3A_1785 = vector.broadcast %neg3A_1784 : f32 to vector<16xf32>
        %neg3A_1786 = arith.subf %neg3A_1785, %max3A_1778 : vector<16xf32>
        %exp3A_1787 = math.exp %neg3A_1786 : vector<16xf32>
        %add3A_1788 = arith.addf %broadcast_in_dim3A_5, %exp3A_1787 : vector<16xf32>
        %div3A_1789 = arith.divf %broadcast_in_dim3A_5, %add3A_1788 : vector<16xf32>
        %mul3A_1790 = arith.constant 1.500000e+01 : f32
        %mul3A_1791 = vector.broadcast %mul3A_1790 : f32 to vector<16xf32>
        %mul3A_1792 = arith.mulf %div3A_1789, %mul3A_1791 : vector<16xf32>
        %convert_element_type3A_1793 = arith.fptosi %mul3A_1792 : vector<16xf32> to vector<16xi32>
        %min3A_1794 = arith.minsi %convert_element_type3A_1793, %broadcast_in_dim3A_13 : vector<16xi32>
        %shift_left3A_1795 = arith.constant 4 : i32
        %shift_left3A_1796 = vector.broadcast %shift_left3A_1795 : i32 to vector<16xi32>
        %shift_left3A_1797 = arith.shli %min3A_1794, %shift_left3A_1796 : vector<16xi32>
        %add3A_1798 = arith.addi %shift_left3A_1797, %iota3A : vector<16xi32>
        tpu.vector_store_idx %arg9[%add3A_1798], %div3A_1789 {add = true} : memref<768xf32, #tpu.memory_space<vmem>>[vector<16xi32>], vector<16xf32>,
        %broadcast_in_dim3A_1799 = arith.constant 256 : i32
        %broadcast_in_dim3A_1800 = vector.broadcast %broadcast_in_dim3A_1799 : i32 to vector<16xi32>
        %add3A_1801 = arith.addi %add3A_1798, %broadcast_in_dim3A_1800 : vector<16xi32>
        tpu.vector_store_idx %arg9[%add3A_1801], %select_n3A_1783 {add = true} : memref<768xf32, #tpu.memory_space<vmem>>[vector<16xi32>], vector<16xf32>,
        %broadcast_in_dim3A_1802 = arith.constant 512 : i32
        %broadcast_in_dim3A_1803 = vector.broadcast %broadcast_in_dim3A_1802 : i32 to vector<16xi32>
        %add3A_1804 = arith.addi %add3A_1798, %broadcast_in_dim3A_1803 : vector<16xi32>
        tpu.vector_store_idx %arg9[%add3A_1804], %broadcast_in_dim3A_5 {add = true} : memref<768xf32, #tpu.memory_space<vmem>>[vector<16xi32>], vector<16xf32>,
        %scan3A_1805 = arith.constant 1 : i32
        %scan3A_1806 = arith.addi %scan3A_1431, %scan3A_1805 : i32
        %mul3A_1807 = arith.constant 1 : i32
        %mul3A_1808 = arith.muli %scan3A_1806, %mul3A_1807 : i32
        %add3A_1809 = arith.constant 0 : i32
        %add3A_1810 = arith.addi %add3A_1809, %mul3A_1808 : i32
        %mul3A_1811 = arith.constant 8 : i32
        %mul3A_1812 = arith.muli %add3A_1810, %mul3A_1811 : i32
        %multiple_of3A_1813 = tpu.assume_multiple %mul3A_1812, 8 : i32
        %broadcast_in_dim3A_1814 = vector.broadcast %multiple_of3A_1813 : i32 to vector<16xi32>
        %mul3A_1815 = arith.constant 32 : i32
        %mul3A_1816 = arith.muli %add3A_1810, %mul3A_1815 : i32
        %add3A_1817 = arith.constant 0 : i32
        %add3A_1818 = arith.addi %mul3A_1816, %add3A_1817 : i32
        %multiple_of3A_1819 = tpu.assume_multiple %add3A_1818, 16 : i32
        %add3A_1820 = arith.addi %broadcast_in_dim3A_1814, %shift_right_arithmetic3A_122 : vector<16xi32>
        %gather3A_1821 = tpu.vector_load_idx %arg6[%add3A_1820, %and3A_125] : memref<256x128xf32, #tpu.memory_space<vmem>>[vector<16xi32>, vector<16xi32>], vector<16xf32>,
        %add3A_1822 = arith.addi %broadcast_in_dim3A_1814, %shift_right_arithmetic3A_141 : vector<16xi32>
        %gather3A_1823 = tpu.vector_load_idx %arg6[%add3A_1822, %and3A_144] : memref<256x128xf32, #tpu.memory_space<vmem>>[vector<16xi32>, vector<16xi32>], vector<16xf32>,
        %add3A_1824 = arith.addi %broadcast_in_dim3A_1814, %shift_right_arithmetic3A_160 : vector<16xi32>
        %gather3A_1825 = tpu.vector_load_idx %arg6[%add3A_1824, %and3A_163] : memref<256x128xf32, #tpu.memory_space<vmem>>[vector<16xi32>, vector<16xi32>], vector<16xf32>,
        %add3A_1826 = arith.addi %broadcast_in_dim3A_1814, %shift_right_arithmetic3A_179 : vector<16xi32>
        %gather3A_1827 = tpu.vector_load_idx %arg6[%add3A_1826, %and3A_182] : memref<256x128xf32, #tpu.memory_space<vmem>>[vector<16xi32>, vector<16xi32>], vector<16xf32>,
        %add3A_1828 = arith.addi %broadcast_in_dim3A_1814, %shift_right_arithmetic3A_198 : vector<16xi32>
        %gather3A_1829 = tpu.vector_load_idx %arg6[%add3A_1828, %and3A_201] : memref<256x128xf32, #tpu.memory_space<vmem>>[vector<16xi32>, vector<16xi32>], vector<16xf32>,
        %add3A_1830 = arith.addi %broadcast_in_dim3A_1814, %shift_right_arithmetic3A_217 : vector<16xi32>
        %gather3A_1831 = tpu.vector_load_idx %arg6[%add3A_1830, %and3A_220] : memref<256x128xf32, #tpu.memory_space<vmem>>[vector<16xi32>, vector<16xi32>], vector<16xf32>,
        %add3A_1832 = arith.addi %broadcast_in_dim3A_1814, %shift_right_arithmetic3A_236 : vector<16xi32>
        %gather3A_1833 = tpu.vector_load_idx %arg6[%add3A_1832, %and3A_239] : memref<256x128xf32, #tpu.memory_space<vmem>>[vector<16xi32>, vector<16xi32>], vector<16xf32>,
        %add3A_1834 = arith.addi %broadcast_in_dim3A_1814, %shift_right_arithmetic3A_255 : vector<16xi32>
        %gather3A_1835 = tpu.vector_load_idx %arg6[%add3A_1834, %and3A_258] : memref<256x128xf32, #tpu.memory_space<vmem>>[vector<16xi32>, vector<16xi32>], vector<16xf32>,
        %add3A_1836 = arith.addi %broadcast_in_dim3A_1814, %shift_right_arithmetic3A_274 : vector<16xi32>
        %gather3A_1837 = tpu.vector_load_idx %arg6[%add3A_1836, %and3A_277] : memref<256x128xf32, #tpu.memory_space<vmem>>[vector<16xi32>, vector<16xi32>], vector<16xf32>,
        %add3A_1838 = arith.addi %broadcast_in_dim3A_1814, %shift_right_arithmetic3A_293 : vector<16xi32>
        %gather3A_1839 = tpu.vector_load_idx %arg6[%add3A_1838, %and3A_296] : memref<256x128xf32, #tpu.memory_space<vmem>>[vector<16xi32>, vector<16xi32>], vector<16xf32>,
        %add3A_1840 = arith.addi %broadcast_in_dim3A_1814, %shift_right_arithmetic3A_312 : vector<16xi32>
        %gather3A_1841 = tpu.vector_load_idx %arg6[%add3A_1840, %and3A_315] : memref<256x128xf32, #tpu.memory_space<vmem>>[vector<16xi32>, vector<16xi32>], vector<16xf32>,
        %add3A_1842 = arith.addi %broadcast_in_dim3A_1814, %shift_right_arithmetic3A_331 : vector<16xi32>
        %gather3A_1843 = tpu.vector_load_idx %arg6[%add3A_1842, %and3A_334] : memref<256x128xf32, #tpu.memory_space<vmem>>[vector<16xi32>, vector<16xi32>], vector<16xf32>,
        %add3A_1844 = arith.addi %broadcast_in_dim3A_1814, %shift_right_arithmetic3A_350 : vector<16xi32>
        %gather3A_1845 = tpu.vector_load_idx %arg6[%add3A_1844, %and3A_353] : memref<256x128xf32, #tpu.memory_space<vmem>>[vector<16xi32>, vector<16xi32>], vector<16xf32>,
        %add3A_1846 = arith.addi %broadcast_in_dim3A_1814, %shift_right_arithmetic3A_369 : vector<16xi32>
        %gather3A_1847 = tpu.vector_load_idx %arg6[%add3A_1846, %and3A_372] : memref<256x128xf32, #tpu.memory_space<vmem>>[vector<16xi32>, vector<16xi32>], vector<16xf32>,
        %add3A_1848 = arith.addi %broadcast_in_dim3A_1814, %shift_right_arithmetic3A_388 : vector<16xi32>
        %gather3A_1849 = tpu.vector_load_idx %arg6[%add3A_1848, %and3A_391] : memref<256x128xf32, #tpu.memory_space<vmem>>[vector<16xi32>, vector<16xi32>], vector<16xf32>,
        %add3A_1850 = arith.addi %broadcast_in_dim3A_1814, %shift_right_arithmetic3A_407 : vector<16xi32>
        %gather3A_1851 = tpu.vector_load_idx %arg6[%add3A_1850, %and3A_410] : memref<256x128xf32, #tpu.memory_space<vmem>>[vector<16xi32>, vector<16xi32>], vector<16xf32>,
        %add3A_1852 = arith.addi %broadcast_in_dim3A_1814, %shift_right_arithmetic3A_426 : vector<16xi32>
        %gather3A_1853 = tpu.vector_load_idx %arg6[%add3A_1852, %and3A_429] : memref<256x128xf32, #tpu.memory_space<vmem>>[vector<16xi32>, vector<16xi32>], vector<16xf32>,
        %add3A_1854 = arith.addi %broadcast_in_dim3A_1814, %shift_right_arithmetic3A_445 : vector<16xi32>
        %gather3A_1855 = tpu.vector_load_idx %arg6[%add3A_1854, %and3A_448] : memref<256x128xf32, #tpu.memory_space<vmem>>[vector<16xi32>, vector<16xi32>], vector<16xf32>,
        %add3A_1856 = arith.addi %broadcast_in_dim3A_1814, %shift_right_arithmetic3A_464 : vector<16xi32>
        %gather3A_1857 = tpu.vector_load_idx %arg6[%add3A_1856, %and3A_467] : memref<256x128xf32, #tpu.memory_space<vmem>>[vector<16xi32>, vector<16xi32>], vector<16xf32>,
        %add3A_1858 = arith.addi %broadcast_in_dim3A_1814, %shift_right_arithmetic3A_483 : vector<16xi32>
        %gather3A_1859 = tpu.vector_load_idx %arg6[%add3A_1858, %and3A_486] : memref<256x128xf32, #tpu.memory_space<vmem>>[vector<16xi32>, vector<16xi32>], vector<16xf32>,
        %add3A_1860 = arith.addi %broadcast_in_dim3A_1814, %shift_right_arithmetic3A_502 : vector<16xi32>
        %gather3A_1861 = tpu.vector_load_idx %arg6[%add3A_1860, %and3A_505] : memref<256x128xf32, #tpu.memory_space<vmem>>[vector<16xi32>, vector<16xi32>], vector<16xf32>,
        %add3A_1862 = arith.addi %broadcast_in_dim3A_1814, %shift_right_arithmetic3A_521 : vector<16xi32>
        %gather3A_1863 = tpu.vector_load_idx %arg6[%add3A_1862, %and3A_524] : memref<256x128xf32, #tpu.memory_space<vmem>>[vector<16xi32>, vector<16xi32>], vector<16xf32>,
        %add3A_1864 = arith.addi %broadcast_in_dim3A_1814, %shift_right_arithmetic3A_540 : vector<16xi32>
        %gather3A_1865 = tpu.vector_load_idx %arg6[%add3A_1864, %and3A_543] : memref<256x128xf32, #tpu.memory_space<vmem>>[vector<16xi32>, vector<16xi32>], vector<16xf32>,
        %add3A_1866 = arith.addi %broadcast_in_dim3A_1814, %shift_right_arithmetic3A_559 : vector<16xi32>
        %gather3A_1867 = tpu.vector_load_idx %arg6[%add3A_1866, %and3A_562] : memref<256x128xf32, #tpu.memory_space<vmem>>[vector<16xi32>, vector<16xi32>], vector<16xf32>,
        %add3A_1868 = arith.addi %broadcast_in_dim3A_1814, %shift_right_arithmetic3A_578 : vector<16xi32>
        %gather3A_1869 = tpu.vector_load_idx %arg6[%add3A_1868, %and3A_581] : memref<256x128xf32, #tpu.memory_space<vmem>>[vector<16xi32>, vector<16xi32>], vector<16xf32>,
        %add3A_1870 = arith.addi %broadcast_in_dim3A_1814, %shift_right_arithmetic3A_597 : vector<16xi32>
        %gather3A_1871 = tpu.vector_load_idx %arg6[%add3A_1870, %and3A_600] : memref<256x128xf32, #tpu.memory_space<vmem>>[vector<16xi32>, vector<16xi32>], vector<16xf32>,
        %add3A_1872 = arith.addi %broadcast_in_dim3A_1814, %shift_right_arithmetic3A_616 : vector<16xi32>
        %gather3A_1873 = tpu.vector_load_idx %arg6[%add3A_1872, %and3A_619] : memref<256x128xf32, #tpu.memory_space<vmem>>[vector<16xi32>, vector<16xi32>], vector<16xf32>,
        %add3A_1874 = arith.addi %broadcast_in_dim3A_1814, %shift_right_arithmetic3A_635 : vector<16xi32>
        %gather3A_1875 = tpu.vector_load_idx %arg6[%add3A_1874, %and3A_638] : memref<256x128xf32, #tpu.memory_space<vmem>>[vector<16xi32>, vector<16xi32>], vector<16xf32>,
        %add3A_1876 = arith.addi %broadcast_in_dim3A_1814, %shift_right_arithmetic3A_654 : vector<16xi32>
        %gather3A_1877 = tpu.vector_load_idx %arg6[%add3A_1876, %and3A_657] : memref<256x128xf32, #tpu.memory_space<vmem>>[vector<16xi32>, vector<16xi32>], vector<16xf32>,
        %add3A_1878 = arith.addi %broadcast_in_dim3A_1814, %shift_right_arithmetic3A_673 : vector<16xi32>
        %gather3A_1879 = tpu.vector_load_idx %arg6[%add3A_1878, %and3A_676] : memref<256x128xf32, #tpu.memory_space<vmem>>[vector<16xi32>, vector<16xi32>], vector<16xf32>,
        %add3A_1880 = arith.addi %broadcast_in_dim3A_1814, %shift_right_arithmetic3A_692 : vector<16xi32>
        %gather3A_1881 = tpu.vector_load_idx %arg6[%add3A_1880, %and3A_695] : memref<256x128xf32, #tpu.memory_space<vmem>>[vector<16xi32>, vector<16xi32>], vector<16xf32>,
        %add3A_1882 = arith.addi %broadcast_in_dim3A_1814, %shift_right_arithmetic3A_711 : vector<16xi32>
        %gather3A_1883 = tpu.vector_load_idx %arg6[%add3A_1882, %and3A_714] : memref<256x128xf32, #tpu.memory_space<vmem>>[vector<16xi32>, vector<16xi32>], vector<16xf32>,
        %gt3A_1884 = arith.cmpf ogt, %gather3A_1823, %gather3A_1821 : vector<16xf32>
        %max3A_1885 = arith.maximumf %gather3A_1821, %gather3A_1823 : vector<16xf32>
        %select_n3A_1886 = arith.select %gt3A_1884, %and3A_131, %and3A_113 : vector<16xi1>, vector<16xi32>
        %gt3A_1887 = arith.cmpf ogt, %gather3A_1827, %gather3A_1825 : vector<16xf32>
        %max3A_1888 = arith.maximumf %gather3A_1825, %gather3A_1827 : vector<16xf32>
        %select_n3A_1889 = arith.select %gt3A_1887, %and3A_169, %and3A_150 : vector<16xi1>, vector<16xi32>
        %gt3A_1890 = arith.cmpf ogt, %gather3A_1831, %gather3A_1829 : vector<16xf32>
        %max3A_1891 = arith.maximumf %gather3A_1829, %gather3A_1831 : vector<16xf32>
        %select_n3A_1892 = arith.select %gt3A_1890, %and3A_207, %and3A_188 : vector<16xi1>, vector<16xi32>
        %gt3A_1893 = arith.cmpf ogt, %gather3A_1835, %gather3A_1833 : vector<16xf32>
        %max3A_1894 = arith.maximumf %gather3A_1833, %gather3A_1835 : vector<16xf32>
        %select_n3A_1895 = arith.select %gt3A_1893, %and3A_245, %and3A_226 : vector<16xi1>, vector<16xi32>
        %gt3A_1896 = arith.cmpf ogt, %gather3A_1839, %gather3A_1837 : vector<16xf32>
        %max3A_1897 = arith.maximumf %gather3A_1837, %gather3A_1839 : vector<16xf32>
        %select_n3A_1898 = arith.select %gt3A_1896, %and3A_283, %and3A_264 : vector<16xi1>, vector<16xi32>
        %gt3A_1899 = arith.cmpf ogt, %gather3A_1843, %gather3A_1841 : vector<16xf32>
        %max3A_1900 = arith.maximumf %gather3A_1841, %gather3A_1843 : vector<16xf32>
        %select_n3A_1901 = arith.select %gt3A_1899, %and3A_321, %and3A_302 : vector<16xi1>, vector<16xi32>
        %gt3A_1902 = arith.cmpf ogt, %gather3A_1847, %gather3A_1845 : vector<16xf32>
        %max3A_1903 = arith.maximumf %gather3A_1845, %gather3A_1847 : vector<16xf32>
        %select_n3A_1904 = arith.select %gt3A_1902, %and3A_359, %and3A_340 : vector<16xi1>, vector<16xi32>
        %gt3A_1905 = arith.cmpf ogt, %gather3A_1851, %gather3A_1849 : vector<16xf32>
        %max3A_1906 = arith.maximumf %gather3A_1849, %gather3A_1851 : vector<16xf32>
        %select_n3A_1907 = arith.select %gt3A_1905, %and3A_397, %and3A_378 : vector<16xi1>, vector<16xi32>
        %gt3A_1908 = arith.cmpf ogt, %gather3A_1855, %gather3A_1853 : vector<16xf32>
        %max3A_1909 = arith.maximumf %gather3A_1853, %gather3A_1855 : vector<16xf32>
        %select_n3A_1910 = arith.select %gt3A_1908, %and3A_435, %and3A_416 : vector<16xi1>, vector<16xi32>
        %gt3A_1911 = arith.cmpf ogt, %gather3A_1859, %gather3A_1857 : vector<16xf32>
        %max3A_1912 = arith.maximumf %gather3A_1857, %gather3A_1859 : vector<16xf32>
        %select_n3A_1913 = arith.select %gt3A_1911, %and3A_473, %and3A_454 : vector<16xi1>, vector<16xi32>
        %gt3A_1914 = arith.cmpf ogt, %gather3A_1863, %gather3A_1861 : vector<16xf32>
        %max3A_1915 = arith.maximumf %gather3A_1861, %gather3A_1863 : vector<16xf32>
        %select_n3A_1916 = arith.select %gt3A_1914, %and3A_511, %and3A_492 : vector<16xi1>, vector<16xi32>
        %gt3A_1917 = arith.cmpf ogt, %gather3A_1867, %gather3A_1865 : vector<16xf32>
        %max3A_1918 = arith.maximumf %gather3A_1865, %gather3A_1867 : vector<16xf32>
        %select_n3A_1919 = arith.select %gt3A_1917, %and3A_549, %and3A_530 : vector<16xi1>, vector<16xi32>
        %gt3A_1920 = arith.cmpf ogt, %gather3A_1871, %gather3A_1869 : vector<16xf32>
        %max3A_1921 = arith.maximumf %gather3A_1869, %gather3A_1871 : vector<16xf32>
        %select_n3A_1922 = arith.select %gt3A_1920, %and3A_587, %and3A_568 : vector<16xi1>, vector<16xi32>
        %gt3A_1923 = arith.cmpf ogt, %gather3A_1875, %gather3A_1873 : vector<16xf32>
        %max3A_1924 = arith.maximumf %gather3A_1873, %gather3A_1875 : vector<16xf32>
        %select_n3A_1925 = arith.select %gt3A_1923, %and3A_625, %and3A_606 : vector<16xi1>, vector<16xi32>
        %gt3A_1926 = arith.cmpf ogt, %gather3A_1879, %gather3A_1877 : vector<16xf32>
        %max3A_1927 = arith.maximumf %gather3A_1877, %gather3A_1879 : vector<16xf32>
        %select_n3A_1928 = arith.select %gt3A_1926, %and3A_663, %and3A_644 : vector<16xi1>, vector<16xi32>
        %gt3A_1929 = arith.cmpf ogt, %gather3A_1883, %gather3A_1881 : vector<16xf32>
        %max3A_1930 = arith.maximumf %gather3A_1881, %gather3A_1883 : vector<16xf32>
        %select_n3A_1931 = arith.select %gt3A_1929, %and3A_701, %and3A_682 : vector<16xi1>, vector<16xi32>
        %gt3A_1932 = arith.cmpf ogt, %max3A_1888, %max3A_1885 : vector<16xf32>
        %max3A_1933 = arith.maximumf %max3A_1885, %max3A_1888 : vector<16xf32>
        %select_n3A_1934 = arith.select %gt3A_1932, %select_n3A_1889, %select_n3A_1886 : vector<16xi1>, vector<16xi32>
        %gt3A_1935 = arith.cmpf ogt, %max3A_1894, %max3A_1891 : vector<16xf32>
        %max3A_1936 = arith.maximumf %max3A_1891, %max3A_1894 : vector<16xf32>
        %select_n3A_1937 = arith.select %gt3A_1935, %select_n3A_1895, %select_n3A_1892 : vector<16xi1>, vector<16xi32>
        %gt3A_1938 = arith.cmpf ogt, %max3A_1900, %max3A_1897 : vector<16xf32>
        %max3A_1939 = arith.maximumf %max3A_1897, %max3A_1900 : vector<16xf32>
        %select_n3A_1940 = arith.select %gt3A_1938, %select_n3A_1901, %select_n3A_1898 : vector<16xi1>, vector<16xi32>
        %gt3A_1941 = arith.cmpf ogt, %max3A_1906, %max3A_1903 : vector<16xf32>
        %max3A_1942 = arith.maximumf %max3A_1903, %max3A_1906 : vector<16xf32>
        %select_n3A_1943 = arith.select %gt3A_1941, %select_n3A_1907, %select_n3A_1904 : vector<16xi1>, vector<16xi32>
        %gt3A_1944 = arith.cmpf ogt, %max3A_1912, %max3A_1909 : vector<16xf32>
        %max3A_1945 = arith.maximumf %max3A_1909, %max3A_1912 : vector<16xf32>
        %select_n3A_1946 = arith.select %gt3A_1944, %select_n3A_1913, %select_n3A_1910 : vector<16xi1>, vector<16xi32>
        %gt3A_1947 = arith.cmpf ogt, %max3A_1918, %max3A_1915 : vector<16xf32>
        %max3A_1948 = arith.maximumf %max3A_1915, %max3A_1918 : vector<16xf32>
        %select_n3A_1949 = arith.select %gt3A_1947, %select_n3A_1919, %select_n3A_1916 : vector<16xi1>, vector<16xi32>
        %gt3A_1950 = arith.cmpf ogt, %max3A_1924, %max3A_1921 : vector<16xf32>
        %max3A_1951 = arith.maximumf %max3A_1921, %max3A_1924 : vector<16xf32>
        %select_n3A_1952 = arith.select %gt3A_1950, %select_n3A_1925, %select_n3A_1922 : vector<16xi1>, vector<16xi32>
        %gt3A_1953 = arith.cmpf ogt, %max3A_1930, %max3A_1927 : vector<16xf32>
        %max3A_1954 = arith.maximumf %max3A_1927, %max3A_1930 : vector<16xf32>
        %select_n3A_1955 = arith.select %gt3A_1953, %select_n3A_1931, %select_n3A_1928 : vector<16xi1>, vector<16xi32>
        %gt3A_1956 = arith.cmpf ogt, %max3A_1936, %max3A_1933 : vector<16xf32>
        %max3A_1957 = arith.maximumf %max3A_1933, %max3A_1936 : vector<16xf32>
        %select_n3A_1958 = arith.select %gt3A_1956, %select_n3A_1937, %select_n3A_1934 : vector<16xi1>, vector<16xi32>
        %gt3A_1959 = arith.cmpf ogt, %max3A_1942, %max3A_1939 : vector<16xf32>
        %max3A_1960 = arith.maximumf %max3A_1939, %max3A_1942 : vector<16xf32>
        %select_n3A_1961 = arith.select %gt3A_1959, %select_n3A_1943, %select_n3A_1940 : vector<16xi1>, vector<16xi32>
        %gt3A_1962 = arith.cmpf ogt, %max3A_1948, %max3A_1945 : vector<16xf32>
        %max3A_1963 = arith.maximumf %max3A_1945, %max3A_1948 : vector<16xf32>
        %select_n3A_1964 = arith.select %gt3A_1962, %select_n3A_1949, %select_n3A_1946 : vector<16xi1>, vector<16xi32>
        %gt3A_1965 = arith.cmpf ogt, %max3A_1954, %max3A_1951 : vector<16xf32>
        %max3A_1966 = arith.maximumf %max3A_1951, %max3A_1954 : vector<16xf32>
        %select_n3A_1967 = arith.select %gt3A_1965, %select_n3A_1955, %select_n3A_1952 : vector<16xi1>, vector<16xi32>
        %gt3A_1968 = arith.cmpf ogt, %max3A_1960, %max3A_1957 : vector<16xf32>
        %max3A_1969 = arith.maximumf %max3A_1957, %max3A_1960 : vector<16xf32>
        %select_n3A_1970 = arith.select %gt3A_1968, %select_n3A_1961, %select_n3A_1958 : vector<16xi1>, vector<16xi32>
        %gt3A_1971 = arith.cmpf ogt, %max3A_1966, %max3A_1963 : vector<16xf32>
        %max3A_1972 = arith.maximumf %max3A_1963, %max3A_1966 : vector<16xf32>
        %select_n3A_1973 = arith.select %gt3A_1971, %select_n3A_1967, %select_n3A_1964 : vector<16xi1>, vector<16xi32>
        %gt3A_1974 = arith.cmpf ogt, %max3A_1972, %max3A_1969 : vector<16xf32>
        %max3A_1975 = arith.maximumf %max3A_1969, %max3A_1972 : vector<16xf32>
        %select_n3A_1976 = arith.select %gt3A_1974, %select_n3A_1973, %select_n3A_1970 : vector<16xi1>, vector<16xi32>
        %get3A_1977 = arith.index_cast %multiple_of3A_1819 : i32 to index
        %get3A_1978 = tpu.vector_load %arg8[%get3A_1977] {strides = array<i32>} : memref<1024xi32, #tpu.memory_space<vmem>>, vector<16xi32>,
        %eq3A_1979 = arith.cmpi eq, %select_n3A_1976, %get3A_1978 : vector<16xi32>
        %select_n3A_1980 = arith.select %eq3A_1979, %broadcast_in_dim3A_5, %broadcast_in_dim3A_3 : vector<16xi1>, vector<16xf32>
        %neg3A_1981 = arith.constant 0.000000e+00 : f32
        %neg3A_1982 = vector.broadcast %neg3A_1981 : f32 to vector<16xf32>
        %neg3A_1983 = arith.subf %neg3A_1982, %max3A_1975 : vector<16xf32>
        %exp3A_1984 = math.exp %neg3A_1983 : vector<16xf32>
        %add3A_1985 = arith.addf %broadcast_in_dim3A_5, %exp3A_1984 : vector<16xf32>
        %div3A_1986 = arith.divf %broadcast_in_dim3A_5, %add3A_1985 : vector<16xf32>
        %mul3A_1987 = arith.constant 1.500000e+01 : f32
        %mul3A_1988 = vector.broadcast %mul3A_1987 : f32 to vector<16xf32>
        %mul3A_1989 = arith.mulf %div3A_1986, %mul3A_1988 : vector<16xf32>
        %convert_element_type3A_1990 = arith.fptosi %mul3A_1989 : vector<16xf32> to vector<16xi32>
        %min3A_1991 = arith.minsi %convert_element_type3A_1990, %broadcast_in_dim3A_13 : vector<16xi32>
        %shift_left3A_1992 = arith.constant 4 : i32
        %shift_left3A_1993 = vector.broadcast %shift_left3A_1992 : i32 to vector<16xi32>
        %shift_left3A_1994 = arith.shli %min3A_1991, %shift_left3A_1993 : vector<16xi32>
        %add3A_1995 = arith.addi %shift_left3A_1994, %iota3A : vector<16xi32>
        tpu.vector_store_idx %arg9[%add3A_1995], %div3A_1986 {add = true} : memref<768xf32, #tpu.memory_space<vmem>>[vector<16xi32>], vector<16xf32>,
        %broadcast_in_dim3A_1996 = arith.constant 256 : i32
        %broadcast_in_dim3A_1997 = vector.broadcast %broadcast_in_dim3A_1996 : i32 to vector<16xi32>
        %add3A_1998 = arith.addi %add3A_1995, %broadcast_in_dim3A_1997 : vector<16xi32>
        tpu.vector_store_idx %arg9[%add3A_1998], %select_n3A_1980 {add = true} : memref<768xf32, #tpu.memory_space<vmem>>[vector<16xi32>], vector<16xf32>,
        %broadcast_in_dim3A_1999 = arith.constant 512 : i32
        %broadcast_in_dim3A_2000 = vector.broadcast %broadcast_in_dim3A_1999 : i32 to vector<16xi32>
        %add3A_2001 = arith.addi %add3A_1995, %broadcast_in_dim3A_2000 : vector<16xi32>
        tpu.vector_store_idx %arg9[%add3A_2001], %broadcast_in_dim3A_5 {add = true} : memref<768xf32, #tpu.memory_space<vmem>>[vector<16xi32>], vector<16xf32>,
        %mul3A_2002 = arith.constant 32 : i32
        %mul3A_2003 = arith.muli %add3A_1810, %mul3A_2002 : i32
        %add3A_2004 = arith.constant 16 : i32
        %add3A_2005 = arith.addi %mul3A_2003, %add3A_2004 : i32
        %multiple_of3A_2006 = tpu.assume_multiple %add3A_2005, 16 : i32
        %add3A_2007 = arith.addi %broadcast_in_dim3A_1814, %shift_right_arithmetic3A_730 : vector<16xi32>
        %gather3A_2008 = tpu.vector_load_idx %arg6[%add3A_2007, %and3A_733] : memref<256x128xf32, #tpu.memory_space<vmem>>[vector<16xi32>, vector<16xi32>], vector<16xf32>,
        %add3A_2009 = arith.addi %broadcast_in_dim3A_1814, %shift_right_arithmetic3A_749 : vector<16xi32>
        %gather3A_2010 = tpu.vector_load_idx %arg6[%add3A_2009, %and3A_752] : memref<256x128xf32, #tpu.memory_space<vmem>>[vector<16xi32>, vector<16xi32>], vector<16xf32>,
        %add3A_2011 = arith.addi %broadcast_in_dim3A_1814, %shift_right_arithmetic3A_768 : vector<16xi32>
        %gather3A_2012 = tpu.vector_load_idx %arg6[%add3A_2011, %and3A_771] : memref<256x128xf32, #tpu.memory_space<vmem>>[vector<16xi32>, vector<16xi32>], vector<16xf32>,
        %add3A_2013 = arith.addi %broadcast_in_dim3A_1814, %shift_right_arithmetic3A_787 : vector<16xi32>
        %gather3A_2014 = tpu.vector_load_idx %arg6[%add3A_2013, %and3A_790] : memref<256x128xf32, #tpu.memory_space<vmem>>[vector<16xi32>, vector<16xi32>], vector<16xf32>,
        %add3A_2015 = arith.addi %broadcast_in_dim3A_1814, %shift_right_arithmetic3A_806 : vector<16xi32>
        %gather3A_2016 = tpu.vector_load_idx %arg6[%add3A_2015, %and3A_809] : memref<256x128xf32, #tpu.memory_space<vmem>>[vector<16xi32>, vector<16xi32>], vector<16xf32>,
        %add3A_2017 = arith.addi %broadcast_in_dim3A_1814, %shift_right_arithmetic3A_825 : vector<16xi32>
        %gather3A_2018 = tpu.vector_load_idx %arg6[%add3A_2017, %and3A_828] : memref<256x128xf32, #tpu.memory_space<vmem>>[vector<16xi32>, vector<16xi32>], vector<16xf32>,
        %add3A_2019 = arith.addi %broadcast_in_dim3A_1814, %shift_right_arithmetic3A_844 : vector<16xi32>
        %gather3A_2020 = tpu.vector_load_idx %arg6[%add3A_2019, %and3A_847] : memref<256x128xf32, #tpu.memory_space<vmem>>[vector<16xi32>, vector<16xi32>], vector<16xf32>,
        %add3A_2021 = arith.addi %broadcast_in_dim3A_1814, %shift_right_arithmetic3A_863 : vector<16xi32>
        %gather3A_2022 = tpu.vector_load_idx %arg6[%add3A_2021, %and3A_866] : memref<256x128xf32, #tpu.memory_space<vmem>>[vector<16xi32>, vector<16xi32>], vector<16xf32>,
        %add3A_2023 = arith.addi %broadcast_in_dim3A_1814, %shift_right_arithmetic3A_882 : vector<16xi32>
        %gather3A_2024 = tpu.vector_load_idx %arg6[%add3A_2023, %and3A_885] : memref<256x128xf32, #tpu.memory_space<vmem>>[vector<16xi32>, vector<16xi32>], vector<16xf32>,
        %add3A_2025 = arith.addi %broadcast_in_dim3A_1814, %shift_right_arithmetic3A_901 : vector<16xi32>
        %gather3A_2026 = tpu.vector_load_idx %arg6[%add3A_2025, %and3A_904] : memref<256x128xf32, #tpu.memory_space<vmem>>[vector<16xi32>, vector<16xi32>], vector<16xf32>,
        %add3A_2027 = arith.addi %broadcast_in_dim3A_1814, %shift_right_arithmetic3A_920 : vector<16xi32>
        %gather3A_2028 = tpu.vector_load_idx %arg6[%add3A_2027, %and3A_923] : memref<256x128xf32, #tpu.memory_space<vmem>>[vector<16xi32>, vector<16xi32>], vector<16xf32>,
        %add3A_2029 = arith.addi %broadcast_in_dim3A_1814, %shift_right_arithmetic3A_939 : vector<16xi32>
        %gather3A_2030 = tpu.vector_load_idx %arg6[%add3A_2029, %and3A_942] : memref<256x128xf32, #tpu.memory_space<vmem>>[vector<16xi32>, vector<16xi32>], vector<16xf32>,
        %add3A_2031 = arith.addi %broadcast_in_dim3A_1814, %shift_right_arithmetic3A_958 : vector<16xi32>
        %gather3A_2032 = tpu.vector_load_idx %arg6[%add3A_2031, %and3A_961] : memref<256x128xf32, #tpu.memory_space<vmem>>[vector<16xi32>, vector<16xi32>], vector<16xf32>,
        %add3A_2033 = arith.addi %broadcast_in_dim3A_1814, %shift_right_arithmetic3A_977 : vector<16xi32>
        %gather3A_2034 = tpu.vector_load_idx %arg6[%add3A_2033, %and3A_980] : memref<256x128xf32, #tpu.memory_space<vmem>>[vector<16xi32>, vector<16xi32>], vector<16xf32>,
        %add3A_2035 = arith.addi %broadcast_in_dim3A_1814, %shift_right_arithmetic3A_996 : vector<16xi32>
        %gather3A_2036 = tpu.vector_load_idx %arg6[%add3A_2035, %and3A_999] : memref<256x128xf32, #tpu.memory_space<vmem>>[vector<16xi32>, vector<16xi32>], vector<16xf32>,
        %add3A_2037 = arith.addi %broadcast_in_dim3A_1814, %shift_right_arithmetic3A_1015 : vector<16xi32>
        %gather3A_2038 = tpu.vector_load_idx %arg6[%add3A_2037, %and3A_1018] : memref<256x128xf32, #tpu.memory_space<vmem>>[vector<16xi32>, vector<16xi32>], vector<16xf32>,
        %add3A_2039 = arith.addi %broadcast_in_dim3A_1814, %shift_right_arithmetic3A_1034 : vector<16xi32>
        %gather3A_2040 = tpu.vector_load_idx %arg6[%add3A_2039, %and3A_1037] : memref<256x128xf32, #tpu.memory_space<vmem>>[vector<16xi32>, vector<16xi32>], vector<16xf32>,
        %add3A_2041 = arith.addi %broadcast_in_dim3A_1814, %shift_right_arithmetic3A_1053 : vector<16xi32>
        %gather3A_2042 = tpu.vector_load_idx %arg6[%add3A_2041, %and3A_1056] : memref<256x128xf32, #tpu.memory_space<vmem>>[vector<16xi32>, vector<16xi32>], vector<16xf32>,
        %add3A_2043 = arith.addi %broadcast_in_dim3A_1814, %shift_right_arithmetic3A_1072 : vector<16xi32>
        %gather3A_2044 = tpu.vector_load_idx %arg6[%add3A_2043, %and3A_1075] : memref<256x128xf32, #tpu.memory_space<vmem>>[vector<16xi32>, vector<16xi32>], vector<16xf32>,
        %add3A_2045 = arith.addi %broadcast_in_dim3A_1814, %shift_right_arithmetic3A_1091 : vector<16xi32>
        %gather3A_2046 = tpu.vector_load_idx %arg6[%add3A_2045, %and3A_1094] : memref<256x128xf32, #tpu.memory_space<vmem>>[vector<16xi32>, vector<16xi32>], vector<16xf32>,
        %add3A_2047 = arith.addi %broadcast_in_dim3A_1814, %shift_right_arithmetic3A_1110 : vector<16xi32>
        %gather3A_2048 = tpu.vector_load_idx %arg6[%add3A_2047, %and3A_1113] : memref<256x128xf32, #tpu.memory_space<vmem>>[vector<16xi32>, vector<16xi32>], vector<16xf32>,
        %add3A_2049 = arith.addi %broadcast_in_dim3A_1814, %shift_right_arithmetic3A_1129 : vector<16xi32>
        %gather3A_2050 = tpu.vector_load_idx %arg6[%add3A_2049, %and3A_1132] : memref<256x128xf32, #tpu.memory_space<vmem>>[vector<16xi32>, vector<16xi32>], vector<16xf32>,
        %add3A_2051 = arith.addi %broadcast_in_dim3A_1814, %shift_right_arithmetic3A_1148 : vector<16xi32>
        %gather3A_2052 = tpu.vector_load_idx %arg6[%add3A_2051, %and3A_1151] : memref<256x128xf32, #tpu.memory_space<vmem>>[vector<16xi32>, vector<16xi32>], vector<16xf32>,
        %add3A_2053 = arith.addi %broadcast_in_dim3A_1814, %shift_right_arithmetic3A_1167 : vector<16xi32>
        %gather3A_2054 = tpu.vector_load_idx %arg6[%add3A_2053, %and3A_1170] : memref<256x128xf32, #tpu.memory_space<vmem>>[vector<16xi32>, vector<16xi32>], vector<16xf32>,
        %add3A_2055 = arith.addi %broadcast_in_dim3A_1814, %shift_right_arithmetic3A_1186 : vector<16xi32>
        %gather3A_2056 = tpu.vector_load_idx %arg6[%add3A_2055, %and3A_1189] : memref<256x128xf32, #tpu.memory_space<vmem>>[vector<16xi32>, vector<16xi32>], vector<16xf32>,
        %add3A_2057 = arith.addi %broadcast_in_dim3A_1814, %shift_right_arithmetic3A_1205 : vector<16xi32>
        %gather3A_2058 = tpu.vector_load_idx %arg6[%add3A_2057, %and3A_1208] : memref<256x128xf32, #tpu.memory_space<vmem>>[vector<16xi32>, vector<16xi32>], vector<16xf32>,
        %add3A_2059 = arith.addi %broadcast_in_dim3A_1814, %shift_right_arithmetic3A_1224 : vector<16xi32>
        %gather3A_2060 = tpu.vector_load_idx %arg6[%add3A_2059, %and3A_1227] : memref<256x128xf32, #tpu.memory_space<vmem>>[vector<16xi32>, vector<16xi32>], vector<16xf32>,
        %add3A_2061 = arith.addi %broadcast_in_dim3A_1814, %shift_right_arithmetic3A_1243 : vector<16xi32>
        %gather3A_2062 = tpu.vector_load_idx %arg6[%add3A_2061, %and3A_1246] : memref<256x128xf32, #tpu.memory_space<vmem>>[vector<16xi32>, vector<16xi32>], vector<16xf32>,
        %add3A_2063 = arith.addi %broadcast_in_dim3A_1814, %shift_right_arithmetic3A_1262 : vector<16xi32>
        %gather3A_2064 = tpu.vector_load_idx %arg6[%add3A_2063, %and3A_1265] : memref<256x128xf32, #tpu.memory_space<vmem>>[vector<16xi32>, vector<16xi32>], vector<16xf32>,
        %add3A_2065 = arith.addi %broadcast_in_dim3A_1814, %shift_right_arithmetic3A_1281 : vector<16xi32>
        %gather3A_2066 = tpu.vector_load_idx %arg6[%add3A_2065, %and3A_1284] : memref<256x128xf32, #tpu.memory_space<vmem>>[vector<16xi32>, vector<16xi32>], vector<16xf32>,
        %add3A_2067 = arith.addi %broadcast_in_dim3A_1814, %shift_right_arithmetic3A_1300 : vector<16xi32>
        %gather3A_2068 = tpu.vector_load_idx %arg6[%add3A_2067, %and3A_1303] : memref<256x128xf32, #tpu.memory_space<vmem>>[vector<16xi32>, vector<16xi32>], vector<16xf32>,
        %add3A_2069 = arith.addi %broadcast_in_dim3A_1814, %shift_right_arithmetic3A_1319 : vector<16xi32>
        %gather3A_2070 = tpu.vector_load_idx %arg6[%add3A_2069, %and3A_1322] : memref<256x128xf32, #tpu.memory_space<vmem>>[vector<16xi32>, vector<16xi32>], vector<16xf32>,
        %gt3A_2071 = arith.cmpf ogt, %gather3A_2010, %gather3A_2008 : vector<16xf32>
        %max3A_2072 = arith.maximumf %gather3A_2008, %gather3A_2010 : vector<16xf32>
        %select_n3A_2073 = arith.select %gt3A_2071, %and3A_739, %and3A_720 : vector<16xi1>, vector<16xi32>
        %gt3A_2074 = arith.cmpf ogt, %gather3A_2014, %gather3A_2012 : vector<16xf32>
        %max3A_2075 = arith.maximumf %gather3A_2012, %gather3A_2014 : vector<16xf32>
        %select_n3A_2076 = arith.select %gt3A_2074, %and3A_777, %and3A_758 : vector<16xi1>, vector<16xi32>
        %gt3A_2077 = arith.cmpf ogt, %gather3A_2018, %gather3A_2016 : vector<16xf32>
        %max3A_2078 = arith.maximumf %gather3A_2016, %gather3A_2018 : vector<16xf32>
        %select_n3A_2079 = arith.select %gt3A_2077, %and3A_815, %and3A_796 : vector<16xi1>, vector<16xi32>
        %gt3A_2080 = arith.cmpf ogt, %gather3A_2022, %gather3A_2020 : vector<16xf32>
        %max3A_2081 = arith.maximumf %gather3A_2020, %gather3A_2022 : vector<16xf32>
        %select_n3A_2082 = arith.select %gt3A_2080, %and3A_853, %and3A_834 : vector<16xi1>, vector<16xi32>
        %gt3A_2083 = arith.cmpf ogt, %gather3A_2026, %gather3A_2024 : vector<16xf32>
        %max3A_2084 = arith.maximumf %gather3A_2024, %gather3A_2026 : vector<16xf32>
        %select_n3A_2085 = arith.select %gt3A_2083, %and3A_891, %and3A_872 : vector<16xi1>, vector<16xi32>
        %gt3A_2086 = arith.cmpf ogt, %gather3A_2030, %gather3A_2028 : vector<16xf32>
        %max3A_2087 = arith.maximumf %gather3A_2028, %gather3A_2030 : vector<16xf32>
        %select_n3A_2088 = arith.select %gt3A_2086, %and3A_929, %and3A_910 : vector<16xi1>, vector<16xi32>
        %gt3A_2089 = arith.cmpf ogt, %gather3A_2034, %gather3A_2032 : vector<16xf32>
        %max3A_2090 = arith.maximumf %gather3A_2032, %gather3A_2034 : vector<16xf32>
        %select_n3A_2091 = arith.select %gt3A_2089, %and3A_967, %and3A_948 : vector<16xi1>, vector<16xi32>
        %gt3A_2092 = arith.cmpf ogt, %gather3A_2038, %gather3A_2036 : vector<16xf32>
        %max3A_2093 = arith.maximumf %gather3A_2036, %gather3A_2038 : vector<16xf32>
        %select_n3A_2094 = arith.select %gt3A_2092, %and3A_1005, %and3A_986 : vector<16xi1>, vector<16xi32>
        %gt3A_2095 = arith.cmpf ogt, %gather3A_2042, %gather3A_2040 : vector<16xf32>
        %max3A_2096 = arith.maximumf %gather3A_2040, %gather3A_2042 : vector<16xf32>
        %select_n3A_2097 = arith.select %gt3A_2095, %and3A_1043, %and3A_1024 : vector<16xi1>, vector<16xi32>
        %gt3A_2098 = arith.cmpf ogt, %gather3A_2046, %gather3A_2044 : vector<16xf32>
        %max3A_2099 = arith.maximumf %gather3A_2044, %gather3A_2046 : vector<16xf32>
        %select_n3A_2100 = arith.select %gt3A_2098, %and3A_1081, %and3A_1062 : vector<16xi1>, vector<16xi32>
        %gt3A_2101 = arith.cmpf ogt, %gather3A_2050, %gather3A_2048 : vector<16xf32>
        %max3A_2102 = arith.maximumf %gather3A_2048, %gather3A_2050 : vector<16xf32>
        %select_n3A_2103 = arith.select %gt3A_2101, %and3A_1119, %and3A_1100 : vector<16xi1>, vector<16xi32>
        %gt3A_2104 = arith.cmpf ogt, %gather3A_2054, %gather3A_2052 : vector<16xf32>
        %max3A_2105 = arith.maximumf %gather3A_2052, %gather3A_2054 : vector<16xf32>
        %select_n3A_2106 = arith.select %gt3A_2104, %and3A_1157, %and3A_1138 : vector<16xi1>, vector<16xi32>
        %gt3A_2107 = arith.cmpf ogt, %gather3A_2058, %gather3A_2056 : vector<16xf32>
        %max3A_2108 = arith.maximumf %gather3A_2056, %gather3A_2058 : vector<16xf32>
        %select_n3A_2109 = arith.select %gt3A_2107, %and3A_1195, %and3A_1176 : vector<16xi1>, vector<16xi32>
        %gt3A_2110 = arith.cmpf ogt, %gather3A_2062, %gather3A_2060 : vector<16xf32>
        %max3A_2111 = arith.maximumf %gather3A_2060, %gather3A_2062 : vector<16xf32>
        %select_n3A_2112 = arith.select %gt3A_2110, %and3A_1233, %and3A_1214 : vector<16xi1>, vector<16xi32>
        %gt3A_2113 = arith.cmpf ogt, %gather3A_2066, %gather3A_2064 : vector<16xf32>
        %max3A_2114 = arith.maximumf %gather3A_2064, %gather3A_2066 : vector<16xf32>
        %select_n3A_2115 = arith.select %gt3A_2113, %and3A_1271, %and3A_1252 : vector<16xi1>, vector<16xi32>
        %gt3A_2116 = arith.cmpf ogt, %gather3A_2070, %gather3A_2068 : vector<16xf32>
        %max3A_2117 = arith.maximumf %gather3A_2068, %gather3A_2070 : vector<16xf32>
        %select_n3A_2118 = arith.select %gt3A_2116, %and3A_1309, %and3A_1290 : vector<16xi1>, vector<16xi32>
        %gt3A_2119 = arith.cmpf ogt, %max3A_2075, %max3A_2072 : vector<16xf32>
        %max3A_2120 = arith.maximumf %max3A_2072, %max3A_2075 : vector<16xf32>
        %select_n3A_2121 = arith.select %gt3A_2119, %select_n3A_2076, %select_n3A_2073 : vector<16xi1>, vector<16xi32>
        %gt3A_2122 = arith.cmpf ogt, %max3A_2081, %max3A_2078 : vector<16xf32>
        %max3A_2123 = arith.maximumf %max3A_2078, %max3A_2081 : vector<16xf32>
        %select_n3A_2124 = arith.select %gt3A_2122, %select_n3A_2082, %select_n3A_2079 : vector<16xi1>, vector<16xi32>
        %gt3A_2125 = arith.cmpf ogt, %max3A_2087, %max3A_2084 : vector<16xf32>
        %max3A_2126 = arith.maximumf %max3A_2084, %max3A_2087 : vector<16xf32>
        %select_n3A_2127 = arith.select %gt3A_2125, %select_n3A_2088, %select_n3A_2085 : vector<16xi1>, vector<16xi32>
        %gt3A_2128 = arith.cmpf ogt, %max3A_2093, %max3A_2090 : vector<16xf32>
        %max3A_2129 = arith.maximumf %max3A_2090, %max3A_2093 : vector<16xf32>
        %select_n3A_2130 = arith.select %gt3A_2128, %select_n3A_2094, %select_n3A_2091 : vector<16xi1>, vector<16xi32>
        %gt3A_2131 = arith.cmpf ogt, %max3A_2099, %max3A_2096 : vector<16xf32>
        %max3A_2132 = arith.maximumf %max3A_2096, %max3A_2099 : vector<16xf32>
        %select_n3A_2133 = arith.select %gt3A_2131, %select_n3A_2100, %select_n3A_2097 : vector<16xi1>, vector<16xi32>
        %gt3A_2134 = arith.cmpf ogt, %max3A_2105, %max3A_2102 : vector<16xf32>
        %max3A_2135 = arith.maximumf %max3A_2102, %max3A_2105 : vector<16xf32>
        %select_n3A_2136 = arith.select %gt3A_2134, %select_n3A_2106, %select_n3A_2103 : vector<16xi1>, vector<16xi32>
        %gt3A_2137 = arith.cmpf ogt, %max3A_2111, %max3A_2108 : vector<16xf32>
        %max3A_2138 = arith.maximumf %max3A_2108, %max3A_2111 : vector<16xf32>
        %select_n3A_2139 = arith.select %gt3A_2137, %select_n3A_2112, %select_n3A_2109 : vector<16xi1>, vector<16xi32>
        %gt3A_2140 = arith.cmpf ogt, %max3A_2117, %max3A_2114 : vector<16xf32>
        %max3A_2141 = arith.maximumf %max3A_2114, %max3A_2117 : vector<16xf32>
        %select_n3A_2142 = arith.select %gt3A_2140, %select_n3A_2118, %select_n3A_2115 : vector<16xi1>, vector<16xi32>
        %gt3A_2143 = arith.cmpf ogt, %max3A_2123, %max3A_2120 : vector<16xf32>
        %max3A_2144 = arith.maximumf %max3A_2120, %max3A_2123 : vector<16xf32>
        %select_n3A_2145 = arith.select %gt3A_2143, %select_n3A_2124, %select_n3A_2121 : vector<16xi1>, vector<16xi32>
        %gt3A_2146 = arith.cmpf ogt, %max3A_2129, %max3A_2126 : vector<16xf32>
        %max3A_2147 = arith.maximumf %max3A_2126, %max3A_2129 : vector<16xf32>
        %select_n3A_2148 = arith.select %gt3A_2146, %select_n3A_2130, %select_n3A_2127 : vector<16xi1>, vector<16xi32>
        %gt3A_2149 = arith.cmpf ogt, %max3A_2135, %max3A_2132 : vector<16xf32>
        %max3A_2150 = arith.maximumf %max3A_2132, %max3A_2135 : vector<16xf32>
        %select_n3A_2151 = arith.select %gt3A_2149, %select_n3A_2136, %select_n3A_2133 : vector<16xi1>, vector<16xi32>
        %gt3A_2152 = arith.cmpf ogt, %max3A_2141, %max3A_2138 : vector<16xf32>
        %max3A_2153 = arith.maximumf %max3A_2138, %max3A_2141 : vector<16xf32>
        %select_n3A_2154 = arith.select %gt3A_2152, %select_n3A_2142, %select_n3A_2139 : vector<16xi1>, vector<16xi32>
        %gt3A_2155 = arith.cmpf ogt, %max3A_2147, %max3A_2144 : vector<16xf32>
        %max3A_2156 = arith.maximumf %max3A_2144, %max3A_2147 : vector<16xf32>
        %select_n3A_2157 = arith.select %gt3A_2155, %select_n3A_2148, %select_n3A_2145 : vector<16xi1>, vector<16xi32>
        %gt3A_2158 = arith.cmpf ogt, %max3A_2153, %max3A_2150 : vector<16xf32>
        %max3A_2159 = arith.maximumf %max3A_2150, %max3A_2153 : vector<16xf32>
        %select_n3A_2160 = arith.select %gt3A_2158, %select_n3A_2154, %select_n3A_2151 : vector<16xi1>, vector<16xi32>
        %gt3A_2161 = arith.cmpf ogt, %max3A_2159, %max3A_2156 : vector<16xf32>
        %max3A_2162 = arith.maximumf %max3A_2156, %max3A_2159 : vector<16xf32>
        %select_n3A_2163 = arith.select %gt3A_2161, %select_n3A_2160, %select_n3A_2157 : vector<16xi1>, vector<16xi32>
        %get3A_2164 = arith.index_cast %multiple_of3A_2006 : i32 to index
        %get3A_2165 = tpu.vector_load %arg8[%get3A_2164] {strides = array<i32>} : memref<1024xi32, #tpu.memory_space<vmem>>, vector<16xi32>,
        %eq3A_2166 = arith.cmpi eq, %select_n3A_2163, %get3A_2165 : vector<16xi32>
        %select_n3A_2167 = arith.select %eq3A_2166, %broadcast_in_dim3A_5, %broadcast_in_dim3A_3 : vector<16xi1>, vector<16xf32>
        %neg3A_2168 = arith.constant 0.000000e+00 : f32
        %neg3A_2169 = vector.broadcast %neg3A_2168 : f32 to vector<16xf32>
        %neg3A_2170 = arith.subf %neg3A_2169, %max3A_2162 : vector<16xf32>
        %exp3A_2171 = math.exp %neg3A_2170 : vector<16xf32>
        %add3A_2172 = arith.addf %broadcast_in_dim3A_5, %exp3A_2171 : vector<16xf32>
        %div3A_2173 = arith.divf %broadcast_in_dim3A_5, %add3A_2172 : vector<16xf32>
        %mul3A_2174 = arith.constant 1.500000e+01 : f32
        %mul3A_2175 = vector.broadcast %mul3A_2174 : f32 to vector<16xf32>
        %mul3A_2176 = arith.mulf %div3A_2173, %mul3A_2175 : vector<16xf32>
        %convert_element_type3A_2177 = arith.fptosi %mul3A_2176 : vector<16xf32> to vector<16xi32>
        %min3A_2178 = arith.minsi %convert_element_type3A_2177, %broadcast_in_dim3A_13 : vector<16xi32>
        %shift_left3A_2179 = arith.constant 4 : i32
        %shift_left3A_2180 = vector.broadcast %shift_left3A_2179 : i32 to vector<16xi32>
        %shift_left3A_2181 = arith.shli %min3A_2178, %shift_left3A_2180 : vector<16xi32>
        %add3A_2182 = arith.addi %shift_left3A_2181, %iota3A : vector<16xi32>
        tpu.vector_store_idx %arg9[%add3A_2182], %div3A_2173 {add = true} : memref<768xf32, #tpu.memory_space<vmem>>[vector<16xi32>], vector<16xf32>,
        %broadcast_in_dim3A_2183 = arith.constant 256 : i32
        %broadcast_in_dim3A_2184 = vector.broadcast %broadcast_in_dim3A_2183 : i32 to vector<16xi32>
        %add3A_2185 = arith.addi %add3A_2182, %broadcast_in_dim3A_2184 : vector<16xi32>
        tpu.vector_store_idx %arg9[%add3A_2185], %select_n3A_2167 {add = true} : memref<768xf32, #tpu.memory_space<vmem>>[vector<16xi32>], vector<16xf32>,
        %broadcast_in_dim3A_2186 = arith.constant 512 : i32
        %broadcast_in_dim3A_2187 = vector.broadcast %broadcast_in_dim3A_2186 : i32 to vector<16xi32>
        %add3A_2188 = arith.addi %add3A_2182, %broadcast_in_dim3A_2187 : vector<16xi32>
        tpu.vector_store_idx %arg9[%add3A_2188], %broadcast_in_dim3A_5 {add = true} : memref<768xf32, #tpu.memory_space<vmem>>[vector<16xi32>], vector<16xf32>,
      }
      %scan3A_1425 = arith.constant 32 : i32
      %lt3A_1426 = arith.constant 31 : i32
      %lt3A_1427 = arith.cmpi slt, %add3A_1394, %lt3A_1426 : i32
      %convert_element_type3A_1428 = arith.extui %lt3A_1427 : i1 to i32
      %cond3A_1429 = arith.constant 0 : i32
      %cond3A_1430 = arith.cmpi ne, %convert_element_type3A_1428, %cond3A_1429 : i32
      scf.if %cond3A_1430 {
        %mul3A_1431 = arith.constant 2 : i32
        %mul3A_1432 = arith.muli %add3A_1394, %mul3A_1431 : i32
        %add3A_1433 = arith.constant 1 : i32
        %add3A_1434 = arith.addi %mul3A_1432, %add3A_1433 : i32
        %add3A_1435 = arith.constant 2 : i32
        %add3A_1436 = arith.addi %add3A_1434, %add3A_1435 : i32
        %mul3A_1437 = arith.constant 1024 : i32
        %mul3A_1438 = arith.muli %add3A_1436, %mul3A_1437 : i32
        %add3A_1439 = arith.addi %mul3A_2, %mul3A_1438 : i32
        %multiple_of3A_1440 = tpu.assume_multiple %add3A_1439, 1024 : i32
        %mul3A_1441 = arith.constant 1024 : i32
        %mul3A_1442 = arith.muli %add3A_1436, %mul3A_1441 : i32
        %add3A_1443 = arith.addi %mul3A_2, %mul3A_1442 : i32
        %jit3A_1444 = arith.constant 4 : i32
        %div3A_1445 = arith.divsi %add3A_1443, %jit3A_1444 : i32
        %sign3A_1446 = arith.constant 0 : i32
        %sign3A_1447 = arith.cmpi sgt, %add3A_1443, %sign3A_1446 : i32
        %sign3A_1448 = arith.extui %sign3A_1447 : i1 to i32
        %sign3A_1449 = arith.constant 0 : i32
        %sign3A_1450 = arith.cmpi slt, %add3A_1443, %sign3A_1449 : i32
        %sign3A_1451 = arith.extui %sign3A_1450 : i1 to i32
        %sign3A_1452 = arith.subi %sign3A_1448, %sign3A_1451 : i32
        %sign3A_1453 = arith.constant 0 : i32
        %sign3A_1454 = arith.cmpi sgt, %jit3A_1444, %sign3A_1453 : i32
        %sign3A_1455 = arith.extui %sign3A_1454 : i1 to i32
        %sign3A_1456 = arith.constant 0 : i32
        %sign3A_1457 = arith.cmpi slt, %jit3A_1444, %sign3A_1456 : i32
        %sign3A_1458 = arith.extui %sign3A_1457 : i1 to i32
        %sign3A_1459 = arith.subi %sign3A_1455, %sign3A_1458 : i32
        %ne3A_1460 = arith.cmpi ne, %sign3A_1452, %sign3A_1459 : i32
        %rem3A_1461 = arith.remsi %add3A_1443, %jit3A_1444 : i32
        %ne3A_1462 = arith.constant 0 : i32
        %ne3A_1463 = arith.cmpi ne, %rem3A_1461, %ne3A_1462 : i32
        %and3A_1464 = arith.andi %ne3A_1460, %ne3A_1463 : i1
        %sub3A_1465 = arith.constant 1 : i32
        %sub3A_1466 = arith.subi %div3A_1445, %sub3A_1465 : i32
        %select_n3A_1467 = arith.select %and3A_1464, %sub3A_1466, %div3A_1445 : i32
        %multiple_of3A_1468 = tpu.assume_multiple %select_n3A_1467, 256 : i32
        %dma_start3A_1469 = arith.constant 0 : i32
        %dma_start3A_1470 = tpu.memref_slice %arg2[%multiple_of3A_1468, %dma_start3A_1469] : memref<524288x128xf32, #tpu.memory_space<hbm>> -> memref<256x128xf32, #tpu.memory_space<hbm>>
        %dma_start3A_1471 = arith.constant 0 : i32
        %dma_start3A_1472 = tpu.memref_slice %arg2[%multiple_of3A_1468, %dma_start3A_1471] : memref<524288x128xf32, #tpu.memory_space<hbm>> -> memref<256x128xf32, #tpu.memory_space<hbm>>
        tpu.enqueue_dma source(%dma_start3A_1472 : memref<256x128xf32, #tpu.memory_space<hbm>>) target(%arg6 : memref<256x128xf32, #tpu.memory_space<vmem>>) target_semaphore(%arg11 : memref<!tpu.dma_semaphore, #tpu.memory_space<semaphore_mem>>)
        %dma_start3A_1473 = tpu.memref_slice %arg3[%multiple_of3A_1440] : memref<2097152xi32, #tpu.memory_space<hbm>> -> memref<1024xi32, #tpu.memory_space<hbm>>
        %dma_start3A_1474 = tpu.memref_slice %arg3[%multiple_of3A_1440] : memref<2097152xi32, #tpu.memory_space<hbm>> -> memref<1024xi32, #tpu.memory_space<hbm>>
        tpu.enqueue_dma source(%dma_start3A_1474 : memref<1024xi32, #tpu.memory_space<hbm>>) target(%arg8 : memref<1024xi32, #tpu.memory_space<vmem>>) target_semaphore(%arg13 : memref<!tpu.dma_semaphore, #tpu.memory_space<semaphore_mem>>)
      } else {
      }
    }
    %scan3A_1389 = arith.constant 32 : i32
    "tpu.region"() ({
      %run_scoped3A = tpu.sem_alloc : memref<!tpu.dma_semaphore, #tpu.memory_space<semaphore_mem>>
      %dma_start3A_1390 = arith.constant 0 : i32
      %dma_start3A_1391 = tpu.memref_slice %arg4[%add3A, %dma_start3A_1390] : memref<32x768xf32, #tpu.memory_space<hbm>> -> memref<1x768xf32, #tpu.memory_space<hbm>>
      %dma_start3A_1392 = tpu.memref_squeeze %dma_start3A_1391 : memref<1x768xf32, #tpu.memory_space<hbm>> -> memref<768xf32, #tpu.memory_space<hbm>>
      %dma_start3A_1393 = arith.constant 0 : i32
      %dma_start3A_1394 = tpu.memref_slice %arg4[%add3A, %dma_start3A_1393] : memref<32x768xf32, #tpu.memory_space<hbm>> -> memref<1x768xf32, #tpu.memory_space<hbm>>
      %dma_start3A_1395 = tpu.memref_squeeze %dma_start3A_1394 : memref<1x768xf32, #tpu.memory_space<hbm>> -> memref<768xf32, #tpu.memory_space<hbm>>
      tpu.enqueue_dma source(%arg9 : memref<768xf32, #tpu.memory_space<vmem>>) target(%dma_start3A_1395 : memref<768xf32, #tpu.memory_space<hbm>>) target_semaphore(%run_scoped3A : memref<!tpu.dma_semaphore, #tpu.memory_space<semaphore_mem>>)
      %dma_wait3A = arith.constant 0 : i32
      %dma_wait3A_1396 = tpu.memref_slice %arg4[%add3A, %dma_wait3A] : memref<32x768xf32, #tpu.memory_space<hbm>> -> memref<1x768xf32, #tpu.memory_space<hbm>>
      %dma_wait3A_1397 = tpu.memref_squeeze %dma_wait3A_1396 : memref<1x768xf32, #tpu.memory_space<hbm>> -> memref<768xf32, #tpu.memory_space<hbm>>
      %dma_wait3A_1398 = arith.constant 0 : i32
      %dma_wait3A_1399 = tpu.memref_slice %arg4[%add3A, %dma_wait3A_1398] : memref<32x768xf32, #tpu.memory_space<hbm>> -> memref<1x768xf32, #tpu.memory_space<hbm>>
      %dma_wait3A_1400 = tpu.memref_squeeze %dma_wait3A_1399 : memref<1x768xf32, #tpu.memory_space<hbm>> -> memref<768xf32, #tpu.memory_space<hbm>>
      tpu.wait_dma2 semaphore(%run_scoped3A : memref<!tpu.dma_semaphore, #tpu.memory_space<semaphore_mem>>) src(%arg9 : memref<768xf32, #tpu.memory_space<vmem>>) dst(%dma_wait3A_1400 : memref<768xf32, #tpu.memory_space<hbm>>)
      tpu.yield
    }) : () -> ()
    return
  }
}

</mosaic_0001>

<sc_bundles>
// kernel: kernel.3.cloned.1.call-start
scs
__scs_entry_jumppad:
0x0: {  	(pc) =	sbr.rel $0x88, $3  }
0x1: {  	(tag) =	ssettag $0x0;
	lr =	simm.s32 $0x1  }
0x2: {  	[smem:$0x3F9F] =	sst lr;
	_ =	strace $0xD0000000  }
0x3: {  	_ = 	snop  }
0x4: {  	_ = 	snop  }
0x5: {  	_ = 	snop  }
0x6: {  	_ = 	snop  }
0x7: {  	_ = 	snop  }
__scs_overlays_trampoline_lowered:
0x8: {  	[smem:$0x3FAE] =	sst s0  }
0x9: {  	[smem:$0x3FAF] =	sst s1  }
0xa: {  	[smem:$0x3FB0] =	sst s2  }
0xb: {  	[smem:$0x3FB1] =	sst s3  }
0xc: {  	[smem:$0x3FB2] =	sst s4  }
0xd: {  	[smem:$0x3FB3] =	sst s5  }
0xe: {  	[smem:$0x3FB4] =	sst s6  }
0xf: {  	[smem:$0x3FB5] =	sst s7  }
0x10: {  	[smem:$0x3FB6] =	sst s8  }
0x11: {  	[smem:$0x3FB7] =	sst s9;
	s0 =	simm.s32 @!p0 $0x0  }
0x12: {  	s1 =	sld [smem:$0x3F9D];
	s0 =	simm.s32 @p0 $0x1  }
0x13: {  	[smem:$0x3FB8] =	sst s0;
	s0 =	simm.s32 @!p1 $0x0  }
0x14: {  	s2 =	sld [smem:$0x3F9C];
	s0 =	simm.s32 @p1 $0x1  }
0x15: {  	[smem:$0x3FB9] =	sst s0;
	s0 =	simm.s32 @!p2 $0x0  }
0x16: {  	s3 =	sld [smem:$0x3FDB];
	s0 =	simm.s32 @p2 $0x1  }
0x17: {  	s4 =	simm.s32 $0x1BF5;
	[smem:$0x3FBB] =	sst s0  }
0x18: {  	s0 =	sld [smem:$0x3F9E];
	_ =	swait.ge [sflag:s4], $0x0  }
0x19: {  	s7 =	sld [smem:$0x3F9F]  }
0x1a: {  	s8 =	sadd.s32 $0xFFFFE003, lr  }
0x1b: {  	s9 =	sadd.s32 $0xFFFFFEF7, lr;
	s5 =	simm.s32 $0xFFFFFFFF;
	p2 =	slt.u32 s8, $0xFFFFF086  }
0x1c: {  	p1 =	slt.u32 s9, $0xF7A;
	s5 =	simm.s32 @!p2 $0x0  }
0x1d: {  	s5 =	simm.s32 @p1 $0x1;
	p0 =	seq.s32 s7, s2  }
0x1e: {  	s7 =	smul.u32 @!p0 $0xF7A, s2;
	p2 =	seq.s32 @!p0 s5, $0x0  }
0x1f: {  	s9 =	smul.u32 $0xF7A, s1;
	s8 =	simm.s32 @!p0 $0x1BF5;
	p2 =	por !p2, p0  }
0x20: {  	[sflag:s8] =	ssyncset.s32 @!p0 $0xFFFFF086;
	s6 =	sadd.s32 @!p0 s3, s7;
	s7 =	simm.s32 @!p0 $0x108  }
0x21: {  	s3 =	sadd.s32 s3, s9;
	s6 =	sadd.s32 @!p0 $0x88, s6;
	s7 =	simm.s32 @p2 $0x1082  }
0x22: {  	[simem:s7], [sflag:s8] =	dma.local @!p0 [hbm:s6], $0xF7A  }
0x23: {  	s9 =	sor.u32 $0xD0000000, s2;
	s6 =	simm.s32 $0x108;
	_ =	swait.ge @!p0 [sflag:s8], $0x0  }
0x24: {  	s3 =	sadd.s32 $0x88, s3;
	s6 =	simm.s32 @!p1 $0x1082;
	[sflag:s4] =	ssyncset.s32 $0xFFFFF086  }
0x25: {  	[simem:s6], [sflag:s4] =	dma.local [hbm:s3], $0xF7A  }
0x26: {  	[smem:$0x3F9F] =	sst s1;
	(tag) =	ssettag s2;
	_ =	strace s9  }
0x27: {  	s1 =	sld [smem:$0x3FAF]  }
0x28: {  	s2 =	sld [smem:$0x3FB0]  }
0x29: {  	s4 =	sld [smem:$0x3FB2]  }
0x2a: {  	p0 =	seq.s32 s5, $0x0;
	s5 =	sld [smem:$0x3FB3]  }
0x2b: {  	s6 =	sld [smem:$0x3FB4]  }
0x2c: {  	s7 =	sld [smem:$0x3FB5]  }
0x2d: {  	s3 =	simm.s32 $0x108;
	s8 =	sld [smem:$0x3FB6]  }
0x2e: {  	s3 =	simm.s32 @!p0 $0x1082;
	s9 =	sld [smem:$0x3FB7]  }
0x2f: {  	lr =	sadd.s32 s0, s3;
	s0 =	sld [smem:$0x3FAE]  }
0x30: {  	s3 =	sld [smem:$0x3FB1]  }
0x31: {  	[smem:$0x3FBA] =	sst s10  }
0x32: {  	s10 =	sld [smem:$0x3FB8];
	_ =	sdelay $0x3  }
0x33: {  	p0 =	seq.s32 s10, $0x1;
	s10 =	sld [smem:$0x3FBA];
	_ =	sdelay $0x3  }
0x34: {  	[smem:$0x3FBA] =	sst s10  }
0x35: {  	s10 =	sld [smem:$0x3FB9];
	_ =	sdelay $0x3  }
0x36: {  	p1 =	seq.s32 s10, $0x1;
	s10 =	sld [smem:$0x3FBA];
	_ =	sdelay $0x3  }
0x37: {  	[smem:$0x3FBA] =	sst s10  }
0x38: {  	s10 =	sld [smem:$0x3FBB]  }
0x39: {  	_ = 	snop;
	(pc) =	sbr.ind lr, $3  }
0x3a: {  	_ = 	snop  }
0x3b: {  	_ = 	snop  }
0x3c: {  	p2 =	seq.s32 s10, $0x1;
	s10 =	sld [smem:$0x3FBA]  }
0x3d: {  	_ =	shalt  }
0x3e: {  	_ =	shalt  }
0x3f: {  	_ =	shalt  }
0x40: {  	_ =	shalt  }
0x41: {  	_ =	shalt  }
0x42: {  	_ =	shalt  }
0x43: {  	_ =	shalt  }
0x44: {  	_ =	shalt  }
0x45: {  	_ =	shalt  }
0x46: {  	_ =	shalt  }
0x47: {  	_ =	shalt  }
0x48: {  	_ =	shalt  }
0x49: {  	_ =	shalt  }
0x4a: {  	_ =	shalt  }
0x4b: {  	_ =	shalt  }
0x4c: {  	_ =	shalt  }
0x4d: {  	_ =	shalt  }
0x4e: {  	_ =	shalt  }
0x4f: {  	_ =	shalt  }
0x50: {  	_ =	shalt  }
0x51: {  	_ =	shalt  }
0x52: {  	_ =	shalt  }
0x53: {  	_ =	shalt  }
0x54: {  	_ =	shalt  }
0x55: {  	_ =	shalt  }
0x56: {  	_ =	shalt  }
0x57: {  	_ =	shalt  }
0x58: {  	_ =	shalt  }
0x59: {  	_ =	shalt  }
0x5a: {  	_ =	shalt  }
0x5b: {  	_ =	shalt  }
0x5c: {  	_ =	shalt  }
0x5d: {  	_ =	shalt  }
0x5e: {  	_ =	shalt  }
0x5f: {  	_ =	shalt  }
0x60: {  	_ =	shalt  }
0x61: {  	_ =	shalt  }
0x62: {  	_ =	shalt  }
0x63: {  	_ =	shalt  }
0x64: {  	_ =	shalt  }
0x65: {  	_ =	shalt  }
0x66: {  	_ =	shalt  }
0x67: {  	_ =	shalt  }
0x68: {  	_ =	shalt  }
0x69: {  	_ =	shalt  }
0x6a: {  	_ =	shalt  }
0x6b: {  	_ =	shalt  }
0x6c: {  	_ =	shalt  }
0x6d: {  	_ =	shalt  }
0x6e: {  	_ =	shalt  }
0x6f: {  	_ =	shalt  }
0x70: {  	_ =	shalt  }
0x71: {  	_ =	shalt  }
0x72: {  	_ =	shalt  }
0x73: {  	_ =	shalt  }
0x74: {  	_ =	shalt  }
0x75: {  	_ =	shalt  }
0x76: {  	_ =	shalt  }
0x77: {  	_ =	shalt  }
0x78: {  	_ =	shalt  }
0x79: {  	_ =	shalt  }
0x7a: {  	_ =	shalt  }
0x7b: {  	_ =	shalt  }
0x7c: {  	_ =	shalt  }
0x7d: {  	_ =	shalt  }
0x7e: {  	_ =	shalt  }
0x7f: {  	_ =	shalt  }
0x80: {  	_ =	shalt  }
0x81: {  	_ =	shalt  }
0x82: {  	_ =	shalt  }
0x83: {  	_ =	shalt  }
0x84: {  	_ =	shalt  }
0x85: {  	_ =	shalt  }
0x86: {  	_ =	shalt  }
0x87: {  	_ =	shalt  }
.Lfunc_end0:
.L_simem_size_0:
called_computation_lowered:
.L_overlay_start_0:
0x88: {  	s2 =	sld [smem:$0x3FD9]  }
0x89: {  	s3 =	sld [smem:$0x3FFE];
	_ =	sdelay $0x1  }
0x8a: {  	s1 =	srdreg.scid  }
0x8b: {  	s0 =	sand.u32 $0x1, s1  }
0x8c: {  	s17 =	sshll.u32 s0, $0xA;
	s2 =	sadd.s32 s3, s2  }
0x8d: {  	s2 =	sadd.s32 s2, s17  }
0x8e: {  	[smem:$0x3FC6] =	sst s2  }
0x8f: {  	_ = 	snop  }
0x90: {  	s2 =	sld [smem:$0x3FC8];
	(tm) =	ssettm $0x1  }
0x91: {  	s18 =	sld [smem:$0x3FFB];
	_ =	sdelay $0x3  }
0x92: {  	_ =	strace s18  }
0x93: {  	s3 =	sld [smem:$0x3FFC];
	_ =	sdelay $0x3  }
0x94: {  	_ =	strace s3  }
0x95: {  	s3 =	sld [smem:$0x3FFD];
	_ =	sdelay $0x3  }
0x96: {  	_ =	strace s3  }
0x97: {  	_ =	strace $0x8FFFFFFF  }
0x98: {  	s19 =	sld [smem:$0x3FDB];
	_ =	sdelay $0x1  }
0x99: {  	s4 =	simm.s32 $_scs_section_size  }
0x9a: {  	s5 =	simm.s32 $_size__tile_overlayer_lowered;
	s6 =	simm.s32 $_tile_overlayer_lowered  }
0x9b: {  	s22 =	simm.s32 $0x1BFF;
	s21 =	sshll.u32 s6, $0x1;
	s3 =	sadd.s32 s4, s19  }
0x9c: {  	s7 =	simm.s32 $0x0;
	s20 =	sshll.u32 s5, $0x1;
	s5 =	sadd.s32 s21, s3  }
0x9d: {  	[timem:s7], [sflag:s22] =	dma.local [hbm:s5], s20  }
0x9e: {  	_ =	swait.ge [sflag:s22], s20  }
0x9f: {  	s4 =	ssub.s32 $0x0, s20;
	[sflag:s22] =	ssyncset.done $0x0  }
0xa0: {  	[sflag:s22] =	ssyncadd.s32 s4;
	_ =	sdelay $0x1  }
0xa1: {  	s23 =	simm.s32 $0x1B8B  }
0xa2: {  	_ =	swait.ge [sflag:s23], $0x1  }
0xa3: {  	[sflag:s23] =	ssyncset.done $0x0  }
0xa4: {  	s25 =	simm.s32 $0x1B8E;
	s24 =	sld [smem:$0x3FFE];
	[sflag:s23] =	ssyncadd.s32 $0xFFFFFFFF  }
0xa5: {  	s26 =	simm.s32 $execute0_lowered;
	[smem:$0x3FD2] =	sst s25  }
0xa6: {  	s5 =	sshll.u32 s26, $0x1;
	_ =	strace $0x80000046;
	[dreg:$0x1] =	wrdreg $0xFFFFFFFF  }
0xa7: {  	s28 =	simm.s32 $_size_execute0_lowered;
	s3 =	sadd.s32 s3, s5;
	[dreg:$0x0] =	wrdreg $0x0  }
0xa8: {  	s5 =	sshll.u32 s28, $0x1;
	[dreg:$0x2] =	wrdreg s3  }
0xa9: {  	[dreg:$0x3] =	wrdreg s5  }
0xaa: {  	[dreg:$0x4] =	wrdreg $0xC0  }
0xab: {  	_ =	task [dreg:s7], $0x5FFFF  }
0xac: {  	[dreg:$0x1] =	wrdreg $0xFFFFFFFF  }
0xad: {  	[dreg:$0x0] =	wrdreg $0x60  }
0xae: {  	[dreg:$0x2] =	wrdreg s24  }
0xaf: {  	[dreg:$0x3] =	wrdreg s2  }
0xb0: {  	[dreg:$0x4] =	wrdreg $0x9  }
0xb1: {  	_ =	task.clear_ibuf [dreg:s7], $0x5FFFF;
	_ =	strace $0x90000046  }
0xb2: {  	s29 =	simm.s32 $0x9;
	_ =	strace $0x80000048  }
0xb3: {  	_ =	swait.ge [sflag:s29], $0x1  }
0xb4: {  	[sflag:s29] =	ssyncadd.s32 $0xFFFFFFFF  }
0xb5: {  	_ =	strace $0x90000048  }
0xb6: {  	_ =	sfence  }
0xb7: {  	s30 =	sld [smem:$0x0];
	_ =	sdelay $0x2  }
0xb8: {  	s31 =	sshll.u32 s1, $0xD;
	s1 =	sshrl.u32 s1, $0x2  }
0xb9: {  	s3 =	sand.u32 $0x4000, s31;
	s1 =	sadd.s32 s1, s30  }
0xba: {  	s0 =	sor.u32 s3, s0;
	s1 =	sshll.u32 s1, $0x11  }
0xbb: {  	s0 =	sor.u32 s1, s0  }
0xbc: {  	s0 =	sadd.s32 $0x8F2B, s0  }
0xbd: {  	[sflag:s0] =	ssyncadd.remote.s32 $0x1  }
0xbe: {  	_ =	sfence.sel $0xFFFF  }
0xbf: {  	[dreg:$0x0] =	wrdreg $0xFFFFFFFF;
	(pc) =	sbr.abs _section_cstart, $3  }
0xc0: {  	[dreg:$0x1] =	wrdreg $0xFFFFFFFF  }
0xc1: {  	_ =	task.clear_ibuf [dreg:s7], $0x2FFFF;
	_ =	strace $0x9FFFFFFF  }
0xc2: {  	(tm) =	ssettm $0x7FFFFFFF  }
0xc3: {  	_ =	shalt  }
tec
execute0_lowered:
.L_overlay_start_1:
0x0: {  	(tag) =	ssettag $0x1  }
0x1: {  	v0 =	vlaneseq.u32  }
0x2: {  	v2 =	vimm.s32 $0x6F4E2D0C;
	v3 =	vimm.s32 $0x6B4A2908;
	v4 =	vimm.s32 $0x63422100  }
0x3: {  	v44 =	vimm.s32 $0x67462504;
	v5 =	vimm.s32 $0x704F2E0D;
	v6 =	vimm.s32 $0x6C4B2A09  }
0x4: {  	vm0 =	vcmask $0x1F10;
	v8 =	vimm.s32 $0x64432201;
	v45 =	vimm.s32 $0x68472605  }
0x5: {  	v11 =	vimm.s32 $0x65442302;
	v14 =	vimm.s32 $0x6E4D2C0B;
	v17 =	vimm.s32 $0x73523110  }
0x6: {  	v1 =	vshrl.u32 v0, $0x2;
	v2 =	vunpack.c.0.s8.s32 v2;
	v3 =	vunpack.c.0.s8.s32 v3  }
0x7: {  	v0 =	vunpack.c.0.s8.s32 v4;
	v4 =	vunpack.c.0.s8.s32 v44;
	v5 =	vunpack.c.0.s8.s32 v5  }
0x8: {  	v6 =	vunpack.c.0.s8.s32 v6;
	v16 =	vunpack.c.0.s8.s32 v14;
	v14 =	vimm.s32 $0x66452403  }
0x9: {  	v20 =	vmul.u32 $0x80, v1;
	v26 =	vunpack.c.0.s8.s32 v14;
	v14 =	vimm.s32 $0x74533211  }
0xa: {  	v1 =	vsel vm0, v2, v3;
	v29 =	vsel vm0, v3, v4;
	v3 =	vunpack.c.0.s8.s32 v14  }
0xb: {  	v47 =	vimm.s32 $0x75543312;
	v48 =	vimm.s32 $0x77563514;
	v17 =	vunpack.c.0.s8.s32 v17  }
0xc: {  	v7 =	vsel vm0, v5, v6;
	v31 =	vsel vm0, v3, v5;
	v5 =	vunpack.c.0.s8.s32 v48  }
0xd: {  	v50 =	vimm.s32 $0x78573615;
	v24 =	vunpack.c.0.s8.s32 v11;
	v21 =	vsel vm0, v4, v0  }
0xe: {  	v2 =	vsel vm0, v17, v2;
	v11 =	vsel vm0, v5, v17;
	v17 =	vunpack.c.0.s8.s32 v50  }
0xf: {  	v22 =	vunpack.c.0.s8.s32 v8;
	v63 =	vcombine.low v21, v1;
	v33 =	vcombine.low v1, v11  }
0x10: {  	v1 =	vimm.s32 $0x7A593817;
	v34 =	vsel vm0, v17, v3;
	v3 =	vimm.s32 $0x7B5A3918  }
0x11: {  	v36 =	vunpack.c.0.s8.s32 v1;
	v1 =	vimm.s32 $0x7C5B3A19;
	v37 =	vunpack.c.0.s8.s32 v3  }
0x12: {  	v30 =	vcombine.low v29, v2;
	v41 =	vunpack.c.0.s8.s32 v1;
	v1 =	vimm.s32 $0x7D5C3B1A  }
0x13: {  	v3 =	vimm.s32 $0x7F5E3D1C;
	v42 =	vunpack.c.0.s8.s32 v1;
	v39 =	vsel vm0, v37, v5  }
0x14: {  	v44 =	vunpack.c.0.s8.s32 v3;
	v40 =	vcombine.low v2, v39;
	v2 =	vimm.s32 $0x7E5D3C1B  }
0x15: {  	v3 =	vimm.s32 $0x18171615;
	v43 =	vunpack.c.0.s8.s32 v2;
	v2 =	vimm.s32 $0x14131211  }
0x16: {  	v1 =	vimm.s32 $0x605F3E1D;
	v3 =	vunpack.c.0.s8.s32 v3;
	v2 =	vunpack.c.0.s8.s32 v2  }
0x17: {  	v8 =	vunpack.c.0.s8.s32 v45;
	v45 =	vunpack.c.0.s8.s32 v1;
	v1 =	vimm.s32 $0x6241201F  }
0x18: {  	v4 =	vunpack.c.0.s8.s32 v47;
	v47 =	vunpack.c.0.s8.s32 v1;
	v1 =	vsel vm0, v3, v2  }
0x19: {  	[tilespmem:$0x1FB90] =	vst v1;
	v1 =	vimm.s32 $0x1C1B1A19  }
0x1a: {  	v1 =	vunpack.c.0.s8.s32 v1;
	_ =	sdelay $0x1  }
0x1b: {  	v2 =	vimm.s32 $0x19181716;
	[tilespmem:$0x1FBA0] =	vst v1;
	v1 =	vimm.s32 $0x15141312  }
0x1c: {  	v54 =	vimm.s32 $0x1A191817;
	v53 =	vunpack.c.0.s8.s32 v2;
	v1 =	vunpack.c.0.s8.s32 v1  }
0x1d: {  	v49 =	vimm.s32 $0x76553413;
	v56 =	vimm.s32 $0x1B1A1918;
	v59 =	vunpack.c.0.s8.s32 v54  }
0x1e: {  	v32 =	vsel vm0, v6, v8;
	[tilespmem:$0x1FB80] =	vst v3;
	v2 =	vimm.s32 $0x1D1C1B1A;
	v1 =	vsel vm0, v53, v1  }
0x1f: {  	v6 =	vunpack.c.0.s8.s32 v49;
	v3 =	vimm.s32 $0x1F1E1D;
	[tilespmem:$0x1FBC0] =	vst v1;
	v1 =	vunpack.c.0.s8.s32 v2  }
0x20: {  	[tilespmem:$0x1FBF0] =	vst v59;
	v50 =	vunpack.c.0.s8.s32 v56;
	v48 =	vunpack.c.0.s8.s32 v3;
	v3 =	vimm.s32 $0x1001F1E  }
0x21: {  	v49 =	vunpack.c.0.s8.s32 v3;
	v3 =	vimm.s32 $0x1F1E1D1C;
	[tilespmem:$0x1FBD0] =	vst v1;
	v1 =	vimm.s32 $0x16151413  }
0x22: {  	[tilespmem:$0x1FBE0] =	vst v50;
	v55 =	vunpack.c.0.s8.s32 v3;
	v1 =	vunpack.c.0.s8.s32 v1  }
0x23: {  	s11 =	rddreg [dreg:$0x0];
	[tilespmem:$0x1FBB0] =	vst v53  }
0x24: {  	s1 =	rddreg [dreg:$0x1];
	s2 =	simm.s32 $0x0;
	[tilespmem:$0x1FC10] =	vst v55;
	v1 =	vsel vm0, v59, v1  }
0x25: {  	v60 =	vimm.s32 $0x201001F;
	[smem:$0x7FF] =	sst s2;
	[tilespmem:$0x1FC00] =	vst v1  }
0x26: {  	s0 =	rddreg [dreg:$0x2];
	v61 =	vunpack.c.0.s8.s32 v60;
	_ =	strace $0x80000047;
	[tilespmem:$0x1FC30] =	vst v48  }
0x27: {  	[tilespmem:$0x1FC50] =	vst v49  }
0x28: {  	[tilespmem:$0x1FC70] =	vst v61  }
0x29: {  	[tilespmem:$0x1FCE0] =	vst v0  }
0x2a: {  	[tilespmem:$0x1FCF0] =	vst v20  }
0x2b: {  	[tilespmem:$0x1FD00] =	vst v21  }
0x2c: {  	v9 =	vimm.s32 $0x71502F0E;
	v12 =	vimm.s32 $0x69482706;
	[tilespmem:$0x1FD10] =	vst v63  }
0x2d: {  	v10 =	vimm.s32 $0x6D4C2B0A;
	v46 =	vunpack.c.0.s8.s32 v12;
	v23 =	vsel vm0, v8, v22;
	[tilespmem:$0x1FD20] =	vst v22  }
0x2e: {  	v9 =	vunpack.c.0.s8.s32 v9;
	v10 =	vunpack.c.0.s8.s32 v10;
	[tilespmem:$0x1FD30] =	vst v23  }
0x2f: {  	v13 =	vimm.s32 $0x7251300F;
	v15 =	vimm.s32 $0x6A492807;
	v25 =	vsel vm0, v46, v24;
	[tilespmem:$0x1FD40] =	vst v24  }
0x30: {  	v18 =	vunpack.c.0.s8.s32 v15;
	v12 =	vsel vm0, v9, v10;
	v15 =	vcombine.low v23, v7;
	[tilespmem:$0x1FD50] =	vst v25  }
0x31: {  	v13 =	vunpack.c.0.s8.s32 v13;
	v27 =	vcombine.low v25, v12;
	[tilespmem:$0x1FD60] =	vst v26  }
0x32: {  	[tilespmem:$0x1FD70] =	vst v15  }
0x33: {  	v19 =	vsel vm0, v13, v16;
	v28 =	vsel vm0, v18, v26;
	[tilespmem:$0x1FD80] =	vst v27  }
0x34: {  	v14 =	vcombine.low v28, v19;
	[tilespmem:$0x1FD90] =	vst v28  }
0x35: {  	[tilespmem:$0x1FDA0] =	vst v29  }
0x36: {  	[tilespmem:$0x1FDB0] =	vst v14  }
0x37: {  	[tilespmem:$0x1FDC0] =	vst v30  }
0x38: {  	[tilespmem:$0x1FDD0] =	vst v31  }
0x39: {  	v9 =	vsel vm0, v4, v9;
	[tilespmem:$0x1FDE0] =	vst v32  }
0x3a: {  	v10 =	vsel vm0, v10, v46;
	[tilespmem:$0x1FDF0] =	vst v9  }
0x3b: {  	[tilespmem:$0x1FE00] =	vst v10  }
0x3c: {  	[tilespmem:$0x1FE10] =	vst v11  }
0x3d: {  	v51 =	vimm.s32 $0x79583716;
	v13 =	vsel vm0, v6, v13;
	[tilespmem:$0x1FE20] =	vst v17  }
0x3e: {  	v8 =	vunpack.c.0.s8.s32 v51;
	[tilespmem:$0x1FE30] =	vst v13  }
0x3f: {  	[tilespmem:$0x1FE40] =	vst v33  }
0x40: {  	[tilespmem:$0x1FE50] =	vst v8  }
0x41: {  	v35 =	vsel vm0, v8, v4;
	[tilespmem:$0x1FE60] =	vst v34  }
0x42: {  	[tilespmem:$0x1FE70] =	vst v35  }
0x43: {  	[tilespmem:$0x1FE80] =	vst v36  }
0x44: {  	v16 =	vsel vm0, v16, v18;
	v18 =	vcombine.low v7, v34;
	[tilespmem:$0x1FE90] =	vst v37  }
0x45: {  	v52 =	vimm.s32 $0x61403F1E;
	v12 =	vcombine.low v12, v35;
	[tilespmem:$0x1FEA0] =	vst v16  }
0x46: {  	v57 =	vimm.s32 $0x32107654;
	vm1 =	vcmask $0x2F10;
	v62 =	vimm.s32 $0xB0A0908;
	[tilespmem:$0x1FEB0] =	vst v18  }
0x47: {  	vm2 =	vcmask $0x3F30;
	v58 =	vunpack.c.l.s4.s8 v57;
	v38 =	vsel vm0, v36, v6;
	[tilespmem:$0x1FEC0] =	vst v12  }
0x48: {  	v19 =	vcombine.low v19, v38;
	v3 =	vimm.s32 $0x17161514;
	v2 =	vimm.s32 $0x3020100;
	[tilespmem:$0x1FED0] =	vst v38  }
0x49: {  	v54 =	vimm.s32 $0x6543A987;
	v3 =	vunpack.c.0.s8.s32 v3;
	v2 =	vunpack.c.0.s8.s32 v2;
	[tilespmem:$0x1FEE0] =	vst v39  }
0x4a: {  	v60 =	vimm.s32 $0x76543210;
	v46 =	vunpack.c.0.s8.s32 v52;
	v52 =	vimm.s32 $0x54329876;
	[tilespmem:$0x1FEF0] =	vst v19  }
0x4b: {  	v4 =	vunpack.c.0.s8.s32 v62;
	v3 =	vsel vm0, v50, v3;
	v2 =	vsel vm0, v2, v55;
	[tilespmem:$0x1FF00] =	vst v40  }
0x4c: {  	v56 =	vimm.s32 $0xE0D0C0B;
	v51 =	vcombine.low v3, v2;
	v3 =	vimm.s32 $0x43218765;
	[tilespmem:$0x1FF10] =	vst v41  }
0x4d: {  	v5 =	vunpack.c.0.s8.s32 v58;
	v53 =	vimm.s32 $0xC0B0A09;
	v3 =	vunpack.c.l.s4.s8 v3;
	[tilespmem:$0x1FF20] =	vst v42  }
0x4e: {  	v7 =	vunpack.c.l.s4.s8 v54;
	v58 =	vimm.s32 $0x5040302;
	v6 =	vunpack.c.0.s8.s32 v53;
	[tilespmem:$0x1FF30] =	vst v43  }
0x4f: {  	v2 =	vand.u32 $0xF, v5;
	v1 =	vimm.s32 $0x4030201;
	v3 =	vunpack.c.0.s8.s32 v3;
	[tilespmem:$0x1FF40] =	vst v44  }
0x50: {  	v5 =	vunpack.c.l.s4.s8 v52;
	v2 =	vsel vm1, v2, v55;
	v1 =	vunpack.c.0.s8.s32 v1;
	[tilespmem:$0x1FF50] =	vst v45  }
0x51: {  	v55 =	vunpack.c.0.s8.s32 v7;
	v52 =	vsel vm2, v4, v2;
	[tilespmem:$0x1FF60] =	vst v46;
	v3 =	vand.u32 $0xF, v3  }
0x52: {  	[tilespmem:$0x1FF70] =	vst v47;
	v1 =	vsel vm0, v1, v48;
	v2 =	vsel vm1, v3, v48;
	v3 =	vunpack.c.0.s8.s32 v5  }
0x53: {  	[tilespmem:$0x1FF80] =	vst v51;
	v53 =	vsel vm2, v6, v2;
	v2 =	vimm.s32 $0xD0C0B0A;
	v6 =	vunpack.c.l.s4.s8 v60  }
0x54: {  	[tilespmem:$0x1FC40] =	vst v1;
	v1 =	vimm.s32 $0x87654321;
	v3 =	vand.u32 $0xF, v3;
	v2 =	vunpack.c.0.s8.s32 v2  }
0x55: {  	[tilespmem:$0x1FF90] =	vst v52;
	v1 =	vunpack.c.l.s4.s8 v1;
	v3 =	vsel vm1, v3, v49;
	v62 =	vunpack.c.0.s8.s32 v6  }
0x56: {  	s4 =	srdreg.scid;
	s3 =	stileid.u32;
	s15 =	simm.s32 $0x10400;
	v4 =	vand.u32 $0xF, v55;
	[tilespmem:$0x1FFA0] =	vst v53;
	v54 =	vsel vm2, v2, v3;
	v2 =	vimm.s32 $0x1E1D1C1B  }
0x57: {  	s16 =	simm.s32 $0x1;
	s17 =	simm.s32 $0x3;
	s18 =	simm.s32 $0x10800;
	v5 =	vunpack.c.0.s8.s32 v56;
	v1 =	vunpack.c.0.s8.s32 v1;
	v2 =	vunpack.c.0.s8.s32 v2;
	[tilespmem:$0x1FC90] =	vst v62  }
0x58: {  	s19 =	simm.s32 $0x2;
	s20 =	simm.s32 $0x4;
	s21 =	simm.s32 $0x80;
	v59 =	vimm.s32 $0x6050403;
	v3 =	vsel vm1, v4, v61;
	v4 =	vunpack.c.0.s8.s32 v58;
	[tilespmem:$0x1FFB0] =	vst v54  }
0x59: {  	s22 =	simm.s32 $0x400;
	s23 =	simm.s32 $0x5;
	s24 =	simm.s32 $0x0;
	v57 =	vsel vm2, v5, v3;
	v1 =	vand.u32 $0xF, v1;
	[tilespmem:$0x1FC20] =	vst v2;
	v2 =	vimm.s32 $0x98765432  }
0x5a: {  	s5 =	sand.u32 $0x1, s4;
	s7 =	sshll.u32 s3, $0x1;
	s4 =	sadd.s32 $0x2000000, s11;
	v3 =	vimm.s32 $0xA9876543;
	v5 =	vunpack.c.0.s8.s32 v59;
	[tilespmem:$0x1FCA0] =	vst v1;
	v2 =	vunpack.c.l.s4.s8 v2  }
0x5b: {  	s9 =	sshrl.u32 s3, $0x2;
	s6 =	ssub.s32 $0x2, s5;
	s7 =	sor.u32 s5, s7;
	v3 =	vunpack.c.l.s4.s8 v3;
	v4 =	vsel vm0, v4, v49;
	[tilespmem:$0x1FFC0] =	vst v57  }
0x5c: {  	s9 =	smul.u32 $0x1800, s9;
	s8 =	sshrl.u32 s6, $0x1;
	s10 =	sshll.u32 s7, $0x10;
	v49 =	vcombine.low v16, v13;
	[tilespmem:$0x1FC60] =	vst v4;
	v61 =	vsel vm0, v5, v61;
	v2 =	vunpack.c.0.s8.s32 v2  }
0x5d: {  	s5 =	sshll.u32 s7, $0x12;
	s12 =	sshll.u32 s7, $0xD;
	s7 =	sshll.u32 s7, $0x7;
	[tilespmem:$0x1FC80] =	vst v61  }
0x5e: {  	s13 =	sor.u32 $0x400, s10;
	s14 =	ssub.s32 s6, s8;
	s5 =	sadd.s32 s4, s5;
	v3 =	vunpack.c.0.s8.s32 v3;
	[tilespmem:$0x1FFF0] =	vst v49;
	v1 =	vand.u32 $0xF, v2  }
.Ltmp0:
0x5f: {  	s6 =	sadd.s32 s1, s12;
	s30 =	sand.u32 $0x380, s7;
	v2 =	vor.u32 $0x200, v20;
	[tilespmem:$0x1FCB0] =	vst v1;
	(pc) =	sbr.rel .LBB2_1-.Ltmp0, $4  }
0x60: {  	s29 =	sshll.u32 s13, $0x2;
	s31 =	sshrl.u32 s13, $0x3;
	s12 =	sor.u32 s9, s30;
	v1 =	vand.u32 $0xF, v3;
	[tilespmem:$0x1FCD0] =	vst v2;
	v2 =	vcombine.low v32, v31  }
0x61: {  	s9 =	sor.u32 $0x800, s10;
	s10 =	sor.u32 $0xC00, s10;
	s13 =	simm.s32 $0x10000;
	v3 =	vcombine.low v10, v9;
	[tilespmem:$0x1FCC0] =	vst v1  }
0x62: {  	s7 =	sadd.s32 s4, s29;
	s8 =	sadd.s32 s1, s31;
	s12 =	sshrl.u32 s12, $0x3;
	[tilespmem:$0x1FFD0] =	vst v2  }
0x63: {  	s11 =	sadd.s32 s11, s12;
	s12 =	smax.u32 s14, $0x1;
	s14 =	simm.s32 $0x8000;
	v1 =	vimm.f32 $0.0e+00;
	[tilespmem:$0x1FFE0] =	vst v3  }
.LBB2_8:
0x64: {  	s24 =	sadd.s32 $0x1, s24  }
0x65: {  	p0 =	sne.s32 s24, s12  }
.Ltmp1:
0x66: {  	_ = 	snop;
	(pc) =	sbr.rel @!p0 .LBB2_9-.Ltmp1, $4  }
0x67: {  	[hbm4b:s11+s21] =	stream.strided.scatter [tilespmem:s18], [sflag:$0x5], $0x300, s22, s21, $0x38;
	[tilespmem:$0x10B00] =	vst v63  }
0x68: {  	_ =	swait.ge [sflag:s23], $0x300  }
0x69: {  	[sflag:s23] =	ssyncset.done $0x0  }
0x6a: {  	v1 =	vimm.f32 $0.0e+00;
	[sflag:s23] =	ssyncadd.s32 $0xFFFFFD00  }
.LBB2_1:
0x6b: {  	[tilespmem:$0x10800] =	vst v1  }
0x6c: {  	[tilespmem:$0x10810] =	vst v1  }
0x6d: {  	[tilespmem:$0x10820] =	vst v1  }
0x6e: {  	[tilespmem:$0x10830] =	vst v1  }
0x6f: {  	[tilespmem:$0x10840] =	vst v1  }
0x70: {  	[tilespmem:$0x10850] =	vst v1  }
0x71: {  	[tilespmem:$0x10860] =	vst v1  }
0x72: {  	[tilespmem:$0x10870] =	vst v1  }
0x73: {  	[tilespmem:$0x10880] =	vst v1  }
0x74: {  	[tilespmem:$0x10890] =	vst v1  }
0x75: {  	[tilespmem:$0x108A0] =	vst v1  }
0x76: {  	[tilespmem:$0x108B0] =	vst v1  }
0x77: {  	[tilespmem:$0x108C0] =	vst v1  }
0x78: {  	[tilespmem:$0x108D0] =	vst v1  }
0x79: {  	[tilespmem:$0x108E0] =	vst v1  }
0x7a: {  	[tilespmem:$0x108F0] =	vst v1  }
0x7b: {  	[tilespmem:$0x10900] =	vst v1  }
0x7c: {  	[tilespmem:$0x10910] =	vst v1  }
0x7d: {  	[tilespmem:$0x10920] =	vst v1  }
0x7e: {  	[tilespmem:$0x10930] =	vst v1  }
0x7f: {  	[tilespmem:$0x10940] =	vst v1  }
0x80: {  	[tilespmem:$0x10950] =	vst v1  }
0x81: {  	[tilespmem:$0x10960] =	vst v1  }
0x82: {  	[tilespmem:$0x10970] =	vst v1  }
0x83: {  	[tilespmem:$0x10980] =	vst v1  }
0x84: {  	[tilespmem:$0x10990] =	vst v1  }
0x85: {  	[tilespmem:$0x109A0] =	vst v1  }
0x86: {  	[tilespmem:$0x109B0] =	vst v1  }
0x87: {  	[tilespmem:$0x109C0] =	vst v1  }
0x88: {  	[tilespmem:$0x109D0] =	vst v1  }
0x89: {  	[tilespmem:$0x109E0] =	vst v1  }
0x8a: {  	[tilespmem:$0x109F0] =	vst v1  }
0x8b: {  	[tilespmem:$0x10A00] =	vst v1  }
0x8c: {  	[tilespmem:$0x10A10] =	vst v1  }
0x8d: {  	[tilespmem:$0x10A20] =	vst v1  }
0x8e: {  	[tilespmem:$0x10A30] =	vst v1  }
0x8f: {  	[tilespmem:$0x10A40] =	vst v1  }
0x90: {  	[tilespmem:$0x10A50] =	vst v1  }
0x91: {  	[tilespmem:$0x10A60] =	vst v1  }
0x92: {  	[tilespmem:$0x10A70] =	vst v1  }
0x93: {  	[tilespmem:$0x10A80] =	vst v1  }
0x94: {  	[tilespmem:$0x10A90] =	vst v1  }
0x95: {  	[tilespmem:$0x10AA0] =	vst v1  }
0x96: {  	[tilespmem:$0x10AB0] =	vst v1  }
0x97: {  	[tilespmem:$0x10AC0] =	vst v1  }
0x98: {  	[tilespmem:$0x10AD0] =	vst v1  }
0x99: {  	[tilespmem:$0x10AE0] =	vst v1  }
0x9a: {  	[tilespmem:$0x10AF0] =	vst v1  }
0x9b: {  	[tilespmem:s2], [sflag:$0x1] =	stream.linear.gather [hbm4b:s5+s2], $0x8000, $0x38;
	[tilespmem:$0x10B00] =	vst v63  }
0x9c: {  	_ = 	snop  }
0x9d: {  	[tilespmem:s13], [sflag:$0x3] =	stream.linear.gather [hbm4b:s6+s2], $0x400, $0x38;
	[tilespmem:$0x10B00] =	vst v63  }
0x9e: {  	_ = 	snop  }
0x9f: {  	[tilespmem:s14], [sflag:$0x2] =	stream.linear.gather [hbm4b:s7+s2], $0x8000, $0x38;
	[tilespmem:$0x10B00] =	vst v63  }
0xa0: {  	s25 =	simm.s32 $0x0  }
0xa1: {  	[tilespmem:s15], [sflag:$0x4] =	stream.linear.gather [hbm4b:s8+s2], $0x400, $0x38;
	[tilespmem:$0x10B00] =	vst v63  }
.LBB2_2:
0xa2: {  	_ =	swait.ge [sflag:s16], $0x8000  }
0xa3: {  	[sflag:s16] =	ssyncset.done $0x0  }
0xa4: {  	[sflag:s16] =	ssyncadd.s32 $0xFFFF8000  }
0xa5: {  	_ =	swait.ge [sflag:s17], $0x400  }
0xa6: {  	s26 =	simm.s32 $0xFFFFFFFE;
	[sflag:s17] =	ssyncset.done $0x0  }
0xa7: {  	s28 =	simm.s32 $0x10020;
	s29 =	simm.s32 $0x8;
	v20 =	vld [tilespmem:$0x1FCF0];
	[sflag:s17] =	ssyncadd.s32 $0xFFFFFC00  }
.LBB2_3:
0xa8: {  	v0 =	vld [tilespmem:$0x1FFD0]  }
0xa9: {  	v54 =	vld [tilespmem:$0x1FFE0]  }
0xaa: {  	v55 =	vld [tilespmem:$0x1FE20]  }
0xab: {  	v56 =	vld [tilespmem:$0x1FDD0]  }
0xac: {  	v57 =	vld [tilespmem:$0x1FE50]  }
0xad: {  	v13 =	vld [tilespmem:$0x1FF20]  }
0xae: {  	v58 =	vld [tilespmem:$0x1FDF0]  }
0xaf: {  	s30 =	sadd.s32 $0xFFFFFFF8, s29;
	v59 =	vld [tilespmem:$0x1FE80]  }
0xb0: {  	v60 =	vld [tilespmem:$0x1FE30];
	v1 =	vmov s30  }
0xb1: {  	v61 =	vld [tilespmem:$0x1FE90];
	v11 =	vshll.u32 v1, $0x7  }
0xb2: {  	v34 =	vld [tilespmem:$0x1FE60];
	v1 =	vor.u32 v20, v11  }
0xb3: {  	v22 =	vor.u32 v12, v1;
	v12 =	vld [tilespmem:$0x1FF10]  }
0xb4: {  	v5 =	vor.u32 v14, v1;
	v14 =	vld [tilespmem:$0x1FF30]  }
0xb5: {  	vm0 =	vcmask $0x1F10;
	v2 =	vor.u32 v63, v1;
	v63 =	vld [tilespmem:$0x1FE10]  }
0xb6: {  	v3 =	vor.u32 v15, v1;
	v28 =	vsel vm0, v13, v57;
	v57 =	vld [tilespmem:$0x1FED0]  }
0xb7: {  	v4 =	vor.u32 v27, v1;
	v10 =	vor.u32 v33, v1;
	v33 =	vld [tilespmem:$0x1FD50];
	v16 =	vcombine.low v58, v28  }
0xb8: {  	v58 =	vld [tilespmem:$0x1FCE0]  }
0xb9: {  	v6 =	vor.u32 v30, v1;
	[tilespmem:$0x1F8A0] =	vst v16;
	v62 =	vor.u32 v16, v1;
	v16 =	vld [tilespmem:$0x1FF50]  }
0xba: {  	v7 =	vor.u32 v0, v1;
	v2 =	vld.idx.msk [tilespmem:v2+s2+$0x0], $0xffff  }
0xbb: {  	v8 =	vor.u32 v54, v1;
	v3 =	vld.idx.msk [tilespmem:v3+s2+$0x0], $0xffff  }
0xbc: {  	v9 =	vor.u32 v49, v1;
	v4 =	vld.idx.msk [tilespmem:v4+s2+$0x0], $0xffff  }
0xbd: {  	v5 =	vld.idx.msk [tilespmem:v5+s2+$0x0], $0xffff  }
0xbe: {  	v17 =	vor.u32 v18, v1;
	v6 =	vld.idx.msk [tilespmem:v6+s2+$0x0], $0xffff  }
0xbf: {  	v7 =	vld.idx.msk [tilespmem:v7+s2+$0x0], $0xffff  }
0xc0: {  	v24 =	vor.u32 v19, v1;
	v8 =	vld.idx.msk [tilespmem:v8+s2+$0x0], $0xffff  }
0xc1: {  	v25 =	vor.u32 v40, v1;
	v9 =	vld.idx.msk [tilespmem:v9+s2+$0x0], $0xffff  }
0xc2: {  	v10 =	vld.idx.msk [tilespmem:v10+s2+$0x0], $0xffff  }
0xc3: {  	v17 =	vld.idx.msk [tilespmem:v17+s2+$0x0], $0xffff  }
0xc4: {  	v37 =	vld.idx.msk [tilespmem:v22+s2+$0x0], $0xffff  }
0xc5: {  	v27 =	vsel vm0, v12, v55;
	v41 =	vld.idx.msk [tilespmem:v24+s2+$0x0], $0xffff  }
0xc6: {  	v43 =	vld.idx.msk [tilespmem:v25+s2+$0x0], $0xffff;
	v15 =	vcombine.low v56, v27  }
0xc7: {  	v29 =	vsel vm0, v14, v59;
	v59 =	vld [tilespmem:$0x1FEE0]  }
0xc8: {  	[tilespmem:$0x1F890] =	vst v15;
	v26 =	vor.u32 v15, v1;
	v15 =	vld [tilespmem:$0x1FF40]  }
0xc9: {  	v56 =	vld [tilespmem:$0x1FE70]  }
0xca: {  	v36 =	vsel vm0, v16, v12;
	v12 =	vld [tilespmem:$0x1FF60]  }
0xcb: {  	v18 =	vcombine.low v60, v29;
	v60 =	vld [tilespmem:$0x1FD20]  }
0xcc: {  	v51 =	vld.idx.msk [tilespmem:v62+s2+$0x0], $0xffff  }
0xcd: {  	[tilespmem:$0x1F8B0] =	vst v18;
	v38 =	vor.u32 v18, v1;
	v62 =	vld [tilespmem:$0x1FD60];
	v18 =	vcombine.low v34, v36;
	v32 =	vsel vm0, v15, v61  }
0xce: {  	v61 =	vld [tilespmem:$0x1FD40];
	v19 =	vcombine.low v63, v32  }
0xcf: {  	v44 =	vor.u32 v18, v1;
	v39 =	vsel vm0, v12, v13;
	v13 =	vld [tilespmem:$0x1FF70]  }
0xd0: {  	v49 =	vld.idx.msk [tilespmem:v26+s2+$0x0], $0xffff;
	v35 =	vor.u32 v19, v1  }
0xd1: {  	v63 =	vld [tilespmem:$0x1FD00];
	[tilespmem:$0x1F8C0] =	vst v19;
	v19 =	vcombine.low v56, v39  }
0xd2: {  	v47 =	vsel vm0, v60, v16;
	v38 =	vld.idx.msk [tilespmem:v38+s2+$0x0], $0xffff  }
0xd3: {  	v45 =	vsel vm0, v58, v15;
	v58 =	vld [tilespmem:$0x1FEA0];
	v46 =	vor.u32 v19, v1;
	v50 =	vsel vm0, v61, v12  }
0xd4: {  	v15 =	vcombine.low v59, v45;
	v60 =	vld.idx.msk [tilespmem:v44+s2+$0x0], $0xffff;
	v42 =	vsel vm0, v13, v14;
	v12 =	vcombine.low v28, v50  }
0xd5: {  	[tilespmem:$0x1F8D0] =	vst v18;
	v16 =	vcombine.low v39, v33;
	v14 =	vcombine.low v57, v42;
	v54 =	vld.idx.msk [tilespmem:v35+s2+$0x0], $0xffff  }
0xd6: {  	v52 =	vor.u32 v15, v1;
	[tilespmem:$0x1F920] =	vst v12;
	v61 =	vor.u32 v12, v1;
	v12 =	vcombine.low v32, v63;
	v32 =	vld [tilespmem:$0x1FD30]  }
0xd7: {  	v53 =	vsel vm0, v62, v13;
	[tilespmem:$0x1F8F0] =	vst v14;
	v48 =	vor.u32 v14, v1;
	v14 =	vcombine.low v27, v47;
	v35 =	vld [tilespmem:$0x1FD90]  }
0xd8: {  	vm1 =	vgt.f32 v3, v2;
	[tilespmem:$0x1F900] =	vst v15;
	v13 =	vcombine.low v29, v53;
	v63 =	vld.idx.msk [tilespmem:v46+s2+$0x0], $0xffff  }
0xd9: {  	vm3 =	vgt.f32 v5, v4;
	vm4 =	vgt.f32 v7, v6;
	[tilespmem:$0x1F960] =	vst v16;
	v55 =	vor.u32 v14, v1;
	v46 =	vld [tilespmem:$0x1FDA0]  }
0xda: {  	vm11 =	vgt.f32 v9, v8;
	vm12 =	vgt.f32 v17, v10;
	vm13 =	vgt.f32 v41, v37;
	v56 =	vld [tilespmem:$0x1FDE0];
	[tilespmem:$0x1F930] =	vst v13  }
0xdb: {  	v40 =	vor.u32 v16, v1;
	v57 =	vld [tilespmem:$0x1FE00];
	[tilespmem:$0x1F910] =	vst v14;
	v14 =	vor.u32 v13, v1;
	v13 =	vcombine.low v36, v32  }
0xdc: {  	v62 =	vmax.f32 v8, v9;
	v16 =	vmax.f32 v43, v49;
	v39 =	vld.idx.msk [tilespmem:v52+s2+$0x0], $0xffff;
	v15 =	vor.u32 v12, v1  }
0xdd: {  	[tilespmem:$0x1F940] =	vst v12;
	v36 =	vld.idx.msk [tilespmem:v48+s2+$0x0], $0xffff;
	v12 =	vcombine.low v42, v35;
	v34 =	vor.u32 v13, v1  }
0xde: {  	v18 =	vmax.f32 v51, v38;
	[tilespmem:$0x1F950] =	vst v13;
	v42 =	vld.idx.msk [tilespmem:v55+s2+$0x0], $0xffff;
	v13 =	vcombine.low v45, v46  }
0xdf: {  	[tilespmem:$0x1F970] =	vst v12;
	v45 =	vld.idx.msk [tilespmem:v61+s2+$0x0], $0xffff;
	v48 =	vor.u32 v12, v1;
	v12 =	vcombine.low v47, v56  }
0xe0: {  	v14 =	vld.idx.msk [tilespmem:v14+s2+$0x0], $0xffff;
	[tilespmem:$0x1F980] =	vst v13;
	v23 =	vor.u32 v13, v1;
	v13 =	vcombine.low v50, v57  }
0xe1: {  	vm10 =	vgt.f32 v49, v43;
	v0 =	vcombine.low v53, v58;
	v15 =	vld.idx.msk [tilespmem:v15+s2+$0x0], $0xffff;
	v30 =	vor.u32 v12, v1  }
0xe2: {  	vm9 =	vgt.f32 v38, v51;
	v38 =	vlaneseq.u32;
	v59 =	vor.u32 v13, v1;
	v31 =	vld.idx.msk [tilespmem:v34+s2+$0x0], $0xffff  }
0xe3: {  	v43 =	vlaneseq.u32;
	v58 =	vmax.f32 v4, v5;
	v1 =	vor.u32 v0, v1;
	v34 =	vld.idx.msk [tilespmem:v40+s2+$0x0], $0xffff  }
0xe4: {  	[tilespmem:$0x1F8E0] =	vst v19;
	v19 =	vmax.f32 v54, v60;
	vm7 =	vgt.f32 v60, v54;
	v54 =	vlaneseq.u32;
	v61 =	vld.idx.msk [tilespmem:v48+s2+$0x0], $0xffff  }
0xe5: {  	v33 =	vmax.f32 v16, v18;
	v60 =	vadd.s32 $0x4, v54;
	v57 =	vmax.f32 v2, v3;
	v23 =	vld.idx.msk [tilespmem:v23+s2+$0x0], $0xffff  }
0xe6: {  	[tilespmem:$0x1F990] =	vst v12;
	v12 =	vmax.f32 v10, v17;
	v2 =	vadd.s32 $0x1, v38;
	v38 =	vlaneseq.u32;
	v30 =	vld.idx.msk [tilespmem:v30+s2+$0x0], $0xffff  }
0xe7: {  	v20 =	vmax.f32 v63, v36;
	v28 =	vmax.f32 v57, v58;
	vm8 =	vgt.f32 v36, v63;
	v35 =	vld.idx.msk [tilespmem:v59+s2+$0x0], $0xffff  }
0xe8: {  	v63 =	vlaneseq.u32;
	vm14 =	vgt.f32 v58, v57;
	[tilespmem:$0x1F9A0] =	vst v13;
	v13 =	vmax.f32 v37, v41;
	v56 =	vld.idx.msk [tilespmem:v1+s2+$0x0], $0xffff  }
0xe9: {  	v5 =	vadd.s32 $0x5, v63;
	v21 =	vmax.f32 v39, v42;
	v22 =	vmax.f32 v45, v14  }
0xea: {  	v32 =	vmax.f32 v12, v13;
	v40 =	vmax.f32 v19, v20;
	vm6 =	vgt.f32 v42, v39  }
0xeb: {  	v39 =	vlaneseq.u32;
	v44 =	vmax.f32 v21, v22;
	v50 =	vmax.f32 v32, v33  }
0xec: {  	v3 =	vadd.s32 $0x9, v39;
	v59 =	vmax.f32 v6, v7;
	v24 =	vmax.f32 v15, v31  }
0xed: {  	v54 =	vld [tilespmem:$0x1FC30];
	v25 =	vmax.f32 v34, v61;
	v26 =	vmax.f32 v23, v30;
	v27 =	vmax.f32 v35, v56  }
0xee: {  	v57 =	vld [tilespmem:$0x1FC50];
	v29 =	vmax.f32 v59, v62;
	v46 =	vmax.f32 v24, v25;
	v47 =	vmax.f32 v26, v27  }
0xef: {  	v58 =	vld [tilespmem:$0x1FC70];
	v52 =	vmax.f32 v40, v44;
	v48 =	vmax.f32 v28, v29;
	v53 =	vmax.f32 v46, v47  }
0xf0: {  	[tilespmem:$0x1F9B0] =	vst v0;
	v63 =	vld [tilespmem:$0x1FC40];
	v7 =	vadd.s32 $0x8, v38;
	v55 =	vmax.f32 v48, v50;
	v1 =	vmax.f32 v52, v53  }
0xf1: {  	v49 =	vlaneseq.u32;
	[tilespmem:$0x1FA40] =	vst v7;
	v9 =	vsel vm12, v3, v7;
	v7 =	vld [tilespmem:$0x1FC20];
	v0 =	vmax.f32 v55, v1  }
0xf2: {  	v51 =	vimm.s32 $0x0;
	v4 =	vadd.s32 $0x2, v43;
	v38 =	vld [tilespmem:$0x1FC90];
	v0 =	vsub.f32 $0.0e+00, v0  }
0xf3: {  	v42 =	vlaneseq.u32;
	v6 =	vadd.s32 $0x3, v49;
	vm15 =	vgt.f32 v62, v59;
	v62 =	vld [tilespmem:$0x1FB80]  }
0xf4: {  	[tilespmem:$0x1FA30] =	vst v3;
	v49 =	vlaneseq.u32;
	v3 =	vadd.s32 $0xB, v42;
	v42 =	vld [tilespmem:$0x1FCB0];
	v0 =	vmul.f32 $1.442695020e+00, v0  }
0xf5: {  	v41 =	vlaneseq.u32;
	vm5 =	vgt.f32 v14, v45;
	v14 =	vadd.s32 $0xE, v49;
	v49 =	vld [tilespmem:$0x1FFB0]  }
0xf6: {  	[tilespmem:$0x1F9D0] =	vst v4;
	vm12 =	vgt.f32 v18, v16;
	v18 =	vsel vm0, v58, v7;
	v58 =	vld [tilespmem:$0x1FD10];
	(erf) = vpow2.f32 v0  }
0xf7: {  	[tilespmem:$0x1F9C0] =	vst v2;
	v0 =	vsel vm1, v2, v41;
	v2 =	vsel vm5, $0xFFFFFFFF, v51;
	vm5 =	vgt.f32 v56, v35;
	v56 =	vld [tilespmem:$0x1FB90]  }
0xf8: {  	[tilespmem:$0x1FA00] =	vst v60;
	v35 =	vld [tilespmem:$0x1FC10]  }
0xf9: {  	[tilespmem:$0x1F870] =	vst v2;
	v2 =	vsel vm3, v6, v4;
	v4 =	vsel vm4, v5, v60;
	v60 =	vld [tilespmem:$0x1FBC0]  }
0xfa: {  	vm3 =	vgt.f32 v61, v34;
	v61 =	vld [tilespmem:$0x1FC00]  }
0xfb: {  	v36 =	vlaneseq.u32;
	v34 =	vld [tilespmem:$0x1FBF0]  }
0xfc: {  	v37 =	vlaneseq.u32;
	[tilespmem:$0x1F9F0] =	vst v5;
	v5 =	vadd.s32 $0x6, v36;
	v36 =	vld [tilespmem:$0x1FF80]  }
0xfd: {  	[tilespmem:$0x1F9E0] =	vst v6;
	v51 =	vlaneseq.u32;
	v6 =	vadd.s32 $0x7, v37;
	v37 =	vld [tilespmem:$0x1FC80]  }
0xfe: {  	vm2 =	vgt.f32 v31, v15;
	v15 =	vadd.s32 $0xF, v51;
	v51 =	vld [tilespmem:$0x1FFC0]  }
0xff: {  	v41 =	vlaneseq.u32;
	[tilespmem:$0x1FA10] =	vst v6;
	v8 =	vsel vm11, v6, v5;
	v6 =	vld [tilespmem:$0x1FBD0]  }
0x100: {  	[tilespmem:$0x1FA20] =	vst v5;
	v5 =	vadd.s32 $0xA, v41;
	v41 =	vld [tilespmem:$0x1FCA0]  }
0x101: {  	v0 =	vsel vm14, v2, v0;
	vm14 =	vgt.f32 v44, v40;
	v44 =	vld [tilespmem:$0x1FF90]  }
0x102: {  	v43 =	vlaneseq.u32;
	v40 =	vld [tilespmem:$0x1FF00]  }
0x103: {  	v45 =	vlaneseq.u32;
	[tilespmem:$0x1FA50] =	vst v5;
	v10 =	vsel vm13, v3, v5;
	v5 =	vadd.s32 $0xC, v43;
	v43 =	vld [tilespmem:$0x1FCC0]  }
0x104: {  	[tilespmem:$0x1FA60] =	vst v3;
	v3 =	vadd.s32 $0xD, v45;
	v45 =	vld [tilespmem:$0x1FFA0]  }
0x105: {  	vm1 =	vgt.f32 v13, v12;
	[tilespmem:$0x1FA70] =	vst v5;
	v13 =	vsel vm10, v3, v5;
	v5 =	vld [tilespmem:$0x1FBA0]  }
0x106: {  	v59 =	vlaneseq.u32;
	v10 =	vsel vm1, v10, v9;
	v9 =	vld [tilespmem:$0x1F870]  }
0x107: {  	vm10 =	vgt.f32 v20, v19;
	v20 =	vor.u32 $0x10, v59;
	v59 =	vld [tilespmem:$0x1FD70]  }
0x108: {  	[tilespmem:$0x1FA80] =	vst v3;
	v3 =	vcombine.low v61, v18;
	v61 =	vld [tilespmem:$0x1FD80]  }
0x109: {  	v2 =	vsel vm0, v7, v34;
	v34 =	vld [tilespmem:$0x1FFE0]  }
0x10a: {  	vm4 =	vgt.f32 v30, v23;
	v23 =	vsel vm5, v51, v49;
	vm5 =	vgt.f32 v47, v46;
	v46 =	vld [tilespmem:$0x1F8E0]  }
0x10b: {  	v47 =	vld [tilespmem:$0x1F8F0]  }
0x10c: {  	v49 =	vld [tilespmem:$0x1F900];
	v12 =	vpop (erf)  }
0x10d: {  	v51 =	vld [tilespmem:$0x1F910];
	v16 =	vsel vm0, v54, v5;
	v12 =	vadd.f32 $1.000000000e+00, v12  }
0x10e: {  	v7 =	vcombine.low v2, v37;
	v37 =	vld [tilespmem:$0x1FEB0];
	v17 =	vcombine.low v56, v16  }
0x10f: {  	[tilespmem:$0x1FAB0] =	vst v20;
	v2 =	vcombine.low v18, v43;
	v43 =	vld [tilespmem:$0x1F8B0];
	(erf) = vrcp.f32 v12  }
0x110: {  	[tilespmem:$0x1FAC0] =	vst v17;
	v12 =	vsel vm0, v57, v6;
	v20 =	vsel vm7, v17, v20;
	v17 =	vsel vm0, v5, v62;
	v5 =	vld [tilespmem:$0x1FBE0]  }
0x111: {  	vm13 =	vgt.f32 v22, v21;
	v57 =	vld [tilespmem:$0x1FCD0];
	v22 =	vcombine.low v60, v12  }
0x112: {  	v19 =	vsel vm9, v15, v14;
	v62 =	vld [tilespmem:$0x1FDB0]  }
0x113: {  	[tilespmem:$0x1FAA0] =	vst v14;
	v14 =	vcombine.low v17, v63;
	v21 =	vsel vm8, v3, v22;
	vm8 =	vgt.f32 v33, v32;
	v32 =	vld [tilespmem:$0x1FBB0]  }
0x114: {  	v33 =	vld [tilespmem:$0x1FC60]  }
0x115: {  	[tilespmem:$0x1FAE0] =	vst v22;
	v22 =	vsel vm6, v14, v36;
	v36 =	vld [tilespmem:$0x1FE40]  }
0x116: {  	v4 =	vsel vm15, v8, v4;
	v8 =	vsel vm0, v35, v5;
	v35 =	vld [tilespmem:$0x1FFF0]  }
0x117: {  	vm7 =	vgt.f32 v29, v28;
	v5 =	vcombine.low v12, v42;
	v42 =	vld [tilespmem:$0x1F8A0]  }
0x118: {  	vm11 =	vgt.f32 v25, v24;
	v0 =	vsel vm7, v4, v0;
	v11 =	vor.u32 v57, v11;
	v57 =	vld [tilespmem:$0x1F940]  }
0x119: {  	vm7 =	vgt.f32 v53, v52;
	v53 =	vlaneseq.u32;
	v39 =	vcombine.low v8, v38;
	v38 =	vld [tilespmem:$0x1FEC0]  }
0x11a: {  	v12 =	vsel vm12, v19, v13;
	v19 =	vsel vm10, v21, v20;
	v8 =	vcombine.low v16, v41;
	v41 =	vld [tilespmem:$0x1F890];
	v13 =	vpop (erf)  }
0x11b: {  	v4 =	vsel vm8, v12, v10;
	vm8 =	vgt.f32 v1, v55;
	v55 =	vld [tilespmem:$0x1F930];
	v16 =	vmul.f32 $1.500000000e+01, v13  }
0x11c: {  	[tilespmem:$0x1FB40] =	vst v2;
	v21 =	vsel vm3, v2, v5;
	v2 =	vor.u32 $0x100, v53;
	v53 =	vld [tilespmem:$0x1F920];
	v17 =	vsel vm0, v6, v32  }
0x11d: {  	vm9 =	vgt.f32 v27, v26;
	v32 =	vld [tilespmem:$0x1FDC0];
	v6 =	vcombine.low v17, v33;
	v16 =	vtrunc.f32 v16  }
0x11e: {  	vm15 =	vnez.u8 v9;
	[tilespmem:$0x1FB30] =	vst v39;
	v20 =	vsel vm2, v8, v39;
	v39 =	vld [tilespmem:$0x1FEF0];
	v16 =	vcvt.f32.s32 v16  }
0x11f: {  	v54 =	vlaneseq.u32;
	v33 =	vld [tilespmem:$0x1FFD0];
	v27 =	vor.u32 v42, v11;
	v18 =	vsel vm15, v7, v6  }
0x120: {  	v42 =	vld [tilespmem:$0x1F9A0];
	v18 =	vsel vm13, v18, v22;
	v22 =	vsel vm4, v45, v44;
	vm4 =	vlt.s32 v16, $0xE  }
0x121: {  	v52 =	vlaneseq.u32;
	vm6 =	vgt.f32 v50, v48;
	v45 =	vld [tilespmem:$0x1F8D0];
	v12 =	vnsel vm4, $0xE, v16  }
0x122: {  	v0 =	vsel vm6, v4, v0;
	v10 =	vsel vm14, v18, v19;
	v18 =	vld [tilespmem:s28+$0xFFFFFFE0];
	v12 =	vshll.u32 v12, $0x4  }
0x123: {  	v20 =	vsel vm11, v21, v20;
	v44 =	vld [tilespmem:$0x1F8C0];
	v21 =	vsel vm9, v23, v22;
	v19 =	vor.u32 v52, v12  }
0x124: {  	v22 =	vor.u32 v37, v11;
	v24 =	vor.u32 v39, v11;
	v37 =	vld [tilespmem:$0x1F980];
	v16 =	vsel vm5, v21, v20  }
0x125: {  	[tilespmem:$0x1FB60] =	vst v2;
	v39 =	vld [tilespmem:$0x1F990];
	v16 =	vsel vm7, v16, v10;
	v20 =	vadd.s32 v2, v12;
	v2 =	vor.u32 $0x200, v54  }
0x126: {  	v30 =	vor.u32 v45, v11;
	v45 =	vld [tilespmem:$0x1F9B0];
	v0 =	vsel vm8, v16, v0;
	v56 =	vadd.s32 v2, v12  }
0x127: {  	vm0 =	veq.s32 v0, v18;
	v0 =	vor.u32 v59, v11;
	v59 =	vld [tilespmem:$0x1F950]  }
0x128: {  	v60 =	vimm.f32 $0.0e+00;
	v12 =	vor.u32 v58, v11;
	[tilespmem:v19+s18+$0x0] =	vst.idx.add.f32.msk $0xffff, v13  }
0x129: {  	v16 =	vsel vm0, $0x3F800000, v60;
	v13 =	vor.u32 v61, v11;
	v61 =	vld [tilespmem:$0x1F960]  }
0x12a: {  	v63 =	vimm.f32 $1.000000000e+00;
	v1 =	vor.u32 v32, v11;
	[tilespmem:v20+s18+$0x0] =	vst.idx.add.f32.msk $0xffff, v16  }
0x12b: {  	v18 =	vor.u32 v33, v11;
	[tilespmem:v56+s18+$0x0] =	vst.idx.add.f32.msk $0xffff, v63  }
0x12c: {  	v21 =	vor.u32 v36, v11;
	v63 =	vld [tilespmem:$0x1F970]  }
0x12d: {  	v12 =	vld.idx.msk [tilespmem:v12+s2+$0x0], $0xffff  }
0x12e: {  	v23 =	vor.u32 v38, v11;
	v0 =	vld.idx.msk [tilespmem:v0+s2+$0x0], $0xffff  }
0x12f: {  	v1 =	vld.idx.msk [tilespmem:v1+s2+$0x0], $0xffff  }
0x130: {  	v25 =	vor.u32 v40, v11;
	v18 =	vld.idx.msk [tilespmem:v18+s2+$0x0], $0xffff  }
0x131: {  	v26 =	vor.u32 v41, v11;
	v21 =	vld.idx.msk [tilespmem:v21+s2+$0x0], $0xffff  }
0x132: {  	v22 =	vld.idx.msk [tilespmem:v22+s2+$0x0], $0xffff  }
0x133: {  	v28 =	vor.u32 v43, v11;
	v23 =	vld.idx.msk [tilespmem:v23+s2+$0x0], $0xffff  }
0x134: {  	v29 =	vor.u32 v44, v11;
	v24 =	vld.idx.msk [tilespmem:v24+s2+$0x0], $0xffff  }
0x135: {  	v25 =	vld.idx.msk [tilespmem:v25+s2+$0x0], $0xffff  }
0x136: {  	v31 =	vor.u32 v46, v11;
	v26 =	vld.idx.msk [tilespmem:v26+s2+$0x0], $0xffff  }
0x137: {  	v48 =	vor.u32 v47, v11;
	v27 =	vld.idx.msk [tilespmem:v27+s2+$0x0], $0xffff  }
0x138: {  	v50 =	vor.u32 v49, v11;
	v28 =	vld.idx.msk [tilespmem:v28+s2+$0x0], $0xffff  }
0x139: {  	v52 =	vor.u32 v51, v11;
	v29 =	vld.idx.msk [tilespmem:v29+s2+$0x0], $0xffff  }
0x13a: {  	v54 =	vor.u32 v53, v11;
	v30 =	vld.idx.msk [tilespmem:v30+s2+$0x0], $0xffff  }
0x13b: {  	v58 =	vor.u32 v57, v11;
	v31 =	vld.idx.msk [tilespmem:v31+s2+$0x0], $0xffff  }
0x13c: {  	v38 =	vor.u32 v37, v11;
	v32 =	vld.idx.msk [tilespmem:v48+s2+$0x0], $0xffff  }
0x13d: {  	v41 =	vor.u32 v39, v11;
	v33 =	vld.idx.msk [tilespmem:v50+s2+$0x0], $0xffff  }
0x13e: {  	v43 =	vor.u32 v42, v11;
	v19 =	vor.u32 v34, v11;
	v34 =	vld.idx.msk [tilespmem:v52+s2+$0x0], $0xffff  }
0x13f: {  	v20 =	vor.u32 v35, v11;
	v35 =	vld.idx.msk [tilespmem:v54+s2+$0x0], $0xffff  }
0x140: {  	v44 =	vld.idx.msk [tilespmem:v58+s2+$0x0], $0xffff  }
0x141: {  	v16 =	vor.u32 v62, v11;
	v50 =	vld.idx.msk [tilespmem:v38+s2+$0x0], $0xffff  }
0x142: {  	v52 =	vld.idx.msk [tilespmem:v41+s2+$0x0], $0xffff  }
0x143: {  	v60 =	vor.u32 v59, v11;
	v53 =	vld.idx.msk [tilespmem:v43+s2+$0x0], $0xffff  }
0x144: {  	v56 =	vor.u32 v55, v11;
	v13 =	vld.idx.msk [tilespmem:v13+s2+$0x0], $0xffff  }
0x145: {  	v19 =	vld.idx.msk [tilespmem:v19+s2+$0x0], $0xffff;
	v62 =	vor.u32 v61, v11  }
0x146: {  	v16 =	vld.idx.msk [tilespmem:v16+s2+$0x0], $0xffff;
	v36 =	vor.u32 v63, v11  }
0x147: {  	v20 =	vld.idx.msk [tilespmem:v20+s2+$0x0], $0xffff;
	v11 =	vor.u32 v45, v11  }
0x148: {  	v46 =	vld.idx.msk [tilespmem:v60+s2+$0x0], $0xffff  }
0x149: {  	v40 =	vld.idx.msk [tilespmem:v56+s2+$0x0], $0xffff  }
0x14a: {  	[tilespmem:$0x1FAF0] =	vst v14;
	v55 =	vmax.f32 v12, v0;
	v47 =	vld.idx.msk [tilespmem:v62+s2+$0x0], $0xffff  }
0x14b: {  	v57 =	vmax.f32 v1, v18;
	v59 =	vmax.f32 v21, v22;
	v51 =	vmax.f32 v25, v26;
	v48 =	vld.idx.msk [tilespmem:v36+s2+$0x0], $0xffff  }
0x14c: {  	v54 =	vmax.f32 v27, v28;
	v14 =	vmax.f32 v29, v30;
	v61 =	vmax.f32 v31, v32;
	v11 =	vld.idx.msk [tilespmem:v11+s2+$0x0], $0xffff  }
0x14d: {  	[tilespmem:$0x1FB10] =	vst v6;
	v63 =	vmax.f32 v33, v34;
	v6 =	vmax.f32 v50, v52;
	v39 =	vmax.f32 v51, v54  }
0x14e: {  	[tilespmem:$0x1FA90] =	vst v15;
	v41 =	vmax.f32 v14, v61;
	v62 =	vmax.f32 v23, v24;
	v56 =	vmax.f32 v13, v16  }
0x14f: {  	[tilespmem:$0x1FAD0] =	vst v3;
	v58 =	vmax.f32 v19, v20;
	v3 =	vmax.f32 v44, v46;
	v38 =	vmax.f32 v59, v62  }
0x150: {  	[tilespmem:$0x1FB00] =	vst v7;
	v15 =	vmax.f32 v35, v40;
	v36 =	vmax.f32 v55, v56;
	v37 =	vmax.f32 v57, v58  }
0x151: {  	[tilespmem:$0x1FB50] =	vst v5;
	v60 =	vmax.f32 v38, v39;
	v5 =	vmax.f32 v47, v48;
	v7 =	vmax.f32 v53, v11  }
0x152: {  	v42 =	vmax.f32 v63, v15;
	v43 =	vmax.f32 v3, v5;
	v45 =	vmax.f32 v6, v7  }
0x153: {  	[tilespmem:$0x1FB70] =	vst v2;
	v49 =	vmax.f32 v36, v37;
	v2 =	vmax.f32 v41, v42;
	v9 =	vmax.f32 v43, v45  }
0x154: {  	[tilespmem:$0x1FB20] =	vst v8;
	v17 =	vmax.f32 v49, v60;
	v8 =	vmax.f32 v2, v9  }
0x155: {  	v4 =	vmax.f32 v17, v8  }
0x156: {  	v4 =	vsub.f32 $0.0e+00, v4;
	_ =	sdelay $0x1  }
0x157: {  	v4 =	vmul.f32 $1.442695020e+00, v4;
	_ =	sdelay $0x1  }
0x158: {  	(erf) = vpow2.f32 v4;
	_ =	sdelay $0x1  }
0x159: {  	vm1 =	vgt.f32 v48, v47;
	v48 =	vld [tilespmem:$0x1F9E0]  }
0x15a: {  	v4 =	vld [tilespmem:$0x1F9D0];
	_ =	sdelay $0x2  }
0x15b: {  	vm2 =	vgt.f32 v52, v50;
	v50 =	vld [tilespmem:$0x1FA00]  }
0x15c: {  	vm8 =	vgt.f32 v16, v13;
	v47 =	vld [tilespmem:$0x1F9C0]  }
0x15d: {  	vm9 =	vgt.f32 v18, v1;
	v1 =	vsel vm8, v48, v4;
	v4 =	vld [tilespmem:$0x1F9F0]  }
0x15e: {  	vm7 =	vgt.f32 v0, v12;
	v0 =	vpop (erf)  }
0x15f: {  	v0 =	vadd.f32 $1.000000000e+00, v0  }
0x160: {  	vm4 =	vgt.f32 v46, v44;
	v46 =	vlaneseq.u32  }
0x161: {  	v10 =	vld [tilespmem:$0x1FA10];
	(erf) = vrcp.f32 v0;
	v0 =	vsel vm7, v47, v46;
	vm7 =	vgt.f32 v56, v55  }
0x162: {  	v0 =	vsel vm7, v1, v0;
	v1 =	vsel vm9, v4, v50;
	v4 =	vld [tilespmem:$0x1FA20];
	_ =	sdelay $0x3  }
0x163: {  	vm10 =	vgt.f32 v20, v19  }
0x164: {  	vm8 =	vgt.f32 v58, v57;
	v4 =	vsel vm10, v10, v4;
	v10 =	vld [tilespmem:$0x1FA30]  }
0x165: {  	v1 =	vsel vm8, v4, v1;
	v4 =	vld [tilespmem:$0x1FA40];
	_ =	sdelay $0x3  }
0x166: {  	vm11 =	vgt.f32 v22, v21;
	v52 =	vld [tilespmem:$0x1FA60]  }
0x167: {  	v4 =	vsel vm11, v10, v4;
	vm11 =	vgt.f32 v5, v3;
	v5 =	vld [tilespmem:$0x1FA50];
	_ =	sdelay $0x3  }
0x168: {  	vm12 =	vgt.f32 v24, v23;
	v10 =	vld [tilespmem:$0x1FAB0]  }
0x169: {  	v3 =	vsel vm12, v52, v5;
	v5 =	vld [tilespmem:$0x1FA80]  }
0x16a: {  	vm12 =	vgt.f32 v7, v6;
	v6 =	vld [tilespmem:$0x1FA70]  }
0x16b: {  	v7 =	vld [tilespmem:$0x1FAC0];
	_ =	sdelay $0x1  }
0x16c: {  	v12 =	vld [tilespmem:$0x1FAD0];
	vm7 =	vgt.f32 v62, v59  }
0x16d: {  	vm13 =	vgt.f32 v26, v25;
	v3 =	vsel vm7, v3, v4;
	v4 =	vld [tilespmem:$0x1FAA0]  }
0x16e: {  	vm15 =	vgt.f32 v30, v29;
	v5 =	vsel vm13, v5, v6;
	v6 =	vld [tilespmem:$0x1FA90]  }
0x16f: {  	v7 =	vsel vm15, v7, v10;
	v10 =	vld [tilespmem:$0x1FAE0];
	_ =	sdelay $0x3  }
0x170: {  	vm14 =	vgt.f32 v28, v27;
	vm0 =	vgt.f32 v32, v31  }
0x171: {  	vm9 =	vgt.f32 v54, v51;
	v4 =	vsel vm14, v6, v4;
	v12 =	vsel vm0, v12, v10;
	v10 =	vld [tilespmem:$0x1FAF0]  }
0x172: {  	v4 =	vsel vm9, v4, v5;
	v5 =	vld [tilespmem:$0x1FF80];
	_ =	sdelay $0x2  }
0x173: {  	vm10 =	vgt.f32 v61, v14  }
0x174: {  	vm6 =	vgt.f32 v34, v33;
	v7 =	vsel vm10, v12, v7;
	v12 =	vld [tilespmem:$0x1FB00]  }
0x175: {  	v5 =	vsel vm6, v10, v5;
	v10 =	vld [tilespmem:$0x1FB10];
	_ =	sdelay $0x3  }
0x176: {  	vm5 =	vgt.f32 v40, v35  }
0x177: {  	vm8 =	vgt.f32 v15, v63;
	v12 =	vsel vm5, v12, v10;
	v10 =	vld [tilespmem:$0x1FB30]  }
0x178: {  	v5 =	vsel vm8, v12, v5;
	v12 =	vld [tilespmem:$0x1FB20];
	_ =	sdelay $0x3  }
0x179: {  	v13 =	vld [tilespmem:$0x1FB40]  }
0x17a: {  	v12 =	vsel vm4, v12, v10;
	v10 =	vld [tilespmem:$0x1FB50];
	_ =	sdelay $0x3  }
0x17b: {  	v14 =	vld [tilespmem:$0x1FFA0]  }
0x17c: {  	v13 =	vsel vm1, v13, v10;
	v10 =	vld [tilespmem:$0x1FF90];
	_ =	sdelay $0x3  }
0x17d: {  	v15 =	vld [tilespmem:$0x1FFC0]  }
0x17e: {  	v14 =	vsel vm2, v14, v10;
	v10 =	vld [tilespmem:$0x1FFB0];
	_ =	sdelay $0x2  }
0x17f: {  	vm14 =	vgt.f32 v42, v41  }
0x180: {  	vm3 =	vgt.f32 v11, v53;
	v54 =	vsel vm14, v5, v7  }
0x181: {  	v7 =	vmov s29;
	v12 =	vsel vm11, v13, v12;
	v15 =	vsel vm3, v15, v10  }
0x182: {  	v13 =	vsel vm12, v15, v14;
	vm12 =	vgt.f32 v9, v2;
	v9 =	vshll.u32 v7, $0x7;
	v7 =	vld [tilespmem:$0x1FCF0]  }
0x183: {  	v10 =	vld [tilespmem:$0x1FEB0];
	_ =	sdelay $0x3  }
0x184: {  	vm10 =	vgt.f32 v45, v43;
	v7 =	vor.u32 v7, v9  }
0x185: {  	v5 =	vsel vm10, v13, v12;
	v12 =	vor.u32 v10, v7;
	v10 =	vld [tilespmem:$0x1FEC0];
	_ =	sdelay $0x4  }
0x186: {  	v13 =	vor.u32 v10, v7;
	v10 =	vld [tilespmem:$0x1FEF0];
	_ =	sdelay $0x4  }
0x187: {  	v14 =	vor.u32 v10, v7;
	v10 =	vld [tilespmem:$0x1FF00];
	_ =	sdelay $0x4  }
0x188: {  	v15 =	vor.u32 v10, v7;
	v10 =	vld [tilespmem:$0x1F890];
	_ =	sdelay $0x4  }
0x189: {  	v16 =	vor.u32 v10, v7;
	v10 =	vld [tilespmem:$0x1F8A0];
	_ =	sdelay $0x3  }
0x18a: {  	vm13 =	vgt.f32 v37, v36  }
0x18b: {  	v0 =	vsel vm13, v1, v0;
	vm13 =	vgt.f32 v8, v17;
	v17 =	vor.u32 v10, v7;
	v10 =	vld [tilespmem:$0x1F8B0];
	_ =	sdelay $0x4  }
0x18c: {  	v18 =	vor.u32 v10, v7;
	v10 =	vld [tilespmem:$0x1F8C0];
	_ =	sdelay $0x4  }
0x18d: {  	v19 =	vor.u32 v10, v7;
	v10 =	vld [tilespmem:$0x1F8D0];
	_ =	sdelay $0x4  }
0x18e: {  	v20 =	vor.u32 v10, v7;
	v10 =	vld [tilespmem:$0x1F8E0];
	_ =	sdelay $0x4  }
0x18f: {  	v21 =	vor.u32 v10, v7;
	v10 =	vld [tilespmem:$0x1F8F0];
	_ =	sdelay $0x4  }
0x190: {  	v22 =	vor.u32 v10, v7;
	v10 =	vld [tilespmem:$0x1F900];
	_ =	sdelay $0x4  }
0x191: {  	v6 =	vpop (erf);
	v23 =	vor.u32 v10, v7;
	v10 =	vld [tilespmem:$0x1F910]  }
0x192: {  	v11 =	vmul.f32 $1.500000000e+01, v6;
	_ =	sdelay $0x1  }
0x193: {  	v11 =	vtrunc.f32 v11  }
0x194: {  	v57 =	vld [tilespmem:$0x1FD10];
	v11 =	vcvt.f32.s32 v11  }
0x195: {  	v24 =	vor.u32 v10, v7;
	v10 =	vld [tilespmem:$0x1F920]  }
0x196: {  	v58 =	vld [tilespmem:$0x1FD70];
	vm7 =	vgt.f32 v39, v38;
	vm9 =	vlt.s32 v11, $0xE  }
0x197: {  	v55 =	vld [tilespmem:s28+$0xFFFFFFF0];
	v53 =	vsel vm7, v4, v3;
	v4 =	vnsel vm9, $0xE, v11  }
0x198: {  	v56 =	vlaneseq.u32;
	v4 =	vshll.u32 v4, $0x4;
	v3 =	vsel vm12, v5, v54;
	v5 =	vld [tilespmem:$0x1FB60]  }
0x199: {  	v11 =	vld [tilespmem:$0x1FB70];
	v2 =	vor.u32 v56, v4  }
0x19a: {  	v25 =	vor.u32 v10, v7;
	v10 =	vld [tilespmem:$0x1F930]  }
0x19b: {  	v61 =	vld [tilespmem:$0x1FDB0]  }
0x19c: {  	v8 =	vld [tilespmem:$0x1FFF0]  }
0x19d: {  	vm11 =	vgt.f32 v60, v49;
	v60 =	vld [tilespmem:$0x1FD80];
	v5 =	vadd.s32 v5, v4  }
0x19e: {  	v0 =	vsel vm11, v53, v0;
	[tilespmem:v2+s18+$0x0] =	vst.idx.add.f32.msk $0xffff, v6;
	v4 =	vadd.s32 v11, v4  }
0x19f: {  	v0 =	vsel vm13, v3, v0;
	v26 =	vor.u32 v10, v7;
	v10 =	vld [tilespmem:$0x1F940]  }
0x1a0: {  	v59 =	vimm.f32 $0.0e+00;
	vm0 =	veq.s32 v0, v55;
	v6 =	vld [tilespmem:$0x1FFE0]  }
0x1a1: {  	[tilespmem:$0x1F880] =	vst v9;
	v1 =	vsel vm0, $0x3F800000, v59;
	v9 =	vld [tilespmem:$0x1FE40]  }
0x1a2: {  	v3 =	vor.u32 v57, v7;
	[tilespmem:v5+s18+$0x0] =	vst.idx.add.f32.msk $0xffff, v1;
	v5 =	vimm.f32 $1.000000000e+00  }
0x1a3: {  	v0 =	vor.u32 v58, v7;
	[tilespmem:v4+s18+$0x0] =	vst.idx.add.f32.msk $0xffff, v5  }
0x1a4: {  	v27 =	vor.u32 v10, v7;
	v10 =	vld [tilespmem:$0x1F950]  }
0x1a5: {  	v2 =	vor.u32 v60, v7;
	v4 =	vld [tilespmem:$0x1FDC0]  }
0x1a6: {  	v8 =	vor.u32 v8, v7;
	v5 =	vld [tilespmem:$0x1FFD0]  }
0x1a7: {  	v3 =	vld.idx.msk [tilespmem:v3+s2+$0x0], $0xffff  }
0x1a8: {  	v6 =	vor.u32 v6, v7;
	v0 =	vld.idx.msk [tilespmem:v0+s2+$0x0], $0xffff  }
0x1a9: {  	v28 =	vor.u32 v10, v7;
	v10 =	vld [tilespmem:$0x1F960]  }
0x1aa: {  	v9 =	vor.u32 v9, v7;
	v2 =	vld.idx.msk [tilespmem:v2+s2+$0x0], $0xffff  }
0x1ab: {  	v8 =	vld.idx.msk [tilespmem:v8+s2+$0x0], $0xffff  }
0x1ac: {  	v1 =	vor.u32 v61, v7;
	v12 =	vld.idx.msk [tilespmem:v12+s2+$0x0], $0xffff  }
0x1ad: {  	v6 =	vld.idx.msk [tilespmem:v6+s2+$0x0], $0xffff  }
0x1ae: {  	v29 =	vor.u32 v10, v7;
	v10 =	vld [tilespmem:$0x1F970]  }
0x1af: {  	v9 =	vld.idx.msk [tilespmem:v9+s2+$0x0], $0xffff;
	v4 =	vor.u32 v4, v7  }
0x1b0: {  	v13 =	vld.idx.msk [tilespmem:v13+s2+$0x0], $0xffff;
	v5 =	vor.u32 v5, v7  }
0x1b1: {  	v1 =	vld.idx.msk [tilespmem:v1+s2+$0x0], $0xffff  }
0x1b2: {  	v14 =	vld.idx.msk [tilespmem:v14+s2+$0x0], $0xffff  }
0x1b3: {  	v30 =	vor.u32 v10, v7;
	v10 =	vld [tilespmem:$0x1F980]  }
0x1b4: {  	v4 =	vld.idx.msk [tilespmem:v4+s2+$0x0], $0xffff  }
0x1b5: {  	v5 =	vld.idx.msk [tilespmem:v5+s2+$0x0], $0xffff  }
0x1b6: {  	v15 =	vld.idx.msk [tilespmem:v15+s2+$0x0], $0xffff  }
0x1b7: {  	v16 =	vld.idx.msk [tilespmem:v16+s2+$0x0], $0xffff  }
0x1b8: {  	v31 =	vor.u32 v10, v7;
	v10 =	vld [tilespmem:$0x1F990]  }
0x1b9: {  	v17 =	vld.idx.msk [tilespmem:v17+s2+$0x0], $0xffff  }
0x1ba: {  	v18 =	vld.idx.msk [tilespmem:v18+s2+$0x0], $0xffff  }
0x1bb: {  	v19 =	vld.idx.msk [tilespmem:v19+s2+$0x0], $0xffff  }
0x1bc: {  	v20 =	vld.idx.msk [tilespmem:v20+s2+$0x0], $0xffff  }
0x1bd: {  	v62 =	vor.u32 v10, v7;
	v10 =	vld [tilespmem:$0x1F9A0]  }
0x1be: {  	v21 =	vld.idx.msk [tilespmem:v21+s2+$0x0], $0xffff  }
0x1bf: {  	v22 =	vld.idx.msk [tilespmem:v22+s2+$0x0], $0xffff  }
0x1c0: {  	v23 =	vld.idx.msk [tilespmem:v23+s2+$0x0], $0xffff  }
0x1c1: {  	v24 =	vld.idx.msk [tilespmem:v24+s2+$0x0], $0xffff  }
0x1c2: {  	v63 =	vor.u32 v10, v7;
	v10 =	vld [tilespmem:$0x1F9B0]  }
0x1c3: {  	v25 =	vld.idx.msk [tilespmem:v25+s2+$0x0], $0xffff  }
0x1c4: {  	v26 =	vld.idx.msk [tilespmem:v26+s2+$0x0], $0xffff  }
0x1c5: {  	v27 =	vld.idx.msk [tilespmem:v27+s2+$0x0], $0xffff  }
0x1c6: {  	v28 =	vld.idx.msk [tilespmem:v28+s2+$0x0], $0xffff  }
0x1c7: {  	v29 =	vld.idx.msk [tilespmem:v29+s2+$0x0], $0xffff;
	v7 =	vor.u32 v10, v7  }
0x1c8: {  	v30 =	vld.idx.msk [tilespmem:v30+s2+$0x0], $0xffff  }
0x1c9: {  	v31 =	vld.idx.msk [tilespmem:v31+s2+$0x0], $0xffff  }
0x1ca: {  	v34 =	vmax.f32 v3, v0;
	v32 =	vld.idx.msk [tilespmem:v62+s2+$0x0], $0xffff  }
0x1cb: {  	v37 =	vmax.f32 v6, v8;
	v38 =	vmax.f32 v9, v12;
	v35 =	vmax.f32 v2, v1;
	v33 =	vld.idx.msk [tilespmem:v63+s2+$0x0], $0xffff  }
0x1cc: {  	v50 =	vmax.f32 v34, v35;
	v39 =	vmax.f32 v13, v14;
	v36 =	vmax.f32 v4, v5;
	v7 =	vld.idx.msk [tilespmem:v7+s2+$0x0], $0xffff  }
0x1cd: {  	v52 =	vmax.f32 v38, v39;
	v51 =	vmax.f32 v36, v37;
	v40 =	vmax.f32 v15, v16  }
0x1ce: {  	v41 =	vmax.f32 v17, v18;
	v42 =	vmax.f32 v19, v20;
	v43 =	vmax.f32 v21, v22  }
0x1cf: {  	v58 =	vmax.f32 v50, v51;
	v53 =	vmax.f32 v40, v41;
	v54 =	vmax.f32 v42, v43  }
0x1d0: {  	v44 =	vmax.f32 v23, v24;
	v45 =	vmax.f32 v25, v26;
	v46 =	vmax.f32 v27, v28  }
0x1d1: {  	v47 =	vmax.f32 v29, v30;
	v48 =	vmax.f32 v31, v32;
	v49 =	vmax.f32 v33, v7  }
0x1d2: {  	v55 =	vmax.f32 v44, v45;
	v56 =	vmax.f32 v46, v47;
	v57 =	vmax.f32 v48, v49  }
0x1d3: {  	v59 =	vmax.f32 v52, v53;
	v60 =	vmax.f32 v54, v55;
	v61 =	vmax.f32 v56, v57  }
0x1d4: {  	v62 =	vmax.f32 v58, v59;
	v63 =	vmax.f32 v60, v61  }
0x1d5: {  	v10 =	vmax.f32 v62, v63  }
0x1d6: {  	v10 =	vsub.f32 $0.0e+00, v10;
	_ =	sdelay $0x1  }
0x1d7: {  	v10 =	vmul.f32 $1.442695020e+00, v10;
	_ =	sdelay $0x1  }
0x1d8: {  	(erf) = vpow2.f32 v10;
	_ =	sdelay $0x6  }
0x1d9: {  	vm2 =	vgt.f32 v7, v33;
	v33 =	vld [tilespmem:$0x1F9C0];
	_ =	sdelay $0x1  }
0x1da: {  	vm7 =	vgt.f32 v0, v3;
	v0 =	vpop (erf)  }
0x1db: {  	v0 =	vadd.f32 $1.000000000e+00, v0  }
0x1dc: {  	vm1 =	vgt.f32 v32, v31;
	v32 =	vlaneseq.u32  }
0x1dd: {  	(erf) = vrcp.f32 v0;
	v0 =	vsel vm7, v33, v32;
	vm7 =	vgt.f32 v35, v34;
	v34 =	vld [tilespmem:$0x1F9E0]  }
0x1de: {  	v35 =	vld [tilespmem:$0x1F9D0];
	_ =	sdelay $0x3  }
0x1df: {  	vm8 =	vgt.f32 v1, v2  }
0x1e0: {  	v1 =	vsel vm8, v34, v35  }
0x1e1: {  	v0 =	vsel vm7, v1, v0;
	vm7 =	vgt.f32 v39, v38;
	v38 =	vld [tilespmem:$0x1FA00]  }
0x1e2: {  	v39 =	vld [tilespmem:$0x1F9F0];
	_ =	sdelay $0x3  }
0x1e3: {  	vm9 =	vgt.f32 v5, v4  }
0x1e4: {  	v1 =	vsel vm9, v39, v38;
	vm9 =	vgt.f32 v41, v40;
	v40 =	vld [tilespmem:$0x1FA20]  }
0x1e5: {  	v41 =	vld [tilespmem:$0x1FA10];
	_ =	sdelay $0x3  }
0x1e6: {  	vm10 =	vgt.f32 v8, v6  }
0x1e7: {  	vm8 =	vgt.f32 v37, v36;
	v2 =	vsel vm10, v41, v40  }
0x1e8: {  	v1 =	vsel vm8, v2, v1;
	vm8 =	vgt.f32 v45, v44;
	v44 =	vld [tilespmem:$0x1FA40]  }
0x1e9: {  	v45 =	vld [tilespmem:$0x1FA30];
	_ =	sdelay $0x1  }
0x1ea: {  	v6 =	vld [tilespmem:$0x1FA90]  }
0x1eb: {  	v8 =	vld [tilespmem:$0x1FAD0]  }
0x1ec: {  	vm11 =	vgt.f32 v12, v9;
	v4 =	vld [tilespmem:$0x1FA50]  }
0x1ed: {  	v2 =	vsel vm11, v45, v44;
	vm11 =	vgt.f32 v47, v46;
	v47 =	vld [tilespmem:$0x1FA60]  }
0x1ee: {  	v9 =	vld [tilespmem:$0x1FAF0]  }
0x1ef: {  	v12 =	vld [tilespmem:$0x1FFC0]  }
0x1f0: {  	v5 =	vld [tilespmem:$0x1FA70]  }
0x1f1: {  	vm12 =	vgt.f32 v14, v13;
	v7 =	vld [tilespmem:$0x1FAE0]  }
0x1f2: {  	v3 =	vsel vm12, v47, v4;
	v4 =	vld [tilespmem:$0x1FA80]  }
0x1f3: {  	v13 =	vld [tilespmem:$0x1FF00]  }
0x1f4: {  	v14 =	vld [tilespmem:$0x1F890]  }
0x1f5: {  	vm13 =	vgt.f32 v16, v15;
	v15 =	vld [tilespmem:$0x1F8A0];
	vm5 =	vgt.f32 v22, v21  }
0x1f6: {  	v7 =	vsel vm5, v8, v7;
	v8 =	vld [tilespmem:$0x1FF80]  }
0x1f7: {  	v4 =	vsel vm13, v4, v5;
	v5 =	vld [tilespmem:$0x1FAA0]  }
0x1f8: {  	v16 =	vld [tilespmem:$0x1F8B0]  }
0x1f9: {  	vm14 =	vgt.f32 v18, v17;
	v17 =	vld [tilespmem:$0x1F8C0]  }
0x1fa: {  	vm6 =	vgt.f32 v24, v23;
	v10 =	vld [tilespmem:$0x1FB00]  }
0x1fb: {  	v8 =	vsel vm6, v9, v8;
	v9 =	vld [tilespmem:$0x1FB10]  }
0x1fc: {  	v5 =	vsel vm14, v6, v5;
	v6 =	vld [tilespmem:$0x1FAB0]  }
0x1fd: {  	vm13 =	vgt.f32 v51, v50;
	v51 =	vsel vm9, v5, v4;
	v5 =	vld [tilespmem:$0x1FAC0]  }
0x1fe: {  	v18 =	vld [tilespmem:$0x1F8D0]  }
0x1ff: {  	vm15 =	vgt.f32 v20, v19;
	v19 =	vld [tilespmem:$0x1F8E0]  }
0x200: {  	v20 =	vld [tilespmem:$0x1F8F0]  }
0x201: {  	v21 =	vld [tilespmem:$0x1F900];
	vm0 =	vgt.f32 v26, v25  }
0x202: {  	v22 =	vld [tilespmem:$0x1F910];
	v9 =	vsel vm0, v10, v9;
	vm10 =	vgt.f32 v43, v42;
	v5 =	vsel vm15, v5, v6  }
0x203: {  	v5 =	vsel vm10, v7, v5;
	v7 =	vsel vm8, v9, v8;
	v8 =	vld [tilespmem:$0x1FB30]  }
0x204: {  	v9 =	vld [tilespmem:$0x1FB20]  }
0x205: {  	v23 =	vld [tilespmem:$0x1F920]  }
0x206: {  	v24 =	vld [tilespmem:$0x1F930]  }
0x207: {  	v25 =	vld [tilespmem:$0x1F940]  }
0x208: {  	vm3 =	vgt.f32 v28, v27;
	v10 =	vld [tilespmem:$0x1FB40]  }
0x209: {  	v8 =	vsel vm3, v9, v8;
	v9 =	vld [tilespmem:$0x1FB50]  }
0x20a: {  	v26 =	vld [tilespmem:$0x1F950]  }
0x20b: {  	v27 =	vld [tilespmem:$0x1F960]  }
0x20c: {  	v28 =	vld [tilespmem:$0x1F970]  }
0x20d: {  	vm4 =	vgt.f32 v30, v29;
	v29 =	vld [tilespmem:$0x1F980]  }
0x20e: {  	v9 =	vsel vm4, v10, v9;
	v10 =	vld [tilespmem:$0x1FFA0]  }
0x20f: {  	v4 =	vpop (erf);
	v8 =	vsel vm11, v9, v8;
	v9 =	vld [tilespmem:$0x1FF90]  }
0x210: {  	v30 =	vld [tilespmem:$0x1F990];
	v6 =	vmul.f32 $1.500000000e+01, v4  }
0x211: {  	v31 =	vld [tilespmem:$0x1F9A0]  }
0x212: {  	vm5 =	vgt.f32 v57, v56;
	v56 =	vld [tilespmem:$0x1FB60];
	v6 =	vtrunc.f32 v6  }
0x213: {  	vm6 =	vgt.f32 v59, v58;
	v58 =	vld [tilespmem:$0x1FD70];
	v6 =	vcvt.f32.s32 v6  }
0x214: {  	v2 =	vsel vm7, v3, v2;
	v9 =	vsel vm1, v10, v9;
	v10 =	vld [tilespmem:$0x1FFB0]  }
0x215: {  	v59 =	vld [tilespmem:$0x1FDB0];
	vm7 =	vgt.f32 v61, v60;
	vm14 =	vgt.f32 v53, v52;
	vm4 =	vlt.s32 v6, $0xE  }
0x216: {  	v60 =	vld [tilespmem:$0x1FDC0];
	v52 =	vsel vm14, v51, v2;
	vm15 =	vgt.f32 v55, v54;
	v53 =	vnsel vm4, $0xE, v6  }
0x217: {  	v61 =	vld [tilespmem:$0x1F9B0];
	v54 =	vsel vm15, v7, v5;
	v7 =	vlaneseq.u32;
	v2 =	vshll.u32 v53, $0x4  }
0x218: {  	vm8 =	vgt.f32 v63, v62;
	v63 =	vld [tilespmem:$0x1FD10];
	v7 =	vor.u32 v7, v2  }
0x219: {  	vm12 =	vgt.f32 v49, v48;
	v6 =	vld [tilespmem:s28+$0x0];
	v10 =	vsel vm2, v12, v10  }
0x21a: {  	v3 =	vadd.s32 v56, v2;
	v2 =	vadd.s32 v11, v2;
	v11 =	vld [tilespmem:$0x1FEC0];
	v9 =	vsel vm12, v10, v9  }
0x21b: {  	v5 =	vsel vm5, v9, v8;
	v8 =	vld [tilespmem:$0x1F880]  }
0x21c: {  	v55 =	vsel vm7, v5, v54;
	v5 =	vld [tilespmem:$0x1FCD0]  }
0x21d: {  	[tilespmem:v7+s18+$0x0] =	vst.idx.add.f32.msk $0xffff, v4  }
0x21e: {  	v0 =	vsel vm13, v1, v0;
	v4 =	vld [tilespmem:$0x1FD80]  }
0x21f: {  	v0 =	vsel vm6, v52, v0;
	v7 =	vld [tilespmem:$0x1FFE0]  }
0x220: {  	v12 =	vld [tilespmem:$0x1FEF0];
	v0 =	vsel vm8, v55, v0  }
0x221: {  	v10 =	vld [tilespmem:$0x1FEB0];
	vm0 =	veq.s32 v0, v6;
	v6 =	vimm.f32 $0.0e+00;
	v5 =	vor.u32 v5, v8  }
0x222: {  	v9 =	vld [tilespmem:$0x1FE40];
	v6 =	vsel vm0, $0x3F800000, v6;
	v57 =	vor.u32 v63, v5  }
0x223: {  	[tilespmem:v3+s18+$0x0] =	vst.idx.add.f32.msk $0xffff, v6;
	v6 =	vimm.f32 $1.000000000e+00;
	v0 =	vor.u32 v58, v5  }
0x224: {  	[tilespmem:v2+s18+$0x0] =	vst.idx.add.f32.msk $0xffff, v6;
	v4 =	vor.u32 v4, v5  }
0x225: {  	v6 =	vld [tilespmem:$0x1FFD0];
	v3 =	vor.u32 v59, v5  }
0x226: {  	v8 =	vld [tilespmem:$0x1FFF0];
	v2 =	vor.u32 v60, v5  }
0x227: {  	v7 =	vor.u32 v7, v5;
	v1 =	vld.idx.msk [tilespmem:v57+s2+$0x0], $0xffff  }
0x228: {  	v9 =	vor.u32 v9, v5;
	v0 =	vld.idx.msk [tilespmem:v0+s2+$0x0], $0xffff  }
0x229: {  	v10 =	vor.u32 v10, v5;
	v4 =	vld.idx.msk [tilespmem:v4+s2+$0x0], $0xffff  }
0x22a: {  	v11 =	vor.u32 v11, v5;
	v3 =	vld.idx.msk [tilespmem:v3+s2+$0x0], $0xffff  }
0x22b: {  	v12 =	vor.u32 v12, v5;
	v2 =	vld.idx.msk [tilespmem:v2+s2+$0x0], $0xffff  }
0x22c: {  	v13 =	vor.u32 v13, v5;
	v7 =	vld.idx.msk [tilespmem:v7+s2+$0x0], $0xffff  }
0x22d: {  	v14 =	vor.u32 v14, v5;
	v9 =	vld.idx.msk [tilespmem:v9+s2+$0x0], $0xffff  }
0x22e: {  	v15 =	vor.u32 v15, v5;
	v10 =	vld.idx.msk [tilespmem:v10+s2+$0x0], $0xffff  }
0x22f: {  	v16 =	vor.u32 v16, v5;
	v11 =	vld.idx.msk [tilespmem:v11+s2+$0x0], $0xffff  }
0x230: {  	v17 =	vor.u32 v17, v5;
	v12 =	vld.idx.msk [tilespmem:v12+s2+$0x0], $0xffff  }
0x231: {  	v18 =	vor.u32 v18, v5;
	v13 =	vld.idx.msk [tilespmem:v13+s2+$0x0], $0xffff  }
0x232: {  	v19 =	vor.u32 v19, v5;
	v14 =	vld.idx.msk [tilespmem:v14+s2+$0x0], $0xffff  }
0x233: {  	v20 =	vor.u32 v20, v5;
	v15 =	vld.idx.msk [tilespmem:v15+s2+$0x0], $0xffff  }
0x234: {  	v21 =	vor.u32 v21, v5;
	v16 =	vld.idx.msk [tilespmem:v16+s2+$0x0], $0xffff  }
0x235: {  	v22 =	vor.u32 v22, v5;
	v17 =	vld.idx.msk [tilespmem:v17+s2+$0x0], $0xffff  }
0x236: {  	v23 =	vor.u32 v23, v5;
	v18 =	vld.idx.msk [tilespmem:v18+s2+$0x0], $0xffff  }
0x237: {  	v24 =	vor.u32 v24, v5;
	v19 =	vld.idx.msk [tilespmem:v19+s2+$0x0], $0xffff  }
0x238: {  	v25 =	vor.u32 v25, v5;
	v20 =	vld.idx.msk [tilespmem:v20+s2+$0x0], $0xffff  }
0x239: {  	v26 =	vor.u32 v26, v5;
	v21 =	vld.idx.msk [tilespmem:v21+s2+$0x0], $0xffff  }
0x23a: {  	v27 =	vor.u32 v27, v5;
	v22 =	vld.idx.msk [tilespmem:v22+s2+$0x0], $0xffff  }
0x23b: {  	v28 =	vor.u32 v28, v5;
	v23 =	vld.idx.msk [tilespmem:v23+s2+$0x0], $0xffff  }
0x23c: {  	v29 =	vor.u32 v29, v5;
	v24 =	vld.idx.msk [tilespmem:v24+s2+$0x0], $0xffff  }
0x23d: {  	v30 =	vor.u32 v30, v5;
	v25 =	vld.idx.msk [tilespmem:v25+s2+$0x0], $0xffff  }
0x23e: {  	v31 =	vor.u32 v31, v5;
	v26 =	vld.idx.msk [tilespmem:v26+s2+$0x0], $0xffff  }
0x23f: {  	v6 =	vor.u32 v6, v5;
	v27 =	vld.idx.msk [tilespmem:v27+s2+$0x0], $0xffff  }
0x240: {  	v8 =	vor.u32 v8, v5;
	v28 =	vld.idx.msk [tilespmem:v28+s2+$0x0], $0xffff  }
0x241: {  	v5 =	vor.u32 v61, v5;
	v29 =	vld.idx.msk [tilespmem:v29+s2+$0x0], $0xffff  }
0x242: {  	v30 =	vld.idx.msk [tilespmem:v30+s2+$0x0], $0xffff  }
0x243: {  	v31 =	vld.idx.msk [tilespmem:v31+s2+$0x0], $0xffff  }
0x244: {  	v6 =	vld.idx.msk [tilespmem:v6+s2+$0x0], $0xffff;
	v32 =	vmax.f32 v1, v0;
	v33 =	vmax.f32 v4, v3  }
0x245: {  	v8 =	vld.idx.msk [tilespmem:v8+s2+$0x0], $0xffff;
	v36 =	vmax.f32 v9, v10;
	v37 =	vmax.f32 v11, v12;
	v38 =	vmax.f32 v13, v14  }
0x246: {  	v5 =	vld.idx.msk [tilespmem:v5+s2+$0x0], $0xffff;
	v39 =	vmax.f32 v15, v16;
	v40 =	vmax.f32 v17, v18;
	v41 =	vmax.f32 v19, v20  }
0x247: {  	v42 =	vmax.f32 v21, v22;
	v43 =	vmax.f32 v23, v24;
	v44 =	vmax.f32 v25, v26  }
0x248: {  	v45 =	vmax.f32 v27, v28;
	v46 =	vmax.f32 v29, v30;
	vm13 =	vgt.f32 v14, v13  }
0x249: {  	v48 =	vmax.f32 v32, v33;
	v50 =	vmax.f32 v36, v37;
	v51 =	vmax.f32 v38, v39  }
0x24a: {  	v52 =	vmax.f32 v40, v41;
	v53 =	vmax.f32 v42, v43;
	v54 =	vmax.f32 v44, v45  }
0x24b: {  	v34 =	vmax.f32 v2, v6;
	v35 =	vmax.f32 v7, v8;
	v47 =	vmax.f32 v31, v5  }
0x24c: {  	v13 =	vld [tilespmem:$0x1F9C0];
	v57 =	vmax.f32 v50, v51;
	v49 =	vmax.f32 v34, v35;
	v55 =	vmax.f32 v46, v47  }
0x24d: {  	v14 =	vld [tilespmem:$0x1FDB0];
	v58 =	vmax.f32 v52, v53;
	v56 =	vmax.f32 v48, v49;
	v59 =	vmax.f32 v54, v55  }
0x24e: {  	vm14 =	vgt.f32 v16, v15;
	v16 =	vld [tilespmem:$0x1F9D0];
	v60 =	vmax.f32 v56, v57;
	v61 =	vmax.f32 v58, v59  }
0x24f: {  	vm15 =	vgt.f32 v18, v17;
	v17 =	vld [tilespmem:$0x1F9E0];
	v62 =	vmax.f32 v60, v61  }
0x250: {  	vm5 =	vgt.f32 v22, v21;
	v22 =	vld [tilespmem:$0x1F9F0];
	v62 =	vsub.f32 $0.0e+00, v62  }
0x251: {  	v21 =	vld [tilespmem:$0x1FA00]  }
0x252: {  	vm6 =	vgt.f32 v24, v23;
	v24 =	vld [tilespmem:$0x1FA10];
	v62 =	vmul.f32 $1.442695020e+00, v62  }
0x253: {  	v23 =	vld [tilespmem:$0x1FA20]  }
0x254: {  	vm1 =	vgt.f32 v26, v25;
	v26 =	vld [tilespmem:$0x1FA30];
	(erf) = vpow2.f32 v62  }
0x255: {  	v25 =	vld [tilespmem:$0x1FA40]  }
0x256: {  	vm2 =	vgt.f32 v28, v27;
	v28 =	vld [tilespmem:$0x1FA50]  }
0x257: {  	vm7 =	vgt.f32 v0, v1;
	vm3 =	vgt.f32 v30, v29;
	v29 =	vld [tilespmem:$0x1FA60]  }
0x258: {  	vm12 =	vgt.f32 v12, v11;
	v12 =	vlaneseq.u32;
	vm4 =	vgt.f32 v5, v31;
	v31 =	vld [tilespmem:$0x1FA70]  }
0x259: {  	vm9 =	vgt.f32 v6, v2;
	v0 =	vsel vm7, v13, v12;
	vm7 =	vgt.f32 v33, v32;
	v32 =	vld [tilespmem:$0x1FA80]  }
0x25a: {  	v1 =	vsel vm9, v22, v21;
	vm9 =	vgt.f32 v39, v38;
	v39 =	vld [tilespmem:$0x1FAD0]  }
0x25b: {  	vm11 =	vgt.f32 v10, v9;
	v38 =	vld [tilespmem:$0x1FAE0]  }
0x25c: {  	v2 =	vsel vm11, v26, v25;
	vm11 =	vgt.f32 v45, v44;
	v45 =	vld [tilespmem:$0x1FB20]  }
0x25d: {  	v44 =	vld [tilespmem:$0x1FB30];
	v62 =	vpop (erf)  }
0x25e: {  	vm8 =	vgt.f32 v3, v4;
	v4 =	vsel vm13, v32, v31;
	v32 =	vld [tilespmem:$0x1FF80];
	v62 =	vadd.f32 $1.000000000e+00, v62  }
0x25f: {  	vm13 =	vgt.f32 v51, v50;
	v50 =	vld [tilespmem:$0x1FFB0]  }
0x260: {  	(erf) = vrcp.f32 v62;
	v62 =	vsel vm8, v17, v16;
	vm8 =	vgt.f32 v35, v34;
	v35 =	vld [tilespmem:$0x1FA90]  }
0x261: {  	v34 =	vld [tilespmem:$0x1FAA0]  }
0x262: {  	v0 =	vsel vm7, v62, v0;
	vm7 =	vgt.f32 v37, v36;
	v37 =	vld [tilespmem:$0x1FAB0]  }
0x263: {  	vm10 =	vgt.f32 v8, v7;
	v36 =	vld [tilespmem:$0x1FAC0]  }
0x264: {  	v62 =	vsel vm10, v24, v23;
	vm10 =	vgt.f32 v41, v40;
	v41 =	vld [tilespmem:$0x1FAF0]  }
0x265: {  	v1 =	vsel vm8, v62, v1;
	vm8 =	vgt.f32 v43, v42;
	v43 =	vld [tilespmem:$0x1FB00]  }
0x266: {  	v42 =	vld [tilespmem:$0x1FB10]  }
0x267: {  	v62 =	vsel vm12, v29, v28;
	vm12 =	vgt.f32 v47, v46;
	v47 =	vld [tilespmem:$0x1FB40]  }
0x268: {  	v46 =	vld [tilespmem:$0x1FB50]  }
0x269: {  	v2 =	vsel vm7, v62, v2;
	vm7 =	vgt.f32 v49, v48;
	v48 =	vld [tilespmem:$0x1FFC0]  }
0x26a: {  	vm0 =	vgt.f32 v20, v19;
	v6 =	vsel vm14, v35, v34;
	v34 =	vld [tilespmem:$0x1FFA0]  }
0x26b: {  	v8 =	vsel vm0, v39, v38;
	v35 =	vld [tilespmem:$0x1FF90]  }
0x26c: {  	v15 =	vld [tilespmem:$0x1FD70];
	vm14 =	vgt.f32 v53, v52;
	v7 =	vsel vm15, v36, v37;
	vm15 =	vgt.f32 v55, v54  }
0x26d: {  	v18 =	vld [tilespmem:$0x1FEB0];
	v4 =	vsel vm9, v6, v4;
	v6 =	vsel vm10, v8, v7;
	v7 =	vsel vm5, v41, v32;
	v62 =	vpop (erf)  }
0x26e: {  	v20 =	vld [tilespmem:$0x1FCF0];
	v8 =	vsel vm6, v43, v42;
	vm5 =	vgt.f32 v59, v58;
	v5 =	vmul.f32 $1.500000000e+01, v62  }
0x26f: {  	v19 =	vld [tilespmem:$0x1FEF0];
	v9 =	vsel vm2, v47, v46;
	v7 =	vsel vm8, v8, v7;
	v8 =	vsel vm1, v45, v44  }
0x270: {  	v27 =	vld [tilespmem:$0x1FD80];
	v11 =	vsel vm4, v48, v50;
	v10 =	vsel vm3, v34, v35;
	v5 =	vtrunc.f32 v5  }
0x271: {  	v30 =	vld [tilespmem:$0x1FDC0];
	v8 =	vsel vm11, v9, v8;
	v9 =	vsel vm12, v11, v10;
	v5 =	vcvt.f32.s32 v5  }
0x272: {  	v58 =	vsel vm13, v4, v2;
	v4 =	vsel vm14, v7, v6;
	v6 =	vsel vm15, v9, v8;
	v9 =	vld [tilespmem:$0x1FB60]  }
0x273: {  	vm10 =	vgt.f32 v61, v60;
	v60 =	vsel vm5, v6, v4;
	v6 =	vld [tilespmem:$0x1FB70];
	vm9 =	vlt.s32 v5, $0xE  }
0x274: {  	v33 =	vld [tilespmem:$0x1FE40];
	v5 =	vnsel vm9, $0xE, v5  }
0x275: {  	v10 =	vld [tilespmem:s28+$0x10];
	v5 =	vshll.u32 v5, $0x4  }
0x276: {  	v40 =	vld [tilespmem:$0x1FF00];
	v59 =	vor.u32 v12, v5  }
0x277: {  	s26 =	sadd.s32 $0x2, s26;
	vm0 =	vgt.f32 v57, v56;
	v49 =	vld [tilespmem:$0x1FFF0];
	v0 =	vsel vm7, v1, v0;
	v7 =	vadd.s32 v9, v5  }
0x278: {  	p0 =	slt.u32 s26, $0x1E;
	v0 =	vsel vm0, v58, v0;
	v8 =	vld [tilespmem:$0x1FFE0];
	v4 =	vadd.s32 v6, v5  }
.Ltmp2:
0x279: {  	v0 =	vsel vm10, v60, v0;
	v12 =	vld [tilespmem:$0x1FEC0];
	(pc) =	sbr.rel @p0 .LBB2_3-.Ltmp2, $4  }
0x27a: {  	v61 =	vimm.f32 $0.0e+00;
	vm15 =	veq.s32 v0, v10;
	v6 =	vld [tilespmem:$0x1FFD0]  }
0x27b: {  	v0 =	vsel vm15, $0x3F800000, v61;
	[tilespmem:v59+s18+$0x0] =	vst.idx.add.f32.msk $0xffff, v62  }
0x27c: {  	v62 =	vimm.f32 $1.000000000e+00;
	[tilespmem:v7+s18+$0x0] =	vst.idx.add.f32.msk $0xffff, v0  }
0x27d: {  	s29 =	sadd.s32 $0x10, s29;
	s28 =	sadd.s32 $0x40, s28;
	[tilespmem:v4+s18+$0x0] =	vst.idx.add.f32.msk $0xffff, v62  }
0x27e: {  	p0 =	seq.s32 s25, $0x1F  }
0x27f: {  	s26 =	sshll.u32 @!p0 s25, $0xB  }
0x280: {  	s26 =	sadd.s32 @!p0 s26, s9  }
0x281: {  	s28 =	sshll.u32 @!p0 s26, $0x2  }
0x282: {  	s29 =	simm.s32 @!p0 $0x0;
	s26 =	sshrl.u32 @!p0 s26, $0x3;
	s28 =	sadd.s32 @!p0 s4, s28  }
0x283: {  	[tilespmem:s29], [sflag:$0x1] =	stream.linear.gather @!p0 [hbm4b:s28+s29], $0x8000, $0x38;
	[tilespmem:$0x10B00] =	vst v63  }
0x284: {  	s26 =	sadd.s32 @!p0 s1, s26;
	s28 =	simm.s32 @!p0 $0x10000  }
0x285: {  	[tilespmem:s28], [sflag:$0x3] =	stream.linear.gather @!p0 [hbm4b:s26+s29], $0x400, $0x38;
	[tilespmem:$0x10B00] =	vst v63  }
0x286: {  	_ =	swait.ge [sflag:s19], $0x8000  }
0x287: {  	[sflag:s19] =	ssyncset.done $0x0  }
0x288: {  	[sflag:s19] =	ssyncadd.s32 $0xFFFF8000  }
0x289: {  	_ =	swait.ge [sflag:s20], $0x400  }
0x28a: {  	s26 =	simm.s32 $0xFFFFFFFE;
	[sflag:s20] =	ssyncset.done $0x0  }
0x28b: {  	s28 =	simm.s32 $0x10420;
	s29 =	simm.s32 $0x8;
	[sflag:s20] =	ssyncadd.s32 $0xFFFFFC00  }
.LBB2_5:
0x28c: {  	v12 =	vld [tilespmem:$0x1FEC0]  }
0x28d: {  	v16 =	vld [tilespmem:$0x1F8A0]  }
0x28e: {  	v17 =	vld [tilespmem:$0x1F8B0]  }
0x28f: {  	v21 =	vld [tilespmem:$0x1F8F0]  }
0x290: {  	v22 =	vld [tilespmem:$0x1F900]  }
0x291: {  	v23 =	vld [tilespmem:$0x1F910]  }
0x292: {  	v24 =	vld [tilespmem:$0x1F920]  }
0x293: {  	v25 =	vld [tilespmem:$0x1F930]  }
0x294: {  	v26 =	vld [tilespmem:$0x1F940]  }
0x295: {  	v28 =	vld [tilespmem:$0x1F960]  }
0x296: {  	v29 =	vld [tilespmem:$0x1F970]  }
0x297: {  	s30 =	sadd.s32 $0xFFFFFFF8, s29;
	v31 =	vld [tilespmem:$0x1F990]  }
0x298: {  	v32 =	vld [tilespmem:$0x1F9A0];
	v0 =	vmov s30  }
0x299: {  	v62 =	vld [tilespmem:$0x1F9B0];
	v11 =	vshll.u32 v0, $0x7  }
0x29a: {  	v0 =	vor.u32 v20, v11;
	v20 =	vld [tilespmem:$0x1F8E0]  }
0x29b: {  	v1 =	vor.u32 v63, v0;
	v2 =	vor.u32 v15, v0;
	v15 =	vld [tilespmem:$0x1F890]  }
0x29c: {  	v10 =	vor.u32 v18, v0;
	v18 =	vld [tilespmem:$0x1F8C0]  }
0x29d: {  	v3 =	vor.u32 v27, v0;
	v13 =	vor.u32 v19, v0;
	v19 =	vld [tilespmem:$0x1F8D0]  }
0x29e: {  	v4 =	vor.u32 v14, v0;
	v27 =	vld [tilespmem:$0x1F950]  }
0x29f: {  	v5 =	vor.u32 v30, v0;
	v30 =	vld [tilespmem:$0x1F980]  }
0x2a0: {  	v6 =	vor.u32 v6, v0;
	v1 =	vld.idx.msk [tilespmem:v1+s14+$0x0], $0xffff  }
0x2a1: {  	v7 =	vor.u32 v8, v0;
	v2 =	vld.idx.msk [tilespmem:v2+s14+$0x0], $0xffff  }
0x2a2: {  	v8 =	vor.u32 v49, v0;
	v3 =	vld.idx.msk [tilespmem:v3+s14+$0x0], $0xffff  }
0x2a3: {  	v9 =	vor.u32 v33, v0;
	v4 =	vld.idx.msk [tilespmem:v4+s14+$0x0], $0xffff  }
0x2a4: {  	v5 =	vld.idx.msk [tilespmem:v5+s14+$0x0], $0xffff  }
0x2a5: {  	v12 =	vor.u32 v12, v0;
	v6 =	vld.idx.msk [tilespmem:v6+s14+$0x0], $0xffff  }
0x2a6: {  	v7 =	vld.idx.msk [tilespmem:v7+s14+$0x0], $0xffff  }
0x2a7: {  	v14 =	vor.u32 v40, v0;
	v8 =	vld.idx.msk [tilespmem:v8+s14+$0x0], $0xffff  }
0x2a8: {  	v16 =	vor.u32 v16, v0;
	v9 =	vld.idx.msk [tilespmem:v9+s14+$0x0], $0xffff  }
0x2a9: {  	v17 =	vor.u32 v17, v0;
	v10 =	vld.idx.msk [tilespmem:v10+s14+$0x0], $0xffff  }
0x2aa: {  	v21 =	vor.u32 v21, v0;
	v12 =	vld.idx.msk [tilespmem:v12+s14+$0x0], $0xffff  }
0x2ab: {  	v22 =	vor.u32 v22, v0;
	v13 =	vld.idx.msk [tilespmem:v13+s14+$0x0], $0xffff  }
0x2ac: {  	v23 =	vor.u32 v23, v0;
	v14 =	vld.idx.msk [tilespmem:v14+s14+$0x0], $0xffff  }
0x2ad: {  	v24 =	vor.u32 v24, v0;
	v16 =	vld.idx.msk [tilespmem:v16+s14+$0x0], $0xffff  }
0x2ae: {  	v25 =	vor.u32 v25, v0;
	v17 =	vld.idx.msk [tilespmem:v17+s14+$0x0], $0xffff  }
0x2af: {  	v26 =	vor.u32 v26, v0;
	v21 =	vld.idx.msk [tilespmem:v21+s14+$0x0], $0xffff  }
0x2b0: {  	v28 =	vor.u32 v28, v0;
	v22 =	vld.idx.msk [tilespmem:v22+s14+$0x0], $0xffff  }
0x2b1: {  	v29 =	vor.u32 v29, v0;
	v23 =	vld.idx.msk [tilespmem:v23+s14+$0x0], $0xffff  }
0x2b2: {  	v31 =	vor.u32 v31, v0;
	v24 =	vld.idx.msk [tilespmem:v24+s14+$0x0], $0xffff  }
0x2b3: {  	v32 =	vor.u32 v32, v0;
	v25 =	vld.idx.msk [tilespmem:v25+s14+$0x0], $0xffff  }
0x2b4: {  	v20 =	vor.u32 v20, v0;
	v26 =	vld.idx.msk [tilespmem:v26+s14+$0x0], $0xffff  }
0x2b5: {  	v15 =	vor.u32 v15, v0;
	v28 =	vld.idx.msk [tilespmem:v28+s14+$0x0], $0xffff  }
0x2b6: {  	v18 =	vor.u32 v18, v0;
	v29 =	vld.idx.msk [tilespmem:v29+s14+$0x0], $0xffff  }
0x2b7: {  	v19 =	vor.u32 v19, v0;
	v31 =	vld.idx.msk [tilespmem:v31+s14+$0x0], $0xffff  }
0x2b8: {  	v27 =	vor.u32 v27, v0;
	v32 =	vld.idx.msk [tilespmem:v32+s14+$0x0], $0xffff  }
0x2b9: {  	v30 =	vor.u32 v30, v0;
	v20 =	vld.idx.msk [tilespmem:v20+s14+$0x0], $0xffff  }
0x2ba: {  	v0 =	vor.u32 v62, v0;
	v15 =	vld.idx.msk [tilespmem:v15+s14+$0x0], $0xffff  }
0x2bb: {  	v18 =	vld.idx.msk [tilespmem:v18+s14+$0x0], $0xffff  }
0x2bc: {  	v19 =	vld.idx.msk [tilespmem:v19+s14+$0x0], $0xffff  }
0x2bd: {  	v27 =	vld.idx.msk [tilespmem:v27+s14+$0x0], $0xffff;
	v33 =	vmax.f32 v1, v2  }
0x2be: {  	v30 =	vld.idx.msk [tilespmem:v30+s14+$0x0], $0xffff;
	v34 =	vmax.f32 v3, v4;
	v35 =	vmax.f32 v5, v6;
	v36 =	vmax.f32 v7, v8  }
0x2bf: {  	v0 =	vld.idx.msk [tilespmem:v0+s14+$0x0], $0xffff;
	v37 =	vmax.f32 v9, v10;
	v38 =	vmax.f32 v12, v13;
	v40 =	vmax.f32 v16, v17  }
0x2c0: {  	v43 =	vmax.f32 v22, v23;
	v44 =	vmax.f32 v24, v25;
	v46 =	vmax.f32 v28, v29  }
0x2c1: {  	v49 =	vmax.f32 v33, v34;
	v50 =	vmax.f32 v35, v36;
	v51 =	vmax.f32 v37, v38  }
0x2c2: {  	v54 =	vmax.f32 v43, v44;
	v57 =	vmax.f32 v49, v50;
	v42 =	vmax.f32 v20, v21  }
0x2c3: {  	v39 =	vmax.f32 v14, v15;
	v41 =	vmax.f32 v18, v19;
	v45 =	vmax.f32 v26, v27  }
0x2c4: {  	v47 =	vmax.f32 v30, v31;
	v48 =	vmax.f32 v32, v0;
	v52 =	vmax.f32 v39, v40  }
0x2c5: {  	v53 =	vmax.f32 v41, v42;
	v55 =	vmax.f32 v45, v46;
	v56 =	vmax.f32 v47, v48  }
0x2c6: {  	v58 =	vmax.f32 v51, v52;
	v59 =	vmax.f32 v53, v54;
	v60 =	vmax.f32 v55, v56  }
0x2c7: {  	v61 =	vmax.f32 v57, v58;
	v62 =	vmax.f32 v59, v60  }
0x2c8: {  	v63 =	vmax.f32 v61, v62  }
0x2c9: {  	v63 =	vsub.f32 $0.0e+00, v63;
	_ =	sdelay $0x1  }
0x2ca: {  	vm1 =	vgt.f32 v4, v3;
	v4 =	vld [tilespmem:$0x1FA00];
	v63 =	vmul.f32 $1.442695020e+00, v63  }
0x2cb: {  	vm12 =	vgt.f32 v6, v5;
	v5 =	vld [tilespmem:$0x1F9F0]  }
0x2cc: {  	(erf) = vpow2.f32 v63;
	v63 =	vld [tilespmem:$0x1F9C0];
	_ =	sdelay $0x1  }
0x2cd: {  	vm0 =	vgt.f32 v2, v1;
	v2 =	vld [tilespmem:$0x1F9D0]  }
0x2ce: {  	v6 =	vld [tilespmem:$0x1FA10]  }
0x2cf: {  	v1 =	vlaneseq.u32;
	v4 =	vsel vm12, v5, v4;
	v5 =	vld [tilespmem:$0x1FA20]  }
0x2d0: {  	v1 =	vsel vm0, v63, v1;
	v63 =	vld [tilespmem:$0x1F9E0];
	_ =	sdelay $0x3  }
0x2d1: {  	vm13 =	vgt.f32 v8, v7  }
0x2d2: {  	v5 =	vsel vm13, v6, v5;
	v6 =	vld [tilespmem:$0x1FA30];
	v2 =	vsel vm1, v63, v2;
	v63 =	vpop (erf)  }
0x2d3: {  	v3 =	vadd.f32 $1.000000000e+00, v63;
	v63 =	vld [tilespmem:$0x1FA40];
	_ =	sdelay $0x3  }
0x2d4: {  	vm14 =	vgt.f32 v10, v9;
	v7 =	vld [tilespmem:$0x1FA60]  }
0x2d5: {  	(erf) = vrcp.f32 v3;
	v3 =	vsel vm14, v6, v63;
	v6 =	vld [tilespmem:$0x1FA50];
	_ =	sdelay $0x3  }
0x2d6: {  	vm15 =	vgt.f32 v13, v12;
	v8 =	vld [tilespmem:$0x1FA80]  }
0x2d7: {  	v6 =	vsel vm15, v7, v6;
	v7 =	vld [tilespmem:$0x1FA70];
	_ =	sdelay $0x3  }
0x2d8: {  	v9 =	vld [tilespmem:$0x1FA90];
	vm2 =	vgt.f32 v15, v14  }
0x2d9: {  	v7 =	vsel vm2, v8, v7;
	v8 =	vld [tilespmem:$0x1FAA0];
	_ =	sdelay $0x3  }
0x2da: {  	vm4 =	vgt.f32 v17, v16;
	v10 =	vld [tilespmem:$0x1FAB0]  }
0x2db: {  	v8 =	vsel vm4, v9, v8;
	v9 =	vld [tilespmem:$0x1FAC0];
	_ =	sdelay $0x3  }
0x2dc: {  	v12 =	vld [tilespmem:$0x1FAD0];
	vm5 =	vgt.f32 v19, v18  }
0x2dd: {  	v9 =	vsel vm5, v9, v10;
	v10 =	vld [tilespmem:$0x1FAE0];
	_ =	sdelay $0x2  }
0x2de: {  	v13 =	vld [tilespmem:$0x1FAF0]  }
0x2df: {  	v16 =	vld [tilespmem:$0x1FFA0];
	vm6 =	vgt.f32 v21, v20  }
0x2e0: {  	v10 =	vsel vm6, v12, v10;
	v12 =	vld [tilespmem:$0x1FF80]  }
0x2e1: {  	v17 =	vld [tilespmem:$0x1FFC0]  }
0x2e2: {  	vm7 =	vgt.f32 v23, v22;
	v22 =	vld [tilespmem:$0x1F910]  }
0x2e3: {  	v23 =	vld [tilespmem:$0x1F920]  }
0x2e4: {  	v14 =	vld [tilespmem:$0x1FB00]  }
0x2e5: {  	v12 =	vsel vm7, v13, v12;
	v13 =	vld [tilespmem:$0x1FB10]  }
0x2e6: {  	vm8 =	vgt.f32 v25, v24;
	v24 =	vld [tilespmem:$0x1F930]  }
0x2e7: {  	v25 =	vld [tilespmem:$0x1F940]  }
0x2e8: {  	vm10 =	vgt.f32 v29, v28;
	v28 =	vld [tilespmem:$0x1F970]  }
0x2e9: {  	v15 =	vld [tilespmem:$0x1FB20]  }
0x2ea: {  	v13 =	vsel vm8, v14, v13;
	v14 =	vld [tilespmem:$0x1FB30]  }
0x2eb: {  	v29 =	vld [tilespmem:$0x1F980]  }
0x2ec: {  	v20 =	vld [tilespmem:$0x1F8F0]  }
0x2ed: {  	v21 =	vld [tilespmem:$0x1F900]  }
0x2ee: {  	vm9 =	vgt.f32 v27, v26;
	vm12 =	vgt.f32 v0, v32;
	v32 =	vld [tilespmem:$0x1FB50]  }
0x2ef: {  	v14 =	vsel vm9, v15, v14;
	v15 =	vld [tilespmem:$0x1FB40]  }
0x2f0: {  	v18 =	vld [tilespmem:$0x1F8D0]  }
0x2f1: {  	v19 =	vld [tilespmem:$0x1F8E0]  }
0x2f2: {  	v26 =	vld [tilespmem:$0x1F950]  }
0x2f3: {  	v27 =	vld [tilespmem:$0x1F960]  }
0x2f4: {  	v0 =	vsel vm10, v15, v32;
	v15 =	vld [tilespmem:$0x1FF90]  }
0x2f5: {  	vm11 =	vgt.f32 v31, v30;
	v30 =	vld [tilespmem:$0x1F990]  }
0x2f6: {  	v31 =	vld [tilespmem:$0x1F9A0];
	vm14 =	vgt.f32 v36, v35  }
0x2f7: {  	v63 =	vld [tilespmem:$0x1F9B0];
	vm15 =	vgt.f32 v38, v37;
	v38 =	vsel vm14, v5, v4;
	v4 =	vpop (erf)  }
0x2f8: {  	vm13 =	vgt.f32 v34, v33;
	vm14 =	vgt.f32 v58, v57;
	v57 =	vld [tilespmem:$0x1FB60];
	v5 =	vmul.f32 $1.500000000e+01, v4  }
0x2f9: {  	v1 =	vsel vm13, v2, v1;
	vm13 =	vgt.f32 v56, v55;
	v15 =	vsel vm11, v16, v15;
	v16 =	vld [tilespmem:$0x1FFB0]  }
0x2fa: {  	v58 =	vld [tilespmem:$0x1FD10];
	v3 =	vsel vm15, v6, v3;
	v5 =	vtrunc.f32 v5;
	vm4 =	vgt.f32 v40, v39  }
0x2fb: {  	vm15 =	vgt.f32 v60, v59;
	v59 =	vld [tilespmem:$0x1FD70];
	v5 =	vcvt.f32.s32 v5;
	v6 =	vsel vm4, v8, v7  }
0x2fc: {  	v60 =	vld [tilespmem:$0x1FDB0];
	vm4 =	vgt.f32 v62, v61;
	vm5 =	vgt.f32 v42, v41;
	vm6 =	vgt.f32 v44, v43  }
0x2fd: {  	v61 =	vld [tilespmem:$0x1FDC0];
	v7 =	vsel vm5, v10, v9;
	vm7 =	vgt.f32 v46, v45;
	vm8 =	vgt.f32 v48, v47  }
0x2fe: {  	v10 =	vld [tilespmem:$0x1FEB0];
	v8 =	vsel vm6, v13, v12;
	v0 =	vsel vm7, v0, v14;
	v16 =	vsel vm12, v17, v16  }
0x2ff: {  	v12 =	vld [tilespmem:$0x1FEF0];
	vm11 =	vlt.s32 v5, $0xE;
	vm12 =	vgt.f32 v54, v53;
	v9 =	vsel vm8, v16, v15  }
0x300: {  	v13 =	vld [tilespmem:$0x1FF00];
	v56 =	vnsel vm11, $0xE, v5;
	v5 =	vsel vm12, v8, v7;
	v0 =	vsel vm13, v9, v0  }
0x301: {  	vm10 =	vgt.f32 v52, v51;
	v0 =	vsel vm15, v0, v5;
	v5 =	vld [tilespmem:$0x1FB70]  }
0x302: {  	v52 =	vsel vm10, v6, v3;
	v6 =	vld [tilespmem:s28+$0xFFFFFFE0];
	v3 =	vshll.u32 v56, $0x4;
	v7 =	vlaneseq.u32  }
0x303: {  	v14 =	vld [tilespmem:$0x1F890];
	v7 =	vor.u32 v7, v3  }
0x304: {  	v17 =	vld [tilespmem:$0x1F8C0]  }
0x305: {  	v8 =	vld [tilespmem:$0x1FFF0]  }
0x306: {  	v2 =	vadd.s32 v57, v3;
	v3 =	vadd.s32 v5, v3;
	v5 =	vld [tilespmem:$0x1FCD0]  }
0x307: {  	vm9 =	vgt.f32 v50, v49;
	v15 =	vld [tilespmem:$0x1F8A0]  }
0x308: {  	v1 =	vsel vm9, v38, v1;
	[tilespmem:v7+s18+$0x0] =	vst.idx.add.f32.msk $0xffff, v4  }
0x309: {  	v1 =	vsel vm14, v52, v1;
	v4 =	vld [tilespmem:$0x1FD80]  }
0x30a: {  	v16 =	vld [tilespmem:$0x1F8B0];
	v0 =	vsel vm4, v0, v1  }
0x30b: {  	v9 =	vld [tilespmem:$0x1FE40];
	vm0 =	veq.s32 v0, v6;
	v6 =	vimm.f32 $0.0e+00;
	v5 =	vor.u32 v5, v11  }
0x30c: {  	v6 =	vsel vm0, $0x3F800000, v6;
	v7 =	vld [tilespmem:$0x1FFE0];
	v1 =	vor.u32 v58, v5  }
0x30d: {  	[tilespmem:v2+s18+$0x0] =	vst.idx.add.f32.msk $0xffff, v6;
	v6 =	vimm.f32 $1.000000000e+00;
	v0 =	vor.u32 v59, v5  }
0x30e: {  	[tilespmem:v3+s18+$0x0] =	vst.idx.add.f32.msk $0xffff, v6;
	v4 =	vor.u32 v4, v5  }
0x30f: {  	v6 =	vld [tilespmem:$0x1FFD0];
	v2 =	vor.u32 v60, v5  }
0x310: {  	v11 =	vld [tilespmem:$0x1FEC0];
	v3 =	vor.u32 v61, v5  }
0x311: {  	v7 =	vor.u32 v7, v5;
	v1 =	vld.idx.msk [tilespmem:v1+s14+$0x0], $0xffff  }
0x312: {  	v8 =	vor.u32 v8, v5;
	v0 =	vld.idx.msk [tilespmem:v0+s14+$0x0], $0xffff  }
0x313: {  	v9 =	vor.u32 v9, v5;
	v4 =	vld.idx.msk [tilespmem:v4+s14+$0x0], $0xffff  }
0x314: {  	v10 =	vor.u32 v10, v5;
	v2 =	vld.idx.msk [tilespmem:v2+s14+$0x0], $0xffff  }
0x315: {  	v12 =	vor.u32 v12, v5;
	v3 =	vld.idx.msk [tilespmem:v3+s14+$0x0], $0xffff  }
0x316: {  	v13 =	vor.u32 v13, v5;
	v7 =	vld.idx.msk [tilespmem:v7+s14+$0x0], $0xffff  }
0x317: {  	v14 =	vor.u32 v14, v5;
	v8 =	vld.idx.msk [tilespmem:v8+s14+$0x0], $0xffff  }
0x318: {  	v15 =	vor.u32 v15, v5;
	v9 =	vld.idx.msk [tilespmem:v9+s14+$0x0], $0xffff  }
0x319: {  	v16 =	vor.u32 v16, v5;
	v10 =	vld.idx.msk [tilespmem:v10+s14+$0x0], $0xffff  }
0x31a: {  	v17 =	vor.u32 v17, v5;
	v12 =	vld.idx.msk [tilespmem:v12+s14+$0x0], $0xffff  }
0x31b: {  	v18 =	vor.u32 v18, v5;
	v13 =	vld.idx.msk [tilespmem:v13+s14+$0x0], $0xffff  }
0x31c: {  	v19 =	vor.u32 v19, v5;
	v14 =	vld.idx.msk [tilespmem:v14+s14+$0x0], $0xffff  }
0x31d: {  	v20 =	vor.u32 v20, v5;
	v15 =	vld.idx.msk [tilespmem:v15+s14+$0x0], $0xffff  }
0x31e: {  	v21 =	vor.u32 v21, v5;
	v16 =	vld.idx.msk [tilespmem:v16+s14+$0x0], $0xffff  }
0x31f: {  	v22 =	vor.u32 v22, v5;
	v17 =	vld.idx.msk [tilespmem:v17+s14+$0x0], $0xffff  }
0x320: {  	v23 =	vor.u32 v23, v5;
	v18 =	vld.idx.msk [tilespmem:v18+s14+$0x0], $0xffff  }
0x321: {  	v24 =	vor.u32 v24, v5;
	v19 =	vld.idx.msk [tilespmem:v19+s14+$0x0], $0xffff  }
0x322: {  	v25 =	vor.u32 v25, v5;
	v20 =	vld.idx.msk [tilespmem:v20+s14+$0x0], $0xffff  }
0x323: {  	v26 =	vor.u32 v26, v5;
	v21 =	vld.idx.msk [tilespmem:v21+s14+$0x0], $0xffff  }
0x324: {  	v27 =	vor.u32 v27, v5;
	v22 =	vld.idx.msk [tilespmem:v22+s14+$0x0], $0xffff  }
0x325: {  	v28 =	vor.u32 v28, v5;
	v23 =	vld.idx.msk [tilespmem:v23+s14+$0x0], $0xffff  }
0x326: {  	v29 =	vor.u32 v29, v5;
	v24 =	vld.idx.msk [tilespmem:v24+s14+$0x0], $0xffff  }
0x327: {  	v30 =	vor.u32 v30, v5;
	v25 =	vld.idx.msk [tilespmem:v25+s14+$0x0], $0xffff  }
0x328: {  	v31 =	vor.u32 v31, v5;
	v26 =	vld.idx.msk [tilespmem:v26+s14+$0x0], $0xffff  }
0x329: {  	v6 =	vor.u32 v6, v5;
	v27 =	vld.idx.msk [tilespmem:v27+s14+$0x0], $0xffff  }
0x32a: {  	v11 =	vor.u32 v11, v5;
	v28 =	vld.idx.msk [tilespmem:v28+s14+$0x0], $0xffff  }
0x32b: {  	v5 =	vor.u32 v63, v5;
	v29 =	vld.idx.msk [tilespmem:v29+s14+$0x0], $0xffff  }
0x32c: {  	v30 =	vld.idx.msk [tilespmem:v30+s14+$0x0], $0xffff  }
0x32d: {  	v31 =	vld.idx.msk [tilespmem:v31+s14+$0x0], $0xffff  }
0x32e: {  	v6 =	vld.idx.msk [tilespmem:v6+s14+$0x0], $0xffff;
	v32 =	vmax.f32 v1, v0  }
0x32f: {  	v11 =	vld.idx.msk [tilespmem:v11+s14+$0x0], $0xffff;
	v33 =	vmax.f32 v4, v2;
	v35 =	vmax.f32 v7, v8;
	v36 =	vmax.f32 v9, v10  }
0x330: {  	v5 =	vld.idx.msk [tilespmem:v5+s14+$0x0], $0xffff;
	v38 =	vmax.f32 v13, v14;
	v39 =	vmax.f32 v15, v16;
	v40 =	vmax.f32 v17, v18  }
0x331: {  	v41 =	vmax.f32 v19, v20;
	v42 =	vmax.f32 v21, v22;
	v43 =	vmax.f32 v23, v24  }
0x332: {  	v44 =	vmax.f32 v25, v26;
	v45 =	vmax.f32 v27, v28;
	v46 =	vmax.f32 v29, v30  }
0x333: {  	v48 =	vmax.f32 v32, v33;
	v52 =	vmax.f32 v40, v41;
	v53 =	vmax.f32 v42, v43  }
0x334: {  	v51 =	vmax.f32 v38, v39;
	v54 =	vmax.f32 v44, v45;
	v58 =	vmax.f32 v52, v53  }
0x335: {  	v34 =	vmax.f32 v3, v6;
	v37 =	vmax.f32 v11, v12;
	v47 =	vmax.f32 v31, v5  }
0x336: {  	v49 =	vmax.f32 v34, v35;
	v50 =	vmax.f32 v36, v37;
	v55 =	vmax.f32 v46, v47  }
0x337: {  	v56 =	vmax.f32 v48, v49;
	v57 =	vmax.f32 v50, v51;
	v59 =	vmax.f32 v54, v55  }
0x338: {  	v60 =	vmax.f32 v56, v57;
	v61 =	vmax.f32 v58, v59  }
0x339: {  	v62 =	vmax.f32 v60, v61  }
0x33a: {  	v62 =	vsub.f32 $0.0e+00, v62;
	_ =	sdelay $0x1  }
0x33b: {  	v62 =	vmul.f32 $1.442695020e+00, v62;
	_ =	sdelay $0x1  }
0x33c: {  	(erf) = vpow2.f32 v62;
	v62 =	vld [tilespmem:$0x1F9C0];
	_ =	sdelay $0x1  }
0x33d: {  	vm5 =	vgt.f32 v0, v1;
	v1 =	vld [tilespmem:$0x1F9D0]  }
0x33e: {  	vm6 =	vgt.f32 v2, v4;
	v4 =	vld [tilespmem:$0x1FA20]  }
0x33f: {  	v0 =	vlaneseq.u32;
	vm7 =	vgt.f32 v6, v3;
	v6 =	vld [tilespmem:$0x1FA10]  }
0x340: {  	v0 =	vsel vm5, v62, v0;
	v62 =	vld [tilespmem:$0x1F9E0];
	_ =	sdelay $0x1  }
0x341: {  	v2 =	vld [tilespmem:$0x1FA00]  }
0x342: {  	vm8 =	vgt.f32 v8, v7;
	v7 =	vld [tilespmem:$0x1FA30]  }
0x343: {  	v4 =	vsel vm8, v6, v4;
	v6 =	vld [tilespmem:$0x1FA40]  }
0x344: {  	v1 =	vsel vm6, v62, v1;
	v62 =	vld [tilespmem:$0x1F9F0];
	_ =	sdelay $0x3  }
0x345: {  	vm9 =	vgt.f32 v10, v9  }
0x346: {  	v6 =	vsel vm9, v7, v6;
	v7 =	vld [tilespmem:$0x1FA60];
	v2 =	vsel vm7, v62, v2;
	v62 =	vpop (erf)  }
0x347: {  	v3 =	vadd.f32 $1.000000000e+00, v62;
	v62 =	vld [tilespmem:$0x1FA50];
	_ =	sdelay $0x3  }
0x348: {  	v8 =	vld [tilespmem:$0x1FA80];
	vm10 =	vgt.f32 v12, v11  }
0x349: {  	(erf) = vrcp.f32 v3;
	v3 =	vsel vm10, v7, v62;
	v7 =	vld [tilespmem:$0x1FA70];
	_ =	sdelay $0x3  }
0x34a: {  	vm11 =	vgt.f32 v14, v13;
	v9 =	vld [tilespmem:$0x1FA90]  }
0x34b: {  	v7 =	vsel vm11, v8, v7;
	v8 =	vld [tilespmem:$0x1FAA0];
	_ =	sdelay $0x3  }
0x34c: {  	vm12 =	vgt.f32 v16, v15;
	v10 =	vld [tilespmem:$0x1FAB0]  }
0x34d: {  	v8 =	vsel vm12, v9, v8;
	v9 =	vld [tilespmem:$0x1FAC0];
	_ =	sdelay $0x3  }
0x34e: {  	vm13 =	vgt.f32 v18, v17;
	v11 =	vld [tilespmem:$0x1FAD0]  }
0x34f: {  	v9 =	vsel vm13, v9, v10;
	v10 =	vld [tilespmem:$0x1FAE0];
	_ =	sdelay $0x3  }
0x350: {  	vm14 =	vgt.f32 v20, v19;
	v12 =	vld [tilespmem:$0x1FAF0]  }
0x351: {  	v10 =	vsel vm14, v11, v10;
	v11 =	vld [tilespmem:$0x1FF80]  }
0x352: {  	v13 =	vld [tilespmem:$0x1FB00]  }
0x353: {  	v14 =	vld [tilespmem:$0x1FB20]  }
0x354: {  	v15 =	vld [tilespmem:$0x1FB40]  }
0x355: {  	vm15 =	vgt.f32 v22, v21;
	v16 =	vld [tilespmem:$0x1FFC0]  }
0x356: {  	v11 =	vsel vm15, v12, v11;
	v12 =	vld [tilespmem:$0x1FB10]  }
0x357: {  	v17 =	vld [tilespmem:$0x1F8B0]  }
0x358: {  	v18 =	vld [tilespmem:$0x1F8C0]  }
0x359: {  	v19 =	vld [tilespmem:$0x1F8D0]  }
0x35a: {  	vm4 =	vgt.f32 v24, v23;
	v20 =	vld [tilespmem:$0x1F8E0]  }
0x35b: {  	v12 =	vsel vm4, v13, v12;
	v13 =	vld [tilespmem:$0x1FB30]  }
0x35c: {  	v21 =	vld [tilespmem:$0x1F8F0]  }
0x35d: {  	v22 =	vld [tilespmem:$0x1F900]  }
0x35e: {  	v23 =	vld [tilespmem:$0x1F910]  }
0x35f: {  	v24 =	vld [tilespmem:$0x1F920];
	vm5 =	vgt.f32 v26, v25  }
0x360: {  	v13 =	vsel vm5, v14, v13;
	v14 =	vld [tilespmem:$0x1FB50]  }
0x361: {  	vm8 =	vgt.f32 v5, v31;
	v5 =	vld [tilespmem:$0x1FF90]  }
0x362: {  	v31 =	vld [tilespmem:$0x1F990]  }
0x363: {  	vm9 =	vgt.f32 v33, v32;
	v32 =	vld [tilespmem:$0x1FD70]  }
0x364: {  	v25 =	vld [tilespmem:$0x1F930];
	vm6 =	vgt.f32 v28, v27  }
0x365: {  	v14 =	vsel vm6, v15, v14;
	v15 =	vld [tilespmem:$0x1FFA0]  }
0x366: {  	v26 =	vld [tilespmem:$0x1F940]  }
0x367: {  	v27 =	vld [tilespmem:$0x1F950]  }
0x368: {  	v28 =	vld [tilespmem:$0x1F960];
	v0 =	vsel vm9, v1, v0;
	vm7 =	vgt.f32 v30, v29;
	vm10 =	vgt.f32 v35, v34  }
0x369: {  	v29 =	vld [tilespmem:$0x1F970];
	vm11 =	vgt.f32 v37, v36;
	v37 =	vsel vm10, v4, v2;
	v4 =	vpop (erf);
	vm12 =	vgt.f32 v39, v38  }
0x36a: {  	v38 =	vsel vm11, v3, v6;
	v6 =	vmul.f32 $1.500000000e+01, v4;
	v5 =	vsel vm7, v15, v5;
	v15 =	vld [tilespmem:$0x1FFB0]  }
0x36b: {  	vm9 =	vgt.f32 v55, v54;
	v30 =	vld [tilespmem:$0x1F980];
	vm10 =	vgt.f32 v57, v56;
	vm11 =	vgt.f32 v59, v58  }
0x36c: {  	v62 =	vld [tilespmem:$0x1FD10];
	v39 =	vsel vm12, v8, v7;
	v6 =	vtrunc.f32 v6;
	vm13 =	vgt.f32 v41, v40  }
0x36d: {  	v34 =	vld [tilespmem:$0x1FDB0];
	v6 =	vcvt.f32.s32 v6;
	vm14 =	vgt.f32 v43, v42;
	v7 =	vsel vm13, v10, v9  }
0x36e: {  	v35 =	vld [tilespmem:$0x1FDC0];
	vm15 =	vgt.f32 v45, v44;
	vm4 =	vgt.f32 v47, v46;
	v8 =	vsel vm14, v12, v11  }
0x36f: {  	v57 =	vld [tilespmem:s28+$0xFFFFFFF0];
	v9 =	vsel vm15, v14, v13;
	vm7 =	vgt.f32 v53, v52;
	v15 =	vsel vm8, v16, v15  }
0x370: {  	v36 =	vld [tilespmem:$0x1F9A0];
	v53 =	vsel vm7, v8, v7;
	v7 =	vmov s29;
	v5 =	vsel vm4, v15, v5  }
0x371: {  	v11 =	vshll.u32 v7, $0x7;
	v7 =	vld [tilespmem:$0x1FB70];
	vm8 =	vlt.s32 v6, $0xE;
	v5 =	vsel vm9, v5, v9  }
0x372: {  	v56 =	vnsel vm8, $0xE, v6;
	v2 =	vsel vm11, v5, v53;
	v5 =	vld [tilespmem:$0x1FB60]  }
0x373: {  	v10 =	vld [tilespmem:$0x1FEB0];
	v6 =	vlaneseq.u32;
	v3 =	vshll.u32 v56, $0x4  }
0x374: {  	v12 =	vld [tilespmem:$0x1FEC0];
	v6 =	vor.u32 v6, v3  }
0x375: {  	v13 =	vld [tilespmem:$0x1FEF0]  }
0x376: {  	v14 =	vld [tilespmem:$0x1FF00]  }
0x377: {  	v5 =	vadd.s32 v5, v3;
	v3 =	vadd.s32 v7, v3;
	v7 =	vld [tilespmem:$0x1FCF0]  }
0x378: {  	v8 =	vld [tilespmem:$0x1FFF0]  }
0x379: {  	vm5 =	vgt.f32 v49, v48;
	vm6 =	vgt.f32 v51, v50;
	[tilespmem:v6+s18+$0x0] =	vst.idx.add.f32.msk $0xffff, v4  }
0x37a: {  	v0 =	vsel vm5, v37, v0;
	v52 =	vsel vm6, v39, v38;
	v4 =	vld [tilespmem:$0x1FD80]  }
0x37b: {  	vm12 =	vgt.f32 v61, v60;
	v0 =	vsel vm10, v52, v0;
	v16 =	vld [tilespmem:$0x1F8A0]  }
0x37c: {  	v15 =	vld [tilespmem:$0x1F890];
	v0 =	vsel vm12, v2, v0;
	v7 =	vor.u32 v7, v11  }
0x37d: {  	v33 =	vimm.f32 $0.0e+00;
	vm0 =	veq.s32 v0, v57;
	v6 =	vld [tilespmem:$0x1FFE0];
	v2 =	vor.u32 v62, v7  }
0x37e: {  	v9 =	vld [tilespmem:$0x1FE40];
	v1 =	vsel vm0, $0x3F800000, v33;
	v0 =	vor.u32 v32, v7  }
0x37f: {  	[tilespmem:v5+s18+$0x0] =	vst.idx.add.f32.msk $0xffff, v1;
	v5 =	vimm.f32 $1.000000000e+00;
	v4 =	vor.u32 v4, v7  }
0x380: {  	v1 =	vor.u32 v34, v7;
	[tilespmem:v3+s18+$0x0] =	vst.idx.add.f32.msk $0xffff, v5  }
0x381: {  	v3 =	vor.u32 v35, v7;
	v5 =	vld [tilespmem:$0x1FFD0]  }
0x382: {  	v6 =	vor.u32 v6, v7;
	v2 =	vld.idx.msk [tilespmem:v2+s14+$0x0], $0xffff  }
0x383: {  	v8 =	vor.u32 v8, v7;
	v0 =	vld.idx.msk [tilespmem:v0+s14+$0x0], $0xffff  }
0x384: {  	v9 =	vor.u32 v9, v7;
	v4 =	vld.idx.msk [tilespmem:v4+s14+$0x0], $0xffff  }
0x385: {  	v10 =	vor.u32 v10, v7;
	v1 =	vld.idx.msk [tilespmem:v1+s14+$0x0], $0xffff  }
0x386: {  	v12 =	vor.u32 v12, v7;
	v3 =	vld.idx.msk [tilespmem:v3+s14+$0x0], $0xffff  }
0x387: {  	v13 =	vor.u32 v13, v7;
	v6 =	vld.idx.msk [tilespmem:v6+s14+$0x0], $0xffff  }
0x388: {  	v14 =	vor.u32 v14, v7;
	v8 =	vld.idx.msk [tilespmem:v8+s14+$0x0], $0xffff  }
0x389: {  	v15 =	vor.u32 v15, v7;
	v9 =	vld.idx.msk [tilespmem:v9+s14+$0x0], $0xffff  }
0x38a: {  	v16 =	vor.u32 v16, v7;
	v10 =	vld.idx.msk [tilespmem:v10+s14+$0x0], $0xffff  }
0x38b: {  	v17 =	vor.u32 v17, v7;
	v12 =	vld.idx.msk [tilespmem:v12+s14+$0x0], $0xffff  }
0x38c: {  	v18 =	vor.u32 v18, v7;
	v13 =	vld.idx.msk [tilespmem:v13+s14+$0x0], $0xffff  }
0x38d: {  	v19 =	vor.u32 v19, v7;
	v14 =	vld.idx.msk [tilespmem:v14+s14+$0x0], $0xffff  }
0x38e: {  	v20 =	vor.u32 v20, v7;
	v15 =	vld.idx.msk [tilespmem:v15+s14+$0x0], $0xffff  }
0x38f: {  	v21 =	vor.u32 v21, v7;
	v16 =	vld.idx.msk [tilespmem:v16+s14+$0x0], $0xffff  }
0x390: {  	v22 =	vor.u32 v22, v7;
	v17 =	vld.idx.msk [tilespmem:v17+s14+$0x0], $0xffff  }
0x391: {  	v23 =	vor.u32 v23, v7;
	v18 =	vld.idx.msk [tilespmem:v18+s14+$0x0], $0xffff  }
0x392: {  	v24 =	vor.u32 v24, v7;
	v19 =	vld.idx.msk [tilespmem:v19+s14+$0x0], $0xffff  }
0x393: {  	v25 =	vor.u32 v25, v7;
	v20 =	vld.idx.msk [tilespmem:v20+s14+$0x0], $0xffff  }
0x394: {  	v26 =	vor.u32 v26, v7;
	v21 =	vld.idx.msk [tilespmem:v21+s14+$0x0], $0xffff  }
0x395: {  	v27 =	vor.u32 v27, v7;
	v22 =	vld.idx.msk [tilespmem:v22+s14+$0x0], $0xffff  }
0x396: {  	v28 =	vor.u32 v28, v7;
	v23 =	vld.idx.msk [tilespmem:v23+s14+$0x0], $0xffff  }
0x397: {  	v29 =	vor.u32 v29, v7;
	v24 =	vld.idx.msk [tilespmem:v24+s14+$0x0], $0xffff  }
0x398: {  	v30 =	vor.u32 v30, v7;
	v25 =	vld.idx.msk [tilespmem:v25+s14+$0x0], $0xffff  }
0x399: {  	v31 =	vor.u32 v31, v7;
	v26 =	vld.idx.msk [tilespmem:v26+s14+$0x0], $0xffff  }
0x39a: {  	v32 =	vor.u32 v36, v7;
	v27 =	vld.idx.msk [tilespmem:v27+s14+$0x0], $0xffff  }
0x39b: {  	v5 =	vor.u32 v5, v7;
	v28 =	vld.idx.msk [tilespmem:v28+s14+$0x0], $0xffff  }
0x39c: {  	v7 =	vor.u32 v63, v7;
	v29 =	vld.idx.msk [tilespmem:v29+s14+$0x0], $0xffff  }
0x39d: {  	v30 =	vld.idx.msk [tilespmem:v30+s14+$0x0], $0xffff  }
0x39e: {  	v31 =	vld.idx.msk [tilespmem:v31+s14+$0x0], $0xffff  }
0x39f: {  	v32 =	vld.idx.msk [tilespmem:v32+s14+$0x0], $0xffff;
	v33 =	vmax.f32 v2, v0  }
0x3a0: {  	v5 =	vld.idx.msk [tilespmem:v5+s14+$0x0], $0xffff;
	v34 =	vmax.f32 v4, v1;
	v36 =	vmax.f32 v6, v8;
	v37 =	vmax.f32 v9, v10  }
0x3a1: {  	v7 =	vld.idx.msk [tilespmem:v7+s14+$0x0], $0xffff;
	v38 =	vmax.f32 v12, v13;
	v39 =	vmax.f32 v14, v15;
	v40 =	vmax.f32 v16, v17  }
0x3a2: {  	v41 =	vmax.f32 v18, v19;
	v42 =	vmax.f32 v20, v21;
	v43 =	vmax.f32 v22, v23  }
0x3a3: {  	v44 =	vmax.f32 v24, v25;
	v45 =	vmax.f32 v26, v27;
	v46 =	vmax.f32 v28, v29  }
0x3a4: {  	v47 =	vmax.f32 v30, v31;
	v49 =	vmax.f32 v33, v34;
	v51 =	vmax.f32 v37, v38  }
0x3a5: {  	v52 =	vmax.f32 v39, v40;
	v53 =	vmax.f32 v41, v42;
	v54 =	vmax.f32 v43, v44  }
0x3a6: {  	v55 =	vmax.f32 v45, v46;
	v35 =	vmax.f32 v3, v5;
	v48 =	vmax.f32 v32, v7  }
0x3a7: {  	v58 =	vmax.f32 v51, v52;
	v50 =	vmax.f32 v35, v36;
	v56 =	vmax.f32 v47, v48  }
0x3a8: {  	v59 =	vmax.f32 v53, v54;
	v57 =	vmax.f32 v49, v50;
	v60 =	vmax.f32 v55, v56  }
0x3a9: {  	v61 =	vmax.f32 v57, v58;
	v62 =	vmax.f32 v59, v60  }
0x3aa: {  	v63 =	vmax.f32 v61, v62  }
0x3ab: {  	v63 =	vsub.f32 $0.0e+00, v63;
	_ =	sdelay $0x1  }
0x3ac: {  	v63 =	vmul.f32 $1.442695020e+00, v63  }
0x3ad: {  	vm14 =	vgt.f32 v1, v4;
	v1 =	vld [tilespmem:$0x1F9C0]  }
0x3ae: {  	v4 =	vld [tilespmem:$0x1F9F0];
	(erf) = vpow2.f32 v63  }
0x3af: {  	vm15 =	vgt.f32 v5, v3;
	v3 =	vld [tilespmem:$0x1FA00];
	_ =	sdelay $0x1  }
0x3b0: {  	vm13 =	vgt.f32 v0, v2;
	v0 =	vlaneseq.u32;
	v2 =	vld [tilespmem:$0x1F9E0]  }
0x3b1: {  	v0 =	vsel vm13, v1, v0;
	v1 =	vld [tilespmem:$0x1F9D0]  }
0x3b2: {  	v5 =	vld [tilespmem:$0x1FA10]  }
0x3b3: {  	v3 =	vsel vm15, v4, v3;
	v4 =	vld [tilespmem:$0x1FA20];
	_ =	sdelay $0x2  }
0x3b4: {  	v1 =	vsel vm14, v2, v1;
	v2 =	vpop (erf)  }
0x3b5: {  	vm4 =	vgt.f32 v8, v6;
	v2 =	vadd.f32 $1.000000000e+00, v2  }
0x3b6: {  	v4 =	vsel vm4, v5, v4;
	v5 =	vld [tilespmem:$0x1FA30]  }
0x3b7: {  	(erf) = vrcp.f32 v2;
	v2 =	vld [tilespmem:$0x1FA40];
	_ =	sdelay $0x3  }
0x3b8: {  	vm5 =	vgt.f32 v10, v9;
	v6 =	vld [tilespmem:$0x1FA60]  }
0x3b9: {  	v2 =	vsel vm5, v5, v2;
	v5 =	vld [tilespmem:$0x1FA50];
	_ =	sdelay $0x3  }
0x3ba: {  	vm6 =	vgt.f32 v13, v12;
	v8 =	vld [tilespmem:$0x1FA80]  }
0x3bb: {  	v5 =	vsel vm6, v6, v5;
	v6 =	vld [tilespmem:$0x1FA70];
	_ =	sdelay $0x3  }
0x3bc: {  	vm7 =	vgt.f32 v15, v14;
	v9 =	vld [tilespmem:$0x1FA90]  }
0x3bd: {  	v6 =	vsel vm7, v8, v6;
	v8 =	vld [tilespmem:$0x1FAA0];
	_ =	sdelay $0x3  }
0x3be: {  	vm8 =	vgt.f32 v17, v16;
	v10 =	vld [tilespmem:$0x1FAB0]  }
0x3bf: {  	v8 =	vsel vm8, v9, v8;
	v9 =	vld [tilespmem:$0x1FAC0];
	_ =	sdelay $0x3  }
0x3c0: {  	vm9 =	vgt.f32 v19, v18;
	v12 =	vld [tilespmem:$0x1FAD0]  }
0x3c1: {  	v9 =	vsel vm9, v9, v10;
	v10 =	vld [tilespmem:$0x1FAE0];
	_ =	sdelay $0x3  }
0x3c2: {  	vm10 =	vgt.f32 v21, v20;
	v13 =	vld [tilespmem:$0x1FAF0]  }
0x3c3: {  	v10 =	vsel vm10, v12, v10;
	v12 =	vld [tilespmem:$0x1FF80]  }
0x3c4: {  	v14 =	vld [tilespmem:$0x1FB00]  }
0x3c5: {  	v15 =	vld [tilespmem:$0x1FB20]  }
0x3c6: {  	v16 =	vld [tilespmem:$0x1FFA0]  }
0x3c7: {  	vm11 =	vgt.f32 v23, v22;
	v17 =	vld [tilespmem:$0x1FFC0]  }
0x3c8: {  	v12 =	vsel vm11, v13, v12;
	v13 =	vld [tilespmem:$0x1FB10]  }
0x3c9: {  	v18 =	vld [tilespmem:$0x1F8D0]  }
0x3ca: {  	v19 =	vld [tilespmem:$0x1F8E0]  }
0x3cb: {  	v20 =	vld [tilespmem:$0x1F8F0]  }
0x3cc: {  	vm12 =	vgt.f32 v25, v24;
	v21 =	vld [tilespmem:$0x1F900]  }
0x3cd: {  	v13 =	vsel vm12, v14, v13;
	v14 =	vld [tilespmem:$0x1FB30]  }
0x3ce: {  	v22 =	vld [tilespmem:$0x1F910]  }
0x3cf: {  	v23 =	vld [tilespmem:$0x1F920]  }
0x3d0: {  	v24 =	vld [tilespmem:$0x1F930]  }
0x3d1: {  	vm13 =	vgt.f32 v27, v26;
	vm4 =	vgt.f32 v7, v32;
	v7 =	vld [tilespmem:$0x1FB50]  }
0x3d2: {  	v14 =	vsel vm13, v15, v14;
	v15 =	vld [tilespmem:$0x1FB40]  }
0x3d3: {  	v25 =	vld [tilespmem:$0x1F940]  }
0x3d4: {  	v26 =	vld [tilespmem:$0x1F950]  }
0x3d5: {  	v27 =	vld [tilespmem:$0x1F960]  }
0x3d6: {  	vm14 =	vgt.f32 v29, v28;
	v28 =	vld [tilespmem:$0x1F970]  }
0x3d7: {  	v7 =	vsel vm14, v15, v7;
	v15 =	vld [tilespmem:$0x1FF90]  }
0x3d8: {  	v29 =	vld [tilespmem:$0x1F980]  }
0x3d9: {  	vm15 =	vgt.f32 v31, v30;
	v30 =	vld [tilespmem:$0x1F990];
	vm6 =	vgt.f32 v36, v35;
	vm7 =	vgt.f32 v38, v37;
	v38 =	vpop (erf)  }
0x3da: {  	v31 =	vld [tilespmem:$0x1F9A0];
	vm5 =	vgt.f32 v34, v33;
	v37 =	vsel vm6, v4, v3;
	v4 =	vmul.f32 $1.500000000e+01, v38  }
0x3db: {  	v63 =	vld [tilespmem:$0x1FD10];
	v0 =	vsel vm5, v1, v0;
	vm5 =	vgt.f32 v56, v55;
	vm6 =	vgt.f32 v58, v57  }
0x3dc: {  	v2 =	vsel vm7, v5, v2;
	v4 =	vtrunc.f32 v4;
	v15 =	vsel vm15, v16, v15;
	v16 =	vld [tilespmem:$0x1FFB0]  }
0x3dd: {  	v58 =	vld [tilespmem:$0x1FD70];
	vm7 =	vgt.f32 v60, v59;
	v4 =	vcvt.f32.s32 v4;
	vm8 =	vgt.f32 v40, v39  }
0x3de: {  	v59 =	vld [tilespmem:$0x1FD80];
	v5 =	vsel vm8, v8, v6;
	vm8 =	vgt.f32 v62, v61;
	vm9 =	vgt.f32 v42, v41  }
0x3df: {  	v60 =	vld [tilespmem:$0x1FDC0];
	vm10 =	vgt.f32 v44, v43;
	v6 =	vsel vm9, v10, v9;
	vm11 =	vgt.f32 v46, v45  }
0x3e0: {  	v61 =	vld [tilespmem:$0x1F9B0];
	vm12 =	vgt.f32 v48, v47;
	v8 =	vsel vm10, v13, v12;
	vm14 =	vgt.f32 v52, v51  }
0x3e1: {  	v10 =	vld [tilespmem:$0x1FEB0];
	v7 =	vsel vm11, v7, v14;
	v52 =	vsel vm14, v5, v2;
	v16 =	vsel vm4, v17, v16  }
0x3e2: {  	v12 =	vld [tilespmem:$0x1FEF0];
	vm15 =	vlt.s32 v4, $0xE;
	vm4 =	vgt.f32 v54, v53;
	v9 =	vsel vm12, v16, v15  }
0x3e3: {  	v13 =	vld [tilespmem:$0x1FF00];
	v55 =	vnsel vm15, $0xE, v4;
	v4 =	vsel vm4, v8, v6;
	v5 =	vsel vm5, v9, v7  }
0x3e4: {  	v56 =	vsel vm7, v5, v4;
	v4 =	vld [tilespmem:$0x1FB60]  }
0x3e5: {  	v5 =	vld [tilespmem:$0x1FB70]  }
0x3e6: {  	v14 =	vld [tilespmem:$0x1F890]  }
0x3e7: {  	v17 =	vld [tilespmem:$0x1F8C0]  }
0x3e8: {  	v2 =	vshll.u32 v55, $0x4;
	v6 =	vld [tilespmem:s28+$0x0];
	v7 =	vlaneseq.u32  }
0x3e9: {  	v8 =	vld [tilespmem:$0x1FFF0];
	v7 =	vor.u32 v7, v2  }
0x3ea: {  	vm13 =	vgt.f32 v50, v49;
	v4 =	vadd.s32 v4, v2;
	v2 =	vadd.s32 v5, v2;
	v5 =	vld [tilespmem:$0x1FCD0]  }
0x3eb: {  	v0 =	vsel vm13, v37, v0;
	v15 =	vld [tilespmem:$0x1F8A0]  }
0x3ec: {  	v0 =	vsel vm6, v52, v0;
	v16 =	vld [tilespmem:$0x1F8B0]  }
0x3ed: {  	v9 =	vld [tilespmem:$0x1FE40];
	v0 =	vsel vm8, v56, v0  }
0x3ee: {  	vm0 =	veq.s32 v0, v6;
	v6 =	vimm.f32 $0.0e+00;
	[tilespmem:v7+s18+$0x0] =	vst.idx.add.f32.msk $0xffff, v38  }
0x3ef: {  	v6 =	vsel vm0, $0x3F800000, v6;
	v7 =	vld [tilespmem:$0x1FFE0];
	v5 =	vor.u32 v5, v11  }
0x3f0: {  	[tilespmem:v4+s18+$0x0] =	vst.idx.add.f32.msk $0xffff, v6;
	v57 =	vor.u32 v63, v5  }
0x3f1: {  	v4 =	vld [tilespmem:$0x1FDB0];
	v0 =	vor.u32 v58, v5  }
0x3f2: {  	v6 =	vimm.f32 $1.000000000e+00;
	v11 =	vld [tilespmem:$0x1FEC0];
	v3 =	vor.u32 v59, v5  }
0x3f3: {  	[tilespmem:v2+s18+$0x0] =	vst.idx.add.f32.msk $0xffff, v6;
	v2 =	vor.u32 v60, v5  }
0x3f4: {  	v6 =	vld [tilespmem:$0x1FFD0];
	v7 =	vor.u32 v7, v5  }
0x3f5: {  	v8 =	vor.u32 v8, v5;
	v1 =	vld.idx.msk [tilespmem:v57+s14+$0x0], $0xffff  }
0x3f6: {  	v9 =	vor.u32 v9, v5;
	v0 =	vld.idx.msk [tilespmem:v0+s14+$0x0], $0xffff  }
0x3f7: {  	v10 =	vor.u32 v10, v5;
	v3 =	vld.idx.msk [tilespmem:v3+s14+$0x0], $0xffff  }
0x3f8: {  	v12 =	vor.u32 v12, v5;
	v2 =	vld.idx.msk [tilespmem:v2+s14+$0x0], $0xffff  }
0x3f9: {  	v13 =	vor.u32 v13, v5;
	v7 =	vld.idx.msk [tilespmem:v7+s14+$0x0], $0xffff  }
0x3fa: {  	v14 =	vor.u32 v14, v5;
	v8 =	vld.idx.msk [tilespmem:v8+s14+$0x0], $0xffff  }
0x3fb: {  	v15 =	vor.u32 v15, v5;
	v9 =	vld.idx.msk [tilespmem:v9+s14+$0x0], $0xffff  }
0x3fc: {  	v16 =	vor.u32 v16, v5;
	v10 =	vld.idx.msk [tilespmem:v10+s14+$0x0], $0xffff  }
0x3fd: {  	v17 =	vor.u32 v17, v5;
	v12 =	vld.idx.msk [tilespmem:v12+s14+$0x0], $0xffff  }
0x3fe: {  	v18 =	vor.u32 v18, v5;
	v13 =	vld.idx.msk [tilespmem:v13+s14+$0x0], $0xffff  }
0x3ff: {  	v19 =	vor.u32 v19, v5;
	v14 =	vld.idx.msk [tilespmem:v14+s14+$0x0], $0xffff  }
0x400: {  	v20 =	vor.u32 v20, v5;
	v15 =	vld.idx.msk [tilespmem:v15+s14+$0x0], $0xffff  }
0x401: {  	v21 =	vor.u32 v21, v5;
	v16 =	vld.idx.msk [tilespmem:v16+s14+$0x0], $0xffff  }
0x402: {  	v22 =	vor.u32 v22, v5;
	v17 =	vld.idx.msk [tilespmem:v17+s14+$0x0], $0xffff  }
0x403: {  	v23 =	vor.u32 v23, v5;
	v18 =	vld.idx.msk [tilespmem:v18+s14+$0x0], $0xffff  }
0x404: {  	v24 =	vor.u32 v24, v5;
	v19 =	vld.idx.msk [tilespmem:v19+s14+$0x0], $0xffff  }
0x405: {  	v25 =	vor.u32 v25, v5;
	v20 =	vld.idx.msk [tilespmem:v20+s14+$0x0], $0xffff  }
0x406: {  	v26 =	vor.u32 v26, v5;
	v21 =	vld.idx.msk [tilespmem:v21+s14+$0x0], $0xffff  }
0x407: {  	v27 =	vor.u32 v27, v5;
	v22 =	vld.idx.msk [tilespmem:v22+s14+$0x0], $0xffff  }
0x408: {  	v28 =	vor.u32 v28, v5;
	v23 =	vld.idx.msk [tilespmem:v23+s14+$0x0], $0xffff  }
0x409: {  	v29 =	vor.u32 v29, v5;
	v24 =	vld.idx.msk [tilespmem:v24+s14+$0x0], $0xffff  }
0x40a: {  	v30 =	vor.u32 v30, v5;
	v25 =	vld.idx.msk [tilespmem:v25+s14+$0x0], $0xffff  }
0x40b: {  	v31 =	vor.u32 v31, v5;
	v26 =	vld.idx.msk [tilespmem:v26+s14+$0x0], $0xffff  }
0x40c: {  	v4 =	vor.u32 v4, v5;
	v27 =	vld.idx.msk [tilespmem:v27+s14+$0x0], $0xffff  }
0x40d: {  	v11 =	vor.u32 v11, v5;
	v28 =	vld.idx.msk [tilespmem:v28+s14+$0x0], $0xffff  }
0x40e: {  	v6 =	vor.u32 v6, v5;
	v29 =	vld.idx.msk [tilespmem:v29+s14+$0x0], $0xffff  }
0x40f: {  	v5 =	vor.u32 v61, v5;
	v30 =	vld.idx.msk [tilespmem:v30+s14+$0x0], $0xffff  }
0x410: {  	v31 =	vld.idx.msk [tilespmem:v31+s14+$0x0], $0xffff  }
0x411: {  	v4 =	vld.idx.msk [tilespmem:v4+s14+$0x0], $0xffff  }
0x412: {  	v11 =	vld.idx.msk [tilespmem:v11+s14+$0x0], $0xffff;
	v32 =	vmax.f32 v1, v0;
	v35 =	vmax.f32 v7, v8  }
0x413: {  	v6 =	vld.idx.msk [tilespmem:v6+s14+$0x0], $0xffff;
	v36 =	vmax.f32 v9, v10;
	v38 =	vmax.f32 v13, v14;
	v39 =	vmax.f32 v15, v16  }
0x414: {  	v5 =	vld.idx.msk [tilespmem:v5+s14+$0x0], $0xffff;
	v40 =	vmax.f32 v17, v18;
	v41 =	vmax.f32 v19, v20;
	v42 =	vmax.f32 v21, v22  }
0x415: {  	v43 =	vmax.f32 v23, v24;
	v44 =	vmax.f32 v25, v26;
	v45 =	vmax.f32 v27, v28  }
0x416: {  	v46 =	vmax.f32 v29, v30;
	vm13 =	vgt.f32 v14, v13;
	v51 =	vmax.f32 v38, v39  }
0x417: {  	v52 =	vmax.f32 v40, v41;
	v53 =	vmax.f32 v42, v43;
	v54 =	vmax.f32 v44, v45  }
0x418: {  	v58 =	vmax.f32 v52, v53;
	v33 =	vmax.f32 v3, v4;
	v37 =	vmax.f32 v11, v12  }
0x419: {  	v34 =	vmax.f32 v2, v6;
	v47 =	vmax.f32 v31, v5;
	v48 =	vmax.f32 v32, v33  }
0x41a: {  	v13 =	vld [tilespmem:$0x1F9C0];
	v50 =	vmax.f32 v36, v37;
	v49 =	vmax.f32 v34, v35;
	v55 =	vmax.f32 v46, v47  }
0x41b: {  	v14 =	vld [tilespmem:$0x1FDB0];
	v57 =	vmax.f32 v50, v51;
	v56 =	vmax.f32 v48, v49;
	v59 =	vmax.f32 v54, v55  }
0x41c: {  	vm14 =	vgt.f32 v16, v15;
	v16 =	vld [tilespmem:$0x1F9D0];
	v60 =	vmax.f32 v56, v57;
	v61 =	vmax.f32 v58, v59  }
0x41d: {  	vm15 =	vgt.f32 v18, v17;
	v17 =	vld [tilespmem:$0x1F9E0];
	v62 =	vmax.f32 v60, v61  }
0x41e: {  	vm5 =	vgt.f32 v22, v21;
	v22 =	vld [tilespmem:$0x1F9F0];
	v62 =	vsub.f32 $0.0e+00, v62  }
0x41f: {  	v21 =	vld [tilespmem:$0x1FA00]  }
0x420: {  	vm6 =	vgt.f32 v24, v23;
	v24 =	vld [tilespmem:$0x1FA10];
	v62 =	vmul.f32 $1.442695020e+00, v62  }
0x421: {  	v23 =	vld [tilespmem:$0x1FA20]  }
0x422: {  	vm1 =	vgt.f32 v26, v25;
	v26 =	vld [tilespmem:$0x1FA30];
	(erf) = vpow2.f32 v62  }
0x423: {  	v25 =	vld [tilespmem:$0x1FA40]  }
0x424: {  	vm2 =	vgt.f32 v28, v27;
	v28 =	vld [tilespmem:$0x1FA50]  }
0x425: {  	vm7 =	vgt.f32 v0, v1;
	vm3 =	vgt.f32 v30, v29;
	v29 =	vld [tilespmem:$0x1FA60]  }
0x426: {  	vm12 =	vgt.f32 v12, v11;
	v12 =	vlaneseq.u32;
	vm4 =	vgt.f32 v5, v31;
	v31 =	vld [tilespmem:$0x1FA70]  }
0x427: {  	vm11 =	vgt.f32 v10, v9;
	v0 =	vsel vm7, v13, v12;
	vm7 =	vgt.f32 v33, v32;
	v32 =	vld [tilespmem:$0x1FA80]  }
0x428: {  	vm9 =	vgt.f32 v6, v2;
	v2 =	vsel vm11, v26, v25;
	vm11 =	vgt.f32 v45, v44;
	v45 =	vld [tilespmem:$0x1FB20]  }
0x429: {  	v44 =	vld [tilespmem:$0x1FB30]  }
0x42a: {  	v1 =	vsel vm9, v22, v21;
	vm9 =	vgt.f32 v39, v38;
	v39 =	vld [tilespmem:$0x1FAD0]  }
0x42b: {  	v38 =	vld [tilespmem:$0x1FAE0];
	v62 =	vpop (erf)  }
0x42c: {  	vm8 =	vgt.f32 v4, v3;
	v4 =	vsel vm13, v32, v31;
	v32 =	vld [tilespmem:$0x1FF80];
	v62 =	vadd.f32 $1.000000000e+00, v62  }
0x42d: {  	vm13 =	vgt.f32 v51, v50;
	v50 =	vld [tilespmem:$0x1FFB0]  }
0x42e: {  	(erf) = vrcp.f32 v62;
	v62 =	vsel vm8, v17, v16;
	vm8 =	vgt.f32 v35, v34;
	v35 =	vld [tilespmem:$0x1FA90]  }
0x42f: {  	v34 =	vld [tilespmem:$0x1FAA0]  }
0x430: {  	v0 =	vsel vm7, v62, v0;
	vm7 =	vgt.f32 v37, v36;
	v37 =	vld [tilespmem:$0x1FAB0]  }
0x431: {  	vm10 =	vgt.f32 v8, v7;
	v36 =	vld [tilespmem:$0x1FAC0]  }
0x432: {  	v62 =	vsel vm10, v24, v23;
	vm10 =	vgt.f32 v41, v40;
	v41 =	vld [tilespmem:$0x1FAF0]  }
0x433: {  	v1 =	vsel vm8, v62, v1;
	vm8 =	vgt.f32 v43, v42;
	v43 =	vld [tilespmem:$0x1FB00]  }
0x434: {  	v42 =	vld [tilespmem:$0x1FB10]  }
0x435: {  	v62 =	vsel vm12, v29, v28;
	vm12 =	vgt.f32 v47, v46;
	v47 =	vld [tilespmem:$0x1FB40]  }
0x436: {  	v46 =	vld [tilespmem:$0x1FB50]  }
0x437: {  	v2 =	vsel vm7, v62, v2;
	vm7 =	vgt.f32 v49, v48;
	v48 =	vld [tilespmem:$0x1FFC0]  }
0x438: {  	vm0 =	vgt.f32 v20, v19;
	v6 =	vsel vm14, v35, v34;
	v34 =	vld [tilespmem:$0x1FFA0]  }
0x439: {  	v8 =	vsel vm0, v39, v38;
	v35 =	vld [tilespmem:$0x1FF90]  }
0x43a: {  	v15 =	vld [tilespmem:$0x1FD70];
	vm14 =	vgt.f32 v53, v52;
	v7 =	vsel vm15, v36, v37;
	vm15 =	vgt.f32 v55, v54  }
0x43b: {  	v18 =	vld [tilespmem:$0x1FEB0];
	v4 =	vsel vm9, v6, v4;
	v6 =	vsel vm10, v8, v7;
	v7 =	vsel vm5, v41, v32;
	v62 =	vpop (erf)  }
0x43c: {  	v20 =	vld [tilespmem:$0x1FCF0];
	v8 =	vsel vm6, v43, v42;
	vm5 =	vgt.f32 v59, v58;
	v5 =	vmul.f32 $1.500000000e+01, v62  }
0x43d: {  	v19 =	vld [tilespmem:$0x1FEF0];
	v9 =	vsel vm2, v47, v46;
	v7 =	vsel vm8, v8, v7;
	v8 =	vsel vm1, v45, v44  }
0x43e: {  	v27 =	vld [tilespmem:$0x1FD80];
	v11 =	vsel vm4, v48, v50;
	v10 =	vsel vm3, v34, v35;
	v5 =	vtrunc.f32 v5  }
0x43f: {  	v30 =	vld [tilespmem:$0x1FDC0];
	v8 =	vsel vm11, v9, v8;
	v9 =	vsel vm12, v11, v10;
	v5 =	vcvt.f32.s32 v5  }
0x440: {  	v58 =	vsel vm13, v4, v2;
	v4 =	vsel vm14, v7, v6;
	v6 =	vsel vm15, v9, v8;
	v9 =	vld [tilespmem:$0x1FB60]  }
0x441: {  	vm10 =	vgt.f32 v61, v60;
	v60 =	vsel vm5, v6, v4;
	v4 =	vld [tilespmem:$0x1FB70];
	vm9 =	vlt.s32 v5, $0xE  }
0x442: {  	v33 =	vld [tilespmem:$0x1FE40];
	v5 =	vnsel vm9, $0xE, v5  }
0x443: {  	v10 =	vld [tilespmem:s28+$0x10];
	v5 =	vshll.u32 v5, $0x4  }
0x444: {  	v40 =	vld [tilespmem:$0x1FF00];
	v59 =	vor.u32 v12, v5  }
0x445: {  	s26 =	sadd.s32 $0x2, s26;
	vm0 =	vgt.f32 v57, v56;
	v49 =	vld [tilespmem:$0x1FFF0];
	v0 =	vsel vm7, v1, v0;
	v7 =	vadd.s32 v9, v5  }
0x446: {  	p1 =	slt.u32 s26, $0x1E;
	v0 =	vsel vm0, v58, v0;
	v8 =	vld [tilespmem:$0x1FFE0];
	v4 =	vadd.s32 v4, v5  }
.Ltmp3:
0x447: {  	v6 =	vld [tilespmem:$0x1FFD0];
	v0 =	vsel vm10, v60, v0;
	(pc) =	sbr.rel @p1 .LBB2_5-.Ltmp3, $4  }
0x448: {  	v61 =	vimm.f32 $0.0e+00;
	vm15 =	veq.s32 v0, v10;
	v12 =	vld [tilespmem:$0x1FEC0]  }
0x449: {  	v0 =	vsel vm15, $0x3F800000, v61;
	[tilespmem:v59+s18+$0x0] =	vst.idx.add.f32.msk $0xffff, v62  }
0x44a: {  	v62 =	vimm.f32 $1.000000000e+00;
	[tilespmem:v7+s18+$0x0] =	vst.idx.add.f32.msk $0xffff, v0  }
0x44b: {  	s29 =	sadd.s32 $0x10, s29;
	s28 =	sadd.s32 $0x40, s28;
	[tilespmem:v4+s18+$0x0] =	vst.idx.add.f32.msk $0xffff, v62  }
.Ltmp4:
0x44c: {  	(pc) =	sbr.rel @p0 .LBB2_8-.Ltmp4, $1  }
0x44d: {  	_ =	sdelay $0x3  }
0x44e: {  	s26 =	sshll.u32 s25, $0xB  }
0x44f: {  	s26 =	sadd.s32 s26, s10  }
.Ltmp5:
0x450: {  	s28 =	sshll.u32 s26, $0x2;
	(pc) =	sbr.rel .LBB2_2-.Ltmp5, $4  }
0x451: {  	s26 =	sshrl.u32 s26, $0x3;
	s28 =	sadd.s32 s4, s28  }
0x452: {  	[tilespmem:s14], [sflag:$0x2] =	stream.linear.gather [hbm4b:s28+s2], $0x8000, $0x38;
	[tilespmem:$0x10B00] =	vst v63  }
0x453: {  	s25 =	sadd.s32 $0x1, s25;
	s26 =	sadd.s32 s1, s26  }
0x454: {  	[tilespmem:s15], [sflag:$0x4] =	stream.linear.gather [hbm4b:s26+s2], $0x400, $0x38;
	[tilespmem:$0x10B00] =	vst v63  }
.LBB2_9:
0x455: {  	_ =	sfence.sel $0x180000  }
0x456: {  	[bflag:$0x0] =	sbarrier.arrive $0xFFFF  }
0x457: {  	p0 =	sne.s32 s3, $0x0;
	_ =	strace $0x90000047  }
0x458: {  	s0 =	sadd.s32 @!p0 $0x100000, s0;
	[bflag:$0x2] =	sbarrier.arrive $0xFFFF  }
0x459: {  	[sflag:s0] =	ssyncadd.tile.s32 @!p0 $0x1;
	_ =	shalt  }
.Lfunc_end2:
_tile_overlayer_lowered:
.L_overlay_start_2:
0x45a: {  	(tag) =	ssettag $0x2  }
0x45b: {  	s0 =	rddreg [dreg:$0x0];
	s2 =	stileid.u32  }
0x45c: {  	s1 =	rddreg [dreg:$0x1];
	p0 =	sne.s32 s2, $0x0  }
0x45d: {  	s3 =	rddreg [dreg:$0x2];
	[bflag:$0x3] =	sbarrier.arrive $0xFFFF;
	s2 =	simm.s32 @!p0 $0x1C05  }
0x45e: {  	[timem:s3], [sflag:s2] =	dma.local @!p0 [hbm:s0], s1  }
0x45f: {  	s0 =	simm.s32 @!p0 $0x5  }
0x460: {  	_ =	swait.ge @!p0 [sflag:s0], s1  }
0x461: {  	s1 =	ssub.s32 @!p0 $0x0, s1;
	[sflag:s0] =	ssyncset.done @!p0 $0x0  }
0x462: {  	[sflag:s0] =	ssyncadd.s32 @!p0 s1  }
0x463: {  	[bflag:$0x3] =	sbarrier.arrive $0xFFFF  }
0x464: {  	_ =	shalt  }

</sc_bundles>
